<compile_context>
chip_gen: v7x
topology: tpu7x:2x2x1
jax: 0.10.2.dev20260603
libtpu: 0.0.44.dev20260713+nightly
codegen_flags: <defaults>
</compile_context>

<pallas_src>
import functools

import jax
import jax.numpy as jnp
from jax import lax
from jax.experimental import pallas as pl
from jax.experimental.pallas import tpu as pltpu
from jax.experimental.pallas import tpu_sc as plsc

V = 1_000_000
D = 32
G = V // 4
RBG = 8_192
NSTEPS = -(-G // RBG)
TAIL = G - (NSTEPS - 1) * RBG

B = 204_800
CHUNK = 128
NW = 32
CPW = B // (NW * CHUNK)
GB = B // 4
EPS = 1e-12


def _sigma_body(u_ref, w_ref, sig_ref, acc_p, acc_z, umask):
    i = pl.program_id(0)
    SB = RBG // 32

    @pl.when(i == 0)
    def _init():
        acc_p[...] = jnp.zeros_like(acc_p)
        acc_z[...] = jnp.zeros_like(acc_z)
        lane = lax.broadcasted_iota(jnp.int32, (RBG, 4 * D), 1)
        row = lax.broadcasted_iota(jnp.int32, (RBG, 4 * D), 0)
        umask[...] = jnp.where((lane >> 2) == (row & 31), 1.0, 0.0)

    def _acc(wb, ub):
        acc_p[...] += lax.dot_general(wb, wb, (((0,), (0,)), ((), ())),
                                      preferred_element_type=jnp.float32)
        u128 = ub.reshape(SB, 4 * D)
        urep = jnp.broadcast_to(u128[:, None, :], (SB, 32, 4 * D))
        c = urep.reshape(RBG, 4 * D) * umask[...]
        acc_z[...] += lax.dot_general(c, wb, (((0,), (0,)), ((), ())),
                                      preferred_element_type=jnp.float32)

    @pl.when(i < NSTEPS - 1)
    def _full():
        _acc(w_ref[...], u_ref[...])

    @pl.when(i == NSTEPS - 1)
    def _tail():
        rows = lax.broadcasted_iota(jnp.int32, (RBG, 4 * D), 0)
        lanes = lax.broadcasted_iota(jnp.int32, (1, 4 * RBG), 1)
        _acc(jnp.where(rows < TAIL, w_ref[...], 0.0),
             jnp.where(lanes < 4 * TAIL, u_ref[...], 0.0))

    @pl.when(i == NSTEPS - 1)
    def _fin():
        p = acc_p[...]
        m = (p[0:D, 0:D] + p[D:2 * D, D:2 * D]
             + p[2 * D:3 * D, 2 * D:3 * D] + p[3 * D:4 * D, 3 * D:4 * D])
        z = acc_z[...]
        t = jnp.zeros((1, D), jnp.float32)
        for k in range(4 * D):
            a = k & 3
            t = t + z[k:k + 1, a * D:(a + 1) * D]
        nt = jnp.sqrt(jnp.sum(t * t))
        v = t / (nt + EPS)
        mv = lax.dot_general(v, m, (((1,), (0,)), ((), ())),
                             preferred_element_type=jnp.float32,
                             precision=lax.Precision.HIGHEST)
        q = jnp.sum(mv * v)
        sig_ref[0, 0] = q / (jnp.sqrt(q) + EPS)


def _sigma(table128, u):
    return pl.pallas_call(
        _sigma_body,
        grid=(NSTEPS,),
        in_specs=[
            pl.BlockSpec((1, 4 * RBG), lambda i: (0, i)),
            pl.BlockSpec((RBG, 4 * D), lambda i: (i, 0)),
        ],
        out_specs=pl.BlockSpec(memory_space=pltpu.MemorySpace.SMEM),
        out_shape=jax.ShapeDtypeStruct((1, 1), jnp.float32),
        scratch_shapes=[
            pltpu.VMEM((4 * D, 4 * D), jnp.float32),
            pltpu.VMEM((4 * D, 4 * D), jnp.float32),
            pltpu.VMEM((RBG, 4 * D), jnp.float32),
        ],
    )(u, table128)


def _gather_body(idx_hbm, table_hbm, out_hbm, idx_v, sidx_v, sbuf, obuf, gsem):
    cid = lax.axis_index("c")
    sid = lax.axis_index("s")
    wid = sid * 2 + cid
    ipw = CPW * CHUNK
    row0 = wid * CPW

    pltpu.sync_copy(idx_hbm.at[pl.ds(wid * ipw, ipw)], idx_v)

    def mk_sidx(j, carry):
        for k in range(8):
            s = pl.ds(j * CHUNK + k * 16, 16)
            sidx_v[s] = lax.shift_right_logical(idx_v[s], 2)
        return carry

    lax.fori_loop(0, CPW, mk_sidx, 0)

    def chunk(j, carry):
        pltpu.async_copy(
            table_hbm.at[sidx_v.at[pl.ds(j * CHUNK, CHUNK)]], sbuf, gsem
        ).wait()
        for g in range(CHUNK // 16):
            offs = (idx_v[pl.ds(j * CHUNK + g * 16, 16)] & 3) * D
            for k in range(16):
                r = g * 16 + k
                off = offs[k]
                obuf[r // 4, pl.ds((r % 4) * D, 16)] = sbuf[r, pl.ds(off, 16)]
                obuf[r // 4, pl.ds((r % 4) * D + 16, 16)] = sbuf[r, pl.ds(off + 16, 16)]
        pltpu.sync_copy(obuf, out_hbm.at[pl.ds((row0 + j) * 32, 32)])
        return carry

    lax.fori_loop(0, CPW, chunk, 0)


def _gather(idx1d, table128):
    mesh = plsc.VectorSubcoreMesh(core_axis_name="c", subcore_axis_name="s",
                                  num_cores=2, num_subcores=16)
    return pl.kernel(
        _gather_body,
        out_type=jax.ShapeDtypeStruct((GB, 4 * D), jnp.float32),
        mesh=mesh,
        scratch_types=[
            pltpu.VMEM((CPW * CHUNK,), jnp.int32),
            pltpu.VMEM((CPW * CHUNK,), jnp.int32),
            pltpu.VMEM((CHUNK, 4 * D), jnp.float32),
            pltpu.VMEM((CHUNK // 4, 4 * D), jnp.float32),
            pltpu.SemaphoreType.DMA,
        ],
    )(idx1d, table128)


def _scale_body(sig_ref, x_ref, o_ref):
    o_ref[...] = x_ref[...] * (1.0 / sig_ref[0, 0])


def _scale(sigma, raw):
    blk = 2048
    return pl.pallas_call(
        _scale_body,
        grid=(GB // blk,),
        in_specs=[
            pl.BlockSpec(memory_space=pltpu.MemorySpace.SMEM),
            pl.BlockSpec((blk, 4 * D), lambda i: (i, 0)),
        ],
        out_specs=pl.BlockSpec((blk, 4 * D), lambda i: (i, 0)),
        out_shape=jax.ShapeDtypeStruct((GB, 4 * D), jnp.float32),
    )(sigma, raw)


def kernel(input, weight, u):
    idx1d = input.reshape(B).astype(jnp.int32)
    table128 = weight.reshape(G, 4 * D)
    sigma = _sigma(table128, u)
    raw = _gather(idx1d, table128)
    out = _scale(sigma, raw)
    return out.reshape(input.shape + (D,))

# --- scband reference (transcript-rebuilt; emitter-appended) ---
"""Pipeline reference for scband-snembedding-31671088841377 (READ-ONLY COPY).

The authoritative reference and input builder live on the scoring server;
editing this copy changes nothing except your own understanding.
"""

import jax, jax.numpy as jnp
import numpy as np


def _l2normalize(v, eps=1e-12):
    return v / (jnp.linalg.norm(v) + eps)


def setup_inputs(seed: int = 0) -> dict:
    key = jax.random.key(seed)
    k1, k2, k3 = jax.random.split(key, 3)
    indices = jax.random.randint(k1, (4096, 50), 0, 1000000).astype(jnp.int64)
    weight = jax.random.normal(k2, (1000000, 32), dtype=jnp.float32)
    u = jax.random.normal(k3, (1, 1000000), dtype=jnp.float32)
    return {"input": indices, "weight": weight, "u": u}


def reference(input, weight, u):
    # Power iteration (Ip=1) on the detached weight, matching torch's use of W.data
    wd = jax.lax.stop_gradient(weight)
    _v = _l2normalize(jnp.matmul(u, wd))            # (1, D)
    _u = _l2normalize(jnp.matmul(_v, wd.T))         # (1, V)
    sigma = jnp.sum(jnp.matmul(_u, wd) * _v)        # scalar spectral norm estimate
    W_bar = weight / sigma
    # Embedding lookup (padding_idx=None, no max_norm)
    return jnp.take(W_bar, input, axis=0)

if __name__ == "__main__":
    import jax
    _d = setup_inputs()
    print(jax.jit(kernel)(*tuple(_d.values())))

</pallas_src>

<mosaic_0001>
#map = affine_map<(d0, d1) -> (0)>
#map1 = affine_map<(d0, d1) -> (0, 0)>
module attributes {stable_mosaic.version = 14 : i64} {
  func.func @_gather_body(%arg0: i32, %arg1: i32, %arg2: memref<204800xi32, #tpu.memory_space<hbm>>, %arg3: memref<250000x128xf32, #tpu.memory_space<hbm>>, %arg4: memref<51200x128xf32, #tpu.memory_space<hbm>>, %arg5: memref<6400xi32, #tpu.memory_space<vmem>>, %arg6: memref<6400xi32, #tpu.memory_space<vmem>>, %arg7: memref<128x128xf32, #tpu.memory_space<vmem>>, %arg8: memref<32x128xf32, #tpu.memory_space<vmem>>, %arg9: memref<!tpu.dma_semaphore, #tpu.memory_space<semaphore_mem>>) attributes {dimension_semantics = [#tpu.dimension_semantics<core_parallel>, #tpu.dimension_semantics<subcore_parallel>], iteration_bounds = array<i64: 2, 16>, scalar_prefetch = 0 : i64, scratch_operands = 5 : i64, tpu.core_type = #tpu.core_type<sc_vector_subcore>, window_params = [{transform_indices = #map}, {transform_indices = #map1}, {transform_indices = #map1}]} {
    %mul3A = arith.constant 2 : i32
    %mul3A_0 = arith.muli %arg1, %mul3A : i32
    %add3A = arith.addi %mul3A_0, %arg0 : i32
    %mul3A_1 = arith.constant 50 : i32
    %mul3A_2 = arith.muli %add3A, %mul3A_1 : i32
    %mul3A_3 = arith.constant 6400 : i32
    %mul3A_4 = arith.muli %add3A, %mul3A_3 : i32
    "tpu.region"() ({
      %run_scoped3A = tpu.sem_alloc : memref<!tpu.dma_semaphore, #tpu.memory_space<semaphore_mem>>
      %dma_start3A = tpu.memref_slice %arg2[%mul3A_4] : memref<204800xi32, #tpu.memory_space<hbm>> -> memref<6400xi32, #tpu.memory_space<hbm>>
      %dma_start3A_16 = tpu.memref_slice %arg2[%mul3A_4] : memref<204800xi32, #tpu.memory_space<hbm>> -> memref<6400xi32, #tpu.memory_space<hbm>>
      tpu.enqueue_dma source(%dma_start3A_16 : memref<6400xi32, #tpu.memory_space<hbm>>) target(%arg5 : memref<6400xi32, #tpu.memory_space<vmem>>) target_semaphore(%run_scoped3A : memref<!tpu.dma_semaphore, #tpu.memory_space<semaphore_mem>>)
      %dma_wait3A = tpu.memref_slice %arg2[%mul3A_4] : memref<204800xi32, #tpu.memory_space<hbm>> -> memref<6400xi32, #tpu.memory_space<hbm>>
      %dma_wait3A_17 = tpu.memref_slice %arg2[%mul3A_4] : memref<204800xi32, #tpu.memory_space<hbm>> -> memref<6400xi32, #tpu.memory_space<hbm>>
      tpu.wait_dma2 semaphore(%run_scoped3A : memref<!tpu.dma_semaphore, #tpu.memory_space<semaphore_mem>>) src(%dma_wait3A_17 : memref<6400xi32, #tpu.memory_space<hbm>>) dst(%arg5 : memref<6400xi32, #tpu.memory_space<vmem>>)
      tpu.yield
    }) : () -> ()
    %scan3A = arith.constant 0 : i32
    %scan3A_5 = arith.constant 0 : i32
    %scan3A_6 = arith.constant 50 : i32
    %scan3A_7 = arith.addi %scan3A_5, %scan3A_6 : i32
    %scan3A_8 = arith.constant 1 : i32
    scf.for %scan3A_16 = %scan3A_5 to %scan3A_7 step %scan3A_8  : i32 {
      %mul3A_17 = arith.constant 128 : i32
      %mul3A_18 = arith.muli %scan3A_16, %mul3A_17 : i32
      %add3A_19 = arith.constant 0 : i32
      %add3A_20 = arith.addi %mul3A_18, %add3A_19 : i32
      %get3A = arith.index_cast %add3A_20 : i32 to index
      %get3A_21 = tpu.vector_load %arg5[%get3A] {strides = array<i32>} : memref<6400xi32, #tpu.memory_space<vmem>>, vector<16xi32>,
      %get3A_22 = vector.shape_cast %get3A_21 : vector<16xi32> to vector<16xi32>
      %shift_right_logical3A = arith.constant 2 : i32
      %shift_right_logical3A_23 = vector.broadcast %shift_right_logical3A : i32 to vector<16xi32>
      %shift_right_logical3A_24 = arith.shrui %get3A_22, %shift_right_logical3A_23 : vector<16xi32>
      %swap3A = arith.index_cast %add3A_20 : i32 to index
      %swap3A_25 = tpu.vector_load %arg6[%swap3A] {strides = array<i32>} : memref<6400xi32, #tpu.memory_space<vmem>>, vector<16xi32>,
      %swap3A_26 = vector.shape_cast %swap3A_25 : vector<16xi32> to vector<16xi32>
      %swap3A_27 = vector.shape_cast %shift_right_logical3A_24 : vector<16xi32> to vector<16xi32>
      tpu.vector_store %arg6[%swap3A], %swap3A_27 {strides = array<i32>} : memref<6400xi32, #tpu.memory_space<vmem>>, vector<16xi32>,
      %mul3A_28 = arith.constant 128 : i32
      %mul3A_29 = arith.muli %scan3A_16, %mul3A_28 : i32
      %add3A_30 = arith.constant 16 : i32
      %add3A_31 = arith.addi %mul3A_29, %add3A_30 : i32
      %get3A_32 = arith.index_cast %add3A_31 : i32 to index
      %get3A_33 = tpu.vector_load %arg5[%get3A_32] {strides = array<i32>} : memref<6400xi32, #tpu.memory_space<vmem>>, vector<16xi32>,
      %get3A_34 = vector.shape_cast %get3A_33 : vector<16xi32> to vector<16xi32>
      %shift_right_logical3A_35 = arith.constant 2 : i32
      %shift_right_logical3A_36 = vector.broadcast %shift_right_logical3A_35 : i32 to vector<16xi32>
      %shift_right_logical3A_37 = arith.shrui %get3A_34, %shift_right_logical3A_36 : vector<16xi32>
      %swap3A_38 = arith.index_cast %add3A_31 : i32 to index
      %swap3A_39 = tpu.vector_load %arg6[%swap3A_38] {strides = array<i32>} : memref<6400xi32, #tpu.memory_space<vmem>>, vector<16xi32>,
      %swap3A_40 = vector.shape_cast %swap3A_39 : vector<16xi32> to vector<16xi32>
      %swap3A_41 = vector.shape_cast %shift_right_logical3A_37 : vector<16xi32> to vector<16xi32>
      tpu.vector_store %arg6[%swap3A_38], %swap3A_41 {strides = array<i32>} : memref<6400xi32, #tpu.memory_space<vmem>>, vector<16xi32>,
      %mul3A_42 = arith.constant 128 : i32
      %mul3A_43 = arith.muli %scan3A_16, %mul3A_42 : i32
      %add3A_44 = arith.constant 32 : i32
      %add3A_45 = arith.addi %mul3A_43, %add3A_44 : i32
      %get3A_46 = arith.index_cast %add3A_45 : i32 to index
      %get3A_47 = tpu.vector_load %arg5[%get3A_46] {strides = array<i32>} : memref<6400xi32, #tpu.memory_space<vmem>>, vector<16xi32>,
      %get3A_48 = vector.shape_cast %get3A_47 : vector<16xi32> to vector<16xi32>
      %shift_right_logical3A_49 = arith.constant 2 : i32
      %shift_right_logical3A_50 = vector.broadcast %shift_right_logical3A_49 : i32 to vector<16xi32>
      %shift_right_logical3A_51 = arith.shrui %get3A_48, %shift_right_logical3A_50 : vector<16xi32>
      %swap3A_52 = arith.index_cast %add3A_45 : i32 to index
      %swap3A_53 = tpu.vector_load %arg6[%swap3A_52] {strides = array<i32>} : memref<6400xi32, #tpu.memory_space<vmem>>, vector<16xi32>,
      %swap3A_54 = vector.shape_cast %swap3A_53 : vector<16xi32> to vector<16xi32>
      %swap3A_55 = vector.shape_cast %shift_right_logical3A_51 : vector<16xi32> to vector<16xi32>
      tpu.vector_store %arg6[%swap3A_52], %swap3A_55 {strides = array<i32>} : memref<6400xi32, #tpu.memory_space<vmem>>, vector<16xi32>,
      %mul3A_56 = arith.constant 128 : i32
      %mul3A_57 = arith.muli %scan3A_16, %mul3A_56 : i32
      %add3A_58 = arith.constant 48 : i32
      %add3A_59 = arith.addi %mul3A_57, %add3A_58 : i32
      %get3A_60 = arith.index_cast %add3A_59 : i32 to index
      %get3A_61 = tpu.vector_load %arg5[%get3A_60] {strides = array<i32>} : memref<6400xi32, #tpu.memory_space<vmem>>, vector<16xi32>,
      %get3A_62 = vector.shape_cast %get3A_61 : vector<16xi32> to vector<16xi32>
      %shift_right_logical3A_63 = arith.constant 2 : i32
      %shift_right_logical3A_64 = vector.broadcast %shift_right_logical3A_63 : i32 to vector<16xi32>
      %shift_right_logical3A_65 = arith.shrui %get3A_62, %shift_right_logical3A_64 : vector<16xi32>
      %swap3A_66 = arith.index_cast %add3A_59 : i32 to index
      %swap3A_67 = tpu.vector_load %arg6[%swap3A_66] {strides = array<i32>} : memref<6400xi32, #tpu.memory_space<vmem>>, vector<16xi32>,
      %swap3A_68 = vector.shape_cast %swap3A_67 : vector<16xi32> to vector<16xi32>
      %swap3A_69 = vector.shape_cast %shift_right_logical3A_65 : vector<16xi32> to vector<16xi32>
      tpu.vector_store %arg6[%swap3A_66], %swap3A_69 {strides = array<i32>} : memref<6400xi32, #tpu.memory_space<vmem>>, vector<16xi32>,
      %mul3A_70 = arith.constant 128 : i32
      %mul3A_71 = arith.muli %scan3A_16, %mul3A_70 : i32
      %add3A_72 = arith.constant 64 : i32
      %add3A_73 = arith.addi %mul3A_71, %add3A_72 : i32
      %get3A_74 = arith.index_cast %add3A_73 : i32 to index
      %get3A_75 = tpu.vector_load %arg5[%get3A_74] {strides = array<i32>} : memref<6400xi32, #tpu.memory_space<vmem>>, vector<16xi32>,
      %get3A_76 = vector.shape_cast %get3A_75 : vector<16xi32> to vector<16xi32>
      %shift_right_logical3A_77 = arith.constant 2 : i32
      %shift_right_logical3A_78 = vector.broadcast %shift_right_logical3A_77 : i32 to vector<16xi32>
      %shift_right_logical3A_79 = arith.shrui %get3A_76, %shift_right_logical3A_78 : vector<16xi32>
      %swap3A_80 = arith.index_cast %add3A_73 : i32 to index
      %swap3A_81 = tpu.vector_load %arg6[%swap3A_80] {strides = array<i32>} : memref<6400xi32, #tpu.memory_space<vmem>>, vector<16xi32>,
      %swap3A_82 = vector.shape_cast %swap3A_81 : vector<16xi32> to vector<16xi32>
      %swap3A_83 = vector.shape_cast %shift_right_logical3A_79 : vector<16xi32> to vector<16xi32>
      tpu.vector_store %arg6[%swap3A_80], %swap3A_83 {strides = array<i32>} : memref<6400xi32, #tpu.memory_space<vmem>>, vector<16xi32>,
      %mul3A_84 = arith.constant 128 : i32
      %mul3A_85 = arith.muli %scan3A_16, %mul3A_84 : i32
      %add3A_86 = arith.constant 80 : i32
      %add3A_87 = arith.addi %mul3A_85, %add3A_86 : i32
      %get3A_88 = arith.index_cast %add3A_87 : i32 to index
      %get3A_89 = tpu.vector_load %arg5[%get3A_88] {strides = array<i32>} : memref<6400xi32, #tpu.memory_space<vmem>>, vector<16xi32>,
      %get3A_90 = vector.shape_cast %get3A_89 : vector<16xi32> to vector<16xi32>
      %shift_right_logical3A_91 = arith.constant 2 : i32
      %shift_right_logical3A_92 = vector.broadcast %shift_right_logical3A_91 : i32 to vector<16xi32>
      %shift_right_logical3A_93 = arith.shrui %get3A_90, %shift_right_logical3A_92 : vector<16xi32>
      %swap3A_94 = arith.index_cast %add3A_87 : i32 to index
      %swap3A_95 = tpu.vector_load %arg6[%swap3A_94] {strides = array<i32>} : memref<6400xi32, #tpu.memory_space<vmem>>, vector<16xi32>,
      %swap3A_96 = vector.shape_cast %swap3A_95 : vector<16xi32> to vector<16xi32>
      %swap3A_97 = vector.shape_cast %shift_right_logical3A_93 : vector<16xi32> to vector<16xi32>
      tpu.vector_store %arg6[%swap3A_94], %swap3A_97 {strides = array<i32>} : memref<6400xi32, #tpu.memory_space<vmem>>, vector<16xi32>,
      %mul3A_98 = arith.constant 128 : i32
      %mul3A_99 = arith.muli %scan3A_16, %mul3A_98 : i32
      %add3A_100 = arith.constant 96 : i32
      %add3A_101 = arith.addi %mul3A_99, %add3A_100 : i32
      %get3A_102 = arith.index_cast %add3A_101 : i32 to index
      %get3A_103 = tpu.vector_load %arg5[%get3A_102] {strides = array<i32>} : memref<6400xi32, #tpu.memory_space<vmem>>, vector<16xi32>,
      %get3A_104 = vector.shape_cast %get3A_103 : vector<16xi32> to vector<16xi32>
      %shift_right_logical3A_105 = arith.constant 2 : i32
      %shift_right_logical3A_106 = vector.broadcast %shift_right_logical3A_105 : i32 to vector<16xi32>
      %shift_right_logical3A_107 = arith.shrui %get3A_104, %shift_right_logical3A_106 : vector<16xi32>
      %swap3A_108 = arith.index_cast %add3A_101 : i32 to index
      %swap3A_109 = tpu.vector_load %arg6[%swap3A_108] {strides = array<i32>} : memref<6400xi32, #tpu.memory_space<vmem>>, vector<16xi32>,
      %swap3A_110 = vector.shape_cast %swap3A_109 : vector<16xi32> to vector<16xi32>
      %swap3A_111 = vector.shape_cast %shift_right_logical3A_107 : vector<16xi32> to vector<16xi32>
      tpu.vector_store %arg6[%swap3A_108], %swap3A_111 {strides = array<i32>} : memref<6400xi32, #tpu.memory_space<vmem>>, vector<16xi32>,
      %mul3A_112 = arith.constant 128 : i32
      %mul3A_113 = arith.muli %scan3A_16, %mul3A_112 : i32
      %add3A_114 = arith.constant 112 : i32
      %add3A_115 = arith.addi %mul3A_113, %add3A_114 : i32
      %get3A_116 = arith.index_cast %add3A_115 : i32 to index
      %get3A_117 = tpu.vector_load %arg5[%get3A_116] {strides = array<i32>} : memref<6400xi32, #tpu.memory_space<vmem>>, vector<16xi32>,
      %get3A_118 = vector.shape_cast %get3A_117 : vector<16xi32> to vector<16xi32>
      %shift_right_logical3A_119 = arith.constant 2 : i32
      %shift_right_logical3A_120 = vector.broadcast %shift_right_logical3A_119 : i32 to vector<16xi32>
      %shift_right_logical3A_121 = arith.shrui %get3A_118, %shift_right_logical3A_120 : vector<16xi32>
      %swap3A_122 = arith.index_cast %add3A_115 : i32 to index
      %swap3A_123 = tpu.vector_load %arg6[%swap3A_122] {strides = array<i32>} : memref<6400xi32, #tpu.memory_space<vmem>>, vector<16xi32>,
      %swap3A_124 = vector.shape_cast %swap3A_123 : vector<16xi32> to vector<16xi32>
      %swap3A_125 = vector.shape_cast %shift_right_logical3A_121 : vector<16xi32> to vector<16xi32>
      tpu.vector_store %arg6[%swap3A_122], %swap3A_125 {strides = array<i32>} : memref<6400xi32, #tpu.memory_space<vmem>>, vector<16xi32>,
    }
    %scan3A_9 = arith.constant 50 : i32
    %scan3A_10 = arith.constant 0 : i32
    %scan3A_11 = arith.constant 0 : i32
    %scan3A_12 = arith.constant 50 : i32
    %scan3A_13 = arith.addi %scan3A_11, %scan3A_12 : i32
    %scan3A_14 = arith.constant 1 : i32
    scf.for %scan3A_16 = %scan3A_11 to %scan3A_13 step %scan3A_14  : i32 {
      %mul3A_17 = arith.constant 128 : i32
      %mul3A_18 = arith.muli %scan3A_16, %mul3A_17 : i32
      %dma_start3A = tpu.memref_slice %arg6[%mul3A_18] : memref<6400xi32, #tpu.memory_space<vmem>> -> memref<128xi32, #tpu.memory_space<vmem>>
      %dma_start3A_19 = arith.constant 0 : i32
      %dma_start3A_20 = arith.constant 0 : i32
      %dma_start3A_21 = tpu.memref_slice %arg3[%dma_start3A_19, %dma_start3A_20] : memref<250000x128xf32, #tpu.memory_space<hbm>> -> memref<250000x128xf32, #tpu.memory_space<hbm>>
      tpu.enqueue_indirect_dma source(%dma_start3A_21 : memref<250000x128xf32, #tpu.memory_space<hbm>>) target(%arg7 : memref<128x128xf32, #tpu.memory_space<vmem>>) offsets(%dma_start3A : memref<128xi32, #tpu.memory_space<vmem>>) semaphore(%arg9 : memref<!tpu.dma_semaphore, #tpu.memory_space<semaphore_mem>>)
      %dma_wait3A = tpu.memref_slice %arg6[%mul3A_18] : memref<6400xi32, #tpu.memory_space<vmem>> -> memref<128xi32, #tpu.memory_space<vmem>>
      %dma_wait3A_22 = arith.constant 0 : i32
      %dma_wait3A_23 = arith.constant 0 : i32
      %dma_wait3A_24 = tpu.memref_slice %arg3[%dma_wait3A_22, %dma_wait3A_23] : memref<250000x128xf32, #tpu.memory_space<hbm>> -> memref<250000x128xf32, #tpu.memory_space<hbm>>
      tpu.wait_indirect_dma semaphore(%arg9 : memref<!tpu.dma_semaphore, #tpu.memory_space<semaphore_mem>>) src(%dma_wait3A_24 : memref<250000x128xf32, #tpu.memory_space<hbm>>) dst(%arg7 : memref<128x128xf32, #tpu.memory_space<vmem>>)
      %mul3A_25 = arith.constant 128 : i32
      %mul3A_26 = arith.muli %scan3A_16, %mul3A_25 : i32
      %add3A_27 = arith.constant 0 : i32
      %add3A_28 = arith.addi %mul3A_26, %add3A_27 : i32
      %get3A = arith.index_cast %add3A_28 : i32 to index
      %get3A_29 = tpu.vector_load %arg5[%get3A] {strides = array<i32>} : memref<6400xi32, #tpu.memory_space<vmem>>, vector<16xi32>,
      %get3A_30 = vector.shape_cast %get3A_29 : vector<16xi32> to vector<16xi32>
      %and3A = arith.constant 3 : i32
      %and3A_31 = vector.broadcast %and3A : i32 to vector<16xi32>
      %and3A_32 = arith.andi %get3A_30, %and3A_31 : vector<16xi32>
      %mul3A_33 = arith.constant 32 : i32
      %mul3A_34 = vector.broadcast %mul3A_33 : i32 to vector<16xi32>
      %mul3A_35 = arith.muli %and3A_32, %mul3A_34 : vector<16xi32>
      %slice3A = vector.extract_strided_slice %mul3A_35 {offsets = [0], sizes = [1], strides = [1]} : vector<16xi32> to vector<1xi32>
      %squeeze3A = vector.extract %slice3A[0] : i32 from vector<1xi32>
      %get3A_36 = arith.constant 0 : i32
      %get3A_37 = arith.index_cast %get3A_36 : i32 to index
      %get3A_38 = arith.index_cast %squeeze3A : i32 to index
      %get3A_39 = tpu.vector_load %arg7[%get3A_37, %get3A_38] {strides = array<i32>} : memref<128x128xf32, #tpu.memory_space<vmem>>, vector<1x16xf32>,
      %get3A_40 = vector.shape_cast %get3A_39 : vector<1x16xf32> to vector<16xf32>
      %swap3A = arith.constant 0 : i32
      %swap3A_41 = arith.index_cast %swap3A : i32 to index
      %swap3A_42 = arith.constant 0 : index
      %swap3A_43 = tpu.vector_load %arg8[%swap3A_41, %swap3A_42] {strides = array<i32>} : memref<32x128xf32, #tpu.memory_space<vmem>>, vector<1x16xf32>,
      %swap3A_44 = vector.shape_cast %swap3A_43 : vector<1x16xf32> to vector<16xf32>
      %swap3A_45 = vector.shape_cast %get3A_40 : vector<16xf32> to vector<1x16xf32>
      tpu.vector_store %arg8[%swap3A_41, %swap3A_42], %swap3A_45 {strides = array<i32>} : memref<32x128xf32, #tpu.memory_space<vmem>>, vector<1x16xf32>,
      %add3A_46 = arith.constant 16 : i32
      %add3A_47 = arith.addi %squeeze3A, %add3A_46 : i32
      %get3A_48 = arith.constant 0 : i32
      %get3A_49 = arith.index_cast %get3A_48 : i32 to index
      %get3A_50 = arith.index_cast %add3A_47 : i32 to index
      %get3A_51 = tpu.vector_load %arg7[%get3A_49, %get3A_50] {strides = array<i32>} : memref<128x128xf32, #tpu.memory_space<vmem>>, vector<1x16xf32>,
      %get3A_52 = vector.shape_cast %get3A_51 : vector<1x16xf32> to vector<16xf32>
      %swap3A_53 = arith.constant 0 : i32
      %swap3A_54 = arith.index_cast %swap3A_53 : i32 to index
      %swap3A_55 = arith.constant 16 : index
      %swap3A_56 = tpu.vector_load %arg8[%swap3A_54, %swap3A_55] {strides = array<i32>} : memref<32x128xf32, #tpu.memory_space<vmem>>, vector<1x16xf32>,
      %swap3A_57 = vector.shape_cast %swap3A_56 : vector<1x16xf32> to vector<16xf32>
      %swap3A_58 = vector.shape_cast %get3A_52 : vector<16xf32> to vector<1x16xf32>
      tpu.vector_store %arg8[%swap3A_54, %swap3A_55], %swap3A_58 {strides = array<i32>} : memref<32x128xf32, #tpu.memory_space<vmem>>, vector<1x16xf32>,
      %slice3A_59 = vector.extract_strided_slice %mul3A_35 {offsets = [1], sizes = [1], strides = [1]} : vector<16xi32> to vector<1xi32>
      %squeeze3A_60 = vector.extract %slice3A_59[0] : i32 from vector<1xi32>
      %get3A_61 = arith.constant 1 : i32
      %get3A_62 = arith.index_cast %get3A_61 : i32 to index
      %get3A_63 = arith.index_cast %squeeze3A_60 : i32 to index
      %get3A_64 = tpu.vector_load %arg7[%get3A_62, %get3A_63] {strides = array<i32>} : memref<128x128xf32, #tpu.memory_space<vmem>>, vector<1x16xf32>,
      %get3A_65 = vector.shape_cast %get3A_64 : vector<1x16xf32> to vector<16xf32>
      %swap3A_66 = arith.constant 0 : i32
      %swap3A_67 = arith.index_cast %swap3A_66 : i32 to index
      %swap3A_68 = arith.constant 32 : index
      %swap3A_69 = tpu.vector_load %arg8[%swap3A_67, %swap3A_68] {strides = array<i32>} : memref<32x128xf32, #tpu.memory_space<vmem>>, vector<1x16xf32>,
      %swap3A_70 = vector.shape_cast %swap3A_69 : vector<1x16xf32> to vector<16xf32>
      %swap3A_71 = vector.shape_cast %get3A_65 : vector<16xf32> to vector<1x16xf32>
      tpu.vector_store %arg8[%swap3A_67, %swap3A_68], %swap3A_71 {strides = array<i32>} : memref<32x128xf32, #tpu.memory_space<vmem>>, vector<1x16xf32>,
      %add3A_72 = arith.constant 16 : i32
      %add3A_73 = arith.addi %squeeze3A_60, %add3A_72 : i32
      %get3A_74 = arith.constant 1 : i32
      %get3A_75 = arith.index_cast %get3A_74 : i32 to index
      %get3A_76 = arith.index_cast %add3A_73 : i32 to index
      %get3A_77 = tpu.vector_load %arg7[%get3A_75, %get3A_76] {strides = array<i32>} : memref<128x128xf32, #tpu.memory_space<vmem>>, vector<1x16xf32>,
      %get3A_78 = vector.shape_cast %get3A_77 : vector<1x16xf32> to vector<16xf32>
      %swap3A_79 = arith.constant 0 : i32
      %swap3A_80 = arith.index_cast %swap3A_79 : i32 to index
      %swap3A_81 = arith.constant 48 : index
      %swap3A_82 = tpu.vector_load %arg8[%swap3A_80, %swap3A_81] {strides = array<i32>} : memref<32x128xf32, #tpu.memory_space<vmem>>, vector<1x16xf32>,
      %swap3A_83 = vector.shape_cast %swap3A_82 : vector<1x16xf32> to vector<16xf32>
      %swap3A_84 = vector.shape_cast %get3A_78 : vector<16xf32> to vector<1x16xf32>
      tpu.vector_store %arg8[%swap3A_80, %swap3A_81], %swap3A_84 {strides = array<i32>} : memref<32x128xf32, #tpu.memory_space<vmem>>, vector<1x16xf32>,
      %slice3A_85 = vector.extract_strided_slice %mul3A_35 {offsets = [2], sizes = [1], strides = [1]} : vector<16xi32> to vector<1xi32>
      %squeeze3A_86 = vector.extract %slice3A_85[0] : i32 from vector<1xi32>
      %get3A_87 = arith.constant 2 : i32
      %get3A_88 = arith.index_cast %get3A_87 : i32 to index
      %get3A_89 = arith.index_cast %squeeze3A_86 : i32 to index
      %get3A_90 = tpu.vector_load %arg7[%get3A_88, %get3A_89] {strides = array<i32>} : memref<128x128xf32, #tpu.memory_space<vmem>>, vector<1x16xf32>,
      %get3A_91 = vector.shape_cast %get3A_90 : vector<1x16xf32> to vector<16xf32>
      %swap3A_92 = arith.constant 0 : i32
      %swap3A_93 = arith.index_cast %swap3A_92 : i32 to index
      %swap3A_94 = arith.constant 64 : index
      %swap3A_95 = tpu.vector_load %arg8[%swap3A_93, %swap3A_94] {strides = array<i32>} : memref<32x128xf32, #tpu.memory_space<vmem>>, vector<1x16xf32>,
      %swap3A_96 = vector.shape_cast %swap3A_95 : vector<1x16xf32> to vector<16xf32>
      %swap3A_97 = vector.shape_cast %get3A_91 : vector<16xf32> to vector<1x16xf32>
      tpu.vector_store %arg8[%swap3A_93, %swap3A_94], %swap3A_97 {strides = array<i32>} : memref<32x128xf32, #tpu.memory_space<vmem>>, vector<1x16xf32>,
      %add3A_98 = arith.constant 16 : i32
      %add3A_99 = arith.addi %squeeze3A_86, %add3A_98 : i32
      %get3A_100 = arith.constant 2 : i32
      %get3A_101 = arith.index_cast %get3A_100 : i32 to index
      %get3A_102 = arith.index_cast %add3A_99 : i32 to index
      %get3A_103 = tpu.vector_load %arg7[%get3A_101, %get3A_102] {strides = array<i32>} : memref<128x128xf32, #tpu.memory_space<vmem>>, vector<1x16xf32>,
      %get3A_104 = vector.shape_cast %get3A_103 : vector<1x16xf32> to vector<16xf32>
      %swap3A_105 = arith.constant 0 : i32
      %swap3A_106 = arith.index_cast %swap3A_105 : i32 to index
      %swap3A_107 = arith.constant 80 : index
      %swap3A_108 = tpu.vector_load %arg8[%swap3A_106, %swap3A_107] {strides = array<i32>} : memref<32x128xf32, #tpu.memory_space<vmem>>, vector<1x16xf32>,
      %swap3A_109 = vector.shape_cast %swap3A_108 : vector<1x16xf32> to vector<16xf32>
      %swap3A_110 = vector.shape_cast %get3A_104 : vector<16xf32> to vector<1x16xf32>
      tpu.vector_store %arg8[%swap3A_106, %swap3A_107], %swap3A_110 {strides = array<i32>} : memref<32x128xf32, #tpu.memory_space<vmem>>, vector<1x16xf32>,
      %slice3A_111 = vector.extract_strided_slice %mul3A_35 {offsets = [3], sizes = [1], strides = [1]} : vector<16xi32> to vector<1xi32>
      %squeeze3A_112 = vector.extract %slice3A_111[0] : i32 from vector<1xi32>
      %get3A_113 = arith.constant 3 : i32
      %get3A_114 = arith.index_cast %get3A_113 : i32 to index
      %get3A_115 = arith.index_cast %squeeze3A_112 : i32 to index
      %get3A_116 = tpu.vector_load %arg7[%get3A_114, %get3A_115] {strides = array<i32>} : memref<128x128xf32, #tpu.memory_space<vmem>>, vector<1x16xf32>,
      %get3A_117 = vector.shape_cast %get3A_116 : vector<1x16xf32> to vector<16xf32>
      %swap3A_118 = arith.constant 0 : i32
      %swap3A_119 = arith.index_cast %swap3A_118 : i32 to index
      %swap3A_120 = arith.constant 96 : index
      %swap3A_121 = tpu.vector_load %arg8[%swap3A_119, %swap3A_120] {strides = array<i32>} : memref<32x128xf32, #tpu.memory_space<vmem>>, vector<1x16xf32>,
      %swap3A_122 = vector.shape_cast %swap3A_121 : vector<1x16xf32> to vector<16xf32>
      %swap3A_123 = vector.shape_cast %get3A_117 : vector<16xf32> to vector<1x16xf32>
      tpu.vector_store %arg8[%swap3A_119, %swap3A_120], %swap3A_123 {strides = array<i32>} : memref<32x128xf32, #tpu.memory_space<vmem>>, vector<1x16xf32>,
      %add3A_124 = arith.constant 16 : i32
      %add3A_125 = arith.addi %squeeze3A_112, %add3A_124 : i32
      %get3A_126 = arith.constant 3 : i32
      %get3A_127 = arith.index_cast %get3A_126 : i32 to index
      %get3A_128 = arith.index_cast %add3A_125 : i32 to index
      %get3A_129 = tpu.vector_load %arg7[%get3A_127, %get3A_128] {strides = array<i32>} : memref<128x128xf32, #tpu.memory_space<vmem>>, vector<1x16xf32>,
      %get3A_130 = vector.shape_cast %get3A_129 : vector<1x16xf32> to vector<16xf32>
      %swap3A_131 = arith.constant 0 : i32
      %swap3A_132 = arith.index_cast %swap3A_131 : i32 to index
      %swap3A_133 = arith.constant 112 : index
      %swap3A_134 = tpu.vector_load %arg8[%swap3A_132, %swap3A_133] {strides = array<i32>} : memref<32x128xf32, #tpu.memory_space<vmem>>, vector<1x16xf32>,
      %swap3A_135 = vector.shape_cast %swap3A_134 : vector<1x16xf32> to vector<16xf32>
      %swap3A_136 = vector.shape_cast %get3A_130 : vector<16xf32> to vector<1x16xf32>
      tpu.vector_store %arg8[%swap3A_132, %swap3A_133], %swap3A_136 {strides = array<i32>} : memref<32x128xf32, #tpu.memory_space<vmem>>, vector<1x16xf32>,
      %slice3A_137 = vector.extract_strided_slice %mul3A_35 {offsets = [4], sizes = [1], strides = [1]} : vector<16xi32> to vector<1xi32>
      %squeeze3A_138 = vector.extract %slice3A_137[0] : i32 from vector<1xi32>
      %get3A_139 = arith.constant 4 : i32
      %get3A_140 = arith.index_cast %get3A_139 : i32 to index
      %get3A_141 = arith.index_cast %squeeze3A_138 : i32 to index
      %get3A_142 = tpu.vector_load %arg7[%get3A_140, %get3A_141] {strides = array<i32>} : memref<128x128xf32, #tpu.memory_space<vmem>>, vector<1x16xf32>,
      %get3A_143 = vector.shape_cast %get3A_142 : vector<1x16xf32> to vector<16xf32>
      %swap3A_144 = arith.constant 1 : i32
      %swap3A_145 = arith.index_cast %swap3A_144 : i32 to index
      %swap3A_146 = arith.constant 0 : index
      %swap3A_147 = tpu.vector_load %arg8[%swap3A_145, %swap3A_146] {strides = array<i32>} : memref<32x128xf32, #tpu.memory_space<vmem>>, vector<1x16xf32>,
      %swap3A_148 = vector.shape_cast %swap3A_147 : vector<1x16xf32> to vector<16xf32>
      %swap3A_149 = vector.shape_cast %get3A_143 : vector<16xf32> to vector<1x16xf32>
      tpu.vector_store %arg8[%swap3A_145, %swap3A_146], %swap3A_149 {strides = array<i32>} : memref<32x128xf32, #tpu.memory_space<vmem>>, vector<1x16xf32>,
      %add3A_150 = arith.constant 16 : i32
      %add3A_151 = arith.addi %squeeze3A_138, %add3A_150 : i32
      %get3A_152 = arith.constant 4 : i32
      %get3A_153 = arith.index_cast %get3A_152 : i32 to index
      %get3A_154 = arith.index_cast %add3A_151 : i32 to index
      %get3A_155 = tpu.vector_load %arg7[%get3A_153, %get3A_154] {strides = array<i32>} : memref<128x128xf32, #tpu.memory_space<vmem>>, vector<1x16xf32>,
      %get3A_156 = vector.shape_cast %get3A_155 : vector<1x16xf32> to vector<16xf32>
      %swap3A_157 = arith.constant 1 : i32
      %swap3A_158 = arith.index_cast %swap3A_157 : i32 to index
      %swap3A_159 = arith.constant 16 : index
      %swap3A_160 = tpu.vector_load %arg8[%swap3A_158, %swap3A_159] {strides = array<i32>} : memref<32x128xf32, #tpu.memory_space<vmem>>, vector<1x16xf32>,
      %swap3A_161 = vector.shape_cast %swap3A_160 : vector<1x16xf32> to vector<16xf32>
      %swap3A_162 = vector.shape_cast %get3A_156 : vector<16xf32> to vector<1x16xf32>
      tpu.vector_store %arg8[%swap3A_158, %swap3A_159], %swap3A_162 {strides = array<i32>} : memref<32x128xf32, #tpu.memory_space<vmem>>, vector<1x16xf32>,
      %slice3A_163 = vector.extract_strided_slice %mul3A_35 {offsets = [5], sizes = [1], strides = [1]} : vector<16xi32> to vector<1xi32>
      %squeeze3A_164 = vector.extract %slice3A_163[0] : i32 from vector<1xi32>
      %get3A_165 = arith.constant 5 : i32
      %get3A_166 = arith.index_cast %get3A_165 : i32 to index
      %get3A_167 = arith.index_cast %squeeze3A_164 : i32 to index
      %get3A_168 = tpu.vector_load %arg7[%get3A_166, %get3A_167] {strides = array<i32>} : memref<128x128xf32, #tpu.memory_space<vmem>>, vector<1x16xf32>,
      %get3A_169 = vector.shape_cast %get3A_168 : vector<1x16xf32> to vector<16xf32>
      %swap3A_170 = arith.constant 1 : i32
      %swap3A_171 = arith.index_cast %swap3A_170 : i32 to index
      %swap3A_172 = arith.constant 32 : index
      %swap3A_173 = tpu.vector_load %arg8[%swap3A_171, %swap3A_172] {strides = array<i32>} : memref<32x128xf32, #tpu.memory_space<vmem>>, vector<1x16xf32>,
      %swap3A_174 = vector.shape_cast %swap3A_173 : vector<1x16xf32> to vector<16xf32>
      %swap3A_175 = vector.shape_cast %get3A_169 : vector<16xf32> to vector<1x16xf32>
      tpu.vector_store %arg8[%swap3A_171, %swap3A_172], %swap3A_175 {strides = array<i32>} : memref<32x128xf32, #tpu.memory_space<vmem>>, vector<1x16xf32>,
      %add3A_176 = arith.constant 16 : i32
      %add3A_177 = arith.addi %squeeze3A_164, %add3A_176 : i32
      %get3A_178 = arith.constant 5 : i32
      %get3A_179 = arith.index_cast %get3A_178 : i32 to index
      %get3A_180 = arith.index_cast %add3A_177 : i32 to index
      %get3A_181 = tpu.vector_load %arg7[%get3A_179, %get3A_180] {strides = array<i32>} : memref<128x128xf32, #tpu.memory_space<vmem>>, vector<1x16xf32>,
      %get3A_182 = vector.shape_cast %get3A_181 : vector<1x16xf32> to vector<16xf32>
      %swap3A_183 = arith.constant 1 : i32
      %swap3A_184 = arith.index_cast %swap3A_183 : i32 to index
      %swap3A_185 = arith.constant 48 : index
      %swap3A_186 = tpu.vector_load %arg8[%swap3A_184, %swap3A_185] {strides = array<i32>} : memref<32x128xf32, #tpu.memory_space<vmem>>, vector<1x16xf32>,
      %swap3A_187 = vector.shape_cast %swap3A_186 : vector<1x16xf32> to vector<16xf32>
      %swap3A_188 = vector.shape_cast %get3A_182 : vector<16xf32> to vector<1x16xf32>
      tpu.vector_store %arg8[%swap3A_184, %swap3A_185], %swap3A_188 {strides = array<i32>} : memref<32x128xf32, #tpu.memory_space<vmem>>, vector<1x16xf32>,
      %slice3A_189 = vector.extract_strided_slice %mul3A_35 {offsets = [6], sizes = [1], strides = [1]} : vector<16xi32> to vector<1xi32>
      %squeeze3A_190 = vector.extract %slice3A_189[0] : i32 from vector<1xi32>
      %get3A_191 = arith.constant 6 : i32
      %get3A_192 = arith.index_cast %get3A_191 : i32 to index
      %get3A_193 = arith.index_cast %squeeze3A_190 : i32 to index
      %get3A_194 = tpu.vector_load %arg7[%get3A_192, %get3A_193] {strides = array<i32>} : memref<128x128xf32, #tpu.memory_space<vmem>>, vector<1x16xf32>,
      %get3A_195 = vector.shape_cast %get3A_194 : vector<1x16xf32> to vector<16xf32>
      %swap3A_196 = arith.constant 1 : i32
      %swap3A_197 = arith.index_cast %swap3A_196 : i32 to index
      %swap3A_198 = arith.constant 64 : index
      %swap3A_199 = tpu.vector_load %arg8[%swap3A_197, %swap3A_198] {strides = array<i32>} : memref<32x128xf32, #tpu.memory_space<vmem>>, vector<1x16xf32>,
      %swap3A_200 = vector.shape_cast %swap3A_199 : vector<1x16xf32> to vector<16xf32>
      %swap3A_201 = vector.shape_cast %get3A_195 : vector<16xf32> to vector<1x16xf32>
      tpu.vector_store %arg8[%swap3A_197, %swap3A_198], %swap3A_201 {strides = array<i32>} : memref<32x128xf32, #tpu.memory_space<vmem>>, vector<1x16xf32>,
      %add3A_202 = arith.constant 16 : i32
      %add3A_203 = arith.addi %squeeze3A_190, %add3A_202 : i32
      %get3A_204 = arith.constant 6 : i32
      %get3A_205 = arith.index_cast %get3A_204 : i32 to index
      %get3A_206 = arith.index_cast %add3A_203 : i32 to index
      %get3A_207 = tpu.vector_load %arg7[%get3A_205, %get3A_206] {strides = array<i32>} : memref<128x128xf32, #tpu.memory_space<vmem>>, vector<1x16xf32>,
      %get3A_208 = vector.shape_cast %get3A_207 : vector<1x16xf32> to vector<16xf32>
      %swap3A_209 = arith.constant 1 : i32
      %swap3A_210 = arith.index_cast %swap3A_209 : i32 to index
      %swap3A_211 = arith.constant 80 : index
      %swap3A_212 = tpu.vector_load %arg8[%swap3A_210, %swap3A_211] {strides = array<i32>} : memref<32x128xf32, #tpu.memory_space<vmem>>, vector<1x16xf32>,
      %swap3A_213 = vector.shape_cast %swap3A_212 : vector<1x16xf32> to vector<16xf32>
      %swap3A_214 = vector.shape_cast %get3A_208 : vector<16xf32> to vector<1x16xf32>
      tpu.vector_store %arg8[%swap3A_210, %swap3A_211], %swap3A_214 {strides = array<i32>} : memref<32x128xf32, #tpu.memory_space<vmem>>, vector<1x16xf32>,
      %slice3A_215 = vector.extract_strided_slice %mul3A_35 {offsets = [7], sizes = [1], strides = [1]} : vector<16xi32> to vector<1xi32>
      %squeeze3A_216 = vector.extract %slice3A_215[0] : i32 from vector<1xi32>
      %get3A_217 = arith.constant 7 : i32
      %get3A_218 = arith.index_cast %get3A_217 : i32 to index
      %get3A_219 = arith.index_cast %squeeze3A_216 : i32 to index
      %get3A_220 = tpu.vector_load %arg7[%get3A_218, %get3A_219] {strides = array<i32>} : memref<128x128xf32, #tpu.memory_space<vmem>>, vector<1x16xf32>,
      %get3A_221 = vector.shape_cast %get3A_220 : vector<1x16xf32> to vector<16xf32>
      %swap3A_222 = arith.constant 1 : i32
      %swap3A_223 = arith.index_cast %swap3A_222 : i32 to index
      %swap3A_224 = arith.constant 96 : index
      %swap3A_225 = tpu.vector_load %arg8[%swap3A_223, %swap3A_224] {strides = array<i32>} : memref<32x128xf32, #tpu.memory_space<vmem>>, vector<1x16xf32>,
      %swap3A_226 = vector.shape_cast %swap3A_225 : vector<1x16xf32> to vector<16xf32>
      %swap3A_227 = vector.shape_cast %get3A_221 : vector<16xf32> to vector<1x16xf32>
      tpu.vector_store %arg8[%swap3A_223, %swap3A_224], %swap3A_227 {strides = array<i32>} : memref<32x128xf32, #tpu.memory_space<vmem>>, vector<1x16xf32>,
      %add3A_228 = arith.constant 16 : i32
      %add3A_229 = arith.addi %squeeze3A_216, %add3A_228 : i32
      %get3A_230 = arith.constant 7 : i32
      %get3A_231 = arith.index_cast %get3A_230 : i32 to index
      %get3A_232 = arith.index_cast %add3A_229 : i32 to index
      %get3A_233 = tpu.vector_load %arg7[%get3A_231, %get3A_232] {strides = array<i32>} : memref<128x128xf32, #tpu.memory_space<vmem>>, vector<1x16xf32>,
      %get3A_234 = vector.shape_cast %get3A_233 : vector<1x16xf32> to vector<16xf32>
      %swap3A_235 = arith.constant 1 : i32
      %swap3A_236 = arith.index_cast %swap3A_235 : i32 to index
      %swap3A_237 = arith.constant 112 : index
      %swap3A_238 = tpu.vector_load %arg8[%swap3A_236, %swap3A_237] {strides = array<i32>} : memref<32x128xf32, #tpu.memory_space<vmem>>, vector<1x16xf32>,
      %swap3A_239 = vector.shape_cast %swap3A_238 : vector<1x16xf32> to vector<16xf32>
      %swap3A_240 = vector.shape_cast %get3A_234 : vector<16xf32> to vector<1x16xf32>
      tpu.vector_store %arg8[%swap3A_236, %swap3A_237], %swap3A_240 {strides = array<i32>} : memref<32x128xf32, #tpu.memory_space<vmem>>, vector<1x16xf32>,
      %slice3A_241 = vector.extract_strided_slice %mul3A_35 {offsets = [8], sizes = [1], strides = [1]} : vector<16xi32> to vector<1xi32>
      %squeeze3A_242 = vector.extract %slice3A_241[0] : i32 from vector<1xi32>
      %get3A_243 = arith.constant 8 : i32
      %get3A_244 = arith.index_cast %get3A_243 : i32 to index
      %get3A_245 = arith.index_cast %squeeze3A_242 : i32 to index
      %get3A_246 = tpu.vector_load %arg7[%get3A_244, %get3A_245] {strides = array<i32>} : memref<128x128xf32, #tpu.memory_space<vmem>>, vector<1x16xf32>,
      %get3A_247 = vector.shape_cast %get3A_246 : vector<1x16xf32> to vector<16xf32>
      %swap3A_248 = arith.constant 2 : i32
      %swap3A_249 = arith.index_cast %swap3A_248 : i32 to index
      %swap3A_250 = arith.constant 0 : index
      %swap3A_251 = tpu.vector_load %arg8[%swap3A_249, %swap3A_250] {strides = array<i32>} : memref<32x128xf32, #tpu.memory_space<vmem>>, vector<1x16xf32>,
      %swap3A_252 = vector.shape_cast %swap3A_251 : vector<1x16xf32> to vector<16xf32>
      %swap3A_253 = vector.shape_cast %get3A_247 : vector<16xf32> to vector<1x16xf32>
      tpu.vector_store %arg8[%swap3A_249, %swap3A_250], %swap3A_253 {strides = array<i32>} : memref<32x128xf32, #tpu.memory_space<vmem>>, vector<1x16xf32>,
      %add3A_254 = arith.constant 16 : i32
      %add3A_255 = arith.addi %squeeze3A_242, %add3A_254 : i32
      %get3A_256 = arith.constant 8 : i32
      %get3A_257 = arith.index_cast %get3A_256 : i32 to index
      %get3A_258 = arith.index_cast %add3A_255 : i32 to index
      %get3A_259 = tpu.vector_load %arg7[%get3A_257, %get3A_258] {strides = array<i32>} : memref<128x128xf32, #tpu.memory_space<vmem>>, vector<1x16xf32>,
      %get3A_260 = vector.shape_cast %get3A_259 : vector<1x16xf32> to vector<16xf32>
      %swap3A_261 = arith.constant 2 : i32
      %swap3A_262 = arith.index_cast %swap3A_261 : i32 to index
      %swap3A_263 = arith.constant 16 : index
      %swap3A_264 = tpu.vector_load %arg8[%swap3A_262, %swap3A_263] {strides = array<i32>} : memref<32x128xf32, #tpu.memory_space<vmem>>, vector<1x16xf32>,
      %swap3A_265 = vector.shape_cast %swap3A_264 : vector<1x16xf32> to vector<16xf32>
      %swap3A_266 = vector.shape_cast %get3A_260 : vector<16xf32> to vector<1x16xf32>
      tpu.vector_store %arg8[%swap3A_262, %swap3A_263], %swap3A_266 {strides = array<i32>} : memref<32x128xf32, #tpu.memory_space<vmem>>, vector<1x16xf32>,
      %slice3A_267 = vector.extract_strided_slice %mul3A_35 {offsets = [9], sizes = [1], strides = [1]} : vector<16xi32> to vector<1xi32>
      %squeeze3A_268 = vector.extract %slice3A_267[0] : i32 from vector<1xi32>
      %get3A_269 = arith.constant 9 : i32
      %get3A_270 = arith.index_cast %get3A_269 : i32 to index
      %get3A_271 = arith.index_cast %squeeze3A_268 : i32 to index
      %get3A_272 = tpu.vector_load %arg7[%get3A_270, %get3A_271] {strides = array<i32>} : memref<128x128xf32, #tpu.memory_space<vmem>>, vector<1x16xf32>,
      %get3A_273 = vector.shape_cast %get3A_272 : vector<1x16xf32> to vector<16xf32>
      %swap3A_274 = arith.constant 2 : i32
      %swap3A_275 = arith.index_cast %swap3A_274 : i32 to index
      %swap3A_276 = arith.constant 32 : index
      %swap3A_277 = tpu.vector_load %arg8[%swap3A_275, %swap3A_276] {strides = array<i32>} : memref<32x128xf32, #tpu.memory_space<vmem>>, vector<1x16xf32>,
      %swap3A_278 = vector.shape_cast %swap3A_277 : vector<1x16xf32> to vector<16xf32>
      %swap3A_279 = vector.shape_cast %get3A_273 : vector<16xf32> to vector<1x16xf32>
      tpu.vector_store %arg8[%swap3A_275, %swap3A_276], %swap3A_279 {strides = array<i32>} : memref<32x128xf32, #tpu.memory_space<vmem>>, vector<1x16xf32>,
      %add3A_280 = arith.constant 16 : i32
      %add3A_281 = arith.addi %squeeze3A_268, %add3A_280 : i32
      %get3A_282 = arith.constant 9 : i32
      %get3A_283 = arith.index_cast %get3A_282 : i32 to index
      %get3A_284 = arith.index_cast %add3A_281 : i32 to index
      %get3A_285 = tpu.vector_load %arg7[%get3A_283, %get3A_284] {strides = array<i32>} : memref<128x128xf32, #tpu.memory_space<vmem>>, vector<1x16xf32>,
      %get3A_286 = vector.shape_cast %get3A_285 : vector<1x16xf32> to vector<16xf32>
      %swap3A_287 = arith.constant 2 : i32
      %swap3A_288 = arith.index_cast %swap3A_287 : i32 to index
      %swap3A_289 = arith.constant 48 : index
      %swap3A_290 = tpu.vector_load %arg8[%swap3A_288, %swap3A_289] {strides = array<i32>} : memref<32x128xf32, #tpu.memory_space<vmem>>, vector<1x16xf32>,
      %swap3A_291 = vector.shape_cast %swap3A_290 : vector<1x16xf32> to vector<16xf32>
      %swap3A_292 = vector.shape_cast %get3A_286 : vector<16xf32> to vector<1x16xf32>
      tpu.vector_store %arg8[%swap3A_288, %swap3A_289], %swap3A_292 {strides = array<i32>} : memref<32x128xf32, #tpu.memory_space<vmem>>, vector<1x16xf32>,
      %slice3A_293 = vector.extract_strided_slice %mul3A_35 {offsets = [10], sizes = [1], strides = [1]} : vector<16xi32> to vector<1xi32>
      %squeeze3A_294 = vector.extract %slice3A_293[0] : i32 from vector<1xi32>
      %get3A_295 = arith.constant 10 : i32
      %get3A_296 = arith.index_cast %get3A_295 : i32 to index
      %get3A_297 = arith.index_cast %squeeze3A_294 : i32 to index
      %get3A_298 = tpu.vector_load %arg7[%get3A_296, %get3A_297] {strides = array<i32>} : memref<128x128xf32, #tpu.memory_space<vmem>>, vector<1x16xf32>,
      %get3A_299 = vector.shape_cast %get3A_298 : vector<1x16xf32> to vector<16xf32>
      %swap3A_300 = arith.constant 2 : i32
      %swap3A_301 = arith.index_cast %swap3A_300 : i32 to index
      %swap3A_302 = arith.constant 64 : index
      %swap3A_303 = tpu.vector_load %arg8[%swap3A_301, %swap3A_302] {strides = array<i32>} : memref<32x128xf32, #tpu.memory_space<vmem>>, vector<1x16xf32>,
      %swap3A_304 = vector.shape_cast %swap3A_303 : vector<1x16xf32> to vector<16xf32>
      %swap3A_305 = vector.shape_cast %get3A_299 : vector<16xf32> to vector<1x16xf32>
      tpu.vector_store %arg8[%swap3A_301, %swap3A_302], %swap3A_305 {strides = array<i32>} : memref<32x128xf32, #tpu.memory_space<vmem>>, vector<1x16xf32>,
      %add3A_306 = arith.constant 16 : i32
      %add3A_307 = arith.addi %squeeze3A_294, %add3A_306 : i32
      %get3A_308 = arith.constant 10 : i32
      %get3A_309 = arith.index_cast %get3A_308 : i32 to index
      %get3A_310 = arith.index_cast %add3A_307 : i32 to index
      %get3A_311 = tpu.vector_load %arg7[%get3A_309, %get3A_310] {strides = array<i32>} : memref<128x128xf32, #tpu.memory_space<vmem>>, vector<1x16xf32>,
      %get3A_312 = vector.shape_cast %get3A_311 : vector<1x16xf32> to vector<16xf32>
      %swap3A_313 = arith.constant 2 : i32
      %swap3A_314 = arith.index_cast %swap3A_313 : i32 to index
      %swap3A_315 = arith.constant 80 : index
      %swap3A_316 = tpu.vector_load %arg8[%swap3A_314, %swap3A_315] {strides = array<i32>} : memref<32x128xf32, #tpu.memory_space<vmem>>, vector<1x16xf32>,
      %swap3A_317 = vector.shape_cast %swap3A_316 : vector<1x16xf32> to vector<16xf32>
      %swap3A_318 = vector.shape_cast %get3A_312 : vector<16xf32> to vector<1x16xf32>
      tpu.vector_store %arg8[%swap3A_314, %swap3A_315], %swap3A_318 {strides = array<i32>} : memref<32x128xf32, #tpu.memory_space<vmem>>, vector<1x16xf32>,
      %slice3A_319 = vector.extract_strided_slice %mul3A_35 {offsets = [11], sizes = [1], strides = [1]} : vector<16xi32> to vector<1xi32>
      %squeeze3A_320 = vector.extract %slice3A_319[0] : i32 from vector<1xi32>
      %get3A_321 = arith.constant 11 : i32
      %get3A_322 = arith.index_cast %get3A_321 : i32 to index
      %get3A_323 = arith.index_cast %squeeze3A_320 : i32 to index
      %get3A_324 = tpu.vector_load %arg7[%get3A_322, %get3A_323] {strides = array<i32>} : memref<128x128xf32, #tpu.memory_space<vmem>>, vector<1x16xf32>,
      %get3A_325 = vector.shape_cast %get3A_324 : vector<1x16xf32> to vector<16xf32>
      %swap3A_326 = arith.constant 2 : i32
      %swap3A_327 = arith.index_cast %swap3A_326 : i32 to index
      %swap3A_328 = arith.constant 96 : index
      %swap3A_329 = tpu.vector_load %arg8[%swap3A_327, %swap3A_328] {strides = array<i32>} : memref<32x128xf32, #tpu.memory_space<vmem>>, vector<1x16xf32>,
      %swap3A_330 = vector.shape_cast %swap3A_329 : vector<1x16xf32> to vector<16xf32>
      %swap3A_331 = vector.shape_cast %get3A_325 : vector<16xf32> to vector<1x16xf32>
      tpu.vector_store %arg8[%swap3A_327, %swap3A_328], %swap3A_331 {strides = array<i32>} : memref<32x128xf32, #tpu.memory_space<vmem>>, vector<1x16xf32>,
      %add3A_332 = arith.constant 16 : i32
      %add3A_333 = arith.addi %squeeze3A_320, %add3A_332 : i32
      %get3A_334 = arith.constant 11 : i32
      %get3A_335 = arith.index_cast %get3A_334 : i32 to index
      %get3A_336 = arith.index_cast %add3A_333 : i32 to index
      %get3A_337 = tpu.vector_load %arg7[%get3A_335, %get3A_336] {strides = array<i32>} : memref<128x128xf32, #tpu.memory_space<vmem>>, vector<1x16xf32>,
      %get3A_338 = vector.shape_cast %get3A_337 : vector<1x16xf32> to vector<16xf32>
      %swap3A_339 = arith.constant 2 : i32
      %swap3A_340 = arith.index_cast %swap3A_339 : i32 to index
      %swap3A_341 = arith.constant 112 : index
      %swap3A_342 = tpu.vector_load %arg8[%swap3A_340, %swap3A_341] {strides = array<i32>} : memref<32x128xf32, #tpu.memory_space<vmem>>, vector<1x16xf32>,
      %swap3A_343 = vector.shape_cast %swap3A_342 : vector<1x16xf32> to vector<16xf32>
      %swap3A_344 = vector.shape_cast %get3A_338 : vector<16xf32> to vector<1x16xf32>
      tpu.vector_store %arg8[%swap3A_340, %swap3A_341], %swap3A_344 {strides = array<i32>} : memref<32x128xf32, #tpu.memory_space<vmem>>, vector<1x16xf32>,
      %slice3A_345 = vector.extract_strided_slice %mul3A_35 {offsets = [12], sizes = [1], strides = [1]} : vector<16xi32> to vector<1xi32>
      %squeeze3A_346 = vector.extract %slice3A_345[0] : i32 from vector<1xi32>
      %get3A_347 = arith.constant 12 : i32
      %get3A_348 = arith.index_cast %get3A_347 : i32 to index
      %get3A_349 = arith.index_cast %squeeze3A_346 : i32 to index
      %get3A_350 = tpu.vector_load %arg7[%get3A_348, %get3A_349] {strides = array<i32>} : memref<128x128xf32, #tpu.memory_space<vmem>>, vector<1x16xf32>,
      %get3A_351 = vector.shape_cast %get3A_350 : vector<1x16xf32> to vector<16xf32>
      %swap3A_352 = arith.constant 3 : i32
      %swap3A_353 = arith.index_cast %swap3A_352 : i32 to index
      %swap3A_354 = arith.constant 0 : index
      %swap3A_355 = tpu.vector_load %arg8[%swap3A_353, %swap3A_354] {strides = array<i32>} : memref<32x128xf32, #tpu.memory_space<vmem>>, vector<1x16xf32>,
      %swap3A_356 = vector.shape_cast %swap3A_355 : vector<1x16xf32> to vector<16xf32>
      %swap3A_357 = vector.shape_cast %get3A_351 : vector<16xf32> to vector<1x16xf32>
      tpu.vector_store %arg8[%swap3A_353, %swap3A_354], %swap3A_357 {strides = array<i32>} : memref<32x128xf32, #tpu.memory_space<vmem>>, vector<1x16xf32>,
      %add3A_358 = arith.constant 16 : i32
      %add3A_359 = arith.addi %squeeze3A_346, %add3A_358 : i32
      %get3A_360 = arith.constant 12 : i32
      %get3A_361 = arith.index_cast %get3A_360 : i32 to index
      %get3A_362 = arith.index_cast %add3A_359 : i32 to index
      %get3A_363 = tpu.vector_load %arg7[%get3A_361, %get3A_362] {strides = array<i32>} : memref<128x128xf32, #tpu.memory_space<vmem>>, vector<1x16xf32>,
      %get3A_364 = vector.shape_cast %get3A_363 : vector<1x16xf32> to vector<16xf32>
      %swap3A_365 = arith.constant 3 : i32
      %swap3A_366 = arith.index_cast %swap3A_365 : i32 to index
      %swap3A_367 = arith.constant 16 : index
      %swap3A_368 = tpu.vector_load %arg8[%swap3A_366, %swap3A_367] {strides = array<i32>} : memref<32x128xf32, #tpu.memory_space<vmem>>, vector<1x16xf32>,
      %swap3A_369 = vector.shape_cast %swap3A_368 : vector<1x16xf32> to vector<16xf32>
      %swap3A_370 = vector.shape_cast %get3A_364 : vector<16xf32> to vector<1x16xf32>
      tpu.vector_store %arg8[%swap3A_366, %swap3A_367], %swap3A_370 {strides = array<i32>} : memref<32x128xf32, #tpu.memory_space<vmem>>, vector<1x16xf32>,
      %slice3A_371 = vector.extract_strided_slice %mul3A_35 {offsets = [13], sizes = [1], strides = [1]} : vector<16xi32> to vector<1xi32>
      %squeeze3A_372 = vector.extract %slice3A_371[0] : i32 from vector<1xi32>
      %get3A_373 = arith.constant 13 : i32
      %get3A_374 = arith.index_cast %get3A_373 : i32 to index
      %get3A_375 = arith.index_cast %squeeze3A_372 : i32 to index
      %get3A_376 = tpu.vector_load %arg7[%get3A_374, %get3A_375] {strides = array<i32>} : memref<128x128xf32, #tpu.memory_space<vmem>>, vector<1x16xf32>,
      %get3A_377 = vector.shape_cast %get3A_376 : vector<1x16xf32> to vector<16xf32>
      %swap3A_378 = arith.constant 3 : i32
      %swap3A_379 = arith.index_cast %swap3A_378 : i32 to index
      %swap3A_380 = arith.constant 32 : index
      %swap3A_381 = tpu.vector_load %arg8[%swap3A_379, %swap3A_380] {strides = array<i32>} : memref<32x128xf32, #tpu.memory_space<vmem>>, vector<1x16xf32>,
      %swap3A_382 = vector.shape_cast %swap3A_381 : vector<1x16xf32> to vector<16xf32>
      %swap3A_383 = vector.shape_cast %get3A_377 : vector<16xf32> to vector<1x16xf32>
      tpu.vector_store %arg8[%swap3A_379, %swap3A_380], %swap3A_383 {strides = array<i32>} : memref<32x128xf32, #tpu.memory_space<vmem>>, vector<1x16xf32>,
      %add3A_384 = arith.constant 16 : i32
      %add3A_385 = arith.addi %squeeze3A_372, %add3A_384 : i32
      %get3A_386 = arith.constant 13 : i32
      %get3A_387 = arith.index_cast %get3A_386 : i32 to index
      %get3A_388 = arith.index_cast %add3A_385 : i32 to index
      %get3A_389 = tpu.vector_load %arg7[%get3A_387, %get3A_388] {strides = array<i32>} : memref<128x128xf32, #tpu.memory_space<vmem>>, vector<1x16xf32>,
      %get3A_390 = vector.shape_cast %get3A_389 : vector<1x16xf32> to vector<16xf32>
      %swap3A_391 = arith.constant 3 : i32
      %swap3A_392 = arith.index_cast %swap3A_391 : i32 to index
      %swap3A_393 = arith.constant 48 : index
      %swap3A_394 = tpu.vector_load %arg8[%swap3A_392, %swap3A_393] {strides = array<i32>} : memref<32x128xf32, #tpu.memory_space<vmem>>, vector<1x16xf32>,
      %swap3A_395 = vector.shape_cast %swap3A_394 : vector<1x16xf32> to vector<16xf32>
      %swap3A_396 = vector.shape_cast %get3A_390 : vector<16xf32> to vector<1x16xf32>
      tpu.vector_store %arg8[%swap3A_392, %swap3A_393], %swap3A_396 {strides = array<i32>} : memref<32x128xf32, #tpu.memory_space<vmem>>, vector<1x16xf32>,
      %slice3A_397 = vector.extract_strided_slice %mul3A_35 {offsets = [14], sizes = [1], strides = [1]} : vector<16xi32> to vector<1xi32>
      %squeeze3A_398 = vector.extract %slice3A_397[0] : i32 from vector<1xi32>
      %get3A_399 = arith.constant 14 : i32
      %get3A_400 = arith.index_cast %get3A_399 : i32 to index
      %get3A_401 = arith.index_cast %squeeze3A_398 : i32 to index
      %get3A_402 = tpu.vector_load %arg7[%get3A_400, %get3A_401] {strides = array<i32>} : memref<128x128xf32, #tpu.memory_space<vmem>>, vector<1x16xf32>,
      %get3A_403 = vector.shape_cast %get3A_402 : vector<1x16xf32> to vector<16xf32>
      %swap3A_404 = arith.constant 3 : i32
      %swap3A_405 = arith.index_cast %swap3A_404 : i32 to index
      %swap3A_406 = arith.constant 64 : index
      %swap3A_407 = tpu.vector_load %arg8[%swap3A_405, %swap3A_406] {strides = array<i32>} : memref<32x128xf32, #tpu.memory_space<vmem>>, vector<1x16xf32>,
      %swap3A_408 = vector.shape_cast %swap3A_407 : vector<1x16xf32> to vector<16xf32>
      %swap3A_409 = vector.shape_cast %get3A_403 : vector<16xf32> to vector<1x16xf32>
      tpu.vector_store %arg8[%swap3A_405, %swap3A_406], %swap3A_409 {strides = array<i32>} : memref<32x128xf32, #tpu.memory_space<vmem>>, vector<1x16xf32>,
      %add3A_410 = arith.constant 16 : i32
      %add3A_411 = arith.addi %squeeze3A_398, %add3A_410 : i32
      %get3A_412 = arith.constant 14 : i32
      %get3A_413 = arith.index_cast %get3A_412 : i32 to index
      %get3A_414 = arith.index_cast %add3A_411 : i32 to index
      %get3A_415 = tpu.vector_load %arg7[%get3A_413, %get3A_414] {strides = array<i32>} : memref<128x128xf32, #tpu.memory_space<vmem>>, vector<1x16xf32>,
      %get3A_416 = vector.shape_cast %get3A_415 : vector<1x16xf32> to vector<16xf32>
      %swap3A_417 = arith.constant 3 : i32
      %swap3A_418 = arith.index_cast %swap3A_417 : i32 to index
      %swap3A_419 = arith.constant 80 : index
      %swap3A_420 = tpu.vector_load %arg8[%swap3A_418, %swap3A_419] {strides = array<i32>} : memref<32x128xf32, #tpu.memory_space<vmem>>, vector<1x16xf32>,
      %swap3A_421 = vector.shape_cast %swap3A_420 : vector<1x16xf32> to vector<16xf32>
      %swap3A_422 = vector.shape_cast %get3A_416 : vector<16xf32> to vector<1x16xf32>
      tpu.vector_store %arg8[%swap3A_418, %swap3A_419], %swap3A_422 {strides = array<i32>} : memref<32x128xf32, #tpu.memory_space<vmem>>, vector<1x16xf32>,
      %slice3A_423 = vector.extract_strided_slice %mul3A_35 {offsets = [15], sizes = [1], strides = [1]} : vector<16xi32> to vector<1xi32>
      %squeeze3A_424 = vector.extract %slice3A_423[0] : i32 from vector<1xi32>
      %get3A_425 = arith.constant 15 : i32
      %get3A_426 = arith.index_cast %get3A_425 : i32 to index
      %get3A_427 = arith.index_cast %squeeze3A_424 : i32 to index
      %get3A_428 = tpu.vector_load %arg7[%get3A_426, %get3A_427] {strides = array<i32>} : memref<128x128xf32, #tpu.memory_space<vmem>>, vector<1x16xf32>,
      %get3A_429 = vector.shape_cast %get3A_428 : vector<1x16xf32> to vector<16xf32>
      %swap3A_430 = arith.constant 3 : i32
      %swap3A_431 = arith.index_cast %swap3A_430 : i32 to index
      %swap3A_432 = arith.constant 96 : index
      %swap3A_433 = tpu.vector_load %arg8[%swap3A_431, %swap3A_432] {strides = array<i32>} : memref<32x128xf32, #tpu.memory_space<vmem>>, vector<1x16xf32>,
      %swap3A_434 = vector.shape_cast %swap3A_433 : vector<1x16xf32> to vector<16xf32>
      %swap3A_435 = vector.shape_cast %get3A_429 : vector<16xf32> to vector<1x16xf32>
      tpu.vector_store %arg8[%swap3A_431, %swap3A_432], %swap3A_435 {strides = array<i32>} : memref<32x128xf32, #tpu.memory_space<vmem>>, vector<1x16xf32>,
      %add3A_436 = arith.constant 16 : i32
      %add3A_437 = arith.addi %squeeze3A_424, %add3A_436 : i32
      %get3A_438 = arith.constant 15 : i32
      %get3A_439 = arith.index_cast %get3A_438 : i32 to index
      %get3A_440 = arith.index_cast %add3A_437 : i32 to index
      %get3A_441 = tpu.vector_load %arg7[%get3A_439, %get3A_440] {strides = array<i32>} : memref<128x128xf32, #tpu.memory_space<vmem>>, vector<1x16xf32>,
      %get3A_442 = vector.shape_cast %get3A_441 : vector<1x16xf32> to vector<16xf32>
      %swap3A_443 = arith.constant 3 : i32
      %swap3A_444 = arith.index_cast %swap3A_443 : i32 to index
      %swap3A_445 = arith.constant 112 : index
      %swap3A_446 = tpu.vector_load %arg8[%swap3A_444, %swap3A_445] {strides = array<i32>} : memref<32x128xf32, #tpu.memory_space<vmem>>, vector<1x16xf32>,
      %swap3A_447 = vector.shape_cast %swap3A_446 : vector<1x16xf32> to vector<16xf32>
      %swap3A_448 = vector.shape_cast %get3A_442 : vector<16xf32> to vector<1x16xf32>
      tpu.vector_store %arg8[%swap3A_444, %swap3A_445], %swap3A_448 {strides = array<i32>} : memref<32x128xf32, #tpu.memory_space<vmem>>, vector<1x16xf32>,
      %mul3A_449 = arith.constant 128 : i32
      %mul3A_450 = arith.muli %scan3A_16, %mul3A_449 : i32
      %add3A_451 = arith.constant 16 : i32
      %add3A_452 = arith.addi %mul3A_450, %add3A_451 : i32
      %get3A_453 = arith.index_cast %add3A_452 : i32 to index
      %get3A_454 = tpu.vector_load %arg5[%get3A_453] {strides = array<i32>} : memref<6400xi32, #tpu.memory_space<vmem>>, vector<16xi32>,
      %get3A_455 = vector.shape_cast %get3A_454 : vector<16xi32> to vector<16xi32>
      %and3A_456 = arith.constant 3 : i32
      %and3A_457 = vector.broadcast %and3A_456 : i32 to vector<16xi32>
      %and3A_458 = arith.andi %get3A_455, %and3A_457 : vector<16xi32>
      %mul3A_459 = arith.constant 32 : i32
      %mul3A_460 = vector.broadcast %mul3A_459 : i32 to vector<16xi32>
      %mul3A_461 = arith.muli %and3A_458, %mul3A_460 : vector<16xi32>
      %slice3A_462 = vector.extract_strided_slice %mul3A_461 {offsets = [0], sizes = [1], strides = [1]} : vector<16xi32> to vector<1xi32>
      %squeeze3A_463 = vector.extract %slice3A_462[0] : i32 from vector<1xi32>
      %get3A_464 = arith.constant 16 : i32
      %get3A_465 = arith.index_cast %get3A_464 : i32 to index
      %get3A_466 = arith.index_cast %squeeze3A_463 : i32 to index
      %get3A_467 = tpu.vector_load %arg7[%get3A_465, %get3A_466] {strides = array<i32>} : memref<128x128xf32, #tpu.memory_space<vmem>>, vector<1x16xf32>,
      %get3A_468 = vector.shape_cast %get3A_467 : vector<1x16xf32> to vector<16xf32>
      %swap3A_469 = arith.constant 4 : i32
      %swap3A_470 = arith.index_cast %swap3A_469 : i32 to index
      %swap3A_471 = arith.constant 0 : index
      %swap3A_472 = tpu.vector_load %arg8[%swap3A_470, %swap3A_471] {strides = array<i32>} : memref<32x128xf32, #tpu.memory_space<vmem>>, vector<1x16xf32>,
      %swap3A_473 = vector.shape_cast %swap3A_472 : vector<1x16xf32> to vector<16xf32>
      %swap3A_474 = vector.shape_cast %get3A_468 : vector<16xf32> to vector<1x16xf32>
      tpu.vector_store %arg8[%swap3A_470, %swap3A_471], %swap3A_474 {strides = array<i32>} : memref<32x128xf32, #tpu.memory_space<vmem>>, vector<1x16xf32>,
      %add3A_475 = arith.constant 16 : i32
      %add3A_476 = arith.addi %squeeze3A_463, %add3A_475 : i32
      %get3A_477 = arith.constant 16 : i32
      %get3A_478 = arith.index_cast %get3A_477 : i32 to index
      %get3A_479 = arith.index_cast %add3A_476 : i32 to index
      %get3A_480 = tpu.vector_load %arg7[%get3A_478, %get3A_479] {strides = array<i32>} : memref<128x128xf32, #tpu.memory_space<vmem>>, vector<1x16xf32>,
      %get3A_481 = vector.shape_cast %get3A_480 : vector<1x16xf32> to vector<16xf32>
      %swap3A_482 = arith.constant 4 : i32
      %swap3A_483 = arith.index_cast %swap3A_482 : i32 to index
      %swap3A_484 = arith.constant 16 : index
      %swap3A_485 = tpu.vector_load %arg8[%swap3A_483, %swap3A_484] {strides = array<i32>} : memref<32x128xf32, #tpu.memory_space<vmem>>, vector<1x16xf32>,
      %swap3A_486 = vector.shape_cast %swap3A_485 : vector<1x16xf32> to vector<16xf32>
      %swap3A_487 = vector.shape_cast %get3A_481 : vector<16xf32> to vector<1x16xf32>
      tpu.vector_store %arg8[%swap3A_483, %swap3A_484], %swap3A_487 {strides = array<i32>} : memref<32x128xf32, #tpu.memory_space<vmem>>, vector<1x16xf32>,
      %slice3A_488 = vector.extract_strided_slice %mul3A_461 {offsets = [1], sizes = [1], strides = [1]} : vector<16xi32> to vector<1xi32>
      %squeeze3A_489 = vector.extract %slice3A_488[0] : i32 from vector<1xi32>
      %get3A_490 = arith.constant 17 : i32
      %get3A_491 = arith.index_cast %get3A_490 : i32 to index
      %get3A_492 = arith.index_cast %squeeze3A_489 : i32 to index
      %get3A_493 = tpu.vector_load %arg7[%get3A_491, %get3A_492] {strides = array<i32>} : memref<128x128xf32, #tpu.memory_space<vmem>>, vector<1x16xf32>,
      %get3A_494 = vector.shape_cast %get3A_493 : vector<1x16xf32> to vector<16xf32>
      %swap3A_495 = arith.constant 4 : i32
      %swap3A_496 = arith.index_cast %swap3A_495 : i32 to index
      %swap3A_497 = arith.constant 32 : index
      %swap3A_498 = tpu.vector_load %arg8[%swap3A_496, %swap3A_497] {strides = array<i32>} : memref<32x128xf32, #tpu.memory_space<vmem>>, vector<1x16xf32>,
      %swap3A_499 = vector.shape_cast %swap3A_498 : vector<1x16xf32> to vector<16xf32>
      %swap3A_500 = vector.shape_cast %get3A_494 : vector<16xf32> to vector<1x16xf32>
      tpu.vector_store %arg8[%swap3A_496, %swap3A_497], %swap3A_500 {strides = array<i32>} : memref<32x128xf32, #tpu.memory_space<vmem>>, vector<1x16xf32>,
      %add3A_501 = arith.constant 16 : i32
      %add3A_502 = arith.addi %squeeze3A_489, %add3A_501 : i32
      %get3A_503 = arith.constant 17 : i32
      %get3A_504 = arith.index_cast %get3A_503 : i32 to index
      %get3A_505 = arith.index_cast %add3A_502 : i32 to index
      %get3A_506 = tpu.vector_load %arg7[%get3A_504, %get3A_505] {strides = array<i32>} : memref<128x128xf32, #tpu.memory_space<vmem>>, vector<1x16xf32>,
      %get3A_507 = vector.shape_cast %get3A_506 : vector<1x16xf32> to vector<16xf32>
      %swap3A_508 = arith.constant 4 : i32
      %swap3A_509 = arith.index_cast %swap3A_508 : i32 to index
      %swap3A_510 = arith.constant 48 : index
      %swap3A_511 = tpu.vector_load %arg8[%swap3A_509, %swap3A_510] {strides = array<i32>} : memref<32x128xf32, #tpu.memory_space<vmem>>, vector<1x16xf32>,
      %swap3A_512 = vector.shape_cast %swap3A_511 : vector<1x16xf32> to vector<16xf32>
      %swap3A_513 = vector.shape_cast %get3A_507 : vector<16xf32> to vector<1x16xf32>
      tpu.vector_store %arg8[%swap3A_509, %swap3A_510], %swap3A_513 {strides = array<i32>} : memref<32x128xf32, #tpu.memory_space<vmem>>, vector<1x16xf32>,
      %slice3A_514 = vector.extract_strided_slice %mul3A_461 {offsets = [2], sizes = [1], strides = [1]} : vector<16xi32> to vector<1xi32>
      %squeeze3A_515 = vector.extract %slice3A_514[0] : i32 from vector<1xi32>
      %get3A_516 = arith.constant 18 : i32
      %get3A_517 = arith.index_cast %get3A_516 : i32 to index
      %get3A_518 = arith.index_cast %squeeze3A_515 : i32 to index
      %get3A_519 = tpu.vector_load %arg7[%get3A_517, %get3A_518] {strides = array<i32>} : memref<128x128xf32, #tpu.memory_space<vmem>>, vector<1x16xf32>,
      %get3A_520 = vector.shape_cast %get3A_519 : vector<1x16xf32> to vector<16xf32>
      %swap3A_521 = arith.constant 4 : i32
      %swap3A_522 = arith.index_cast %swap3A_521 : i32 to index
      %swap3A_523 = arith.constant 64 : index
      %swap3A_524 = tpu.vector_load %arg8[%swap3A_522, %swap3A_523] {strides = array<i32>} : memref<32x128xf32, #tpu.memory_space<vmem>>, vector<1x16xf32>,
      %swap3A_525 = vector.shape_cast %swap3A_524 : vector<1x16xf32> to vector<16xf32>
      %swap3A_526 = vector.shape_cast %get3A_520 : vector<16xf32> to vector<1x16xf32>
      tpu.vector_store %arg8[%swap3A_522, %swap3A_523], %swap3A_526 {strides = array<i32>} : memref<32x128xf32, #tpu.memory_space<vmem>>, vector<1x16xf32>,
      %add3A_527 = arith.constant 16 : i32
      %add3A_528 = arith.addi %squeeze3A_515, %add3A_527 : i32
      %get3A_529 = arith.constant 18 : i32
      %get3A_530 = arith.index_cast %get3A_529 : i32 to index
      %get3A_531 = arith.index_cast %add3A_528 : i32 to index
      %get3A_532 = tpu.vector_load %arg7[%get3A_530, %get3A_531] {strides = array<i32>} : memref<128x128xf32, #tpu.memory_space<vmem>>, vector<1x16xf32>,
      %get3A_533 = vector.shape_cast %get3A_532 : vector<1x16xf32> to vector<16xf32>
      %swap3A_534 = arith.constant 4 : i32
      %swap3A_535 = arith.index_cast %swap3A_534 : i32 to index
      %swap3A_536 = arith.constant 80 : index
      %swap3A_537 = tpu.vector_load %arg8[%swap3A_535, %swap3A_536] {strides = array<i32>} : memref<32x128xf32, #tpu.memory_space<vmem>>, vector<1x16xf32>,
      %swap3A_538 = vector.shape_cast %swap3A_537 : vector<1x16xf32> to vector<16xf32>
      %swap3A_539 = vector.shape_cast %get3A_533 : vector<16xf32> to vector<1x16xf32>
      tpu.vector_store %arg8[%swap3A_535, %swap3A_536], %swap3A_539 {strides = array<i32>} : memref<32x128xf32, #tpu.memory_space<vmem>>, vector<1x16xf32>,
      %slice3A_540 = vector.extract_strided_slice %mul3A_461 {offsets = [3], sizes = [1], strides = [1]} : vector<16xi32> to vector<1xi32>
      %squeeze3A_541 = vector.extract %slice3A_540[0] : i32 from vector<1xi32>
      %get3A_542 = arith.constant 19 : i32
      %get3A_543 = arith.index_cast %get3A_542 : i32 to index
      %get3A_544 = arith.index_cast %squeeze3A_541 : i32 to index
      %get3A_545 = tpu.vector_load %arg7[%get3A_543, %get3A_544] {strides = array<i32>} : memref<128x128xf32, #tpu.memory_space<vmem>>, vector<1x16xf32>,
      %get3A_546 = vector.shape_cast %get3A_545 : vector<1x16xf32> to vector<16xf32>
      %swap3A_547 = arith.constant 4 : i32
      %swap3A_548 = arith.index_cast %swap3A_547 : i32 to index
      %swap3A_549 = arith.constant 96 : index
      %swap3A_550 = tpu.vector_load %arg8[%swap3A_548, %swap3A_549] {strides = array<i32>} : memref<32x128xf32, #tpu.memory_space<vmem>>, vector<1x16xf32>,
      %swap3A_551 = vector.shape_cast %swap3A_550 : vector<1x16xf32> to vector<16xf32>
      %swap3A_552 = vector.shape_cast %get3A_546 : vector<16xf32> to vector<1x16xf32>
      tpu.vector_store %arg8[%swap3A_548, %swap3A_549], %swap3A_552 {strides = array<i32>} : memref<32x128xf32, #tpu.memory_space<vmem>>, vector<1x16xf32>,
      %add3A_553 = arith.constant 16 : i32
      %add3A_554 = arith.addi %squeeze3A_541, %add3A_553 : i32
      %get3A_555 = arith.constant 19 : i32
      %get3A_556 = arith.index_cast %get3A_555 : i32 to index
      %get3A_557 = arith.index_cast %add3A_554 : i32 to index
      %get3A_558 = tpu.vector_load %arg7[%get3A_556, %get3A_557] {strides = array<i32>} : memref<128x128xf32, #tpu.memory_space<vmem>>, vector<1x16xf32>,
      %get3A_559 = vector.shape_cast %get3A_558 : vector<1x16xf32> to vector<16xf32>
      %swap3A_560 = arith.constant 4 : i32
      %swap3A_561 = arith.index_cast %swap3A_560 : i32 to index
      %swap3A_562 = arith.constant 112 : index
      %swap3A_563 = tpu.vector_load %arg8[%swap3A_561, %swap3A_562] {strides = array<i32>} : memref<32x128xf32, #tpu.memory_space<vmem>>, vector<1x16xf32>,
      %swap3A_564 = vector.shape_cast %swap3A_563 : vector<1x16xf32> to vector<16xf32>
      %swap3A_565 = vector.shape_cast %get3A_559 : vector<16xf32> to vector<1x16xf32>
      tpu.vector_store %arg8[%swap3A_561, %swap3A_562], %swap3A_565 {strides = array<i32>} : memref<32x128xf32, #tpu.memory_space<vmem>>, vector<1x16xf32>,
      %slice3A_566 = vector.extract_strided_slice %mul3A_461 {offsets = [4], sizes = [1], strides = [1]} : vector<16xi32> to vector<1xi32>
      %squeeze3A_567 = vector.extract %slice3A_566[0] : i32 from vector<1xi32>
      %get3A_568 = arith.constant 20 : i32
      %get3A_569 = arith.index_cast %get3A_568 : i32 to index
      %get3A_570 = arith.index_cast %squeeze3A_567 : i32 to index
      %get3A_571 = tpu.vector_load %arg7[%get3A_569, %get3A_570] {strides = array<i32>} : memref<128x128xf32, #tpu.memory_space<vmem>>, vector<1x16xf32>,
      %get3A_572 = vector.shape_cast %get3A_571 : vector<1x16xf32> to vector<16xf32>
      %swap3A_573 = arith.constant 5 : i32
      %swap3A_574 = arith.index_cast %swap3A_573 : i32 to index
      %swap3A_575 = arith.constant 0 : index
      %swap3A_576 = tpu.vector_load %arg8[%swap3A_574, %swap3A_575] {strides = array<i32>} : memref<32x128xf32, #tpu.memory_space<vmem>>, vector<1x16xf32>,
      %swap3A_577 = vector.shape_cast %swap3A_576 : vector<1x16xf32> to vector<16xf32>
      %swap3A_578 = vector.shape_cast %get3A_572 : vector<16xf32> to vector<1x16xf32>
      tpu.vector_store %arg8[%swap3A_574, %swap3A_575], %swap3A_578 {strides = array<i32>} : memref<32x128xf32, #tpu.memory_space<vmem>>, vector<1x16xf32>,
      %add3A_579 = arith.constant 16 : i32
      %add3A_580 = arith.addi %squeeze3A_567, %add3A_579 : i32
      %get3A_581 = arith.constant 20 : i32
      %get3A_582 = arith.index_cast %get3A_581 : i32 to index
      %get3A_583 = arith.index_cast %add3A_580 : i32 to index
      %get3A_584 = tpu.vector_load %arg7[%get3A_582, %get3A_583] {strides = array<i32>} : memref<128x128xf32, #tpu.memory_space<vmem>>, vector<1x16xf32>,
      %get3A_585 = vector.shape_cast %get3A_584 : vector<1x16xf32> to vector<16xf32>
      %swap3A_586 = arith.constant 5 : i32
      %swap3A_587 = arith.index_cast %swap3A_586 : i32 to index
      %swap3A_588 = arith.constant 16 : index
      %swap3A_589 = tpu.vector_load %arg8[%swap3A_587, %swap3A_588] {strides = array<i32>} : memref<32x128xf32, #tpu.memory_space<vmem>>, vector<1x16xf32>,
      %swap3A_590 = vector.shape_cast %swap3A_589 : vector<1x16xf32> to vector<16xf32>
      %swap3A_591 = vector.shape_cast %get3A_585 : vector<16xf32> to vector<1x16xf32>
      tpu.vector_store %arg8[%swap3A_587, %swap3A_588], %swap3A_591 {strides = array<i32>} : memref<32x128xf32, #tpu.memory_space<vmem>>, vector<1x16xf32>,
      %slice3A_592 = vector.extract_strided_slice %mul3A_461 {offsets = [5], sizes = [1], strides = [1]} : vector<16xi32> to vector<1xi32>
      %squeeze3A_593 = vector.extract %slice3A_592[0] : i32 from vector<1xi32>
      %get3A_594 = arith.constant 21 : i32
      %get3A_595 = arith.index_cast %get3A_594 : i32 to index
      %get3A_596 = arith.index_cast %squeeze3A_593 : i32 to index
      %get3A_597 = tpu.vector_load %arg7[%get3A_595, %get3A_596] {strides = array<i32>} : memref<128x128xf32, #tpu.memory_space<vmem>>, vector<1x16xf32>,
      %get3A_598 = vector.shape_cast %get3A_597 : vector<1x16xf32> to vector<16xf32>
      %swap3A_599 = arith.constant 5 : i32
      %swap3A_600 = arith.index_cast %swap3A_599 : i32 to index
      %swap3A_601 = arith.constant 32 : index
      %swap3A_602 = tpu.vector_load %arg8[%swap3A_600, %swap3A_601] {strides = array<i32>} : memref<32x128xf32, #tpu.memory_space<vmem>>, vector<1x16xf32>,
      %swap3A_603 = vector.shape_cast %swap3A_602 : vector<1x16xf32> to vector<16xf32>
      %swap3A_604 = vector.shape_cast %get3A_598 : vector<16xf32> to vector<1x16xf32>
      tpu.vector_store %arg8[%swap3A_600, %swap3A_601], %swap3A_604 {strides = array<i32>} : memref<32x128xf32, #tpu.memory_space<vmem>>, vector<1x16xf32>,
      %add3A_605 = arith.constant 16 : i32
      %add3A_606 = arith.addi %squeeze3A_593, %add3A_605 : i32
      %get3A_607 = arith.constant 21 : i32
      %get3A_608 = arith.index_cast %get3A_607 : i32 to index
      %get3A_609 = arith.index_cast %add3A_606 : i32 to index
      %get3A_610 = tpu.vector_load %arg7[%get3A_608, %get3A_609] {strides = array<i32>} : memref<128x128xf32, #tpu.memory_space<vmem>>, vector<1x16xf32>,
      %get3A_611 = vector.shape_cast %get3A_610 : vector<1x16xf32> to vector<16xf32>
      %swap3A_612 = arith.constant 5 : i32
      %swap3A_613 = arith.index_cast %swap3A_612 : i32 to index
      %swap3A_614 = arith.constant 48 : index
      %swap3A_615 = tpu.vector_load %arg8[%swap3A_613, %swap3A_614] {strides = array<i32>} : memref<32x128xf32, #tpu.memory_space<vmem>>, vector<1x16xf32>,
      %swap3A_616 = vector.shape_cast %swap3A_615 : vector<1x16xf32> to vector<16xf32>
      %swap3A_617 = vector.shape_cast %get3A_611 : vector<16xf32> to vector<1x16xf32>
      tpu.vector_store %arg8[%swap3A_613, %swap3A_614], %swap3A_617 {strides = array<i32>} : memref<32x128xf32, #tpu.memory_space<vmem>>, vector<1x16xf32>,
      %slice3A_618 = vector.extract_strided_slice %mul3A_461 {offsets = [6], sizes = [1], strides = [1]} : vector<16xi32> to vector<1xi32>
      %squeeze3A_619 = vector.extract %slice3A_618[0] : i32 from vector<1xi32>
      %get3A_620 = arith.constant 22 : i32
      %get3A_621 = arith.index_cast %get3A_620 : i32 to index
      %get3A_622 = arith.index_cast %squeeze3A_619 : i32 to index
      %get3A_623 = tpu.vector_load %arg7[%get3A_621, %get3A_622] {strides = array<i32>} : memref<128x128xf32, #tpu.memory_space<vmem>>, vector<1x16xf32>,
      %get3A_624 = vector.shape_cast %get3A_623 : vector<1x16xf32> to vector<16xf32>
      %swap3A_625 = arith.constant 5 : i32
      %swap3A_626 = arith.index_cast %swap3A_625 : i32 to index
      %swap3A_627 = arith.constant 64 : index
      %swap3A_628 = tpu.vector_load %arg8[%swap3A_626, %swap3A_627] {strides = array<i32>} : memref<32x128xf32, #tpu.memory_space<vmem>>, vector<1x16xf32>,
      %swap3A_629 = vector.shape_cast %swap3A_628 : vector<1x16xf32> to vector<16xf32>
      %swap3A_630 = vector.shape_cast %get3A_624 : vector<16xf32> to vector<1x16xf32>
      tpu.vector_store %arg8[%swap3A_626, %swap3A_627], %swap3A_630 {strides = array<i32>} : memref<32x128xf32, #tpu.memory_space<vmem>>, vector<1x16xf32>,
      %add3A_631 = arith.constant 16 : i32
      %add3A_632 = arith.addi %squeeze3A_619, %add3A_631 : i32
      %get3A_633 = arith.constant 22 : i32
      %get3A_634 = arith.index_cast %get3A_633 : i32 to index
      %get3A_635 = arith.index_cast %add3A_632 : i32 to index
      %get3A_636 = tpu.vector_load %arg7[%get3A_634, %get3A_635] {strides = array<i32>} : memref<128x128xf32, #tpu.memory_space<vmem>>, vector<1x16xf32>,
      %get3A_637 = vector.shape_cast %get3A_636 : vector<1x16xf32> to vector<16xf32>
      %swap3A_638 = arith.constant 5 : i32
      %swap3A_639 = arith.index_cast %swap3A_638 : i32 to index
      %swap3A_640 = arith.constant 80 : index
      %swap3A_641 = tpu.vector_load %arg8[%swap3A_639, %swap3A_640] {strides = array<i32>} : memref<32x128xf32, #tpu.memory_space<vmem>>, vector<1x16xf32>,
      %swap3A_642 = vector.shape_cast %swap3A_641 : vector<1x16xf32> to vector<16xf32>
      %swap3A_643 = vector.shape_cast %get3A_637 : vector<16xf32> to vector<1x16xf32>
      tpu.vector_store %arg8[%swap3A_639, %swap3A_640], %swap3A_643 {strides = array<i32>} : memref<32x128xf32, #tpu.memory_space<vmem>>, vector<1x16xf32>,
      %slice3A_644 = vector.extract_strided_slice %mul3A_461 {offsets = [7], sizes = [1], strides = [1]} : vector<16xi32> to vector<1xi32>
      %squeeze3A_645 = vector.extract %slice3A_644[0] : i32 from vector<1xi32>
      %get3A_646 = arith.constant 23 : i32
      %get3A_647 = arith.index_cast %get3A_646 : i32 to index
      %get3A_648 = arith.index_cast %squeeze3A_645 : i32 to index
      %get3A_649 = tpu.vector_load %arg7[%get3A_647, %get3A_648] {strides = array<i32>} : memref<128x128xf32, #tpu.memory_space<vmem>>, vector<1x16xf32>,
      %get3A_650 = vector.shape_cast %get3A_649 : vector<1x16xf32> to vector<16xf32>
      %swap3A_651 = arith.constant 5 : i32
      %swap3A_652 = arith.index_cast %swap3A_651 : i32 to index
      %swap3A_653 = arith.constant 96 : index
      %swap3A_654 = tpu.vector_load %arg8[%swap3A_652, %swap3A_653] {strides = array<i32>} : memref<32x128xf32, #tpu.memory_space<vmem>>, vector<1x16xf32>,
      %swap3A_655 = vector.shape_cast %swap3A_654 : vector<1x16xf32> to vector<16xf32>
      %swap3A_656 = vector.shape_cast %get3A_650 : vector<16xf32> to vector<1x16xf32>
      tpu.vector_store %arg8[%swap3A_652, %swap3A_653], %swap3A_656 {strides = array<i32>} : memref<32x128xf32, #tpu.memory_space<vmem>>, vector<1x16xf32>,
      %add3A_657 = arith.constant 16 : i32
      %add3A_658 = arith.addi %squeeze3A_645, %add3A_657 : i32
      %get3A_659 = arith.constant 23 : i32
      %get3A_660 = arith.index_cast %get3A_659 : i32 to index
      %get3A_661 = arith.index_cast %add3A_658 : i32 to index
      %get3A_662 = tpu.vector_load %arg7[%get3A_660, %get3A_661] {strides = array<i32>} : memref<128x128xf32, #tpu.memory_space<vmem>>, vector<1x16xf32>,
      %get3A_663 = vector.shape_cast %get3A_662 : vector<1x16xf32> to vector<16xf32>
      %swap3A_664 = arith.constant 5 : i32
      %swap3A_665 = arith.index_cast %swap3A_664 : i32 to index
      %swap3A_666 = arith.constant 112 : index
      %swap3A_667 = tpu.vector_load %arg8[%swap3A_665, %swap3A_666] {strides = array<i32>} : memref<32x128xf32, #tpu.memory_space<vmem>>, vector<1x16xf32>,
      %swap3A_668 = vector.shape_cast %swap3A_667 : vector<1x16xf32> to vector<16xf32>
      %swap3A_669 = vector.shape_cast %get3A_663 : vector<16xf32> to vector<1x16xf32>
      tpu.vector_store %arg8[%swap3A_665, %swap3A_666], %swap3A_669 {strides = array<i32>} : memref<32x128xf32, #tpu.memory_space<vmem>>, vector<1x16xf32>,
      %slice3A_670 = vector.extract_strided_slice %mul3A_461 {offsets = [8], sizes = [1], strides = [1]} : vector<16xi32> to vector<1xi32>
      %squeeze3A_671 = vector.extract %slice3A_670[0] : i32 from vector<1xi32>
      %get3A_672 = arith.constant 24 : i32
      %get3A_673 = arith.index_cast %get3A_672 : i32 to index
      %get3A_674 = arith.index_cast %squeeze3A_671 : i32 to index
      %get3A_675 = tpu.vector_load %arg7[%get3A_673, %get3A_674] {strides = array<i32>} : memref<128x128xf32, #tpu.memory_space<vmem>>, vector<1x16xf32>,
      %get3A_676 = vector.shape_cast %get3A_675 : vector<1x16xf32> to vector<16xf32>
      %swap3A_677 = arith.constant 6 : i32
      %swap3A_678 = arith.index_cast %swap3A_677 : i32 to index
      %swap3A_679 = arith.constant 0 : index
      %swap3A_680 = tpu.vector_load %arg8[%swap3A_678, %swap3A_679] {strides = array<i32>} : memref<32x128xf32, #tpu.memory_space<vmem>>, vector<1x16xf32>,
      %swap3A_681 = vector.shape_cast %swap3A_680 : vector<1x16xf32> to vector<16xf32>
      %swap3A_682 = vector.shape_cast %get3A_676 : vector<16xf32> to vector<1x16xf32>
      tpu.vector_store %arg8[%swap3A_678, %swap3A_679], %swap3A_682 {strides = array<i32>} : memref<32x128xf32, #tpu.memory_space<vmem>>, vector<1x16xf32>,
      %add3A_683 = arith.constant 16 : i32
      %add3A_684 = arith.addi %squeeze3A_671, %add3A_683 : i32
      %get3A_685 = arith.constant 24 : i32
      %get3A_686 = arith.index_cast %get3A_685 : i32 to index
      %get3A_687 = arith.index_cast %add3A_684 : i32 to index
      %get3A_688 = tpu.vector_load %arg7[%get3A_686, %get3A_687] {strides = array<i32>} : memref<128x128xf32, #tpu.memory_space<vmem>>, vector<1x16xf32>,
      %get3A_689 = vector.shape_cast %get3A_688 : vector<1x16xf32> to vector<16xf32>
      %swap3A_690 = arith.constant 6 : i32
      %swap3A_691 = arith.index_cast %swap3A_690 : i32 to index
      %swap3A_692 = arith.constant 16 : index
      %swap3A_693 = tpu.vector_load %arg8[%swap3A_691, %swap3A_692] {strides = array<i32>} : memref<32x128xf32, #tpu.memory_space<vmem>>, vector<1x16xf32>,
      %swap3A_694 = vector.shape_cast %swap3A_693 : vector<1x16xf32> to vector<16xf32>
      %swap3A_695 = vector.shape_cast %get3A_689 : vector<16xf32> to vector<1x16xf32>
      tpu.vector_store %arg8[%swap3A_691, %swap3A_692], %swap3A_695 {strides = array<i32>} : memref<32x128xf32, #tpu.memory_space<vmem>>, vector<1x16xf32>,
      %slice3A_696 = vector.extract_strided_slice %mul3A_461 {offsets = [9], sizes = [1], strides = [1]} : vector<16xi32> to vector<1xi32>
      %squeeze3A_697 = vector.extract %slice3A_696[0] : i32 from vector<1xi32>
      %get3A_698 = arith.constant 25 : i32
      %get3A_699 = arith.index_cast %get3A_698 : i32 to index
      %get3A_700 = arith.index_cast %squeeze3A_697 : i32 to index
      %get3A_701 = tpu.vector_load %arg7[%get3A_699, %get3A_700] {strides = array<i32>} : memref<128x128xf32, #tpu.memory_space<vmem>>, vector<1x16xf32>,
      %get3A_702 = vector.shape_cast %get3A_701 : vector<1x16xf32> to vector<16xf32>
      %swap3A_703 = arith.constant 6 : i32
      %swap3A_704 = arith.index_cast %swap3A_703 : i32 to index
      %swap3A_705 = arith.constant 32 : index
      %swap3A_706 = tpu.vector_load %arg8[%swap3A_704, %swap3A_705] {strides = array<i32>} : memref<32x128xf32, #tpu.memory_space<vmem>>, vector<1x16xf32>,
      %swap3A_707 = vector.shape_cast %swap3A_706 : vector<1x16xf32> to vector<16xf32>
      %swap3A_708 = vector.shape_cast %get3A_702 : vector<16xf32> to vector<1x16xf32>
      tpu.vector_store %arg8[%swap3A_704, %swap3A_705], %swap3A_708 {strides = array<i32>} : memref<32x128xf32, #tpu.memory_space<vmem>>, vector<1x16xf32>,
      %add3A_709 = arith.constant 16 : i32
      %add3A_710 = arith.addi %squeeze3A_697, %add3A_709 : i32
      %get3A_711 = arith.constant 25 : i32
      %get3A_712 = arith.index_cast %get3A_711 : i32 to index
      %get3A_713 = arith.index_cast %add3A_710 : i32 to index
      %get3A_714 = tpu.vector_load %arg7[%get3A_712, %get3A_713] {strides = array<i32>} : memref<128x128xf32, #tpu.memory_space<vmem>>, vector<1x16xf32>,
      %get3A_715 = vector.shape_cast %get3A_714 : vector<1x16xf32> to vector<16xf32>
      %swap3A_716 = arith.constant 6 : i32
      %swap3A_717 = arith.index_cast %swap3A_716 : i32 to index
      %swap3A_718 = arith.constant 48 : index
      %swap3A_719 = tpu.vector_load %arg8[%swap3A_717, %swap3A_718] {strides = array<i32>} : memref<32x128xf32, #tpu.memory_space<vmem>>, vector<1x16xf32>,
      %swap3A_720 = vector.shape_cast %swap3A_719 : vector<1x16xf32> to vector<16xf32>
      %swap3A_721 = vector.shape_cast %get3A_715 : vector<16xf32> to vector<1x16xf32>
      tpu.vector_store %arg8[%swap3A_717, %swap3A_718], %swap3A_721 {strides = array<i32>} : memref<32x128xf32, #tpu.memory_space<vmem>>, vector<1x16xf32>,
      %slice3A_722 = vector.extract_strided_slice %mul3A_461 {offsets = [10], sizes = [1], strides = [1]} : vector<16xi32> to vector<1xi32>
      %squeeze3A_723 = vector.extract %slice3A_722[0] : i32 from vector<1xi32>
      %get3A_724 = arith.constant 26 : i32
      %get3A_725 = arith.index_cast %get3A_724 : i32 to index
      %get3A_726 = arith.index_cast %squeeze3A_723 : i32 to index
      %get3A_727 = tpu.vector_load %arg7[%get3A_725, %get3A_726] {strides = array<i32>} : memref<128x128xf32, #tpu.memory_space<vmem>>, vector<1x16xf32>,
      %get3A_728 = vector.shape_cast %get3A_727 : vector<1x16xf32> to vector<16xf32>
      %swap3A_729 = arith.constant 6 : i32
      %swap3A_730 = arith.index_cast %swap3A_729 : i32 to index
      %swap3A_731 = arith.constant 64 : index
      %swap3A_732 = tpu.vector_load %arg8[%swap3A_730, %swap3A_731] {strides = array<i32>} : memref<32x128xf32, #tpu.memory_space<vmem>>, vector<1x16xf32>,
      %swap3A_733 = vector.shape_cast %swap3A_732 : vector<1x16xf32> to vector<16xf32>
      %swap3A_734 = vector.shape_cast %get3A_728 : vector<16xf32> to vector<1x16xf32>
      tpu.vector_store %arg8[%swap3A_730, %swap3A_731], %swap3A_734 {strides = array<i32>} : memref<32x128xf32, #tpu.memory_space<vmem>>, vector<1x16xf32>,
      %add3A_735 = arith.constant 16 : i32
      %add3A_736 = arith.addi %squeeze3A_723, %add3A_735 : i32
      %get3A_737 = arith.constant 26 : i32
      %get3A_738 = arith.index_cast %get3A_737 : i32 to index
      %get3A_739 = arith.index_cast %add3A_736 : i32 to index
      %get3A_740 = tpu.vector_load %arg7[%get3A_738, %get3A_739] {strides = array<i32>} : memref<128x128xf32, #tpu.memory_space<vmem>>, vector<1x16xf32>,
      %get3A_741 = vector.shape_cast %get3A_740 : vector<1x16xf32> to vector<16xf32>
      %swap3A_742 = arith.constant 6 : i32
      %swap3A_743 = arith.index_cast %swap3A_742 : i32 to index
      %swap3A_744 = arith.constant 80 : index
      %swap3A_745 = tpu.vector_load %arg8[%swap3A_743, %swap3A_744] {strides = array<i32>} : memref<32x128xf32, #tpu.memory_space<vmem>>, vector<1x16xf32>,
      %swap3A_746 = vector.shape_cast %swap3A_745 : vector<1x16xf32> to vector<16xf32>
      %swap3A_747 = vector.shape_cast %get3A_741 : vector<16xf32> to vector<1x16xf32>
      tpu.vector_store %arg8[%swap3A_743, %swap3A_744], %swap3A_747 {strides = array<i32>} : memref<32x128xf32, #tpu.memory_space<vmem>>, vector<1x16xf32>,
      %slice3A_748 = vector.extract_strided_slice %mul3A_461 {offsets = [11], sizes = [1], strides = [1]} : vector<16xi32> to vector<1xi32>
      %squeeze3A_749 = vector.extract %slice3A_748[0] : i32 from vector<1xi32>
      %get3A_750 = arith.constant 27 : i32
      %get3A_751 = arith.index_cast %get3A_750 : i32 to index
      %get3A_752 = arith.index_cast %squeeze3A_749 : i32 to index
      %get3A_753 = tpu.vector_load %arg7[%get3A_751, %get3A_752] {strides = array<i32>} : memref<128x128xf32, #tpu.memory_space<vmem>>, vector<1x16xf32>,
      %get3A_754 = vector.shape_cast %get3A_753 : vector<1x16xf32> to vector<16xf32>
      %swap3A_755 = arith.constant 6 : i32
      %swap3A_756 = arith.index_cast %swap3A_755 : i32 to index
      %swap3A_757 = arith.constant 96 : index
      %swap3A_758 = tpu.vector_load %arg8[%swap3A_756, %swap3A_757] {strides = array<i32>} : memref<32x128xf32, #tpu.memory_space<vmem>>, vector<1x16xf32>,
      %swap3A_759 = vector.shape_cast %swap3A_758 : vector<1x16xf32> to vector<16xf32>
      %swap3A_760 = vector.shape_cast %get3A_754 : vector<16xf32> to vector<1x16xf32>
      tpu.vector_store %arg8[%swap3A_756, %swap3A_757], %swap3A_760 {strides = array<i32>} : memref<32x128xf32, #tpu.memory_space<vmem>>, vector<1x16xf32>,
      %add3A_761 = arith.constant 16 : i32
      %add3A_762 = arith.addi %squeeze3A_749, %add3A_761 : i32
      %get3A_763 = arith.constant 27 : i32
      %get3A_764 = arith.index_cast %get3A_763 : i32 to index
      %get3A_765 = arith.index_cast %add3A_762 : i32 to index
      %get3A_766 = tpu.vector_load %arg7[%get3A_764, %get3A_765] {strides = array<i32>} : memref<128x128xf32, #tpu.memory_space<vmem>>, vector<1x16xf32>,
      %get3A_767 = vector.shape_cast %get3A_766 : vector<1x16xf32> to vector<16xf32>
      %swap3A_768 = arith.constant 6 : i32
      %swap3A_769 = arith.index_cast %swap3A_768 : i32 to index
      %swap3A_770 = arith.constant 112 : index
      %swap3A_771 = tpu.vector_load %arg8[%swap3A_769, %swap3A_770] {strides = array<i32>} : memref<32x128xf32, #tpu.memory_space<vmem>>, vector<1x16xf32>,
      %swap3A_772 = vector.shape_cast %swap3A_771 : vector<1x16xf32> to vector<16xf32>
      %swap3A_773 = vector.shape_cast %get3A_767 : vector<16xf32> to vector<1x16xf32>
      tpu.vector_store %arg8[%swap3A_769, %swap3A_770], %swap3A_773 {strides = array<i32>} : memref<32x128xf32, #tpu.memory_space<vmem>>, vector<1x16xf32>,
      %slice3A_774 = vector.extract_strided_slice %mul3A_461 {offsets = [12], sizes = [1], strides = [1]} : vector<16xi32> to vector<1xi32>
      %squeeze3A_775 = vector.extract %slice3A_774[0] : i32 from vector<1xi32>
      %get3A_776 = arith.constant 28 : i32
      %get3A_777 = arith.index_cast %get3A_776 : i32 to index
      %get3A_778 = arith.index_cast %squeeze3A_775 : i32 to index
      %get3A_779 = tpu.vector_load %arg7[%get3A_777, %get3A_778] {strides = array<i32>} : memref<128x128xf32, #tpu.memory_space<vmem>>, vector<1x16xf32>,
      %get3A_780 = vector.shape_cast %get3A_779 : vector<1x16xf32> to vector<16xf32>
      %swap3A_781 = arith.constant 7 : i32
      %swap3A_782 = arith.index_cast %swap3A_781 : i32 to index
      %swap3A_783 = arith.constant 0 : index
      %swap3A_784 = tpu.vector_load %arg8[%swap3A_782, %swap3A_783] {strides = array<i32>} : memref<32x128xf32, #tpu.memory_space<vmem>>, vector<1x16xf32>,
      %swap3A_785 = vector.shape_cast %swap3A_784 : vector<1x16xf32> to vector<16xf32>
      %swap3A_786 = vector.shape_cast %get3A_780 : vector<16xf32> to vector<1x16xf32>
      tpu.vector_store %arg8[%swap3A_782, %swap3A_783], %swap3A_786 {strides = array<i32>} : memref<32x128xf32, #tpu.memory_space<vmem>>, vector<1x16xf32>,
      %add3A_787 = arith.constant 16 : i32
      %add3A_788 = arith.addi %squeeze3A_775, %add3A_787 : i32
      %get3A_789 = arith.constant 28 : i32
      %get3A_790 = arith.index_cast %get3A_789 : i32 to index
      %get3A_791 = arith.index_cast %add3A_788 : i32 to index
      %get3A_792 = tpu.vector_load %arg7[%get3A_790, %get3A_791] {strides = array<i32>} : memref<128x128xf32, #tpu.memory_space<vmem>>, vector<1x16xf32>,
      %get3A_793 = vector.shape_cast %get3A_792 : vector<1x16xf32> to vector<16xf32>
      %swap3A_794 = arith.constant 7 : i32
      %swap3A_795 = arith.index_cast %swap3A_794 : i32 to index
      %swap3A_796 = arith.constant 16 : index
      %swap3A_797 = tpu.vector_load %arg8[%swap3A_795, %swap3A_796] {strides = array<i32>} : memref<32x128xf32, #tpu.memory_space<vmem>>, vector<1x16xf32>,
      %swap3A_798 = vector.shape_cast %swap3A_797 : vector<1x16xf32> to vector<16xf32>
      %swap3A_799 = vector.shape_cast %get3A_793 : vector<16xf32> to vector<1x16xf32>
      tpu.vector_store %arg8[%swap3A_795, %swap3A_796], %swap3A_799 {strides = array<i32>} : memref<32x128xf32, #tpu.memory_space<vmem>>, vector<1x16xf32>,
      %slice3A_800 = vector.extract_strided_slice %mul3A_461 {offsets = [13], sizes = [1], strides = [1]} : vector<16xi32> to vector<1xi32>
      %squeeze3A_801 = vector.extract %slice3A_800[0] : i32 from vector<1xi32>
      %get3A_802 = arith.constant 29 : i32
      %get3A_803 = arith.index_cast %get3A_802 : i32 to index
      %get3A_804 = arith.index_cast %squeeze3A_801 : i32 to index
      %get3A_805 = tpu.vector_load %arg7[%get3A_803, %get3A_804] {strides = array<i32>} : memref<128x128xf32, #tpu.memory_space<vmem>>, vector<1x16xf32>,
      %get3A_806 = vector.shape_cast %get3A_805 : vector<1x16xf32> to vector<16xf32>
      %swap3A_807 = arith.constant 7 : i32
      %swap3A_808 = arith.index_cast %swap3A_807 : i32 to index
      %swap3A_809 = arith.constant 32 : index
      %swap3A_810 = tpu.vector_load %arg8[%swap3A_808, %swap3A_809] {strides = array<i32>} : memref<32x128xf32, #tpu.memory_space<vmem>>, vector<1x16xf32>,
      %swap3A_811 = vector.shape_cast %swap3A_810 : vector<1x16xf32> to vector<16xf32>
      %swap3A_812 = vector.shape_cast %get3A_806 : vector<16xf32> to vector<1x16xf32>
      tpu.vector_store %arg8[%swap3A_808, %swap3A_809], %swap3A_812 {strides = array<i32>} : memref<32x128xf32, #tpu.memory_space<vmem>>, vector<1x16xf32>,
      %add3A_813 = arith.constant 16 : i32
      %add3A_814 = arith.addi %squeeze3A_801, %add3A_813 : i32
      %get3A_815 = arith.constant 29 : i32
      %get3A_816 = arith.index_cast %get3A_815 : i32 to index
      %get3A_817 = arith.index_cast %add3A_814 : i32 to index
      %get3A_818 = tpu.vector_load %arg7[%get3A_816, %get3A_817] {strides = array<i32>} : memref<128x128xf32, #tpu.memory_space<vmem>>, vector<1x16xf32>,
      %get3A_819 = vector.shape_cast %get3A_818 : vector<1x16xf32> to vector<16xf32>
      %swap3A_820 = arith.constant 7 : i32
      %swap3A_821 = arith.index_cast %swap3A_820 : i32 to index
      %swap3A_822 = arith.constant 48 : index
      %swap3A_823 = tpu.vector_load %arg8[%swap3A_821, %swap3A_822] {strides = array<i32>} : memref<32x128xf32, #tpu.memory_space<vmem>>, vector<1x16xf32>,
      %swap3A_824 = vector.shape_cast %swap3A_823 : vector<1x16xf32> to vector<16xf32>
      %swap3A_825 = vector.shape_cast %get3A_819 : vector<16xf32> to vector<1x16xf32>
      tpu.vector_store %arg8[%swap3A_821, %swap3A_822], %swap3A_825 {strides = array<i32>} : memref<32x128xf32, #tpu.memory_space<vmem>>, vector<1x16xf32>,
      %slice3A_826 = vector.extract_strided_slice %mul3A_461 {offsets = [14], sizes = [1], strides = [1]} : vector<16xi32> to vector<1xi32>
      %squeeze3A_827 = vector.extract %slice3A_826[0] : i32 from vector<1xi32>
      %get3A_828 = arith.constant 30 : i32
      %get3A_829 = arith.index_cast %get3A_828 : i32 to index
      %get3A_830 = arith.index_cast %squeeze3A_827 : i32 to index
      %get3A_831 = tpu.vector_load %arg7[%get3A_829, %get3A_830] {strides = array<i32>} : memref<128x128xf32, #tpu.memory_space<vmem>>, vector<1x16xf32>,
      %get3A_832 = vector.shape_cast %get3A_831 : vector<1x16xf32> to vector<16xf32>
      %swap3A_833 = arith.constant 7 : i32
      %swap3A_834 = arith.index_cast %swap3A_833 : i32 to index
      %swap3A_835 = arith.constant 64 : index
      %swap3A_836 = tpu.vector_load %arg8[%swap3A_834, %swap3A_835] {strides = array<i32>} : memref<32x128xf32, #tpu.memory_space<vmem>>, vector<1x16xf32>,
      %swap3A_837 = vector.shape_cast %swap3A_836 : vector<1x16xf32> to vector<16xf32>
      %swap3A_838 = vector.shape_cast %get3A_832 : vector<16xf32> to vector<1x16xf32>
      tpu.vector_store %arg8[%swap3A_834, %swap3A_835], %swap3A_838 {strides = array<i32>} : memref<32x128xf32, #tpu.memory_space<vmem>>, vector<1x16xf32>,
      %add3A_839 = arith.constant 16 : i32
      %add3A_840 = arith.addi %squeeze3A_827, %add3A_839 : i32
      %get3A_841 = arith.constant 30 : i32
      %get3A_842 = arith.index_cast %get3A_841 : i32 to index
      %get3A_843 = arith.index_cast %add3A_840 : i32 to index
      %get3A_844 = tpu.vector_load %arg7[%get3A_842, %get3A_843] {strides = array<i32>} : memref<128x128xf32, #tpu.memory_space<vmem>>, vector<1x16xf32>,
      %get3A_845 = vector.shape_cast %get3A_844 : vector<1x16xf32> to vector<16xf32>
      %swap3A_846 = arith.constant 7 : i32
      %swap3A_847 = arith.index_cast %swap3A_846 : i32 to index
      %swap3A_848 = arith.constant 80 : index
      %swap3A_849 = tpu.vector_load %arg8[%swap3A_847, %swap3A_848] {strides = array<i32>} : memref<32x128xf32, #tpu.memory_space<vmem>>, vector<1x16xf32>,
      %swap3A_850 = vector.shape_cast %swap3A_849 : vector<1x16xf32> to vector<16xf32>
      %swap3A_851 = vector.shape_cast %get3A_845 : vector<16xf32> to vector<1x16xf32>
      tpu.vector_store %arg8[%swap3A_847, %swap3A_848], %swap3A_851 {strides = array<i32>} : memref<32x128xf32, #tpu.memory_space<vmem>>, vector<1x16xf32>,
      %slice3A_852 = vector.extract_strided_slice %mul3A_461 {offsets = [15], sizes = [1], strides = [1]} : vector<16xi32> to vector<1xi32>
      %squeeze3A_853 = vector.extract %slice3A_852[0] : i32 from vector<1xi32>
      %get3A_854 = arith.constant 31 : i32
      %get3A_855 = arith.index_cast %get3A_854 : i32 to index
      %get3A_856 = arith.index_cast %squeeze3A_853 : i32 to index
      %get3A_857 = tpu.vector_load %arg7[%get3A_855, %get3A_856] {strides = array<i32>} : memref<128x128xf32, #tpu.memory_space<vmem>>, vector<1x16xf32>,
      %get3A_858 = vector.shape_cast %get3A_857 : vector<1x16xf32> to vector<16xf32>
      %swap3A_859 = arith.constant 7 : i32
      %swap3A_860 = arith.index_cast %swap3A_859 : i32 to index
      %swap3A_861 = arith.constant 96 : index
      %swap3A_862 = tpu.vector_load %arg8[%swap3A_860, %swap3A_861] {strides = array<i32>} : memref<32x128xf32, #tpu.memory_space<vmem>>, vector<1x16xf32>,
      %swap3A_863 = vector.shape_cast %swap3A_862 : vector<1x16xf32> to vector<16xf32>
      %swap3A_864 = vector.shape_cast %get3A_858 : vector<16xf32> to vector<1x16xf32>
      tpu.vector_store %arg8[%swap3A_860, %swap3A_861], %swap3A_864 {strides = array<i32>} : memref<32x128xf32, #tpu.memory_space<vmem>>, vector<1x16xf32>,
      %add3A_865 = arith.constant 16 : i32
      %add3A_866 = arith.addi %squeeze3A_853, %add3A_865 : i32
      %get3A_867 = arith.constant 31 : i32
      %get3A_868 = arith.index_cast %get3A_867 : i32 to index
      %get3A_869 = arith.index_cast %add3A_866 : i32 to index
      %get3A_870 = tpu.vector_load %arg7[%get3A_868, %get3A_869] {strides = array<i32>} : memref<128x128xf32, #tpu.memory_space<vmem>>, vector<1x16xf32>,
      %get3A_871 = vector.shape_cast %get3A_870 : vector<1x16xf32> to vector<16xf32>
      %swap3A_872 = arith.constant 7 : i32
      %swap3A_873 = arith.index_cast %swap3A_872 : i32 to index
      %swap3A_874 = arith.constant 112 : index
      %swap3A_875 = tpu.vector_load %arg8[%swap3A_873, %swap3A_874] {strides = array<i32>} : memref<32x128xf32, #tpu.memory_space<vmem>>, vector<1x16xf32>,
      %swap3A_876 = vector.shape_cast %swap3A_875 : vector<1x16xf32> to vector<16xf32>
      %swap3A_877 = vector.shape_cast %get3A_871 : vector<16xf32> to vector<1x16xf32>
      tpu.vector_store %arg8[%swap3A_873, %swap3A_874], %swap3A_877 {strides = array<i32>} : memref<32x128xf32, #tpu.memory_space<vmem>>, vector<1x16xf32>,
      %mul3A_878 = arith.constant 128 : i32
      %mul3A_879 = arith.muli %scan3A_16, %mul3A_878 : i32
      %add3A_880 = arith.constant 32 : i32
      %add3A_881 = arith.addi %mul3A_879, %add3A_880 : i32
      %get3A_882 = arith.index_cast %add3A_881 : i32 to index
      %get3A_883 = tpu.vector_load %arg5[%get3A_882] {strides = array<i32>} : memref<6400xi32, #tpu.memory_space<vmem>>, vector<16xi32>,
      %get3A_884 = vector.shape_cast %get3A_883 : vector<16xi32> to vector<16xi32>
      %and3A_885 = arith.constant 3 : i32
      %and3A_886 = vector.broadcast %and3A_885 : i32 to vector<16xi32>
      %and3A_887 = arith.andi %get3A_884, %and3A_886 : vector<16xi32>
      %mul3A_888 = arith.constant 32 : i32
      %mul3A_889 = vector.broadcast %mul3A_888 : i32 to vector<16xi32>
      %mul3A_890 = arith.muli %and3A_887, %mul3A_889 : vector<16xi32>
      %slice3A_891 = vector.extract_strided_slice %mul3A_890 {offsets = [0], sizes = [1], strides = [1]} : vector<16xi32> to vector<1xi32>
      %squeeze3A_892 = vector.extract %slice3A_891[0] : i32 from vector<1xi32>
      %get3A_893 = arith.constant 32 : i32
      %get3A_894 = arith.index_cast %get3A_893 : i32 to index
      %get3A_895 = arith.index_cast %squeeze3A_892 : i32 to index
      %get3A_896 = tpu.vector_load %arg7[%get3A_894, %get3A_895] {strides = array<i32>} : memref<128x128xf32, #tpu.memory_space<vmem>>, vector<1x16xf32>,
      %get3A_897 = vector.shape_cast %get3A_896 : vector<1x16xf32> to vector<16xf32>
      %swap3A_898 = arith.constant 8 : i32
      %swap3A_899 = arith.index_cast %swap3A_898 : i32 to index
      %swap3A_900 = arith.constant 0 : index
      %swap3A_901 = tpu.vector_load %arg8[%swap3A_899, %swap3A_900] {strides = array<i32>} : memref<32x128xf32, #tpu.memory_space<vmem>>, vector<1x16xf32>,
      %swap3A_902 = vector.shape_cast %swap3A_901 : vector<1x16xf32> to vector<16xf32>
      %swap3A_903 = vector.shape_cast %get3A_897 : vector<16xf32> to vector<1x16xf32>
      tpu.vector_store %arg8[%swap3A_899, %swap3A_900], %swap3A_903 {strides = array<i32>} : memref<32x128xf32, #tpu.memory_space<vmem>>, vector<1x16xf32>,
      %add3A_904 = arith.constant 16 : i32
      %add3A_905 = arith.addi %squeeze3A_892, %add3A_904 : i32
      %get3A_906 = arith.constant 32 : i32
      %get3A_907 = arith.index_cast %get3A_906 : i32 to index
      %get3A_908 = arith.index_cast %add3A_905 : i32 to index
      %get3A_909 = tpu.vector_load %arg7[%get3A_907, %get3A_908] {strides = array<i32>} : memref<128x128xf32, #tpu.memory_space<vmem>>, vector<1x16xf32>,
      %get3A_910 = vector.shape_cast %get3A_909 : vector<1x16xf32> to vector<16xf32>
      %swap3A_911 = arith.constant 8 : i32
      %swap3A_912 = arith.index_cast %swap3A_911 : i32 to index
      %swap3A_913 = arith.constant 16 : index
      %swap3A_914 = tpu.vector_load %arg8[%swap3A_912, %swap3A_913] {strides = array<i32>} : memref<32x128xf32, #tpu.memory_space<vmem>>, vector<1x16xf32>,
      %swap3A_915 = vector.shape_cast %swap3A_914 : vector<1x16xf32> to vector<16xf32>
      %swap3A_916 = vector.shape_cast %get3A_910 : vector<16xf32> to vector<1x16xf32>
      tpu.vector_store %arg8[%swap3A_912, %swap3A_913], %swap3A_916 {strides = array<i32>} : memref<32x128xf32, #tpu.memory_space<vmem>>, vector<1x16xf32>,
      %slice3A_917 = vector.extract_strided_slice %mul3A_890 {offsets = [1], sizes = [1], strides = [1]} : vector<16xi32> to vector<1xi32>
      %squeeze3A_918 = vector.extract %slice3A_917[0] : i32 from vector<1xi32>
      %get3A_919 = arith.constant 33 : i32
      %get3A_920 = arith.index_cast %get3A_919 : i32 to index
      %get3A_921 = arith.index_cast %squeeze3A_918 : i32 to index
      %get3A_922 = tpu.vector_load %arg7[%get3A_920, %get3A_921] {strides = array<i32>} : memref<128x128xf32, #tpu.memory_space<vmem>>, vector<1x16xf32>,
      %get3A_923 = vector.shape_cast %get3A_922 : vector<1x16xf32> to vector<16xf32>
      %swap3A_924 = arith.constant 8 : i32
      %swap3A_925 = arith.index_cast %swap3A_924 : i32 to index
      %swap3A_926 = arith.constant 32 : index
      %swap3A_927 = tpu.vector_load %arg8[%swap3A_925, %swap3A_926] {strides = array<i32>} : memref<32x128xf32, #tpu.memory_space<vmem>>, vector<1x16xf32>,
      %swap3A_928 = vector.shape_cast %swap3A_927 : vector<1x16xf32> to vector<16xf32>
      %swap3A_929 = vector.shape_cast %get3A_923 : vector<16xf32> to vector<1x16xf32>
      tpu.vector_store %arg8[%swap3A_925, %swap3A_926], %swap3A_929 {strides = array<i32>} : memref<32x128xf32, #tpu.memory_space<vmem>>, vector<1x16xf32>,
      %add3A_930 = arith.constant 16 : i32
      %add3A_931 = arith.addi %squeeze3A_918, %add3A_930 : i32
      %get3A_932 = arith.constant 33 : i32
      %get3A_933 = arith.index_cast %get3A_932 : i32 to index
      %get3A_934 = arith.index_cast %add3A_931 : i32 to index
      %get3A_935 = tpu.vector_load %arg7[%get3A_933, %get3A_934] {strides = array<i32>} : memref<128x128xf32, #tpu.memory_space<vmem>>, vector<1x16xf32>,
      %get3A_936 = vector.shape_cast %get3A_935 : vector<1x16xf32> to vector<16xf32>
      %swap3A_937 = arith.constant 8 : i32
      %swap3A_938 = arith.index_cast %swap3A_937 : i32 to index
      %swap3A_939 = arith.constant 48 : index
      %swap3A_940 = tpu.vector_load %arg8[%swap3A_938, %swap3A_939] {strides = array<i32>} : memref<32x128xf32, #tpu.memory_space<vmem>>, vector<1x16xf32>,
      %swap3A_941 = vector.shape_cast %swap3A_940 : vector<1x16xf32> to vector<16xf32>
      %swap3A_942 = vector.shape_cast %get3A_936 : vector<16xf32> to vector<1x16xf32>
      tpu.vector_store %arg8[%swap3A_938, %swap3A_939], %swap3A_942 {strides = array<i32>} : memref<32x128xf32, #tpu.memory_space<vmem>>, vector<1x16xf32>,
      %slice3A_943 = vector.extract_strided_slice %mul3A_890 {offsets = [2], sizes = [1], strides = [1]} : vector<16xi32> to vector<1xi32>
      %squeeze3A_944 = vector.extract %slice3A_943[0] : i32 from vector<1xi32>
      %get3A_945 = arith.constant 34 : i32
      %get3A_946 = arith.index_cast %get3A_945 : i32 to index
      %get3A_947 = arith.index_cast %squeeze3A_944 : i32 to index
      %get3A_948 = tpu.vector_load %arg7[%get3A_946, %get3A_947] {strides = array<i32>} : memref<128x128xf32, #tpu.memory_space<vmem>>, vector<1x16xf32>,
      %get3A_949 = vector.shape_cast %get3A_948 : vector<1x16xf32> to vector<16xf32>
      %swap3A_950 = arith.constant 8 : i32
      %swap3A_951 = arith.index_cast %swap3A_950 : i32 to index
      %swap3A_952 = arith.constant 64 : index
      %swap3A_953 = tpu.vector_load %arg8[%swap3A_951, %swap3A_952] {strides = array<i32>} : memref<32x128xf32, #tpu.memory_space<vmem>>, vector<1x16xf32>,
      %swap3A_954 = vector.shape_cast %swap3A_953 : vector<1x16xf32> to vector<16xf32>
      %swap3A_955 = vector.shape_cast %get3A_949 : vector<16xf32> to vector<1x16xf32>
      tpu.vector_store %arg8[%swap3A_951, %swap3A_952], %swap3A_955 {strides = array<i32>} : memref<32x128xf32, #tpu.memory_space<vmem>>, vector<1x16xf32>,
      %add3A_956 = arith.constant 16 : i32
      %add3A_957 = arith.addi %squeeze3A_944, %add3A_956 : i32
      %get3A_958 = arith.constant 34 : i32
      %get3A_959 = arith.index_cast %get3A_958 : i32 to index
      %get3A_960 = arith.index_cast %add3A_957 : i32 to index
      %get3A_961 = tpu.vector_load %arg7[%get3A_959, %get3A_960] {strides = array<i32>} : memref<128x128xf32, #tpu.memory_space<vmem>>, vector<1x16xf32>,
      %get3A_962 = vector.shape_cast %get3A_961 : vector<1x16xf32> to vector<16xf32>
      %swap3A_963 = arith.constant 8 : i32
      %swap3A_964 = arith.index_cast %swap3A_963 : i32 to index
      %swap3A_965 = arith.constant 80 : index
      %swap3A_966 = tpu.vector_load %arg8[%swap3A_964, %swap3A_965] {strides = array<i32>} : memref<32x128xf32, #tpu.memory_space<vmem>>, vector<1x16xf32>,
      %swap3A_967 = vector.shape_cast %swap3A_966 : vector<1x16xf32> to vector<16xf32>
      %swap3A_968 = vector.shape_cast %get3A_962 : vector<16xf32> to vector<1x16xf32>
      tpu.vector_store %arg8[%swap3A_964, %swap3A_965], %swap3A_968 {strides = array<i32>} : memref<32x128xf32, #tpu.memory_space<vmem>>, vector<1x16xf32>,
      %slice3A_969 = vector.extract_strided_slice %mul3A_890 {offsets = [3], sizes = [1], strides = [1]} : vector<16xi32> to vector<1xi32>
      %squeeze3A_970 = vector.extract %slice3A_969[0] : i32 from vector<1xi32>
      %get3A_971 = arith.constant 35 : i32
      %get3A_972 = arith.index_cast %get3A_971 : i32 to index
      %get3A_973 = arith.index_cast %squeeze3A_970 : i32 to index
      %get3A_974 = tpu.vector_load %arg7[%get3A_972, %get3A_973] {strides = array<i32>} : memref<128x128xf32, #tpu.memory_space<vmem>>, vector<1x16xf32>,
      %get3A_975 = vector.shape_cast %get3A_974 : vector<1x16xf32> to vector<16xf32>
      %swap3A_976 = arith.constant 8 : i32
      %swap3A_977 = arith.index_cast %swap3A_976 : i32 to index
      %swap3A_978 = arith.constant 96 : index
      %swap3A_979 = tpu.vector_load %arg8[%swap3A_977, %swap3A_978] {strides = array<i32>} : memref<32x128xf32, #tpu.memory_space<vmem>>, vector<1x16xf32>,
      %swap3A_980 = vector.shape_cast %swap3A_979 : vector<1x16xf32> to vector<16xf32>
      %swap3A_981 = vector.shape_cast %get3A_975 : vector<16xf32> to vector<1x16xf32>
      tpu.vector_store %arg8[%swap3A_977, %swap3A_978], %swap3A_981 {strides = array<i32>} : memref<32x128xf32, #tpu.memory_space<vmem>>, vector<1x16xf32>,
      %add3A_982 = arith.constant 16 : i32
      %add3A_983 = arith.addi %squeeze3A_970, %add3A_982 : i32
      %get3A_984 = arith.constant 35 : i32
      %get3A_985 = arith.index_cast %get3A_984 : i32 to index
      %get3A_986 = arith.index_cast %add3A_983 : i32 to index
      %get3A_987 = tpu.vector_load %arg7[%get3A_985, %get3A_986] {strides = array<i32>} : memref<128x128xf32, #tpu.memory_space<vmem>>, vector<1x16xf32>,
      %get3A_988 = vector.shape_cast %get3A_987 : vector<1x16xf32> to vector<16xf32>
      %swap3A_989 = arith.constant 8 : i32
      %swap3A_990 = arith.index_cast %swap3A_989 : i32 to index
      %swap3A_991 = arith.constant 112 : index
      %swap3A_992 = tpu.vector_load %arg8[%swap3A_990, %swap3A_991] {strides = array<i32>} : memref<32x128xf32, #tpu.memory_space<vmem>>, vector<1x16xf32>,
      %swap3A_993 = vector.shape_cast %swap3A_992 : vector<1x16xf32> to vector<16xf32>
      %swap3A_994 = vector.shape_cast %get3A_988 : vector<16xf32> to vector<1x16xf32>
      tpu.vector_store %arg8[%swap3A_990, %swap3A_991], %swap3A_994 {strides = array<i32>} : memref<32x128xf32, #tpu.memory_space<vmem>>, vector<1x16xf32>,
      %slice3A_995 = vector.extract_strided_slice %mul3A_890 {offsets = [4], sizes = [1], strides = [1]} : vector<16xi32> to vector<1xi32>
      %squeeze3A_996 = vector.extract %slice3A_995[0] : i32 from vector<1xi32>
      %get3A_997 = arith.constant 36 : i32
      %get3A_998 = arith.index_cast %get3A_997 : i32 to index
      %get3A_999 = arith.index_cast %squeeze3A_996 : i32 to index
      %get3A_1000 = tpu.vector_load %arg7[%get3A_998, %get3A_999] {strides = array<i32>} : memref<128x128xf32, #tpu.memory_space<vmem>>, vector<1x16xf32>,
      %get3A_1001 = vector.shape_cast %get3A_1000 : vector<1x16xf32> to vector<16xf32>
      %swap3A_1002 = arith.constant 9 : i32
      %swap3A_1003 = arith.index_cast %swap3A_1002 : i32 to index
      %swap3A_1004 = arith.constant 0 : index
      %swap3A_1005 = tpu.vector_load %arg8[%swap3A_1003, %swap3A_1004] {strides = array<i32>} : memref<32x128xf32, #tpu.memory_space<vmem>>, vector<1x16xf32>,
      %swap3A_1006 = vector.shape_cast %swap3A_1005 : vector<1x16xf32> to vector<16xf32>
      %swap3A_1007 = vector.shape_cast %get3A_1001 : vector<16xf32> to vector<1x16xf32>
      tpu.vector_store %arg8[%swap3A_1003, %swap3A_1004], %swap3A_1007 {strides = array<i32>} : memref<32x128xf32, #tpu.memory_space<vmem>>, vector<1x16xf32>,
      %add3A_1008 = arith.constant 16 : i32
      %add3A_1009 = arith.addi %squeeze3A_996, %add3A_1008 : i32
      %get3A_1010 = arith.constant 36 : i32
      %get3A_1011 = arith.index_cast %get3A_1010 : i32 to index
      %get3A_1012 = arith.index_cast %add3A_1009 : i32 to index
      %get3A_1013 = tpu.vector_load %arg7[%get3A_1011, %get3A_1012] {strides = array<i32>} : memref<128x128xf32, #tpu.memory_space<vmem>>, vector<1x16xf32>,
      %get3A_1014 = vector.shape_cast %get3A_1013 : vector<1x16xf32> to vector<16xf32>
      %swap3A_1015 = arith.constant 9 : i32
      %swap3A_1016 = arith.index_cast %swap3A_1015 : i32 to index
      %swap3A_1017 = arith.constant 16 : index
      %swap3A_1018 = tpu.vector_load %arg8[%swap3A_1016, %swap3A_1017] {strides = array<i32>} : memref<32x128xf32, #tpu.memory_space<vmem>>, vector<1x16xf32>,
      %swap3A_1019 = vector.shape_cast %swap3A_1018 : vector<1x16xf32> to vector<16xf32>
      %swap3A_1020 = vector.shape_cast %get3A_1014 : vector<16xf32> to vector<1x16xf32>
      tpu.vector_store %arg8[%swap3A_1016, %swap3A_1017], %swap3A_1020 {strides = array<i32>} : memref<32x128xf32, #tpu.memory_space<vmem>>, vector<1x16xf32>,
      %slice3A_1021 = vector.extract_strided_slice %mul3A_890 {offsets = [5], sizes = [1], strides = [1]} : vector<16xi32> to vector<1xi32>
      %squeeze3A_1022 = vector.extract %slice3A_1021[0] : i32 from vector<1xi32>
      %get3A_1023 = arith.constant 37 : i32
      %get3A_1024 = arith.index_cast %get3A_1023 : i32 to index
      %get3A_1025 = arith.index_cast %squeeze3A_1022 : i32 to index
      %get3A_1026 = tpu.vector_load %arg7[%get3A_1024, %get3A_1025] {strides = array<i32>} : memref<128x128xf32, #tpu.memory_space<vmem>>, vector<1x16xf32>,
      %get3A_1027 = vector.shape_cast %get3A_1026 : vector<1x16xf32> to vector<16xf32>
      %swap3A_1028 = arith.constant 9 : i32
      %swap3A_1029 = arith.index_cast %swap3A_1028 : i32 to index
      %swap3A_1030 = arith.constant 32 : index
      %swap3A_1031 = tpu.vector_load %arg8[%swap3A_1029, %swap3A_1030] {strides = array<i32>} : memref<32x128xf32, #tpu.memory_space<vmem>>, vector<1x16xf32>,
      %swap3A_1032 = vector.shape_cast %swap3A_1031 : vector<1x16xf32> to vector<16xf32>
      %swap3A_1033 = vector.shape_cast %get3A_1027 : vector<16xf32> to vector<1x16xf32>
      tpu.vector_store %arg8[%swap3A_1029, %swap3A_1030], %swap3A_1033 {strides = array<i32>} : memref<32x128xf32, #tpu.memory_space<vmem>>, vector<1x16xf32>,
      %add3A_1034 = arith.constant 16 : i32
      %add3A_1035 = arith.addi %squeeze3A_1022, %add3A_1034 : i32
      %get3A_1036 = arith.constant 37 : i32
      %get3A_1037 = arith.index_cast %get3A_1036 : i32 to index
      %get3A_1038 = arith.index_cast %add3A_1035 : i32 to index
      %get3A_1039 = tpu.vector_load %arg7[%get3A_1037, %get3A_1038] {strides = array<i32>} : memref<128x128xf32, #tpu.memory_space<vmem>>, vector<1x16xf32>,
      %get3A_1040 = vector.shape_cast %get3A_1039 : vector<1x16xf32> to vector<16xf32>
      %swap3A_1041 = arith.constant 9 : i32
      %swap3A_1042 = arith.index_cast %swap3A_1041 : i32 to index
      %swap3A_1043 = arith.constant 48 : index
      %swap3A_1044 = tpu.vector_load %arg8[%swap3A_1042, %swap3A_1043] {strides = array<i32>} : memref<32x128xf32, #tpu.memory_space<vmem>>, vector<1x16xf32>,
      %swap3A_1045 = vector.shape_cast %swap3A_1044 : vector<1x16xf32> to vector<16xf32>
      %swap3A_1046 = vector.shape_cast %get3A_1040 : vector<16xf32> to vector<1x16xf32>
      tpu.vector_store %arg8[%swap3A_1042, %swap3A_1043], %swap3A_1046 {strides = array<i32>} : memref<32x128xf32, #tpu.memory_space<vmem>>, vector<1x16xf32>,
      %slice3A_1047 = vector.extract_strided_slice %mul3A_890 {offsets = [6], sizes = [1], strides = [1]} : vector<16xi32> to vector<1xi32>
      %squeeze3A_1048 = vector.extract %slice3A_1047[0] : i32 from vector<1xi32>
      %get3A_1049 = arith.constant 38 : i32
      %get3A_1050 = arith.index_cast %get3A_1049 : i32 to index
      %get3A_1051 = arith.index_cast %squeeze3A_1048 : i32 to index
      %get3A_1052 = tpu.vector_load %arg7[%get3A_1050, %get3A_1051] {strides = array<i32>} : memref<128x128xf32, #tpu.memory_space<vmem>>, vector<1x16xf32>,
      %get3A_1053 = vector.shape_cast %get3A_1052 : vector<1x16xf32> to vector<16xf32>
      %swap3A_1054 = arith.constant 9 : i32
      %swap3A_1055 = arith.index_cast %swap3A_1054 : i32 to index
      %swap3A_1056 = arith.constant 64 : index
      %swap3A_1057 = tpu.vector_load %arg8[%swap3A_1055, %swap3A_1056] {strides = array<i32>} : memref<32x128xf32, #tpu.memory_space<vmem>>, vector<1x16xf32>,
      %swap3A_1058 = vector.shape_cast %swap3A_1057 : vector<1x16xf32> to vector<16xf32>
      %swap3A_1059 = vector.shape_cast %get3A_1053 : vector<16xf32> to vector<1x16xf32>
      tpu.vector_store %arg8[%swap3A_1055, %swap3A_1056], %swap3A_1059 {strides = array<i32>} : memref<32x128xf32, #tpu.memory_space<vmem>>, vector<1x16xf32>,
      %add3A_1060 = arith.constant 16 : i32
      %add3A_1061 = arith.addi %squeeze3A_1048, %add3A_1060 : i32
      %get3A_1062 = arith.constant 38 : i32
      %get3A_1063 = arith.index_cast %get3A_1062 : i32 to index
      %get3A_1064 = arith.index_cast %add3A_1061 : i32 to index
      %get3A_1065 = tpu.vector_load %arg7[%get3A_1063, %get3A_1064] {strides = array<i32>} : memref<128x128xf32, #tpu.memory_space<vmem>>, vector<1x16xf32>,
      %get3A_1066 = vector.shape_cast %get3A_1065 : vector<1x16xf32> to vector<16xf32>
      %swap3A_1067 = arith.constant 9 : i32
      %swap3A_1068 = arith.index_cast %swap3A_1067 : i32 to index
      %swap3A_1069 = arith.constant 80 : index
      %swap3A_1070 = tpu.vector_load %arg8[%swap3A_1068, %swap3A_1069] {strides = array<i32>} : memref<32x128xf32, #tpu.memory_space<vmem>>, vector<1x16xf32>,
      %swap3A_1071 = vector.shape_cast %swap3A_1070 : vector<1x16xf32> to vector<16xf32>
      %swap3A_1072 = vector.shape_cast %get3A_1066 : vector<16xf32> to vector<1x16xf32>
      tpu.vector_store %arg8[%swap3A_1068, %swap3A_1069], %swap3A_1072 {strides = array<i32>} : memref<32x128xf32, #tpu.memory_space<vmem>>, vector<1x16xf32>,
      %slice3A_1073 = vector.extract_strided_slice %mul3A_890 {offsets = [7], sizes = [1], strides = [1]} : vector<16xi32> to vector<1xi32>
      %squeeze3A_1074 = vector.extract %slice3A_1073[0] : i32 from vector<1xi32>
      %get3A_1075 = arith.constant 39 : i32
      %get3A_1076 = arith.index_cast %get3A_1075 : i32 to index
      %get3A_1077 = arith.index_cast %squeeze3A_1074 : i32 to index
      %get3A_1078 = tpu.vector_load %arg7[%get3A_1076, %get3A_1077] {strides = array<i32>} : memref<128x128xf32, #tpu.memory_space<vmem>>, vector<1x16xf32>,
      %get3A_1079 = vector.shape_cast %get3A_1078 : vector<1x16xf32> to vector<16xf32>
      %swap3A_1080 = arith.constant 9 : i32
      %swap3A_1081 = arith.index_cast %swap3A_1080 : i32 to index
      %swap3A_1082 = arith.constant 96 : index
      %swap3A_1083 = tpu.vector_load %arg8[%swap3A_1081, %swap3A_1082] {strides = array<i32>} : memref<32x128xf32, #tpu.memory_space<vmem>>, vector<1x16xf32>,
      %swap3A_1084 = vector.shape_cast %swap3A_1083 : vector<1x16xf32> to vector<16xf32>
      %swap3A_1085 = vector.shape_cast %get3A_1079 : vector<16xf32> to vector<1x16xf32>
      tpu.vector_store %arg8[%swap3A_1081, %swap3A_1082], %swap3A_1085 {strides = array<i32>} : memref<32x128xf32, #tpu.memory_space<vmem>>, vector<1x16xf32>,
      %add3A_1086 = arith.constant 16 : i32
      %add3A_1087 = arith.addi %squeeze3A_1074, %add3A_1086 : i32
      %get3A_1088 = arith.constant 39 : i32
      %get3A_1089 = arith.index_cast %get3A_1088 : i32 to index
      %get3A_1090 = arith.index_cast %add3A_1087 : i32 to index
      %get3A_1091 = tpu.vector_load %arg7[%get3A_1089, %get3A_1090] {strides = array<i32>} : memref<128x128xf32, #tpu.memory_space<vmem>>, vector<1x16xf32>,
      %get3A_1092 = vector.shape_cast %get3A_1091 : vector<1x16xf32> to vector<16xf32>
      %swap3A_1093 = arith.constant 9 : i32
      %swap3A_1094 = arith.index_cast %swap3A_1093 : i32 to index
      %swap3A_1095 = arith.constant 112 : index
      %swap3A_1096 = tpu.vector_load %arg8[%swap3A_1094, %swap3A_1095] {strides = array<i32>} : memref<32x128xf32, #tpu.memory_space<vmem>>, vector<1x16xf32>,
      %swap3A_1097 = vector.shape_cast %swap3A_1096 : vector<1x16xf32> to vector<16xf32>
      %swap3A_1098 = vector.shape_cast %get3A_1092 : vector<16xf32> to vector<1x16xf32>
      tpu.vector_store %arg8[%swap3A_1094, %swap3A_1095], %swap3A_1098 {strides = array<i32>} : memref<32x128xf32, #tpu.memory_space<vmem>>, vector<1x16xf32>,
      %slice3A_1099 = vector.extract_strided_slice %mul3A_890 {offsets = [8], sizes = [1], strides = [1]} : vector<16xi32> to vector<1xi32>
      %squeeze3A_1100 = vector.extract %slice3A_1099[0] : i32 from vector<1xi32>
      %get3A_1101 = arith.constant 40 : i32
      %get3A_1102 = arith.index_cast %get3A_1101 : i32 to index
      %get3A_1103 = arith.index_cast %squeeze3A_1100 : i32 to index
      %get3A_1104 = tpu.vector_load %arg7[%get3A_1102, %get3A_1103] {strides = array<i32>} : memref<128x128xf32, #tpu.memory_space<vmem>>, vector<1x16xf32>,
      %get3A_1105 = vector.shape_cast %get3A_1104 : vector<1x16xf32> to vector<16xf32>
      %swap3A_1106 = arith.constant 10 : i32
      %swap3A_1107 = arith.index_cast %swap3A_1106 : i32 to index
      %swap3A_1108 = arith.constant 0 : index
      %swap3A_1109 = tpu.vector_load %arg8[%swap3A_1107, %swap3A_1108] {strides = array<i32>} : memref<32x128xf32, #tpu.memory_space<vmem>>, vector<1x16xf32>,
      %swap3A_1110 = vector.shape_cast %swap3A_1109 : vector<1x16xf32> to vector<16xf32>
      %swap3A_1111 = vector.shape_cast %get3A_1105 : vector<16xf32> to vector<1x16xf32>
      tpu.vector_store %arg8[%swap3A_1107, %swap3A_1108], %swap3A_1111 {strides = array<i32>} : memref<32x128xf32, #tpu.memory_space<vmem>>, vector<1x16xf32>,
      %add3A_1112 = arith.constant 16 : i32
      %add3A_1113 = arith.addi %squeeze3A_1100, %add3A_1112 : i32
      %get3A_1114 = arith.constant 40 : i32
      %get3A_1115 = arith.index_cast %get3A_1114 : i32 to index
      %get3A_1116 = arith.index_cast %add3A_1113 : i32 to index
      %get3A_1117 = tpu.vector_load %arg7[%get3A_1115, %get3A_1116] {strides = array<i32>} : memref<128x128xf32, #tpu.memory_space<vmem>>, vector<1x16xf32>,
      %get3A_1118 = vector.shape_cast %get3A_1117 : vector<1x16xf32> to vector<16xf32>
      %swap3A_1119 = arith.constant 10 : i32
      %swap3A_1120 = arith.index_cast %swap3A_1119 : i32 to index
      %swap3A_1121 = arith.constant 16 : index
      %swap3A_1122 = tpu.vector_load %arg8[%swap3A_1120, %swap3A_1121] {strides = array<i32>} : memref<32x128xf32, #tpu.memory_space<vmem>>, vector<1x16xf32>,
      %swap3A_1123 = vector.shape_cast %swap3A_1122 : vector<1x16xf32> to vector<16xf32>
      %swap3A_1124 = vector.shape_cast %get3A_1118 : vector<16xf32> to vector<1x16xf32>
      tpu.vector_store %arg8[%swap3A_1120, %swap3A_1121], %swap3A_1124 {strides = array<i32>} : memref<32x128xf32, #tpu.memory_space<vmem>>, vector<1x16xf32>,
      %slice3A_1125 = vector.extract_strided_slice %mul3A_890 {offsets = [9], sizes = [1], strides = [1]} : vector<16xi32> to vector<1xi32>
      %squeeze3A_1126 = vector.extract %slice3A_1125[0] : i32 from vector<1xi32>
      %get3A_1127 = arith.constant 41 : i32
      %get3A_1128 = arith.index_cast %get3A_1127 : i32 to index
      %get3A_1129 = arith.index_cast %squeeze3A_1126 : i32 to index
      %get3A_1130 = tpu.vector_load %arg7[%get3A_1128, %get3A_1129] {strides = array<i32>} : memref<128x128xf32, #tpu.memory_space<vmem>>, vector<1x16xf32>,
      %get3A_1131 = vector.shape_cast %get3A_1130 : vector<1x16xf32> to vector<16xf32>
      %swap3A_1132 = arith.constant 10 : i32
      %swap3A_1133 = arith.index_cast %swap3A_1132 : i32 to index
      %swap3A_1134 = arith.constant 32 : index
      %swap3A_1135 = tpu.vector_load %arg8[%swap3A_1133, %swap3A_1134] {strides = array<i32>} : memref<32x128xf32, #tpu.memory_space<vmem>>, vector<1x16xf32>,
      %swap3A_1136 = vector.shape_cast %swap3A_1135 : vector<1x16xf32> to vector<16xf32>
      %swap3A_1137 = vector.shape_cast %get3A_1131 : vector<16xf32> to vector<1x16xf32>
      tpu.vector_store %arg8[%swap3A_1133, %swap3A_1134], %swap3A_1137 {strides = array<i32>} : memref<32x128xf32, #tpu.memory_space<vmem>>, vector<1x16xf32>,
      %add3A_1138 = arith.constant 16 : i32
      %add3A_1139 = arith.addi %squeeze3A_1126, %add3A_1138 : i32
      %get3A_1140 = arith.constant 41 : i32
      %get3A_1141 = arith.index_cast %get3A_1140 : i32 to index
      %get3A_1142 = arith.index_cast %add3A_1139 : i32 to index
      %get3A_1143 = tpu.vector_load %arg7[%get3A_1141, %get3A_1142] {strides = array<i32>} : memref<128x128xf32, #tpu.memory_space<vmem>>, vector<1x16xf32>,
      %get3A_1144 = vector.shape_cast %get3A_1143 : vector<1x16xf32> to vector<16xf32>
      %swap3A_1145 = arith.constant 10 : i32
      %swap3A_1146 = arith.index_cast %swap3A_1145 : i32 to index
      %swap3A_1147 = arith.constant 48 : index
      %swap3A_1148 = tpu.vector_load %arg8[%swap3A_1146, %swap3A_1147] {strides = array<i32>} : memref<32x128xf32, #tpu.memory_space<vmem>>, vector<1x16xf32>,
      %swap3A_1149 = vector.shape_cast %swap3A_1148 : vector<1x16xf32> to vector<16xf32>
      %swap3A_1150 = vector.shape_cast %get3A_1144 : vector<16xf32> to vector<1x16xf32>
      tpu.vector_store %arg8[%swap3A_1146, %swap3A_1147], %swap3A_1150 {strides = array<i32>} : memref<32x128xf32, #tpu.memory_space<vmem>>, vector<1x16xf32>,
      %slice3A_1151 = vector.extract_strided_slice %mul3A_890 {offsets = [10], sizes = [1], strides = [1]} : vector<16xi32> to vector<1xi32>
      %squeeze3A_1152 = vector.extract %slice3A_1151[0] : i32 from vector<1xi32>
      %get3A_1153 = arith.constant 42 : i32
      %get3A_1154 = arith.index_cast %get3A_1153 : i32 to index
      %get3A_1155 = arith.index_cast %squeeze3A_1152 : i32 to index
      %get3A_1156 = tpu.vector_load %arg7[%get3A_1154, %get3A_1155] {strides = array<i32>} : memref<128x128xf32, #tpu.memory_space<vmem>>, vector<1x16xf32>,
      %get3A_1157 = vector.shape_cast %get3A_1156 : vector<1x16xf32> to vector<16xf32>
      %swap3A_1158 = arith.constant 10 : i32
      %swap3A_1159 = arith.index_cast %swap3A_1158 : i32 to index
      %swap3A_1160 = arith.constant 64 : index
      %swap3A_1161 = tpu.vector_load %arg8[%swap3A_1159, %swap3A_1160] {strides = array<i32>} : memref<32x128xf32, #tpu.memory_space<vmem>>, vector<1x16xf32>,
      %swap3A_1162 = vector.shape_cast %swap3A_1161 : vector<1x16xf32> to vector<16xf32>
      %swap3A_1163 = vector.shape_cast %get3A_1157 : vector<16xf32> to vector<1x16xf32>
      tpu.vector_store %arg8[%swap3A_1159, %swap3A_1160], %swap3A_1163 {strides = array<i32>} : memref<32x128xf32, #tpu.memory_space<vmem>>, vector<1x16xf32>,
      %add3A_1164 = arith.constant 16 : i32
      %add3A_1165 = arith.addi %squeeze3A_1152, %add3A_1164 : i32
      %get3A_1166 = arith.constant 42 : i32
      %get3A_1167 = arith.index_cast %get3A_1166 : i32 to index
      %get3A_1168 = arith.index_cast %add3A_1165 : i32 to index
      %get3A_1169 = tpu.vector_load %arg7[%get3A_1167, %get3A_1168] {strides = array<i32>} : memref<128x128xf32, #tpu.memory_space<vmem>>, vector<1x16xf32>,
      %get3A_1170 = vector.shape_cast %get3A_1169 : vector<1x16xf32> to vector<16xf32>
      %swap3A_1171 = arith.constant 10 : i32
      %swap3A_1172 = arith.index_cast %swap3A_1171 : i32 to index
      %swap3A_1173 = arith.constant 80 : index
      %swap3A_1174 = tpu.vector_load %arg8[%swap3A_1172, %swap3A_1173] {strides = array<i32>} : memref<32x128xf32, #tpu.memory_space<vmem>>, vector<1x16xf32>,
      %swap3A_1175 = vector.shape_cast %swap3A_1174 : vector<1x16xf32> to vector<16xf32>
      %swap3A_1176 = vector.shape_cast %get3A_1170 : vector<16xf32> to vector<1x16xf32>
      tpu.vector_store %arg8[%swap3A_1172, %swap3A_1173], %swap3A_1176 {strides = array<i32>} : memref<32x128xf32, #tpu.memory_space<vmem>>, vector<1x16xf32>,
      %slice3A_1177 = vector.extract_strided_slice %mul3A_890 {offsets = [11], sizes = [1], strides = [1]} : vector<16xi32> to vector<1xi32>
      %squeeze3A_1178 = vector.extract %slice3A_1177[0] : i32 from vector<1xi32>
      %get3A_1179 = arith.constant 43 : i32
      %get3A_1180 = arith.index_cast %get3A_1179 : i32 to index
      %get3A_1181 = arith.index_cast %squeeze3A_1178 : i32 to index
      %get3A_1182 = tpu.vector_load %arg7[%get3A_1180, %get3A_1181] {strides = array<i32>} : memref<128x128xf32, #tpu.memory_space<vmem>>, vector<1x16xf32>,
      %get3A_1183 = vector.shape_cast %get3A_1182 : vector<1x16xf32> to vector<16xf32>
      %swap3A_1184 = arith.constant 10 : i32
      %swap3A_1185 = arith.index_cast %swap3A_1184 : i32 to index
      %swap3A_1186 = arith.constant 96 : index
      %swap3A_1187 = tpu.vector_load %arg8[%swap3A_1185, %swap3A_1186] {strides = array<i32>} : memref<32x128xf32, #tpu.memory_space<vmem>>, vector<1x16xf32>,
      %swap3A_1188 = vector.shape_cast %swap3A_1187 : vector<1x16xf32> to vector<16xf32>
      %swap3A_1189 = vector.shape_cast %get3A_1183 : vector<16xf32> to vector<1x16xf32>
      tpu.vector_store %arg8[%swap3A_1185, %swap3A_1186], %swap3A_1189 {strides = array<i32>} : memref<32x128xf32, #tpu.memory_space<vmem>>, vector<1x16xf32>,
      %add3A_1190 = arith.constant 16 : i32
      %add3A_1191 = arith.addi %squeeze3A_1178, %add3A_1190 : i32
      %get3A_1192 = arith.constant 43 : i32
      %get3A_1193 = arith.index_cast %get3A_1192 : i32 to index
      %get3A_1194 = arith.index_cast %add3A_1191 : i32 to index
      %get3A_1195 = tpu.vector_load %arg7[%get3A_1193, %get3A_1194] {strides = array<i32>} : memref<128x128xf32, #tpu.memory_space<vmem>>, vector<1x16xf32>,
      %get3A_1196 = vector.shape_cast %get3A_1195 : vector<1x16xf32> to vector<16xf32>
      %swap3A_1197 = arith.constant 10 : i32
      %swap3A_1198 = arith.index_cast %swap3A_1197 : i32 to index
      %swap3A_1199 = arith.constant 112 : index
      %swap3A_1200 = tpu.vector_load %arg8[%swap3A_1198, %swap3A_1199] {strides = array<i32>} : memref<32x128xf32, #tpu.memory_space<vmem>>, vector<1x16xf32>,
      %swap3A_1201 = vector.shape_cast %swap3A_1200 : vector<1x16xf32> to vector<16xf32>
      %swap3A_1202 = vector.shape_cast %get3A_1196 : vector<16xf32> to vector<1x16xf32>
      tpu.vector_store %arg8[%swap3A_1198, %swap3A_1199], %swap3A_1202 {strides = array<i32>} : memref<32x128xf32, #tpu.memory_space<vmem>>, vector<1x16xf32>,
      %slice3A_1203 = vector.extract_strided_slice %mul3A_890 {offsets = [12], sizes = [1], strides = [1]} : vector<16xi32> to vector<1xi32>
      %squeeze3A_1204 = vector.extract %slice3A_1203[0] : i32 from vector<1xi32>
      %get3A_1205 = arith.constant 44 : i32
      %get3A_1206 = arith.index_cast %get3A_1205 : i32 to index
      %get3A_1207 = arith.index_cast %squeeze3A_1204 : i32 to index
      %get3A_1208 = tpu.vector_load %arg7[%get3A_1206, %get3A_1207] {strides = array<i32>} : memref<128x128xf32, #tpu.memory_space<vmem>>, vector<1x16xf32>,
      %get3A_1209 = vector.shape_cast %get3A_1208 : vector<1x16xf32> to vector<16xf32>
      %swap3A_1210 = arith.constant 11 : i32
      %swap3A_1211 = arith.index_cast %swap3A_1210 : i32 to index
      %swap3A_1212 = arith.constant 0 : index
      %swap3A_1213 = tpu.vector_load %arg8[%swap3A_1211, %swap3A_1212] {strides = array<i32>} : memref<32x128xf32, #tpu.memory_space<vmem>>, vector<1x16xf32>,
      %swap3A_1214 = vector.shape_cast %swap3A_1213 : vector<1x16xf32> to vector<16xf32>
      %swap3A_1215 = vector.shape_cast %get3A_1209 : vector<16xf32> to vector<1x16xf32>
      tpu.vector_store %arg8[%swap3A_1211, %swap3A_1212], %swap3A_1215 {strides = array<i32>} : memref<32x128xf32, #tpu.memory_space<vmem>>, vector<1x16xf32>,
      %add3A_1216 = arith.constant 16 : i32
      %add3A_1217 = arith.addi %squeeze3A_1204, %add3A_1216 : i32
      %get3A_1218 = arith.constant 44 : i32
      %get3A_1219 = arith.index_cast %get3A_1218 : i32 to index
      %get3A_1220 = arith.index_cast %add3A_1217 : i32 to index
      %get3A_1221 = tpu.vector_load %arg7[%get3A_1219, %get3A_1220] {strides = array<i32>} : memref<128x128xf32, #tpu.memory_space<vmem>>, vector<1x16xf32>,
      %get3A_1222 = vector.shape_cast %get3A_1221 : vector<1x16xf32> to vector<16xf32>
      %swap3A_1223 = arith.constant 11 : i32
      %swap3A_1224 = arith.index_cast %swap3A_1223 : i32 to index
      %swap3A_1225 = arith.constant 16 : index
      %swap3A_1226 = tpu.vector_load %arg8[%swap3A_1224, %swap3A_1225] {strides = array<i32>} : memref<32x128xf32, #tpu.memory_space<vmem>>, vector<1x16xf32>,
      %swap3A_1227 = vector.shape_cast %swap3A_1226 : vector<1x16xf32> to vector<16xf32>
      %swap3A_1228 = vector.shape_cast %get3A_1222 : vector<16xf32> to vector<1x16xf32>
      tpu.vector_store %arg8[%swap3A_1224, %swap3A_1225], %swap3A_1228 {strides = array<i32>} : memref<32x128xf32, #tpu.memory_space<vmem>>, vector<1x16xf32>,
      %slice3A_1229 = vector.extract_strided_slice %mul3A_890 {offsets = [13], sizes = [1], strides = [1]} : vector<16xi32> to vector<1xi32>
      %squeeze3A_1230 = vector.extract %slice3A_1229[0] : i32 from vector<1xi32>
      %get3A_1231 = arith.constant 45 : i32
      %get3A_1232 = arith.index_cast %get3A_1231 : i32 to index
      %get3A_1233 = arith.index_cast %squeeze3A_1230 : i32 to index
      %get3A_1234 = tpu.vector_load %arg7[%get3A_1232, %get3A_1233] {strides = array<i32>} : memref<128x128xf32, #tpu.memory_space<vmem>>, vector<1x16xf32>,
      %get3A_1235 = vector.shape_cast %get3A_1234 : vector<1x16xf32> to vector<16xf32>
      %swap3A_1236 = arith.constant 11 : i32
      %swap3A_1237 = arith.index_cast %swap3A_1236 : i32 to index
      %swap3A_1238 = arith.constant 32 : index
      %swap3A_1239 = tpu.vector_load %arg8[%swap3A_1237, %swap3A_1238] {strides = array<i32>} : memref<32x128xf32, #tpu.memory_space<vmem>>, vector<1x16xf32>,
      %swap3A_1240 = vector.shape_cast %swap3A_1239 : vector<1x16xf32> to vector<16xf32>
      %swap3A_1241 = vector.shape_cast %get3A_1235 : vector<16xf32> to vector<1x16xf32>
      tpu.vector_store %arg8[%swap3A_1237, %swap3A_1238], %swap3A_1241 {strides = array<i32>} : memref<32x128xf32, #tpu.memory_space<vmem>>, vector<1x16xf32>,
      %add3A_1242 = arith.constant 16 : i32
      %add3A_1243 = arith.addi %squeeze3A_1230, %add3A_1242 : i32
      %get3A_1244 = arith.constant 45 : i32
      %get3A_1245 = arith.index_cast %get3A_1244 : i32 to index
      %get3A_1246 = arith.index_cast %add3A_1243 : i32 to index
      %get3A_1247 = tpu.vector_load %arg7[%get3A_1245, %get3A_1246] {strides = array<i32>} : memref<128x128xf32, #tpu.memory_space<vmem>>, vector<1x16xf32>,
      %get3A_1248 = vector.shape_cast %get3A_1247 : vector<1x16xf32> to vector<16xf32>
      %swap3A_1249 = arith.constant 11 : i32
      %swap3A_1250 = arith.index_cast %swap3A_1249 : i32 to index
      %swap3A_1251 = arith.constant 48 : index
      %swap3A_1252 = tpu.vector_load %arg8[%swap3A_1250, %swap3A_1251] {strides = array<i32>} : memref<32x128xf32, #tpu.memory_space<vmem>>, vector<1x16xf32>,
      %swap3A_1253 = vector.shape_cast %swap3A_1252 : vector<1x16xf32> to vector<16xf32>
      %swap3A_1254 = vector.shape_cast %get3A_1248 : vector<16xf32> to vector<1x16xf32>
      tpu.vector_store %arg8[%swap3A_1250, %swap3A_1251], %swap3A_1254 {strides = array<i32>} : memref<32x128xf32, #tpu.memory_space<vmem>>, vector<1x16xf32>,
      %slice3A_1255 = vector.extract_strided_slice %mul3A_890 {offsets = [14], sizes = [1], strides = [1]} : vector<16xi32> to vector<1xi32>
      %squeeze3A_1256 = vector.extract %slice3A_1255[0] : i32 from vector<1xi32>
      %get3A_1257 = arith.constant 46 : i32
      %get3A_1258 = arith.index_cast %get3A_1257 : i32 to index
      %get3A_1259 = arith.index_cast %squeeze3A_1256 : i32 to index
      %get3A_1260 = tpu.vector_load %arg7[%get3A_1258, %get3A_1259] {strides = array<i32>} : memref<128x128xf32, #tpu.memory_space<vmem>>, vector<1x16xf32>,
      %get3A_1261 = vector.shape_cast %get3A_1260 : vector<1x16xf32> to vector<16xf32>
      %swap3A_1262 = arith.constant 11 : i32
      %swap3A_1263 = arith.index_cast %swap3A_1262 : i32 to index
      %swap3A_1264 = arith.constant 64 : index
      %swap3A_1265 = tpu.vector_load %arg8[%swap3A_1263, %swap3A_1264] {strides = array<i32>} : memref<32x128xf32, #tpu.memory_space<vmem>>, vector<1x16xf32>,
      %swap3A_1266 = vector.shape_cast %swap3A_1265 : vector<1x16xf32> to vector<16xf32>
      %swap3A_1267 = vector.shape_cast %get3A_1261 : vector<16xf32> to vector<1x16xf32>
      tpu.vector_store %arg8[%swap3A_1263, %swap3A_1264], %swap3A_1267 {strides = array<i32>} : memref<32x128xf32, #tpu.memory_space<vmem>>, vector<1x16xf32>,
      %add3A_1268 = arith.constant 16 : i32
      %add3A_1269 = arith.addi %squeeze3A_1256, %add3A_1268 : i32
      %get3A_1270 = arith.constant 46 : i32
      %get3A_1271 = arith.index_cast %get3A_1270 : i32 to index
      %get3A_1272 = arith.index_cast %add3A_1269 : i32 to index
      %get3A_1273 = tpu.vector_load %arg7[%get3A_1271, %get3A_1272] {strides = array<i32>} : memref<128x128xf32, #tpu.memory_space<vmem>>, vector<1x16xf32>,
      %get3A_1274 = vector.shape_cast %get3A_1273 : vector<1x16xf32> to vector<16xf32>
      %swap3A_1275 = arith.constant 11 : i32
      %swap3A_1276 = arith.index_cast %swap3A_1275 : i32 to index
      %swap3A_1277 = arith.constant 80 : index
      %swap3A_1278 = tpu.vector_load %arg8[%swap3A_1276, %swap3A_1277] {strides = array<i32>} : memref<32x128xf32, #tpu.memory_space<vmem>>, vector<1x16xf32>,
      %swap3A_1279 = vector.shape_cast %swap3A_1278 : vector<1x16xf32> to vector<16xf32>
      %swap3A_1280 = vector.shape_cast %get3A_1274 : vector<16xf32> to vector<1x16xf32>
      tpu.vector_store %arg8[%swap3A_1276, %swap3A_1277], %swap3A_1280 {strides = array<i32>} : memref<32x128xf32, #tpu.memory_space<vmem>>, vector<1x16xf32>,
      %slice3A_1281 = vector.extract_strided_slice %mul3A_890 {offsets = [15], sizes = [1], strides = [1]} : vector<16xi32> to vector<1xi32>
      %squeeze3A_1282 = vector.extract %slice3A_1281[0] : i32 from vector<1xi32>
      %get3A_1283 = arith.constant 47 : i32
      %get3A_1284 = arith.index_cast %get3A_1283 : i32 to index
      %get3A_1285 = arith.index_cast %squeeze3A_1282 : i32 to index
      %get3A_1286 = tpu.vector_load %arg7[%get3A_1284, %get3A_1285] {strides = array<i32>} : memref<128x128xf32, #tpu.memory_space<vmem>>, vector<1x16xf32>,
      %get3A_1287 = vector.shape_cast %get3A_1286 : vector<1x16xf32> to vector<16xf32>
      %swap3A_1288 = arith.constant 11 : i32
      %swap3A_1289 = arith.index_cast %swap3A_1288 : i32 to index
      %swap3A_1290 = arith.constant 96 : index
      %swap3A_1291 = tpu.vector_load %arg8[%swap3A_1289, %swap3A_1290] {strides = array<i32>} : memref<32x128xf32, #tpu.memory_space<vmem>>, vector<1x16xf32>,
      %swap3A_1292 = vector.shape_cast %swap3A_1291 : vector<1x16xf32> to vector<16xf32>
      %swap3A_1293 = vector.shape_cast %get3A_1287 : vector<16xf32> to vector<1x16xf32>
      tpu.vector_store %arg8[%swap3A_1289, %swap3A_1290], %swap3A_1293 {strides = array<i32>} : memref<32x128xf32, #tpu.memory_space<vmem>>, vector<1x16xf32>,
      %add3A_1294 = arith.constant 16 : i32
      %add3A_1295 = arith.addi %squeeze3A_1282, %add3A_1294 : i32
      %get3A_1296 = arith.constant 47 : i32
      %get3A_1297 = arith.index_cast %get3A_1296 : i32 to index
      %get3A_1298 = arith.index_cast %add3A_1295 : i32 to index
      %get3A_1299 = tpu.vector_load %arg7[%get3A_1297, %get3A_1298] {strides = array<i32>} : memref<128x128xf32, #tpu.memory_space<vmem>>, vector<1x16xf32>,
      %get3A_1300 = vector.shape_cast %get3A_1299 : vector<1x16xf32> to vector<16xf32>
      %swap3A_1301 = arith.constant 11 : i32
      %swap3A_1302 = arith.index_cast %swap3A_1301 : i32 to index
      %swap3A_1303 = arith.constant 112 : index
      %swap3A_1304 = tpu.vector_load %arg8[%swap3A_1302, %swap3A_1303] {strides = array<i32>} : memref<32x128xf32, #tpu.memory_space<vmem>>, vector<1x16xf32>,
      %swap3A_1305 = vector.shape_cast %swap3A_1304 : vector<1x16xf32> to vector<16xf32>
      %swap3A_1306 = vector.shape_cast %get3A_1300 : vector<16xf32> to vector<1x16xf32>
      tpu.vector_store %arg8[%swap3A_1302, %swap3A_1303], %swap3A_1306 {strides = array<i32>} : memref<32x128xf32, #tpu.memory_space<vmem>>, vector<1x16xf32>,
      %mul3A_1307 = arith.constant 128 : i32
      %mul3A_1308 = arith.muli %scan3A_16, %mul3A_1307 : i32
      %add3A_1309 = arith.constant 48 : i32
      %add3A_1310 = arith.addi %mul3A_1308, %add3A_1309 : i32
      %get3A_1311 = arith.index_cast %add3A_1310 : i32 to index
      %get3A_1312 = tpu.vector_load %arg5[%get3A_1311] {strides = array<i32>} : memref<6400xi32, #tpu.memory_space<vmem>>, vector<16xi32>,
      %get3A_1313 = vector.shape_cast %get3A_1312 : vector<16xi32> to vector<16xi32>
      %and3A_1314 = arith.constant 3 : i32
      %and3A_1315 = vector.broadcast %and3A_1314 : i32 to vector<16xi32>
      %and3A_1316 = arith.andi %get3A_1313, %and3A_1315 : vector<16xi32>
      %mul3A_1317 = arith.constant 32 : i32
      %mul3A_1318 = vector.broadcast %mul3A_1317 : i32 to vector<16xi32>
      %mul3A_1319 = arith.muli %and3A_1316, %mul3A_1318 : vector<16xi32>
      %slice3A_1320 = vector.extract_strided_slice %mul3A_1319 {offsets = [0], sizes = [1], strides = [1]} : vector<16xi32> to vector<1xi32>
      %squeeze3A_1321 = vector.extract %slice3A_1320[0] : i32 from vector<1xi32>
      %get3A_1322 = arith.constant 48 : i32
      %get3A_1323 = arith.index_cast %get3A_1322 : i32 to index
      %get3A_1324 = arith.index_cast %squeeze3A_1321 : i32 to index
      %get3A_1325 = tpu.vector_load %arg7[%get3A_1323, %get3A_1324] {strides = array<i32>} : memref<128x128xf32, #tpu.memory_space<vmem>>, vector<1x16xf32>,
      %get3A_1326 = vector.shape_cast %get3A_1325 : vector<1x16xf32> to vector<16xf32>
      %swap3A_1327 = arith.constant 12 : i32
      %swap3A_1328 = arith.index_cast %swap3A_1327 : i32 to index
      %swap3A_1329 = arith.constant 0 : index
      %swap3A_1330 = tpu.vector_load %arg8[%swap3A_1328, %swap3A_1329] {strides = array<i32>} : memref<32x128xf32, #tpu.memory_space<vmem>>, vector<1x16xf32>,
      %swap3A_1331 = vector.shape_cast %swap3A_1330 : vector<1x16xf32> to vector<16xf32>
      %swap3A_1332 = vector.shape_cast %get3A_1326 : vector<16xf32> to vector<1x16xf32>
      tpu.vector_store %arg8[%swap3A_1328, %swap3A_1329], %swap3A_1332 {strides = array<i32>} : memref<32x128xf32, #tpu.memory_space<vmem>>, vector<1x16xf32>,
      %add3A_1333 = arith.constant 16 : i32
      %add3A_1334 = arith.addi %squeeze3A_1321, %add3A_1333 : i32
      %get3A_1335 = arith.constant 48 : i32
      %get3A_1336 = arith.index_cast %get3A_1335 : i32 to index
      %get3A_1337 = arith.index_cast %add3A_1334 : i32 to index
      %get3A_1338 = tpu.vector_load %arg7[%get3A_1336, %get3A_1337] {strides = array<i32>} : memref<128x128xf32, #tpu.memory_space<vmem>>, vector<1x16xf32>,
      %get3A_1339 = vector.shape_cast %get3A_1338 : vector<1x16xf32> to vector<16xf32>
      %swap3A_1340 = arith.constant 12 : i32
      %swap3A_1341 = arith.index_cast %swap3A_1340 : i32 to index
      %swap3A_1342 = arith.constant 16 : index
      %swap3A_1343 = tpu.vector_load %arg8[%swap3A_1341, %swap3A_1342] {strides = array<i32>} : memref<32x128xf32, #tpu.memory_space<vmem>>, vector<1x16xf32>,
      %swap3A_1344 = vector.shape_cast %swap3A_1343 : vector<1x16xf32> to vector<16xf32>
      %swap3A_1345 = vector.shape_cast %get3A_1339 : vector<16xf32> to vector<1x16xf32>
      tpu.vector_store %arg8[%swap3A_1341, %swap3A_1342], %swap3A_1345 {strides = array<i32>} : memref<32x128xf32, #tpu.memory_space<vmem>>, vector<1x16xf32>,
      %slice3A_1346 = vector.extract_strided_slice %mul3A_1319 {offsets = [1], sizes = [1], strides = [1]} : vector<16xi32> to vector<1xi32>
      %squeeze3A_1347 = vector.extract %slice3A_1346[0] : i32 from vector<1xi32>
      %get3A_1348 = arith.constant 49 : i32
      %get3A_1349 = arith.index_cast %get3A_1348 : i32 to index
      %get3A_1350 = arith.index_cast %squeeze3A_1347 : i32 to index
      %get3A_1351 = tpu.vector_load %arg7[%get3A_1349, %get3A_1350] {strides = array<i32>} : memref<128x128xf32, #tpu.memory_space<vmem>>, vector<1x16xf32>,
      %get3A_1352 = vector.shape_cast %get3A_1351 : vector<1x16xf32> to vector<16xf32>
      %swap3A_1353 = arith.constant 12 : i32
      %swap3A_1354 = arith.index_cast %swap3A_1353 : i32 to index
      %swap3A_1355 = arith.constant 32 : index
      %swap3A_1356 = tpu.vector_load %arg8[%swap3A_1354, %swap3A_1355] {strides = array<i32>} : memref<32x128xf32, #tpu.memory_space<vmem>>, vector<1x16xf32>,
      %swap3A_1357 = vector.shape_cast %swap3A_1356 : vector<1x16xf32> to vector<16xf32>
      %swap3A_1358 = vector.shape_cast %get3A_1352 : vector<16xf32> to vector<1x16xf32>
      tpu.vector_store %arg8[%swap3A_1354, %swap3A_1355], %swap3A_1358 {strides = array<i32>} : memref<32x128xf32, #tpu.memory_space<vmem>>, vector<1x16xf32>,
      %add3A_1359 = arith.constant 16 : i32
      %add3A_1360 = arith.addi %squeeze3A_1347, %add3A_1359 : i32
      %get3A_1361 = arith.constant 49 : i32
      %get3A_1362 = arith.index_cast %get3A_1361 : i32 to index
      %get3A_1363 = arith.index_cast %add3A_1360 : i32 to index
      %get3A_1364 = tpu.vector_load %arg7[%get3A_1362, %get3A_1363] {strides = array<i32>} : memref<128x128xf32, #tpu.memory_space<vmem>>, vector<1x16xf32>,
      %get3A_1365 = vector.shape_cast %get3A_1364 : vector<1x16xf32> to vector<16xf32>
      %swap3A_1366 = arith.constant 12 : i32
      %swap3A_1367 = arith.index_cast %swap3A_1366 : i32 to index
      %swap3A_1368 = arith.constant 48 : index
      %swap3A_1369 = tpu.vector_load %arg8[%swap3A_1367, %swap3A_1368] {strides = array<i32>} : memref<32x128xf32, #tpu.memory_space<vmem>>, vector<1x16xf32>,
      %swap3A_1370 = vector.shape_cast %swap3A_1369 : vector<1x16xf32> to vector<16xf32>
      %swap3A_1371 = vector.shape_cast %get3A_1365 : vector<16xf32> to vector<1x16xf32>
      tpu.vector_store %arg8[%swap3A_1367, %swap3A_1368], %swap3A_1371 {strides = array<i32>} : memref<32x128xf32, #tpu.memory_space<vmem>>, vector<1x16xf32>,
      %slice3A_1372 = vector.extract_strided_slice %mul3A_1319 {offsets = [2], sizes = [1], strides = [1]} : vector<16xi32> to vector<1xi32>
      %squeeze3A_1373 = vector.extract %slice3A_1372[0] : i32 from vector<1xi32>
      %get3A_1374 = arith.constant 50 : i32
      %get3A_1375 = arith.index_cast %get3A_1374 : i32 to index
      %get3A_1376 = arith.index_cast %squeeze3A_1373 : i32 to index
      %get3A_1377 = tpu.vector_load %arg7[%get3A_1375, %get3A_1376] {strides = array<i32>} : memref<128x128xf32, #tpu.memory_space<vmem>>, vector<1x16xf32>,
      %get3A_1378 = vector.shape_cast %get3A_1377 : vector<1x16xf32> to vector<16xf32>
      %swap3A_1379 = arith.constant 12 : i32
      %swap3A_1380 = arith.index_cast %swap3A_1379 : i32 to index
      %swap3A_1381 = arith.constant 64 : index
      %swap3A_1382 = tpu.vector_load %arg8[%swap3A_1380, %swap3A_1381] {strides = array<i32>} : memref<32x128xf32, #tpu.memory_space<vmem>>, vector<1x16xf32>,
      %swap3A_1383 = vector.shape_cast %swap3A_1382 : vector<1x16xf32> to vector<16xf32>
      %swap3A_1384 = vector.shape_cast %get3A_1378 : vector<16xf32> to vector<1x16xf32>
      tpu.vector_store %arg8[%swap3A_1380, %swap3A_1381], %swap3A_1384 {strides = array<i32>} : memref<32x128xf32, #tpu.memory_space<vmem>>, vector<1x16xf32>,
      %add3A_1385 = arith.constant 16 : i32
      %add3A_1386 = arith.addi %squeeze3A_1373, %add3A_1385 : i32
      %get3A_1387 = arith.constant 50 : i32
      %get3A_1388 = arith.index_cast %get3A_1387 : i32 to index
      %get3A_1389 = arith.index_cast %add3A_1386 : i32 to index
      %get3A_1390 = tpu.vector_load %arg7[%get3A_1388, %get3A_1389] {strides = array<i32>} : memref<128x128xf32, #tpu.memory_space<vmem>>, vector<1x16xf32>,
      %get3A_1391 = vector.shape_cast %get3A_1390 : vector<1x16xf32> to vector<16xf32>
      %swap3A_1392 = arith.constant 12 : i32
      %swap3A_1393 = arith.index_cast %swap3A_1392 : i32 to index
      %swap3A_1394 = arith.constant 80 : index
      %swap3A_1395 = tpu.vector_load %arg8[%swap3A_1393, %swap3A_1394] {strides = array<i32>} : memref<32x128xf32, #tpu.memory_space<vmem>>, vector<1x16xf32>,
      %swap3A_1396 = vector.shape_cast %swap3A_1395 : vector<1x16xf32> to vector<16xf32>
      %swap3A_1397 = vector.shape_cast %get3A_1391 : vector<16xf32> to vector<1x16xf32>
      tpu.vector_store %arg8[%swap3A_1393, %swap3A_1394], %swap3A_1397 {strides = array<i32>} : memref<32x128xf32, #tpu.memory_space<vmem>>, vector<1x16xf32>,
      %slice3A_1398 = vector.extract_strided_slice %mul3A_1319 {offsets = [3], sizes = [1], strides = [1]} : vector<16xi32> to vector<1xi32>
      %squeeze3A_1399 = vector.extract %slice3A_1398[0] : i32 from vector<1xi32>
      %get3A_1400 = arith.constant 51 : i32
      %get3A_1401 = arith.index_cast %get3A_1400 : i32 to index
      %get3A_1402 = arith.index_cast %squeeze3A_1399 : i32 to index
      %get3A_1403 = tpu.vector_load %arg7[%get3A_1401, %get3A_1402] {strides = array<i32>} : memref<128x128xf32, #tpu.memory_space<vmem>>, vector<1x16xf32>,
      %get3A_1404 = vector.shape_cast %get3A_1403 : vector<1x16xf32> to vector<16xf32>
      %swap3A_1405 = arith.constant 12 : i32
      %swap3A_1406 = arith.index_cast %swap3A_1405 : i32 to index
      %swap3A_1407 = arith.constant 96 : index
      %swap3A_1408 = tpu.vector_load %arg8[%swap3A_1406, %swap3A_1407] {strides = array<i32>} : memref<32x128xf32, #tpu.memory_space<vmem>>, vector<1x16xf32>,
      %swap3A_1409 = vector.shape_cast %swap3A_1408 : vector<1x16xf32> to vector<16xf32>
      %swap3A_1410 = vector.shape_cast %get3A_1404 : vector<16xf32> to vector<1x16xf32>
      tpu.vector_store %arg8[%swap3A_1406, %swap3A_1407], %swap3A_1410 {strides = array<i32>} : memref<32x128xf32, #tpu.memory_space<vmem>>, vector<1x16xf32>,
      %add3A_1411 = arith.constant 16 : i32
      %add3A_1412 = arith.addi %squeeze3A_1399, %add3A_1411 : i32
      %get3A_1413 = arith.constant 51 : i32
      %get3A_1414 = arith.index_cast %get3A_1413 : i32 to index
      %get3A_1415 = arith.index_cast %add3A_1412 : i32 to index
      %get3A_1416 = tpu.vector_load %arg7[%get3A_1414, %get3A_1415] {strides = array<i32>} : memref<128x128xf32, #tpu.memory_space<vmem>>, vector<1x16xf32>,
      %get3A_1417 = vector.shape_cast %get3A_1416 : vector<1x16xf32> to vector<16xf32>
      %swap3A_1418 = arith.constant 12 : i32
      %swap3A_1419 = arith.index_cast %swap3A_1418 : i32 to index
      %swap3A_1420 = arith.constant 112 : index
      %swap3A_1421 = tpu.vector_load %arg8[%swap3A_1419, %swap3A_1420] {strides = array<i32>} : memref<32x128xf32, #tpu.memory_space<vmem>>, vector<1x16xf32>,
      %swap3A_1422 = vector.shape_cast %swap3A_1421 : vector<1x16xf32> to vector<16xf32>
      %swap3A_1423 = vector.shape_cast %get3A_1417 : vector<16xf32> to vector<1x16xf32>
      tpu.vector_store %arg8[%swap3A_1419, %swap3A_1420], %swap3A_1423 {strides = array<i32>} : memref<32x128xf32, #tpu.memory_space<vmem>>, vector<1x16xf32>,
      %slice3A_1424 = vector.extract_strided_slice %mul3A_1319 {offsets = [4], sizes = [1], strides = [1]} : vector<16xi32> to vector<1xi32>
      %squeeze3A_1425 = vector.extract %slice3A_1424[0] : i32 from vector<1xi32>
      %get3A_1426 = arith.constant 52 : i32
      %get3A_1427 = arith.index_cast %get3A_1426 : i32 to index
      %get3A_1428 = arith.index_cast %squeeze3A_1425 : i32 to index
      %get3A_1429 = tpu.vector_load %arg7[%get3A_1427, %get3A_1428] {strides = array<i32>} : memref<128x128xf32, #tpu.memory_space<vmem>>, vector<1x16xf32>,
      %get3A_1430 = vector.shape_cast %get3A_1429 : vector<1x16xf32> to vector<16xf32>
      %swap3A_1431 = arith.constant 13 : i32
      %swap3A_1432 = arith.index_cast %swap3A_1431 : i32 to index
      %swap3A_1433 = arith.constant 0 : index
      %swap3A_1434 = tpu.vector_load %arg8[%swap3A_1432, %swap3A_1433] {strides = array<i32>} : memref<32x128xf32, #tpu.memory_space<vmem>>, vector<1x16xf32>,
      %swap3A_1435 = vector.shape_cast %swap3A_1434 : vector<1x16xf32> to vector<16xf32>
      %swap3A_1436 = vector.shape_cast %get3A_1430 : vector<16xf32> to vector<1x16xf32>
      tpu.vector_store %arg8[%swap3A_1432, %swap3A_1433], %swap3A_1436 {strides = array<i32>} : memref<32x128xf32, #tpu.memory_space<vmem>>, vector<1x16xf32>,
      %add3A_1437 = arith.constant 16 : i32
      %add3A_1438 = arith.addi %squeeze3A_1425, %add3A_1437 : i32
      %get3A_1439 = arith.constant 52 : i32
      %get3A_1440 = arith.index_cast %get3A_1439 : i32 to index
      %get3A_1441 = arith.index_cast %add3A_1438 : i32 to index
      %get3A_1442 = tpu.vector_load %arg7[%get3A_1440, %get3A_1441] {strides = array<i32>} : memref<128x128xf32, #tpu.memory_space<vmem>>, vector<1x16xf32>,
      %get3A_1443 = vector.shape_cast %get3A_1442 : vector<1x16xf32> to vector<16xf32>
      %swap3A_1444 = arith.constant 13 : i32
      %swap3A_1445 = arith.index_cast %swap3A_1444 : i32 to index
      %swap3A_1446 = arith.constant 16 : index
      %swap3A_1447 = tpu.vector_load %arg8[%swap3A_1445, %swap3A_1446] {strides = array<i32>} : memref<32x128xf32, #tpu.memory_space<vmem>>, vector<1x16xf32>,
      %swap3A_1448 = vector.shape_cast %swap3A_1447 : vector<1x16xf32> to vector<16xf32>
      %swap3A_1449 = vector.shape_cast %get3A_1443 : vector<16xf32> to vector<1x16xf32>
      tpu.vector_store %arg8[%swap3A_1445, %swap3A_1446], %swap3A_1449 {strides = array<i32>} : memref<32x128xf32, #tpu.memory_space<vmem>>, vector<1x16xf32>,
      %slice3A_1450 = vector.extract_strided_slice %mul3A_1319 {offsets = [5], sizes = [1], strides = [1]} : vector<16xi32> to vector<1xi32>
      %squeeze3A_1451 = vector.extract %slice3A_1450[0] : i32 from vector<1xi32>
      %get3A_1452 = arith.constant 53 : i32
      %get3A_1453 = arith.index_cast %get3A_1452 : i32 to index
      %get3A_1454 = arith.index_cast %squeeze3A_1451 : i32 to index
      %get3A_1455 = tpu.vector_load %arg7[%get3A_1453, %get3A_1454] {strides = array<i32>} : memref<128x128xf32, #tpu.memory_space<vmem>>, vector<1x16xf32>,
      %get3A_1456 = vector.shape_cast %get3A_1455 : vector<1x16xf32> to vector<16xf32>
      %swap3A_1457 = arith.constant 13 : i32
      %swap3A_1458 = arith.index_cast %swap3A_1457 : i32 to index
      %swap3A_1459 = arith.constant 32 : index
      %swap3A_1460 = tpu.vector_load %arg8[%swap3A_1458, %swap3A_1459] {strides = array<i32>} : memref<32x128xf32, #tpu.memory_space<vmem>>, vector<1x16xf32>,
      %swap3A_1461 = vector.shape_cast %swap3A_1460 : vector<1x16xf32> to vector<16xf32>
      %swap3A_1462 = vector.shape_cast %get3A_1456 : vector<16xf32> to vector<1x16xf32>
      tpu.vector_store %arg8[%swap3A_1458, %swap3A_1459], %swap3A_1462 {strides = array<i32>} : memref<32x128xf32, #tpu.memory_space<vmem>>, vector<1x16xf32>,
      %add3A_1463 = arith.constant 16 : i32
      %add3A_1464 = arith.addi %squeeze3A_1451, %add3A_1463 : i32
      %get3A_1465 = arith.constant 53 : i32
      %get3A_1466 = arith.index_cast %get3A_1465 : i32 to index
      %get3A_1467 = arith.index_cast %add3A_1464 : i32 to index
      %get3A_1468 = tpu.vector_load %arg7[%get3A_1466, %get3A_1467] {strides = array<i32>} : memref<128x128xf32, #tpu.memory_space<vmem>>, vector<1x16xf32>,
      %get3A_1469 = vector.shape_cast %get3A_1468 : vector<1x16xf32> to vector<16xf32>
      %swap3A_1470 = arith.constant 13 : i32
      %swap3A_1471 = arith.index_cast %swap3A_1470 : i32 to index
      %swap3A_1472 = arith.constant 48 : index
      %swap3A_1473 = tpu.vector_load %arg8[%swap3A_1471, %swap3A_1472] {strides = array<i32>} : memref<32x128xf32, #tpu.memory_space<vmem>>, vector<1x16xf32>,
      %swap3A_1474 = vector.shape_cast %swap3A_1473 : vector<1x16xf32> to vector<16xf32>
      %swap3A_1475 = vector.shape_cast %get3A_1469 : vector<16xf32> to vector<1x16xf32>
      tpu.vector_store %arg8[%swap3A_1471, %swap3A_1472], %swap3A_1475 {strides = array<i32>} : memref<32x128xf32, #tpu.memory_space<vmem>>, vector<1x16xf32>,
      %slice3A_1476 = vector.extract_strided_slice %mul3A_1319 {offsets = [6], sizes = [1], strides = [1]} : vector<16xi32> to vector<1xi32>
      %squeeze3A_1477 = vector.extract %slice3A_1476[0] : i32 from vector<1xi32>
      %get3A_1478 = arith.constant 54 : i32
      %get3A_1479 = arith.index_cast %get3A_1478 : i32 to index
      %get3A_1480 = arith.index_cast %squeeze3A_1477 : i32 to index
      %get3A_1481 = tpu.vector_load %arg7[%get3A_1479, %get3A_1480] {strides = array<i32>} : memref<128x128xf32, #tpu.memory_space<vmem>>, vector<1x16xf32>,
      %get3A_1482 = vector.shape_cast %get3A_1481 : vector<1x16xf32> to vector<16xf32>
      %swap3A_1483 = arith.constant 13 : i32
      %swap3A_1484 = arith.index_cast %swap3A_1483 : i32 to index
      %swap3A_1485 = arith.constant 64 : index
      %swap3A_1486 = tpu.vector_load %arg8[%swap3A_1484, %swap3A_1485] {strides = array<i32>} : memref<32x128xf32, #tpu.memory_space<vmem>>, vector<1x16xf32>,
      %swap3A_1487 = vector.shape_cast %swap3A_1486 : vector<1x16xf32> to vector<16xf32>
      %swap3A_1488 = vector.shape_cast %get3A_1482 : vector<16xf32> to vector<1x16xf32>
      tpu.vector_store %arg8[%swap3A_1484, %swap3A_1485], %swap3A_1488 {strides = array<i32>} : memref<32x128xf32, #tpu.memory_space<vmem>>, vector<1x16xf32>,
      %add3A_1489 = arith.constant 16 : i32
      %add3A_1490 = arith.addi %squeeze3A_1477, %add3A_1489 : i32
      %get3A_1491 = arith.constant 54 : i32
      %get3A_1492 = arith.index_cast %get3A_1491 : i32 to index
      %get3A_1493 = arith.index_cast %add3A_1490 : i32 to index
      %get3A_1494 = tpu.vector_load %arg7[%get3A_1492, %get3A_1493] {strides = array<i32>} : memref<128x128xf32, #tpu.memory_space<vmem>>, vector<1x16xf32>,
      %get3A_1495 = vector.shape_cast %get3A_1494 : vector<1x16xf32> to vector<16xf32>
      %swap3A_1496 = arith.constant 13 : i32
      %swap3A_1497 = arith.index_cast %swap3A_1496 : i32 to index
      %swap3A_1498 = arith.constant 80 : index
      %swap3A_1499 = tpu.vector_load %arg8[%swap3A_1497, %swap3A_1498] {strides = array<i32>} : memref<32x128xf32, #tpu.memory_space<vmem>>, vector<1x16xf32>,
      %swap3A_1500 = vector.shape_cast %swap3A_1499 : vector<1x16xf32> to vector<16xf32>
      %swap3A_1501 = vector.shape_cast %get3A_1495 : vector<16xf32> to vector<1x16xf32>
      tpu.vector_store %arg8[%swap3A_1497, %swap3A_1498], %swap3A_1501 {strides = array<i32>} : memref<32x128xf32, #tpu.memory_space<vmem>>, vector<1x16xf32>,
      %slice3A_1502 = vector.extract_strided_slice %mul3A_1319 {offsets = [7], sizes = [1], strides = [1]} : vector<16xi32> to vector<1xi32>
      %squeeze3A_1503 = vector.extract %slice3A_1502[0] : i32 from vector<1xi32>
      %get3A_1504 = arith.constant 55 : i32
      %get3A_1505 = arith.index_cast %get3A_1504 : i32 to index
      %get3A_1506 = arith.index_cast %squeeze3A_1503 : i32 to index
      %get3A_1507 = tpu.vector_load %arg7[%get3A_1505, %get3A_1506] {strides = array<i32>} : memref<128x128xf32, #tpu.memory_space<vmem>>, vector<1x16xf32>,
      %get3A_1508 = vector.shape_cast %get3A_1507 : vector<1x16xf32> to vector<16xf32>
      %swap3A_1509 = arith.constant 13 : i32
      %swap3A_1510 = arith.index_cast %swap3A_1509 : i32 to index
      %swap3A_1511 = arith.constant 96 : index
      %swap3A_1512 = tpu.vector_load %arg8[%swap3A_1510, %swap3A_1511] {strides = array<i32>} : memref<32x128xf32, #tpu.memory_space<vmem>>, vector<1x16xf32>,
      %swap3A_1513 = vector.shape_cast %swap3A_1512 : vector<1x16xf32> to vector<16xf32>
      %swap3A_1514 = vector.shape_cast %get3A_1508 : vector<16xf32> to vector<1x16xf32>
      tpu.vector_store %arg8[%swap3A_1510, %swap3A_1511], %swap3A_1514 {strides = array<i32>} : memref<32x128xf32, #tpu.memory_space<vmem>>, vector<1x16xf32>,
      %add3A_1515 = arith.constant 16 : i32
      %add3A_1516 = arith.addi %squeeze3A_1503, %add3A_1515 : i32
      %get3A_1517 = arith.constant 55 : i32
      %get3A_1518 = arith.index_cast %get3A_1517 : i32 to index
      %get3A_1519 = arith.index_cast %add3A_1516 : i32 to index
      %get3A_1520 = tpu.vector_load %arg7[%get3A_1518, %get3A_1519] {strides = array<i32>} : memref<128x128xf32, #tpu.memory_space<vmem>>, vector<1x16xf32>,
      %get3A_1521 = vector.shape_cast %get3A_1520 : vector<1x16xf32> to vector<16xf32>
      %swap3A_1522 = arith.constant 13 : i32
      %swap3A_1523 = arith.index_cast %swap3A_1522 : i32 to index
      %swap3A_1524 = arith.constant 112 : index
      %swap3A_1525 = tpu.vector_load %arg8[%swap3A_1523, %swap3A_1524] {strides = array<i32>} : memref<32x128xf32, #tpu.memory_space<vmem>>, vector<1x16xf32>,
      %swap3A_1526 = vector.shape_cast %swap3A_1525 : vector<1x16xf32> to vector<16xf32>
      %swap3A_1527 = vector.shape_cast %get3A_1521 : vector<16xf32> to vector<1x16xf32>
      tpu.vector_store %arg8[%swap3A_1523, %swap3A_1524], %swap3A_1527 {strides = array<i32>} : memref<32x128xf32, #tpu.memory_space<vmem>>, vector<1x16xf32>,
      %slice3A_1528 = vector.extract_strided_slice %mul3A_1319 {offsets = [8], sizes = [1], strides = [1]} : vector<16xi32> to vector<1xi32>
      %squeeze3A_1529 = vector.extract %slice3A_1528[0] : i32 from vector<1xi32>
      %get3A_1530 = arith.constant 56 : i32
      %get3A_1531 = arith.index_cast %get3A_1530 : i32 to index
      %get3A_1532 = arith.index_cast %squeeze3A_1529 : i32 to index
      %get3A_1533 = tpu.vector_load %arg7[%get3A_1531, %get3A_1532] {strides = array<i32>} : memref<128x128xf32, #tpu.memory_space<vmem>>, vector<1x16xf32>,
      %get3A_1534 = vector.shape_cast %get3A_1533 : vector<1x16xf32> to vector<16xf32>
      %swap3A_1535 = arith.constant 14 : i32
      %swap3A_1536 = arith.index_cast %swap3A_1535 : i32 to index
      %swap3A_1537 = arith.constant 0 : index
      %swap3A_1538 = tpu.vector_load %arg8[%swap3A_1536, %swap3A_1537] {strides = array<i32>} : memref<32x128xf32, #tpu.memory_space<vmem>>, vector<1x16xf32>,
      %swap3A_1539 = vector.shape_cast %swap3A_1538 : vector<1x16xf32> to vector<16xf32>
      %swap3A_1540 = vector.shape_cast %get3A_1534 : vector<16xf32> to vector<1x16xf32>
      tpu.vector_store %arg8[%swap3A_1536, %swap3A_1537], %swap3A_1540 {strides = array<i32>} : memref<32x128xf32, #tpu.memory_space<vmem>>, vector<1x16xf32>,
      %add3A_1541 = arith.constant 16 : i32
      %add3A_1542 = arith.addi %squeeze3A_1529, %add3A_1541 : i32
      %get3A_1543 = arith.constant 56 : i32
      %get3A_1544 = arith.index_cast %get3A_1543 : i32 to index
      %get3A_1545 = arith.index_cast %add3A_1542 : i32 to index
      %get3A_1546 = tpu.vector_load %arg7[%get3A_1544, %get3A_1545] {strides = array<i32>} : memref<128x128xf32, #tpu.memory_space<vmem>>, vector<1x16xf32>,
      %get3A_1547 = vector.shape_cast %get3A_1546 : vector<1x16xf32> to vector<16xf32>
      %swap3A_1548 = arith.constant 14 : i32
      %swap3A_1549 = arith.index_cast %swap3A_1548 : i32 to index
      %swap3A_1550 = arith.constant 16 : index
      %swap3A_1551 = tpu.vector_load %arg8[%swap3A_1549, %swap3A_1550] {strides = array<i32>} : memref<32x128xf32, #tpu.memory_space<vmem>>, vector<1x16xf32>,
      %swap3A_1552 = vector.shape_cast %swap3A_1551 : vector<1x16xf32> to vector<16xf32>
      %swap3A_1553 = vector.shape_cast %get3A_1547 : vector<16xf32> to vector<1x16xf32>
      tpu.vector_store %arg8[%swap3A_1549, %swap3A_1550], %swap3A_1553 {strides = array<i32>} : memref<32x128xf32, #tpu.memory_space<vmem>>, vector<1x16xf32>,
      %slice3A_1554 = vector.extract_strided_slice %mul3A_1319 {offsets = [9], sizes = [1], strides = [1]} : vector<16xi32> to vector<1xi32>
      %squeeze3A_1555 = vector.extract %slice3A_1554[0] : i32 from vector<1xi32>
      %get3A_1556 = arith.constant 57 : i32
      %get3A_1557 = arith.index_cast %get3A_1556 : i32 to index
      %get3A_1558 = arith.index_cast %squeeze3A_1555 : i32 to index
      %get3A_1559 = tpu.vector_load %arg7[%get3A_1557, %get3A_1558] {strides = array<i32>} : memref<128x128xf32, #tpu.memory_space<vmem>>, vector<1x16xf32>,
      %get3A_1560 = vector.shape_cast %get3A_1559 : vector<1x16xf32> to vector<16xf32>
      %swap3A_1561 = arith.constant 14 : i32
      %swap3A_1562 = arith.index_cast %swap3A_1561 : i32 to index
      %swap3A_1563 = arith.constant 32 : index
      %swap3A_1564 = tpu.vector_load %arg8[%swap3A_1562, %swap3A_1563] {strides = array<i32>} : memref<32x128xf32, #tpu.memory_space<vmem>>, vector<1x16xf32>,
      %swap3A_1565 = vector.shape_cast %swap3A_1564 : vector<1x16xf32> to vector<16xf32>
      %swap3A_1566 = vector.shape_cast %get3A_1560 : vector<16xf32> to vector<1x16xf32>
      tpu.vector_store %arg8[%swap3A_1562, %swap3A_1563], %swap3A_1566 {strides = array<i32>} : memref<32x128xf32, #tpu.memory_space<vmem>>, vector<1x16xf32>,
      %add3A_1567 = arith.constant 16 : i32
      %add3A_1568 = arith.addi %squeeze3A_1555, %add3A_1567 : i32
      %get3A_1569 = arith.constant 57 : i32
      %get3A_1570 = arith.index_cast %get3A_1569 : i32 to index
      %get3A_1571 = arith.index_cast %add3A_1568 : i32 to index
      %get3A_1572 = tpu.vector_load %arg7[%get3A_1570, %get3A_1571] {strides = array<i32>} : memref<128x128xf32, #tpu.memory_space<vmem>>, vector<1x16xf32>,
      %get3A_1573 = vector.shape_cast %get3A_1572 : vector<1x16xf32> to vector<16xf32>
      %swap3A_1574 = arith.constant 14 : i32
      %swap3A_1575 = arith.index_cast %swap3A_1574 : i32 to index
      %swap3A_1576 = arith.constant 48 : index
      %swap3A_1577 = tpu.vector_load %arg8[%swap3A_1575, %swap3A_1576] {strides = array<i32>} : memref<32x128xf32, #tpu.memory_space<vmem>>, vector<1x16xf32>,
      %swap3A_1578 = vector.shape_cast %swap3A_1577 : vector<1x16xf32> to vector<16xf32>
      %swap3A_1579 = vector.shape_cast %get3A_1573 : vector<16xf32> to vector<1x16xf32>
      tpu.vector_store %arg8[%swap3A_1575, %swap3A_1576], %swap3A_1579 {strides = array<i32>} : memref<32x128xf32, #tpu.memory_space<vmem>>, vector<1x16xf32>,
      %slice3A_1580 = vector.extract_strided_slice %mul3A_1319 {offsets = [10], sizes = [1], strides = [1]} : vector<16xi32> to vector<1xi32>
      %squeeze3A_1581 = vector.extract %slice3A_1580[0] : i32 from vector<1xi32>
      %get3A_1582 = arith.constant 58 : i32
      %get3A_1583 = arith.index_cast %get3A_1582 : i32 to index
      %get3A_1584 = arith.index_cast %squeeze3A_1581 : i32 to index
      %get3A_1585 = tpu.vector_load %arg7[%get3A_1583, %get3A_1584] {strides = array<i32>} : memref<128x128xf32, #tpu.memory_space<vmem>>, vector<1x16xf32>,
      %get3A_1586 = vector.shape_cast %get3A_1585 : vector<1x16xf32> to vector<16xf32>
      %swap3A_1587 = arith.constant 14 : i32
      %swap3A_1588 = arith.index_cast %swap3A_1587 : i32 to index
      %swap3A_1589 = arith.constant 64 : index
      %swap3A_1590 = tpu.vector_load %arg8[%swap3A_1588, %swap3A_1589] {strides = array<i32>} : memref<32x128xf32, #tpu.memory_space<vmem>>, vector<1x16xf32>,
      %swap3A_1591 = vector.shape_cast %swap3A_1590 : vector<1x16xf32> to vector<16xf32>
      %swap3A_1592 = vector.shape_cast %get3A_1586 : vector<16xf32> to vector<1x16xf32>
      tpu.vector_store %arg8[%swap3A_1588, %swap3A_1589], %swap3A_1592 {strides = array<i32>} : memref<32x128xf32, #tpu.memory_space<vmem>>, vector<1x16xf32>,
      %add3A_1593 = arith.constant 16 : i32
      %add3A_1594 = arith.addi %squeeze3A_1581, %add3A_1593 : i32
      %get3A_1595 = arith.constant 58 : i32
      %get3A_1596 = arith.index_cast %get3A_1595 : i32 to index
      %get3A_1597 = arith.index_cast %add3A_1594 : i32 to index
      %get3A_1598 = tpu.vector_load %arg7[%get3A_1596, %get3A_1597] {strides = array<i32>} : memref<128x128xf32, #tpu.memory_space<vmem>>, vector<1x16xf32>,
      %get3A_1599 = vector.shape_cast %get3A_1598 : vector<1x16xf32> to vector<16xf32>
      %swap3A_1600 = arith.constant 14 : i32
      %swap3A_1601 = arith.index_cast %swap3A_1600 : i32 to index
      %swap3A_1602 = arith.constant 80 : index
      %swap3A_1603 = tpu.vector_load %arg8[%swap3A_1601, %swap3A_1602] {strides = array<i32>} : memref<32x128xf32, #tpu.memory_space<vmem>>, vector<1x16xf32>,
      %swap3A_1604 = vector.shape_cast %swap3A_1603 : vector<1x16xf32> to vector<16xf32>
      %swap3A_1605 = vector.shape_cast %get3A_1599 : vector<16xf32> to vector<1x16xf32>
      tpu.vector_store %arg8[%swap3A_1601, %swap3A_1602], %swap3A_1605 {strides = array<i32>} : memref<32x128xf32, #tpu.memory_space<vmem>>, vector<1x16xf32>,
      %slice3A_1606 = vector.extract_strided_slice %mul3A_1319 {offsets = [11], sizes = [1], strides = [1]} : vector<16xi32> to vector<1xi32>
      %squeeze3A_1607 = vector.extract %slice3A_1606[0] : i32 from vector<1xi32>
      %get3A_1608 = arith.constant 59 : i32
      %get3A_1609 = arith.index_cast %get3A_1608 : i32 to index
      %get3A_1610 = arith.index_cast %squeeze3A_1607 : i32 to index
      %get3A_1611 = tpu.vector_load %arg7[%get3A_1609, %get3A_1610] {strides = array<i32>} : memref<128x128xf32, #tpu.memory_space<vmem>>, vector<1x16xf32>,
      %get3A_1612 = vector.shape_cast %get3A_1611 : vector<1x16xf32> to vector<16xf32>
      %swap3A_1613 = arith.constant 14 : i32
      %swap3A_1614 = arith.index_cast %swap3A_1613 : i32 to index
      %swap3A_1615 = arith.constant 96 : index
      %swap3A_1616 = tpu.vector_load %arg8[%swap3A_1614, %swap3A_1615] {strides = array<i32>} : memref<32x128xf32, #tpu.memory_space<vmem>>, vector<1x16xf32>,
      %swap3A_1617 = vector.shape_cast %swap3A_1616 : vector<1x16xf32> to vector<16xf32>
      %swap3A_1618 = vector.shape_cast %get3A_1612 : vector<16xf32> to vector<1x16xf32>
      tpu.vector_store %arg8[%swap3A_1614, %swap3A_1615], %swap3A_1618 {strides = array<i32>} : memref<32x128xf32, #tpu.memory_space<vmem>>, vector<1x16xf32>,
      %add3A_1619 = arith.constant 16 : i32
      %add3A_1620 = arith.addi %squeeze3A_1607, %add3A_1619 : i32
      %get3A_1621 = arith.constant 59 : i32
      %get3A_1622 = arith.index_cast %get3A_1621 : i32 to index
      %get3A_1623 = arith.index_cast %add3A_1620 : i32 to index
      %get3A_1624 = tpu.vector_load %arg7[%get3A_1622, %get3A_1623] {strides = array<i32>} : memref<128x128xf32, #tpu.memory_space<vmem>>, vector<1x16xf32>,
      %get3A_1625 = vector.shape_cast %get3A_1624 : vector<1x16xf32> to vector<16xf32>
      %swap3A_1626 = arith.constant 14 : i32
      %swap3A_1627 = arith.index_cast %swap3A_1626 : i32 to index
      %swap3A_1628 = arith.constant 112 : index
      %swap3A_1629 = tpu.vector_load %arg8[%swap3A_1627, %swap3A_1628] {strides = array<i32>} : memref<32x128xf32, #tpu.memory_space<vmem>>, vector<1x16xf32>,
      %swap3A_1630 = vector.shape_cast %swap3A_1629 : vector<1x16xf32> to vector<16xf32>
      %swap3A_1631 = vector.shape_cast %get3A_1625 : vector<16xf32> to vector<1x16xf32>
      tpu.vector_store %arg8[%swap3A_1627, %swap3A_1628], %swap3A_1631 {strides = array<i32>} : memref<32x128xf32, #tpu.memory_space<vmem>>, vector<1x16xf32>,
      %slice3A_1632 = vector.extract_strided_slice %mul3A_1319 {offsets = [12], sizes = [1], strides = [1]} : vector<16xi32> to vector<1xi32>
      %squeeze3A_1633 = vector.extract %slice3A_1632[0] : i32 from vector<1xi32>
      %get3A_1634 = arith.constant 60 : i32
      %get3A_1635 = arith.index_cast %get3A_1634 : i32 to index
      %get3A_1636 = arith.index_cast %squeeze3A_1633 : i32 to index
      %get3A_1637 = tpu.vector_load %arg7[%get3A_1635, %get3A_1636] {strides = array<i32>} : memref<128x128xf32, #tpu.memory_space<vmem>>, vector<1x16xf32>,
      %get3A_1638 = vector.shape_cast %get3A_1637 : vector<1x16xf32> to vector<16xf32>
      %swap3A_1639 = arith.constant 15 : i32
      %swap3A_1640 = arith.index_cast %swap3A_1639 : i32 to index
      %swap3A_1641 = arith.constant 0 : index
      %swap3A_1642 = tpu.vector_load %arg8[%swap3A_1640, %swap3A_1641] {strides = array<i32>} : memref<32x128xf32, #tpu.memory_space<vmem>>, vector<1x16xf32>,
      %swap3A_1643 = vector.shape_cast %swap3A_1642 : vector<1x16xf32> to vector<16xf32>
      %swap3A_1644 = vector.shape_cast %get3A_1638 : vector<16xf32> to vector<1x16xf32>
      tpu.vector_store %arg8[%swap3A_1640, %swap3A_1641], %swap3A_1644 {strides = array<i32>} : memref<32x128xf32, #tpu.memory_space<vmem>>, vector<1x16xf32>,
      %add3A_1645 = arith.constant 16 : i32
      %add3A_1646 = arith.addi %squeeze3A_1633, %add3A_1645 : i32
      %get3A_1647 = arith.constant 60 : i32
      %get3A_1648 = arith.index_cast %get3A_1647 : i32 to index
      %get3A_1649 = arith.index_cast %add3A_1646 : i32 to index
      %get3A_1650 = tpu.vector_load %arg7[%get3A_1648, %get3A_1649] {strides = array<i32>} : memref<128x128xf32, #tpu.memory_space<vmem>>, vector<1x16xf32>,
      %get3A_1651 = vector.shape_cast %get3A_1650 : vector<1x16xf32> to vector<16xf32>
      %swap3A_1652 = arith.constant 15 : i32
      %swap3A_1653 = arith.index_cast %swap3A_1652 : i32 to index
      %swap3A_1654 = arith.constant 16 : index
      %swap3A_1655 = tpu.vector_load %arg8[%swap3A_1653, %swap3A_1654] {strides = array<i32>} : memref<32x128xf32, #tpu.memory_space<vmem>>, vector<1x16xf32>,
      %swap3A_1656 = vector.shape_cast %swap3A_1655 : vector<1x16xf32> to vector<16xf32>
      %swap3A_1657 = vector.shape_cast %get3A_1651 : vector<16xf32> to vector<1x16xf32>
      tpu.vector_store %arg8[%swap3A_1653, %swap3A_1654], %swap3A_1657 {strides = array<i32>} : memref<32x128xf32, #tpu.memory_space<vmem>>, vector<1x16xf32>,
      %slice3A_1658 = vector.extract_strided_slice %mul3A_1319 {offsets = [13], sizes = [1], strides = [1]} : vector<16xi32> to vector<1xi32>
      %squeeze3A_1659 = vector.extract %slice3A_1658[0] : i32 from vector<1xi32>
      %get3A_1660 = arith.constant 61 : i32
      %get3A_1661 = arith.index_cast %get3A_1660 : i32 to index
      %get3A_1662 = arith.index_cast %squeeze3A_1659 : i32 to index
      %get3A_1663 = tpu.vector_load %arg7[%get3A_1661, %get3A_1662] {strides = array<i32>} : memref<128x128xf32, #tpu.memory_space<vmem>>, vector<1x16xf32>,
      %get3A_1664 = vector.shape_cast %get3A_1663 : vector<1x16xf32> to vector<16xf32>
      %swap3A_1665 = arith.constant 15 : i32
      %swap3A_1666 = arith.index_cast %swap3A_1665 : i32 to index
      %swap3A_1667 = arith.constant 32 : index
      %swap3A_1668 = tpu.vector_load %arg8[%swap3A_1666, %swap3A_1667] {strides = array<i32>} : memref<32x128xf32, #tpu.memory_space<vmem>>, vector<1x16xf32>,
      %swap3A_1669 = vector.shape_cast %swap3A_1668 : vector<1x16xf32> to vector<16xf32>
      %swap3A_1670 = vector.shape_cast %get3A_1664 : vector<16xf32> to vector<1x16xf32>
      tpu.vector_store %arg8[%swap3A_1666, %swap3A_1667], %swap3A_1670 {strides = array<i32>} : memref<32x128xf32, #tpu.memory_space<vmem>>, vector<1x16xf32>,
      %add3A_1671 = arith.constant 16 : i32
      %add3A_1672 = arith.addi %squeeze3A_1659, %add3A_1671 : i32
      %get3A_1673 = arith.constant 61 : i32
      %get3A_1674 = arith.index_cast %get3A_1673 : i32 to index
      %get3A_1675 = arith.index_cast %add3A_1672 : i32 to index
      %get3A_1676 = tpu.vector_load %arg7[%get3A_1674, %get3A_1675] {strides = array<i32>} : memref<128x128xf32, #tpu.memory_space<vmem>>, vector<1x16xf32>,
      %get3A_1677 = vector.shape_cast %get3A_1676 : vector<1x16xf32> to vector<16xf32>
      %swap3A_1678 = arith.constant 15 : i32
      %swap3A_1679 = arith.index_cast %swap3A_1678 : i32 to index
      %swap3A_1680 = arith.constant 48 : index
      %swap3A_1681 = tpu.vector_load %arg8[%swap3A_1679, %swap3A_1680] {strides = array<i32>} : memref<32x128xf32, #tpu.memory_space<vmem>>, vector<1x16xf32>,
      %swap3A_1682 = vector.shape_cast %swap3A_1681 : vector<1x16xf32> to vector<16xf32>
      %swap3A_1683 = vector.shape_cast %get3A_1677 : vector<16xf32> to vector<1x16xf32>
      tpu.vector_store %arg8[%swap3A_1679, %swap3A_1680], %swap3A_1683 {strides = array<i32>} : memref<32x128xf32, #tpu.memory_space<vmem>>, vector<1x16xf32>,
      %slice3A_1684 = vector.extract_strided_slice %mul3A_1319 {offsets = [14], sizes = [1], strides = [1]} : vector<16xi32> to vector<1xi32>
      %squeeze3A_1685 = vector.extract %slice3A_1684[0] : i32 from vector<1xi32>
      %get3A_1686 = arith.constant 62 : i32
      %get3A_1687 = arith.index_cast %get3A_1686 : i32 to index
      %get3A_1688 = arith.index_cast %squeeze3A_1685 : i32 to index
      %get3A_1689 = tpu.vector_load %arg7[%get3A_1687, %get3A_1688] {strides = array<i32>} : memref<128x128xf32, #tpu.memory_space<vmem>>, vector<1x16xf32>,
      %get3A_1690 = vector.shape_cast %get3A_1689 : vector<1x16xf32> to vector<16xf32>
      %swap3A_1691 = arith.constant 15 : i32
      %swap3A_1692 = arith.index_cast %swap3A_1691 : i32 to index
      %swap3A_1693 = arith.constant 64 : index
      %swap3A_1694 = tpu.vector_load %arg8[%swap3A_1692, %swap3A_1693] {strides = array<i32>} : memref<32x128xf32, #tpu.memory_space<vmem>>, vector<1x16xf32>,
      %swap3A_1695 = vector.shape_cast %swap3A_1694 : vector<1x16xf32> to vector<16xf32>
      %swap3A_1696 = vector.shape_cast %get3A_1690 : vector<16xf32> to vector<1x16xf32>
      tpu.vector_store %arg8[%swap3A_1692, %swap3A_1693], %swap3A_1696 {strides = array<i32>} : memref<32x128xf32, #tpu.memory_space<vmem>>, vector<1x16xf32>,
      %add3A_1697 = arith.constant 16 : i32
      %add3A_1698 = arith.addi %squeeze3A_1685, %add3A_1697 : i32
      %get3A_1699 = arith.constant 62 : i32
      %get3A_1700 = arith.index_cast %get3A_1699 : i32 to index
      %get3A_1701 = arith.index_cast %add3A_1698 : i32 to index
      %get3A_1702 = tpu.vector_load %arg7[%get3A_1700, %get3A_1701] {strides = array<i32>} : memref<128x128xf32, #tpu.memory_space<vmem>>, vector<1x16xf32>,
      %get3A_1703 = vector.shape_cast %get3A_1702 : vector<1x16xf32> to vector<16xf32>
      %swap3A_1704 = arith.constant 15 : i32
      %swap3A_1705 = arith.index_cast %swap3A_1704 : i32 to index
      %swap3A_1706 = arith.constant 80 : index
      %swap3A_1707 = tpu.vector_load %arg8[%swap3A_1705, %swap3A_1706] {strides = array<i32>} : memref<32x128xf32, #tpu.memory_space<vmem>>, vector<1x16xf32>,
      %swap3A_1708 = vector.shape_cast %swap3A_1707 : vector<1x16xf32> to vector<16xf32>
      %swap3A_1709 = vector.shape_cast %get3A_1703 : vector<16xf32> to vector<1x16xf32>
      tpu.vector_store %arg8[%swap3A_1705, %swap3A_1706], %swap3A_1709 {strides = array<i32>} : memref<32x128xf32, #tpu.memory_space<vmem>>, vector<1x16xf32>,
      %slice3A_1710 = vector.extract_strided_slice %mul3A_1319 {offsets = [15], sizes = [1], strides = [1]} : vector<16xi32> to vector<1xi32>
      %squeeze3A_1711 = vector.extract %slice3A_1710[0] : i32 from vector<1xi32>
      %get3A_1712 = arith.constant 63 : i32
      %get3A_1713 = arith.index_cast %get3A_1712 : i32 to index
      %get3A_1714 = arith.index_cast %squeeze3A_1711 : i32 to index
      %get3A_1715 = tpu.vector_load %arg7[%get3A_1713, %get3A_1714] {strides = array<i32>} : memref<128x128xf32, #tpu.memory_space<vmem>>, vector<1x16xf32>,
      %get3A_1716 = vector.shape_cast %get3A_1715 : vector<1x16xf32> to vector<16xf32>
      %swap3A_1717 = arith.constant 15 : i32
      %swap3A_1718 = arith.index_cast %swap3A_1717 : i32 to index
      %swap3A_1719 = arith.constant 96 : index
      %swap3A_1720 = tpu.vector_load %arg8[%swap3A_1718, %swap3A_1719] {strides = array<i32>} : memref<32x128xf32, #tpu.memory_space<vmem>>, vector<1x16xf32>,
      %swap3A_1721 = vector.shape_cast %swap3A_1720 : vector<1x16xf32> to vector<16xf32>
      %swap3A_1722 = vector.shape_cast %get3A_1716 : vector<16xf32> to vector<1x16xf32>
      tpu.vector_store %arg8[%swap3A_1718, %swap3A_1719], %swap3A_1722 {strides = array<i32>} : memref<32x128xf32, #tpu.memory_space<vmem>>, vector<1x16xf32>,
      %add3A_1723 = arith.constant 16 : i32
      %add3A_1724 = arith.addi %squeeze3A_1711, %add3A_1723 : i32
      %get3A_1725 = arith.constant 63 : i32
      %get3A_1726 = arith.index_cast %get3A_1725 : i32 to index
      %get3A_1727 = arith.index_cast %add3A_1724 : i32 to index
      %get3A_1728 = tpu.vector_load %arg7[%get3A_1726, %get3A_1727] {strides = array<i32>} : memref<128x128xf32, #tpu.memory_space<vmem>>, vector<1x16xf32>,
      %get3A_1729 = vector.shape_cast %get3A_1728 : vector<1x16xf32> to vector<16xf32>
      %swap3A_1730 = arith.constant 15 : i32
      %swap3A_1731 = arith.index_cast %swap3A_1730 : i32 to index
      %swap3A_1732 = arith.constant 112 : index
      %swap3A_1733 = tpu.vector_load %arg8[%swap3A_1731, %swap3A_1732] {strides = array<i32>} : memref<32x128xf32, #tpu.memory_space<vmem>>, vector<1x16xf32>,
      %swap3A_1734 = vector.shape_cast %swap3A_1733 : vector<1x16xf32> to vector<16xf32>
      %swap3A_1735 = vector.shape_cast %get3A_1729 : vector<16xf32> to vector<1x16xf32>
      tpu.vector_store %arg8[%swap3A_1731, %swap3A_1732], %swap3A_1735 {strides = array<i32>} : memref<32x128xf32, #tpu.memory_space<vmem>>, vector<1x16xf32>,
      %mul3A_1736 = arith.constant 128 : i32
      %mul3A_1737 = arith.muli %scan3A_16, %mul3A_1736 : i32
      %add3A_1738 = arith.constant 64 : i32
      %add3A_1739 = arith.addi %mul3A_1737, %add3A_1738 : i32
      %get3A_1740 = arith.index_cast %add3A_1739 : i32 to index
      %get3A_1741 = tpu.vector_load %arg5[%get3A_1740] {strides = array<i32>} : memref<6400xi32, #tpu.memory_space<vmem>>, vector<16xi32>,
      %get3A_1742 = vector.shape_cast %get3A_1741 : vector<16xi32> to vector<16xi32>
      %and3A_1743 = arith.constant 3 : i32
      %and3A_1744 = vector.broadcast %and3A_1743 : i32 to vector<16xi32>
      %and3A_1745 = arith.andi %get3A_1742, %and3A_1744 : vector<16xi32>
      %mul3A_1746 = arith.constant 32 : i32
      %mul3A_1747 = vector.broadcast %mul3A_1746 : i32 to vector<16xi32>
      %mul3A_1748 = arith.muli %and3A_1745, %mul3A_1747 : vector<16xi32>
      %slice3A_1749 = vector.extract_strided_slice %mul3A_1748 {offsets = [0], sizes = [1], strides = [1]} : vector<16xi32> to vector<1xi32>
      %squeeze3A_1750 = vector.extract %slice3A_1749[0] : i32 from vector<1xi32>
      %get3A_1751 = arith.constant 64 : i32
      %get3A_1752 = arith.index_cast %get3A_1751 : i32 to index
      %get3A_1753 = arith.index_cast %squeeze3A_1750 : i32 to index
      %get3A_1754 = tpu.vector_load %arg7[%get3A_1752, %get3A_1753] {strides = array<i32>} : memref<128x128xf32, #tpu.memory_space<vmem>>, vector<1x16xf32>,
      %get3A_1755 = vector.shape_cast %get3A_1754 : vector<1x16xf32> to vector<16xf32>
      %swap3A_1756 = arith.constant 16 : i32
      %swap3A_1757 = arith.index_cast %swap3A_1756 : i32 to index
      %swap3A_1758 = arith.constant 0 : index
      %swap3A_1759 = tpu.vector_load %arg8[%swap3A_1757, %swap3A_1758] {strides = array<i32>} : memref<32x128xf32, #tpu.memory_space<vmem>>, vector<1x16xf32>,
      %swap3A_1760 = vector.shape_cast %swap3A_1759 : vector<1x16xf32> to vector<16xf32>
      %swap3A_1761 = vector.shape_cast %get3A_1755 : vector<16xf32> to vector<1x16xf32>
      tpu.vector_store %arg8[%swap3A_1757, %swap3A_1758], %swap3A_1761 {strides = array<i32>} : memref<32x128xf32, #tpu.memory_space<vmem>>, vector<1x16xf32>,
      %add3A_1762 = arith.constant 16 : i32
      %add3A_1763 = arith.addi %squeeze3A_1750, %add3A_1762 : i32
      %get3A_1764 = arith.constant 64 : i32
      %get3A_1765 = arith.index_cast %get3A_1764 : i32 to index
      %get3A_1766 = arith.index_cast %add3A_1763 : i32 to index
      %get3A_1767 = tpu.vector_load %arg7[%get3A_1765, %get3A_1766] {strides = array<i32>} : memref<128x128xf32, #tpu.memory_space<vmem>>, vector<1x16xf32>,
      %get3A_1768 = vector.shape_cast %get3A_1767 : vector<1x16xf32> to vector<16xf32>
      %swap3A_1769 = arith.constant 16 : i32
      %swap3A_1770 = arith.index_cast %swap3A_1769 : i32 to index
      %swap3A_1771 = arith.constant 16 : index
      %swap3A_1772 = tpu.vector_load %arg8[%swap3A_1770, %swap3A_1771] {strides = array<i32>} : memref<32x128xf32, #tpu.memory_space<vmem>>, vector<1x16xf32>,
      %swap3A_1773 = vector.shape_cast %swap3A_1772 : vector<1x16xf32> to vector<16xf32>
      %swap3A_1774 = vector.shape_cast %get3A_1768 : vector<16xf32> to vector<1x16xf32>
      tpu.vector_store %arg8[%swap3A_1770, %swap3A_1771], %swap3A_1774 {strides = array<i32>} : memref<32x128xf32, #tpu.memory_space<vmem>>, vector<1x16xf32>,
      %slice3A_1775 = vector.extract_strided_slice %mul3A_1748 {offsets = [1], sizes = [1], strides = [1]} : vector<16xi32> to vector<1xi32>
      %squeeze3A_1776 = vector.extract %slice3A_1775[0] : i32 from vector<1xi32>
      %get3A_1777 = arith.constant 65 : i32
      %get3A_1778 = arith.index_cast %get3A_1777 : i32 to index
      %get3A_1779 = arith.index_cast %squeeze3A_1776 : i32 to index
      %get3A_1780 = tpu.vector_load %arg7[%get3A_1778, %get3A_1779] {strides = array<i32>} : memref<128x128xf32, #tpu.memory_space<vmem>>, vector<1x16xf32>,
      %get3A_1781 = vector.shape_cast %get3A_1780 : vector<1x16xf32> to vector<16xf32>
      %swap3A_1782 = arith.constant 16 : i32
      %swap3A_1783 = arith.index_cast %swap3A_1782 : i32 to index
      %swap3A_1784 = arith.constant 32 : index
      %swap3A_1785 = tpu.vector_load %arg8[%swap3A_1783, %swap3A_1784] {strides = array<i32>} : memref<32x128xf32, #tpu.memory_space<vmem>>, vector<1x16xf32>,
      %swap3A_1786 = vector.shape_cast %swap3A_1785 : vector<1x16xf32> to vector<16xf32>
      %swap3A_1787 = vector.shape_cast %get3A_1781 : vector<16xf32> to vector<1x16xf32>
      tpu.vector_store %arg8[%swap3A_1783, %swap3A_1784], %swap3A_1787 {strides = array<i32>} : memref<32x128xf32, #tpu.memory_space<vmem>>, vector<1x16xf32>,
      %add3A_1788 = arith.constant 16 : i32
      %add3A_1789 = arith.addi %squeeze3A_1776, %add3A_1788 : i32
      %get3A_1790 = arith.constant 65 : i32
      %get3A_1791 = arith.index_cast %get3A_1790 : i32 to index
      %get3A_1792 = arith.index_cast %add3A_1789 : i32 to index
      %get3A_1793 = tpu.vector_load %arg7[%get3A_1791, %get3A_1792] {strides = array<i32>} : memref<128x128xf32, #tpu.memory_space<vmem>>, vector<1x16xf32>,
      %get3A_1794 = vector.shape_cast %get3A_1793 : vector<1x16xf32> to vector<16xf32>
      %swap3A_1795 = arith.constant 16 : i32
      %swap3A_1796 = arith.index_cast %swap3A_1795 : i32 to index
      %swap3A_1797 = arith.constant 48 : index
      %swap3A_1798 = tpu.vector_load %arg8[%swap3A_1796, %swap3A_1797] {strides = array<i32>} : memref<32x128xf32, #tpu.memory_space<vmem>>, vector<1x16xf32>,
      %swap3A_1799 = vector.shape_cast %swap3A_1798 : vector<1x16xf32> to vector<16xf32>
      %swap3A_1800 = vector.shape_cast %get3A_1794 : vector<16xf32> to vector<1x16xf32>
      tpu.vector_store %arg8[%swap3A_1796, %swap3A_1797], %swap3A_1800 {strides = array<i32>} : memref<32x128xf32, #tpu.memory_space<vmem>>, vector<1x16xf32>,
      %slice3A_1801 = vector.extract_strided_slice %mul3A_1748 {offsets = [2], sizes = [1], strides = [1]} : vector<16xi32> to vector<1xi32>
      %squeeze3A_1802 = vector.extract %slice3A_1801[0] : i32 from vector<1xi32>
      %get3A_1803 = arith.constant 66 : i32
      %get3A_1804 = arith.index_cast %get3A_1803 : i32 to index
      %get3A_1805 = arith.index_cast %squeeze3A_1802 : i32 to index
      %get3A_1806 = tpu.vector_load %arg7[%get3A_1804, %get3A_1805] {strides = array<i32>} : memref<128x128xf32, #tpu.memory_space<vmem>>, vector<1x16xf32>,
      %get3A_1807 = vector.shape_cast %get3A_1806 : vector<1x16xf32> to vector<16xf32>
      %swap3A_1808 = arith.constant 16 : i32
      %swap3A_1809 = arith.index_cast %swap3A_1808 : i32 to index
      %swap3A_1810 = arith.constant 64 : index
      %swap3A_1811 = tpu.vector_load %arg8[%swap3A_1809, %swap3A_1810] {strides = array<i32>} : memref<32x128xf32, #tpu.memory_space<vmem>>, vector<1x16xf32>,
      %swap3A_1812 = vector.shape_cast %swap3A_1811 : vector<1x16xf32> to vector<16xf32>
      %swap3A_1813 = vector.shape_cast %get3A_1807 : vector<16xf32> to vector<1x16xf32>
      tpu.vector_store %arg8[%swap3A_1809, %swap3A_1810], %swap3A_1813 {strides = array<i32>} : memref<32x128xf32, #tpu.memory_space<vmem>>, vector<1x16xf32>,
      %add3A_1814 = arith.constant 16 : i32
      %add3A_1815 = arith.addi %squeeze3A_1802, %add3A_1814 : i32
      %get3A_1816 = arith.constant 66 : i32
      %get3A_1817 = arith.index_cast %get3A_1816 : i32 to index
      %get3A_1818 = arith.index_cast %add3A_1815 : i32 to index
      %get3A_1819 = tpu.vector_load %arg7[%get3A_1817, %get3A_1818] {strides = array<i32>} : memref<128x128xf32, #tpu.memory_space<vmem>>, vector<1x16xf32>,
      %get3A_1820 = vector.shape_cast %get3A_1819 : vector<1x16xf32> to vector<16xf32>
      %swap3A_1821 = arith.constant 16 : i32
      %swap3A_1822 = arith.index_cast %swap3A_1821 : i32 to index
      %swap3A_1823 = arith.constant 80 : index
      %swap3A_1824 = tpu.vector_load %arg8[%swap3A_1822, %swap3A_1823] {strides = array<i32>} : memref<32x128xf32, #tpu.memory_space<vmem>>, vector<1x16xf32>,
      %swap3A_1825 = vector.shape_cast %swap3A_1824 : vector<1x16xf32> to vector<16xf32>
      %swap3A_1826 = vector.shape_cast %get3A_1820 : vector<16xf32> to vector<1x16xf32>
      tpu.vector_store %arg8[%swap3A_1822, %swap3A_1823], %swap3A_1826 {strides = array<i32>} : memref<32x128xf32, #tpu.memory_space<vmem>>, vector<1x16xf32>,
      %slice3A_1827 = vector.extract_strided_slice %mul3A_1748 {offsets = [3], sizes = [1], strides = [1]} : vector<16xi32> to vector<1xi32>
      %squeeze3A_1828 = vector.extract %slice3A_1827[0] : i32 from vector<1xi32>
      %get3A_1829 = arith.constant 67 : i32
      %get3A_1830 = arith.index_cast %get3A_1829 : i32 to index
      %get3A_1831 = arith.index_cast %squeeze3A_1828 : i32 to index
      %get3A_1832 = tpu.vector_load %arg7[%get3A_1830, %get3A_1831] {strides = array<i32>} : memref<128x128xf32, #tpu.memory_space<vmem>>, vector<1x16xf32>,
      %get3A_1833 = vector.shape_cast %get3A_1832 : vector<1x16xf32> to vector<16xf32>
      %swap3A_1834 = arith.constant 16 : i32
      %swap3A_1835 = arith.index_cast %swap3A_1834 : i32 to index
      %swap3A_1836 = arith.constant 96 : index
      %swap3A_1837 = tpu.vector_load %arg8[%swap3A_1835, %swap3A_1836] {strides = array<i32>} : memref<32x128xf32, #tpu.memory_space<vmem>>, vector<1x16xf32>,
      %swap3A_1838 = vector.shape_cast %swap3A_1837 : vector<1x16xf32> to vector<16xf32>
      %swap3A_1839 = vector.shape_cast %get3A_1833 : vector<16xf32> to vector<1x16xf32>
      tpu.vector_store %arg8[%swap3A_1835, %swap3A_1836], %swap3A_1839 {strides = array<i32>} : memref<32x128xf32, #tpu.memory_space<vmem>>, vector<1x16xf32>,
      %add3A_1840 = arith.constant 16 : i32
      %add3A_1841 = arith.addi %squeeze3A_1828, %add3A_1840 : i32
      %get3A_1842 = arith.constant 67 : i32
      %get3A_1843 = arith.index_cast %get3A_1842 : i32 to index
      %get3A_1844 = arith.index_cast %add3A_1841 : i32 to index
      %get3A_1845 = tpu.vector_load %arg7[%get3A_1843, %get3A_1844] {strides = array<i32>} : memref<128x128xf32, #tpu.memory_space<vmem>>, vector<1x16xf32>,
      %get3A_1846 = vector.shape_cast %get3A_1845 : vector<1x16xf32> to vector<16xf32>
      %swap3A_1847 = arith.constant 16 : i32
      %swap3A_1848 = arith.index_cast %swap3A_1847 : i32 to index
      %swap3A_1849 = arith.constant 112 : index
      %swap3A_1850 = tpu.vector_load %arg8[%swap3A_1848, %swap3A_1849] {strides = array<i32>} : memref<32x128xf32, #tpu.memory_space<vmem>>, vector<1x16xf32>,
      %swap3A_1851 = vector.shape_cast %swap3A_1850 : vector<1x16xf32> to vector<16xf32>
      %swap3A_1852 = vector.shape_cast %get3A_1846 : vector<16xf32> to vector<1x16xf32>
      tpu.vector_store %arg8[%swap3A_1848, %swap3A_1849], %swap3A_1852 {strides = array<i32>} : memref<32x128xf32, #tpu.memory_space<vmem>>, vector<1x16xf32>,
      %slice3A_1853 = vector.extract_strided_slice %mul3A_1748 {offsets = [4], sizes = [1], strides = [1]} : vector<16xi32> to vector<1xi32>
      %squeeze3A_1854 = vector.extract %slice3A_1853[0] : i32 from vector<1xi32>
      %get3A_1855 = arith.constant 68 : i32
      %get3A_1856 = arith.index_cast %get3A_1855 : i32 to index
      %get3A_1857 = arith.index_cast %squeeze3A_1854 : i32 to index
      %get3A_1858 = tpu.vector_load %arg7[%get3A_1856, %get3A_1857] {strides = array<i32>} : memref<128x128xf32, #tpu.memory_space<vmem>>, vector<1x16xf32>,
      %get3A_1859 = vector.shape_cast %get3A_1858 : vector<1x16xf32> to vector<16xf32>
      %swap3A_1860 = arith.constant 17 : i32
      %swap3A_1861 = arith.index_cast %swap3A_1860 : i32 to index
      %swap3A_1862 = arith.constant 0 : index
      %swap3A_1863 = tpu.vector_load %arg8[%swap3A_1861, %swap3A_1862] {strides = array<i32>} : memref<32x128xf32, #tpu.memory_space<vmem>>, vector<1x16xf32>,
      %swap3A_1864 = vector.shape_cast %swap3A_1863 : vector<1x16xf32> to vector<16xf32>
      %swap3A_1865 = vector.shape_cast %get3A_1859 : vector<16xf32> to vector<1x16xf32>
      tpu.vector_store %arg8[%swap3A_1861, %swap3A_1862], %swap3A_1865 {strides = array<i32>} : memref<32x128xf32, #tpu.memory_space<vmem>>, vector<1x16xf32>,
      %add3A_1866 = arith.constant 16 : i32
      %add3A_1867 = arith.addi %squeeze3A_1854, %add3A_1866 : i32
      %get3A_1868 = arith.constant 68 : i32
      %get3A_1869 = arith.index_cast %get3A_1868 : i32 to index
      %get3A_1870 = arith.index_cast %add3A_1867 : i32 to index
      %get3A_1871 = tpu.vector_load %arg7[%get3A_1869, %get3A_1870] {strides = array<i32>} : memref<128x128xf32, #tpu.memory_space<vmem>>, vector<1x16xf32>,
      %get3A_1872 = vector.shape_cast %get3A_1871 : vector<1x16xf32> to vector<16xf32>
      %swap3A_1873 = arith.constant 17 : i32
      %swap3A_1874 = arith.index_cast %swap3A_1873 : i32 to index
      %swap3A_1875 = arith.constant 16 : index
      %swap3A_1876 = tpu.vector_load %arg8[%swap3A_1874, %swap3A_1875] {strides = array<i32>} : memref<32x128xf32, #tpu.memory_space<vmem>>, vector<1x16xf32>,
      %swap3A_1877 = vector.shape_cast %swap3A_1876 : vector<1x16xf32> to vector<16xf32>
      %swap3A_1878 = vector.shape_cast %get3A_1872 : vector<16xf32> to vector<1x16xf32>
      tpu.vector_store %arg8[%swap3A_1874, %swap3A_1875], %swap3A_1878 {strides = array<i32>} : memref<32x128xf32, #tpu.memory_space<vmem>>, vector<1x16xf32>,
      %slice3A_1879 = vector.extract_strided_slice %mul3A_1748 {offsets = [5], sizes = [1], strides = [1]} : vector<16xi32> to vector<1xi32>
      %squeeze3A_1880 = vector.extract %slice3A_1879[0] : i32 from vector<1xi32>
      %get3A_1881 = arith.constant 69 : i32
      %get3A_1882 = arith.index_cast %get3A_1881 : i32 to index
      %get3A_1883 = arith.index_cast %squeeze3A_1880 : i32 to index
      %get3A_1884 = tpu.vector_load %arg7[%get3A_1882, %get3A_1883] {strides = array<i32>} : memref<128x128xf32, #tpu.memory_space<vmem>>, vector<1x16xf32>,
      %get3A_1885 = vector.shape_cast %get3A_1884 : vector<1x16xf32> to vector<16xf32>
      %swap3A_1886 = arith.constant 17 : i32
      %swap3A_1887 = arith.index_cast %swap3A_1886 : i32 to index
      %swap3A_1888 = arith.constant 32 : index
      %swap3A_1889 = tpu.vector_load %arg8[%swap3A_1887, %swap3A_1888] {strides = array<i32>} : memref<32x128xf32, #tpu.memory_space<vmem>>, vector<1x16xf32>,
      %swap3A_1890 = vector.shape_cast %swap3A_1889 : vector<1x16xf32> to vector<16xf32>
      %swap3A_1891 = vector.shape_cast %get3A_1885 : vector<16xf32> to vector<1x16xf32>
      tpu.vector_store %arg8[%swap3A_1887, %swap3A_1888], %swap3A_1891 {strides = array<i32>} : memref<32x128xf32, #tpu.memory_space<vmem>>, vector<1x16xf32>,
      %add3A_1892 = arith.constant 16 : i32
      %add3A_1893 = arith.addi %squeeze3A_1880, %add3A_1892 : i32
      %get3A_1894 = arith.constant 69 : i32
      %get3A_1895 = arith.index_cast %get3A_1894 : i32 to index
      %get3A_1896 = arith.index_cast %add3A_1893 : i32 to index
      %get3A_1897 = tpu.vector_load %arg7[%get3A_1895, %get3A_1896] {strides = array<i32>} : memref<128x128xf32, #tpu.memory_space<vmem>>, vector<1x16xf32>,
      %get3A_1898 = vector.shape_cast %get3A_1897 : vector<1x16xf32> to vector<16xf32>
      %swap3A_1899 = arith.constant 17 : i32
      %swap3A_1900 = arith.index_cast %swap3A_1899 : i32 to index
      %swap3A_1901 = arith.constant 48 : index
      %swap3A_1902 = tpu.vector_load %arg8[%swap3A_1900, %swap3A_1901] {strides = array<i32>} : memref<32x128xf32, #tpu.memory_space<vmem>>, vector<1x16xf32>,
      %swap3A_1903 = vector.shape_cast %swap3A_1902 : vector<1x16xf32> to vector<16xf32>
      %swap3A_1904 = vector.shape_cast %get3A_1898 : vector<16xf32> to vector<1x16xf32>
      tpu.vector_store %arg8[%swap3A_1900, %swap3A_1901], %swap3A_1904 {strides = array<i32>} : memref<32x128xf32, #tpu.memory_space<vmem>>, vector<1x16xf32>,
      %slice3A_1905 = vector.extract_strided_slice %mul3A_1748 {offsets = [6], sizes = [1], strides = [1]} : vector<16xi32> to vector<1xi32>
      %squeeze3A_1906 = vector.extract %slice3A_1905[0] : i32 from vector<1xi32>
      %get3A_1907 = arith.constant 70 : i32
      %get3A_1908 = arith.index_cast %get3A_1907 : i32 to index
      %get3A_1909 = arith.index_cast %squeeze3A_1906 : i32 to index
      %get3A_1910 = tpu.vector_load %arg7[%get3A_1908, %get3A_1909] {strides = array<i32>} : memref<128x128xf32, #tpu.memory_space<vmem>>, vector<1x16xf32>,
      %get3A_1911 = vector.shape_cast %get3A_1910 : vector<1x16xf32> to vector<16xf32>
      %swap3A_1912 = arith.constant 17 : i32
      %swap3A_1913 = arith.index_cast %swap3A_1912 : i32 to index
      %swap3A_1914 = arith.constant 64 : index
      %swap3A_1915 = tpu.vector_load %arg8[%swap3A_1913, %swap3A_1914] {strides = array<i32>} : memref<32x128xf32, #tpu.memory_space<vmem>>, vector<1x16xf32>,
      %swap3A_1916 = vector.shape_cast %swap3A_1915 : vector<1x16xf32> to vector<16xf32>
      %swap3A_1917 = vector.shape_cast %get3A_1911 : vector<16xf32> to vector<1x16xf32>
      tpu.vector_store %arg8[%swap3A_1913, %swap3A_1914], %swap3A_1917 {strides = array<i32>} : memref<32x128xf32, #tpu.memory_space<vmem>>, vector<1x16xf32>,
      %add3A_1918 = arith.constant 16 : i32
      %add3A_1919 = arith.addi %squeeze3A_1906, %add3A_1918 : i32
      %get3A_1920 = arith.constant 70 : i32
      %get3A_1921 = arith.index_cast %get3A_1920 : i32 to index
      %get3A_1922 = arith.index_cast %add3A_1919 : i32 to index
      %get3A_1923 = tpu.vector_load %arg7[%get3A_1921, %get3A_1922] {strides = array<i32>} : memref<128x128xf32, #tpu.memory_space<vmem>>, vector<1x16xf32>,
      %get3A_1924 = vector.shape_cast %get3A_1923 : vector<1x16xf32> to vector<16xf32>
      %swap3A_1925 = arith.constant 17 : i32
      %swap3A_1926 = arith.index_cast %swap3A_1925 : i32 to index
      %swap3A_1927 = arith.constant 80 : index
      %swap3A_1928 = tpu.vector_load %arg8[%swap3A_1926, %swap3A_1927] {strides = array<i32>} : memref<32x128xf32, #tpu.memory_space<vmem>>, vector<1x16xf32>,
      %swap3A_1929 = vector.shape_cast %swap3A_1928 : vector<1x16xf32> to vector<16xf32>
      %swap3A_1930 = vector.shape_cast %get3A_1924 : vector<16xf32> to vector<1x16xf32>
      tpu.vector_store %arg8[%swap3A_1926, %swap3A_1927], %swap3A_1930 {strides = array<i32>} : memref<32x128xf32, #tpu.memory_space<vmem>>, vector<1x16xf32>,
      %slice3A_1931 = vector.extract_strided_slice %mul3A_1748 {offsets = [7], sizes = [1], strides = [1]} : vector<16xi32> to vector<1xi32>
      %squeeze3A_1932 = vector.extract %slice3A_1931[0] : i32 from vector<1xi32>
      %get3A_1933 = arith.constant 71 : i32
      %get3A_1934 = arith.index_cast %get3A_1933 : i32 to index
      %get3A_1935 = arith.index_cast %squeeze3A_1932 : i32 to index
      %get3A_1936 = tpu.vector_load %arg7[%get3A_1934, %get3A_1935] {strides = array<i32>} : memref<128x128xf32, #tpu.memory_space<vmem>>, vector<1x16xf32>,
      %get3A_1937 = vector.shape_cast %get3A_1936 : vector<1x16xf32> to vector<16xf32>
      %swap3A_1938 = arith.constant 17 : i32
      %swap3A_1939 = arith.index_cast %swap3A_1938 : i32 to index
      %swap3A_1940 = arith.constant 96 : index
      %swap3A_1941 = tpu.vector_load %arg8[%swap3A_1939, %swap3A_1940] {strides = array<i32>} : memref<32x128xf32, #tpu.memory_space<vmem>>, vector<1x16xf32>,
      %swap3A_1942 = vector.shape_cast %swap3A_1941 : vector<1x16xf32> to vector<16xf32>
      %swap3A_1943 = vector.shape_cast %get3A_1937 : vector<16xf32> to vector<1x16xf32>
      tpu.vector_store %arg8[%swap3A_1939, %swap3A_1940], %swap3A_1943 {strides = array<i32>} : memref<32x128xf32, #tpu.memory_space<vmem>>, vector<1x16xf32>,
      %add3A_1944 = arith.constant 16 : i32
      %add3A_1945 = arith.addi %squeeze3A_1932, %add3A_1944 : i32
      %get3A_1946 = arith.constant 71 : i32
      %get3A_1947 = arith.index_cast %get3A_1946 : i32 to index
      %get3A_1948 = arith.index_cast %add3A_1945 : i32 to index
      %get3A_1949 = tpu.vector_load %arg7[%get3A_1947, %get3A_1948] {strides = array<i32>} : memref<128x128xf32, #tpu.memory_space<vmem>>, vector<1x16xf32>,
      %get3A_1950 = vector.shape_cast %get3A_1949 : vector<1x16xf32> to vector<16xf32>
      %swap3A_1951 = arith.constant 17 : i32
      %swap3A_1952 = arith.index_cast %swap3A_1951 : i32 to index
      %swap3A_1953 = arith.constant 112 : index
      %swap3A_1954 = tpu.vector_load %arg8[%swap3A_1952, %swap3A_1953] {strides = array<i32>} : memref<32x128xf32, #tpu.memory_space<vmem>>, vector<1x16xf32>,
      %swap3A_1955 = vector.shape_cast %swap3A_1954 : vector<1x16xf32> to vector<16xf32>
      %swap3A_1956 = vector.shape_cast %get3A_1950 : vector<16xf32> to vector<1x16xf32>
      tpu.vector_store %arg8[%swap3A_1952, %swap3A_1953], %swap3A_1956 {strides = array<i32>} : memref<32x128xf32, #tpu.memory_space<vmem>>, vector<1x16xf32>,
      %slice3A_1957 = vector.extract_strided_slice %mul3A_1748 {offsets = [8], sizes = [1], strides = [1]} : vector<16xi32> to vector<1xi32>
      %squeeze3A_1958 = vector.extract %slice3A_1957[0] : i32 from vector<1xi32>
      %get3A_1959 = arith.constant 72 : i32
      %get3A_1960 = arith.index_cast %get3A_1959 : i32 to index
      %get3A_1961 = arith.index_cast %squeeze3A_1958 : i32 to index
      %get3A_1962 = tpu.vector_load %arg7[%get3A_1960, %get3A_1961] {strides = array<i32>} : memref<128x128xf32, #tpu.memory_space<vmem>>, vector<1x16xf32>,
      %get3A_1963 = vector.shape_cast %get3A_1962 : vector<1x16xf32> to vector<16xf32>
      %swap3A_1964 = arith.constant 18 : i32
      %swap3A_1965 = arith.index_cast %swap3A_1964 : i32 to index
      %swap3A_1966 = arith.constant 0 : index
      %swap3A_1967 = tpu.vector_load %arg8[%swap3A_1965, %swap3A_1966] {strides = array<i32>} : memref<32x128xf32, #tpu.memory_space<vmem>>, vector<1x16xf32>,
      %swap3A_1968 = vector.shape_cast %swap3A_1967 : vector<1x16xf32> to vector<16xf32>
      %swap3A_1969 = vector.shape_cast %get3A_1963 : vector<16xf32> to vector<1x16xf32>
      tpu.vector_store %arg8[%swap3A_1965, %swap3A_1966], %swap3A_1969 {strides = array<i32>} : memref<32x128xf32, #tpu.memory_space<vmem>>, vector<1x16xf32>,
      %add3A_1970 = arith.constant 16 : i32
      %add3A_1971 = arith.addi %squeeze3A_1958, %add3A_1970 : i32
      %get3A_1972 = arith.constant 72 : i32
      %get3A_1973 = arith.index_cast %get3A_1972 : i32 to index
      %get3A_1974 = arith.index_cast %add3A_1971 : i32 to index
      %get3A_1975 = tpu.vector_load %arg7[%get3A_1973, %get3A_1974] {strides = array<i32>} : memref<128x128xf32, #tpu.memory_space<vmem>>, vector<1x16xf32>,
      %get3A_1976 = vector.shape_cast %get3A_1975 : vector<1x16xf32> to vector<16xf32>
      %swap3A_1977 = arith.constant 18 : i32
      %swap3A_1978 = arith.index_cast %swap3A_1977 : i32 to index
      %swap3A_1979 = arith.constant 16 : index
      %swap3A_1980 = tpu.vector_load %arg8[%swap3A_1978, %swap3A_1979] {strides = array<i32>} : memref<32x128xf32, #tpu.memory_space<vmem>>, vector<1x16xf32>,
      %swap3A_1981 = vector.shape_cast %swap3A_1980 : vector<1x16xf32> to vector<16xf32>
      %swap3A_1982 = vector.shape_cast %get3A_1976 : vector<16xf32> to vector<1x16xf32>
      tpu.vector_store %arg8[%swap3A_1978, %swap3A_1979], %swap3A_1982 {strides = array<i32>} : memref<32x128xf32, #tpu.memory_space<vmem>>, vector<1x16xf32>,
      %slice3A_1983 = vector.extract_strided_slice %mul3A_1748 {offsets = [9], sizes = [1], strides = [1]} : vector<16xi32> to vector<1xi32>
      %squeeze3A_1984 = vector.extract %slice3A_1983[0] : i32 from vector<1xi32>
      %get3A_1985 = arith.constant 73 : i32
      %get3A_1986 = arith.index_cast %get3A_1985 : i32 to index
      %get3A_1987 = arith.index_cast %squeeze3A_1984 : i32 to index
      %get3A_1988 = tpu.vector_load %arg7[%get3A_1986, %get3A_1987] {strides = array<i32>} : memref<128x128xf32, #tpu.memory_space<vmem>>, vector<1x16xf32>,
      %get3A_1989 = vector.shape_cast %get3A_1988 : vector<1x16xf32> to vector<16xf32>
      %swap3A_1990 = arith.constant 18 : i32
      %swap3A_1991 = arith.index_cast %swap3A_1990 : i32 to index
      %swap3A_1992 = arith.constant 32 : index
      %swap3A_1993 = tpu.vector_load %arg8[%swap3A_1991, %swap3A_1992] {strides = array<i32>} : memref<32x128xf32, #tpu.memory_space<vmem>>, vector<1x16xf32>,
      %swap3A_1994 = vector.shape_cast %swap3A_1993 : vector<1x16xf32> to vector<16xf32>
      %swap3A_1995 = vector.shape_cast %get3A_1989 : vector<16xf32> to vector<1x16xf32>
      tpu.vector_store %arg8[%swap3A_1991, %swap3A_1992], %swap3A_1995 {strides = array<i32>} : memref<32x128xf32, #tpu.memory_space<vmem>>, vector<1x16xf32>,
      %add3A_1996 = arith.constant 16 : i32
      %add3A_1997 = arith.addi %squeeze3A_1984, %add3A_1996 : i32
      %get3A_1998 = arith.constant 73 : i32
      %get3A_1999 = arith.index_cast %get3A_1998 : i32 to index
      %get3A_2000 = arith.index_cast %add3A_1997 : i32 to index
      %get3A_2001 = tpu.vector_load %arg7[%get3A_1999, %get3A_2000] {strides = array<i32>} : memref<128x128xf32, #tpu.memory_space<vmem>>, vector<1x16xf32>,
      %get3A_2002 = vector.shape_cast %get3A_2001 : vector<1x16xf32> to vector<16xf32>
      %swap3A_2003 = arith.constant 18 : i32
      %swap3A_2004 = arith.index_cast %swap3A_2003 : i32 to index
      %swap3A_2005 = arith.constant 48 : index
      %swap3A_2006 = tpu.vector_load %arg8[%swap3A_2004, %swap3A_2005] {strides = array<i32>} : memref<32x128xf32, #tpu.memory_space<vmem>>, vector<1x16xf32>,
      %swap3A_2007 = vector.shape_cast %swap3A_2006 : vector<1x16xf32> to vector<16xf32>
      %swap3A_2008 = vector.shape_cast %get3A_2002 : vector<16xf32> to vector<1x16xf32>
      tpu.vector_store %arg8[%swap3A_2004, %swap3A_2005], %swap3A_2008 {strides = array<i32>} : memref<32x128xf32, #tpu.memory_space<vmem>>, vector<1x16xf32>,
      %slice3A_2009 = vector.extract_strided_slice %mul3A_1748 {offsets = [10], sizes = [1], strides = [1]} : vector<16xi32> to vector<1xi32>
      %squeeze3A_2010 = vector.extract %slice3A_2009[0] : i32 from vector<1xi32>
      %get3A_2011 = arith.constant 74 : i32
      %get3A_2012 = arith.index_cast %get3A_2011 : i32 to index
      %get3A_2013 = arith.index_cast %squeeze3A_2010 : i32 to index
      %get3A_2014 = tpu.vector_load %arg7[%get3A_2012, %get3A_2013] {strides = array<i32>} : memref<128x128xf32, #tpu.memory_space<vmem>>, vector<1x16xf32>,
      %get3A_2015 = vector.shape_cast %get3A_2014 : vector<1x16xf32> to vector<16xf32>
      %swap3A_2016 = arith.constant 18 : i32
      %swap3A_2017 = arith.index_cast %swap3A_2016 : i32 to index
      %swap3A_2018 = arith.constant 64 : index
      %swap3A_2019 = tpu.vector_load %arg8[%swap3A_2017, %swap3A_2018] {strides = array<i32>} : memref<32x128xf32, #tpu.memory_space<vmem>>, vector<1x16xf32>,
      %swap3A_2020 = vector.shape_cast %swap3A_2019 : vector<1x16xf32> to vector<16xf32>
      %swap3A_2021 = vector.shape_cast %get3A_2015 : vector<16xf32> to vector<1x16xf32>
      tpu.vector_store %arg8[%swap3A_2017, %swap3A_2018], %swap3A_2021 {strides = array<i32>} : memref<32x128xf32, #tpu.memory_space<vmem>>, vector<1x16xf32>,
      %add3A_2022 = arith.constant 16 : i32
      %add3A_2023 = arith.addi %squeeze3A_2010, %add3A_2022 : i32
      %get3A_2024 = arith.constant 74 : i32
      %get3A_2025 = arith.index_cast %get3A_2024 : i32 to index
      %get3A_2026 = arith.index_cast %add3A_2023 : i32 to index
      %get3A_2027 = tpu.vector_load %arg7[%get3A_2025, %get3A_2026] {strides = array<i32>} : memref<128x128xf32, #tpu.memory_space<vmem>>, vector<1x16xf32>,
      %get3A_2028 = vector.shape_cast %get3A_2027 : vector<1x16xf32> to vector<16xf32>
      %swap3A_2029 = arith.constant 18 : i32
      %swap3A_2030 = arith.index_cast %swap3A_2029 : i32 to index
      %swap3A_2031 = arith.constant 80 : index
      %swap3A_2032 = tpu.vector_load %arg8[%swap3A_2030, %swap3A_2031] {strides = array<i32>} : memref<32x128xf32, #tpu.memory_space<vmem>>, vector<1x16xf32>,
      %swap3A_2033 = vector.shape_cast %swap3A_2032 : vector<1x16xf32> to vector<16xf32>
      %swap3A_2034 = vector.shape_cast %get3A_2028 : vector<16xf32> to vector<1x16xf32>
      tpu.vector_store %arg8[%swap3A_2030, %swap3A_2031], %swap3A_2034 {strides = array<i32>} : memref<32x128xf32, #tpu.memory_space<vmem>>, vector<1x16xf32>,
      %slice3A_2035 = vector.extract_strided_slice %mul3A_1748 {offsets = [11], sizes = [1], strides = [1]} : vector<16xi32> to vector<1xi32>
      %squeeze3A_2036 = vector.extract %slice3A_2035[0] : i32 from vector<1xi32>
      %get3A_2037 = arith.constant 75 : i32
      %get3A_2038 = arith.index_cast %get3A_2037 : i32 to index
      %get3A_2039 = arith.index_cast %squeeze3A_2036 : i32 to index
      %get3A_2040 = tpu.vector_load %arg7[%get3A_2038, %get3A_2039] {strides = array<i32>} : memref<128x128xf32, #tpu.memory_space<vmem>>, vector<1x16xf32>,
      %get3A_2041 = vector.shape_cast %get3A_2040 : vector<1x16xf32> to vector<16xf32>
      %swap3A_2042 = arith.constant 18 : i32
      %swap3A_2043 = arith.index_cast %swap3A_2042 : i32 to index
      %swap3A_2044 = arith.constant 96 : index
      %swap3A_2045 = tpu.vector_load %arg8[%swap3A_2043, %swap3A_2044] {strides = array<i32>} : memref<32x128xf32, #tpu.memory_space<vmem>>, vector<1x16xf32>,
      %swap3A_2046 = vector.shape_cast %swap3A_2045 : vector<1x16xf32> to vector<16xf32>
      %swap3A_2047 = vector.shape_cast %get3A_2041 : vector<16xf32> to vector<1x16xf32>
      tpu.vector_store %arg8[%swap3A_2043, %swap3A_2044], %swap3A_2047 {strides = array<i32>} : memref<32x128xf32, #tpu.memory_space<vmem>>, vector<1x16xf32>,
      %add3A_2048 = arith.constant 16 : i32
      %add3A_2049 = arith.addi %squeeze3A_2036, %add3A_2048 : i32
      %get3A_2050 = arith.constant 75 : i32
      %get3A_2051 = arith.index_cast %get3A_2050 : i32 to index
      %get3A_2052 = arith.index_cast %add3A_2049 : i32 to index
      %get3A_2053 = tpu.vector_load %arg7[%get3A_2051, %get3A_2052] {strides = array<i32>} : memref<128x128xf32, #tpu.memory_space<vmem>>, vector<1x16xf32>,
      %get3A_2054 = vector.shape_cast %get3A_2053 : vector<1x16xf32> to vector<16xf32>
      %swap3A_2055 = arith.constant 18 : i32
      %swap3A_2056 = arith.index_cast %swap3A_2055 : i32 to index
      %swap3A_2057 = arith.constant 112 : index
      %swap3A_2058 = tpu.vector_load %arg8[%swap3A_2056, %swap3A_2057] {strides = array<i32>} : memref<32x128xf32, #tpu.memory_space<vmem>>, vector<1x16xf32>,
      %swap3A_2059 = vector.shape_cast %swap3A_2058 : vector<1x16xf32> to vector<16xf32>
      %swap3A_2060 = vector.shape_cast %get3A_2054 : vector<16xf32> to vector<1x16xf32>
      tpu.vector_store %arg8[%swap3A_2056, %swap3A_2057], %swap3A_2060 {strides = array<i32>} : memref<32x128xf32, #tpu.memory_space<vmem>>, vector<1x16xf32>,
      %slice3A_2061 = vector.extract_strided_slice %mul3A_1748 {offsets = [12], sizes = [1], strides = [1]} : vector<16xi32> to vector<1xi32>
      %squeeze3A_2062 = vector.extract %slice3A_2061[0] : i32 from vector<1xi32>
      %get3A_2063 = arith.constant 76 : i32
      %get3A_2064 = arith.index_cast %get3A_2063 : i32 to index
      %get3A_2065 = arith.index_cast %squeeze3A_2062 : i32 to index
      %get3A_2066 = tpu.vector_load %arg7[%get3A_2064, %get3A_2065] {strides = array<i32>} : memref<128x128xf32, #tpu.memory_space<vmem>>, vector<1x16xf32>,
      %get3A_2067 = vector.shape_cast %get3A_2066 : vector<1x16xf32> to vector<16xf32>
      %swap3A_2068 = arith.constant 19 : i32
      %swap3A_2069 = arith.index_cast %swap3A_2068 : i32 to index
      %swap3A_2070 = arith.constant 0 : index
      %swap3A_2071 = tpu.vector_load %arg8[%swap3A_2069, %swap3A_2070] {strides = array<i32>} : memref<32x128xf32, #tpu.memory_space<vmem>>, vector<1x16xf32>,
      %swap3A_2072 = vector.shape_cast %swap3A_2071 : vector<1x16xf32> to vector<16xf32>
      %swap3A_2073 = vector.shape_cast %get3A_2067 : vector<16xf32> to vector<1x16xf32>
      tpu.vector_store %arg8[%swap3A_2069, %swap3A_2070], %swap3A_2073 {strides = array<i32>} : memref<32x128xf32, #tpu.memory_space<vmem>>, vector<1x16xf32>,
      %add3A_2074 = arith.constant 16 : i32
      %add3A_2075 = arith.addi %squeeze3A_2062, %add3A_2074 : i32
      %get3A_2076 = arith.constant 76 : i32
      %get3A_2077 = arith.index_cast %get3A_2076 : i32 to index
      %get3A_2078 = arith.index_cast %add3A_2075 : i32 to index
      %get3A_2079 = tpu.vector_load %arg7[%get3A_2077, %get3A_2078] {strides = array<i32>} : memref<128x128xf32, #tpu.memory_space<vmem>>, vector<1x16xf32>,
      %get3A_2080 = vector.shape_cast %get3A_2079 : vector<1x16xf32> to vector<16xf32>
      %swap3A_2081 = arith.constant 19 : i32
      %swap3A_2082 = arith.index_cast %swap3A_2081 : i32 to index
      %swap3A_2083 = arith.constant 16 : index
      %swap3A_2084 = tpu.vector_load %arg8[%swap3A_2082, %swap3A_2083] {strides = array<i32>} : memref<32x128xf32, #tpu.memory_space<vmem>>, vector<1x16xf32>,
      %swap3A_2085 = vector.shape_cast %swap3A_2084 : vector<1x16xf32> to vector<16xf32>
      %swap3A_2086 = vector.shape_cast %get3A_2080 : vector<16xf32> to vector<1x16xf32>
      tpu.vector_store %arg8[%swap3A_2082, %swap3A_2083], %swap3A_2086 {strides = array<i32>} : memref<32x128xf32, #tpu.memory_space<vmem>>, vector<1x16xf32>,
      %slice3A_2087 = vector.extract_strided_slice %mul3A_1748 {offsets = [13], sizes = [1], strides = [1]} : vector<16xi32> to vector<1xi32>
      %squeeze3A_2088 = vector.extract %slice3A_2087[0] : i32 from vector<1xi32>
      %get3A_2089 = arith.constant 77 : i32
      %get3A_2090 = arith.index_cast %get3A_2089 : i32 to index
      %get3A_2091 = arith.index_cast %squeeze3A_2088 : i32 to index
      %get3A_2092 = tpu.vector_load %arg7[%get3A_2090, %get3A_2091] {strides = array<i32>} : memref<128x128xf32, #tpu.memory_space<vmem>>, vector<1x16xf32>,
      %get3A_2093 = vector.shape_cast %get3A_2092 : vector<1x16xf32> to vector<16xf32>
      %swap3A_2094 = arith.constant 19 : i32
      %swap3A_2095 = arith.index_cast %swap3A_2094 : i32 to index
      %swap3A_2096 = arith.constant 32 : index
      %swap3A_2097 = tpu.vector_load %arg8[%swap3A_2095, %swap3A_2096] {strides = array<i32>} : memref<32x128xf32, #tpu.memory_space<vmem>>, vector<1x16xf32>,
      %swap3A_2098 = vector.shape_cast %swap3A_2097 : vector<1x16xf32> to vector<16xf32>
      %swap3A_2099 = vector.shape_cast %get3A_2093 : vector<16xf32> to vector<1x16xf32>
      tpu.vector_store %arg8[%swap3A_2095, %swap3A_2096], %swap3A_2099 {strides = array<i32>} : memref<32x128xf32, #tpu.memory_space<vmem>>, vector<1x16xf32>,
      %add3A_2100 = arith.constant 16 : i32
      %add3A_2101 = arith.addi %squeeze3A_2088, %add3A_2100 : i32
      %get3A_2102 = arith.constant 77 : i32
      %get3A_2103 = arith.index_cast %get3A_2102 : i32 to index
      %get3A_2104 = arith.index_cast %add3A_2101 : i32 to index
      %get3A_2105 = tpu.vector_load %arg7[%get3A_2103, %get3A_2104] {strides = array<i32>} : memref<128x128xf32, #tpu.memory_space<vmem>>, vector<1x16xf32>,
      %get3A_2106 = vector.shape_cast %get3A_2105 : vector<1x16xf32> to vector<16xf32>
      %swap3A_2107 = arith.constant 19 : i32
      %swap3A_2108 = arith.index_cast %swap3A_2107 : i32 to index
      %swap3A_2109 = arith.constant 48 : index
      %swap3A_2110 = tpu.vector_load %arg8[%swap3A_2108, %swap3A_2109] {strides = array<i32>} : memref<32x128xf32, #tpu.memory_space<vmem>>, vector<1x16xf32>,
      %swap3A_2111 = vector.shape_cast %swap3A_2110 : vector<1x16xf32> to vector<16xf32>
      %swap3A_2112 = vector.shape_cast %get3A_2106 : vector<16xf32> to vector<1x16xf32>
      tpu.vector_store %arg8[%swap3A_2108, %swap3A_2109], %swap3A_2112 {strides = array<i32>} : memref<32x128xf32, #tpu.memory_space<vmem>>, vector<1x16xf32>,
      %slice3A_2113 = vector.extract_strided_slice %mul3A_1748 {offsets = [14], sizes = [1], strides = [1]} : vector<16xi32> to vector<1xi32>
      %squeeze3A_2114 = vector.extract %slice3A_2113[0] : i32 from vector<1xi32>
      %get3A_2115 = arith.constant 78 : i32
      %get3A_2116 = arith.index_cast %get3A_2115 : i32 to index
      %get3A_2117 = arith.index_cast %squeeze3A_2114 : i32 to index
      %get3A_2118 = tpu.vector_load %arg7[%get3A_2116, %get3A_2117] {strides = array<i32>} : memref<128x128xf32, #tpu.memory_space<vmem>>, vector<1x16xf32>,
      %get3A_2119 = vector.shape_cast %get3A_2118 : vector<1x16xf32> to vector<16xf32>
      %swap3A_2120 = arith.constant 19 : i32
      %swap3A_2121 = arith.index_cast %swap3A_2120 : i32 to index
      %swap3A_2122 = arith.constant 64 : index
      %swap3A_2123 = tpu.vector_load %arg8[%swap3A_2121, %swap3A_2122] {strides = array<i32>} : memref<32x128xf32, #tpu.memory_space<vmem>>, vector<1x16xf32>,
      %swap3A_2124 = vector.shape_cast %swap3A_2123 : vector<1x16xf32> to vector<16xf32>
      %swap3A_2125 = vector.shape_cast %get3A_2119 : vector<16xf32> to vector<1x16xf32>
      tpu.vector_store %arg8[%swap3A_2121, %swap3A_2122], %swap3A_2125 {strides = array<i32>} : memref<32x128xf32, #tpu.memory_space<vmem>>, vector<1x16xf32>,
      %add3A_2126 = arith.constant 16 : i32
      %add3A_2127 = arith.addi %squeeze3A_2114, %add3A_2126 : i32
      %get3A_2128 = arith.constant 78 : i32
      %get3A_2129 = arith.index_cast %get3A_2128 : i32 to index
      %get3A_2130 = arith.index_cast %add3A_2127 : i32 to index
      %get3A_2131 = tpu.vector_load %arg7[%get3A_2129, %get3A_2130] {strides = array<i32>} : memref<128x128xf32, #tpu.memory_space<vmem>>, vector<1x16xf32>,
      %get3A_2132 = vector.shape_cast %get3A_2131 : vector<1x16xf32> to vector<16xf32>
      %swap3A_2133 = arith.constant 19 : i32
      %swap3A_2134 = arith.index_cast %swap3A_2133 : i32 to index
      %swap3A_2135 = arith.constant 80 : index
      %swap3A_2136 = tpu.vector_load %arg8[%swap3A_2134, %swap3A_2135] {strides = array<i32>} : memref<32x128xf32, #tpu.memory_space<vmem>>, vector<1x16xf32>,
      %swap3A_2137 = vector.shape_cast %swap3A_2136 : vector<1x16xf32> to vector<16xf32>
      %swap3A_2138 = vector.shape_cast %get3A_2132 : vector<16xf32> to vector<1x16xf32>
      tpu.vector_store %arg8[%swap3A_2134, %swap3A_2135], %swap3A_2138 {strides = array<i32>} : memref<32x128xf32, #tpu.memory_space<vmem>>, vector<1x16xf32>,
      %slice3A_2139 = vector.extract_strided_slice %mul3A_1748 {offsets = [15], sizes = [1], strides = [1]} : vector<16xi32> to vector<1xi32>
      %squeeze3A_2140 = vector.extract %slice3A_2139[0] : i32 from vector<1xi32>
      %get3A_2141 = arith.constant 79 : i32
      %get3A_2142 = arith.index_cast %get3A_2141 : i32 to index
      %get3A_2143 = arith.index_cast %squeeze3A_2140 : i32 to index
      %get3A_2144 = tpu.vector_load %arg7[%get3A_2142, %get3A_2143] {strides = array<i32>} : memref<128x128xf32, #tpu.memory_space<vmem>>, vector<1x16xf32>,
      %get3A_2145 = vector.shape_cast %get3A_2144 : vector<1x16xf32> to vector<16xf32>
      %swap3A_2146 = arith.constant 19 : i32
      %swap3A_2147 = arith.index_cast %swap3A_2146 : i32 to index
      %swap3A_2148 = arith.constant 96 : index
      %swap3A_2149 = tpu.vector_load %arg8[%swap3A_2147, %swap3A_2148] {strides = array<i32>} : memref<32x128xf32, #tpu.memory_space<vmem>>, vector<1x16xf32>,
      %swap3A_2150 = vector.shape_cast %swap3A_2149 : vector<1x16xf32> to vector<16xf32>
      %swap3A_2151 = vector.shape_cast %get3A_2145 : vector<16xf32> to vector<1x16xf32>
      tpu.vector_store %arg8[%swap3A_2147, %swap3A_2148], %swap3A_2151 {strides = array<i32>} : memref<32x128xf32, #tpu.memory_space<vmem>>, vector<1x16xf32>,
      %add3A_2152 = arith.constant 16 : i32
      %add3A_2153 = arith.addi %squeeze3A_2140, %add3A_2152 : i32
      %get3A_2154 = arith.constant 79 : i32
      %get3A_2155 = arith.index_cast %get3A_2154 : i32 to index
      %get3A_2156 = arith.index_cast %add3A_2153 : i32 to index
      %get3A_2157 = tpu.vector_load %arg7[%get3A_2155, %get3A_2156] {strides = array<i32>} : memref<128x128xf32, #tpu.memory_space<vmem>>, vector<1x16xf32>,
      %get3A_2158 = vector.shape_cast %get3A_2157 : vector<1x16xf32> to vector<16xf32>
      %swap3A_2159 = arith.constant 19 : i32
      %swap3A_2160 = arith.index_cast %swap3A_2159 : i32 to index
      %swap3A_2161 = arith.constant 112 : index
      %swap3A_2162 = tpu.vector_load %arg8[%swap3A_2160, %swap3A_2161] {strides = array<i32>} : memref<32x128xf32, #tpu.memory_space<vmem>>, vector<1x16xf32>,
      %swap3A_2163 = vector.shape_cast %swap3A_2162 : vector<1x16xf32> to vector<16xf32>
      %swap3A_2164 = vector.shape_cast %get3A_2158 : vector<16xf32> to vector<1x16xf32>
      tpu.vector_store %arg8[%swap3A_2160, %swap3A_2161], %swap3A_2164 {strides = array<i32>} : memref<32x128xf32, #tpu.memory_space<vmem>>, vector<1x16xf32>,
      %mul3A_2165 = arith.constant 128 : i32
      %mul3A_2166 = arith.muli %scan3A_16, %mul3A_2165 : i32
      %add3A_2167 = arith.constant 80 : i32
      %add3A_2168 = arith.addi %mul3A_2166, %add3A_2167 : i32
      %get3A_2169 = arith.index_cast %add3A_2168 : i32 to index
      %get3A_2170 = tpu.vector_load %arg5[%get3A_2169] {strides = array<i32>} : memref<6400xi32, #tpu.memory_space<vmem>>, vector<16xi32>,
      %get3A_2171 = vector.shape_cast %get3A_2170 : vector<16xi32> to vector<16xi32>
      %and3A_2172 = arith.constant 3 : i32
      %and3A_2173 = vector.broadcast %and3A_2172 : i32 to vector<16xi32>
      %and3A_2174 = arith.andi %get3A_2171, %and3A_2173 : vector<16xi32>
      %mul3A_2175 = arith.constant 32 : i32
      %mul3A_2176 = vector.broadcast %mul3A_2175 : i32 to vector<16xi32>
      %mul3A_2177 = arith.muli %and3A_2174, %mul3A_2176 : vector<16xi32>
      %slice3A_2178 = vector.extract_strided_slice %mul3A_2177 {offsets = [0], sizes = [1], strides = [1]} : vector<16xi32> to vector<1xi32>
      %squeeze3A_2179 = vector.extract %slice3A_2178[0] : i32 from vector<1xi32>
      %get3A_2180 = arith.constant 80 : i32
      %get3A_2181 = arith.index_cast %get3A_2180 : i32 to index
      %get3A_2182 = arith.index_cast %squeeze3A_2179 : i32 to index
      %get3A_2183 = tpu.vector_load %arg7[%get3A_2181, %get3A_2182] {strides = array<i32>} : memref<128x128xf32, #tpu.memory_space<vmem>>, vector<1x16xf32>,
      %get3A_2184 = vector.shape_cast %get3A_2183 : vector<1x16xf32> to vector<16xf32>
      %swap3A_2185 = arith.constant 20 : i32
      %swap3A_2186 = arith.index_cast %swap3A_2185 : i32 to index
      %swap3A_2187 = arith.constant 0 : index
      %swap3A_2188 = tpu.vector_load %arg8[%swap3A_2186, %swap3A_2187] {strides = array<i32>} : memref<32x128xf32, #tpu.memory_space<vmem>>, vector<1x16xf32>,
      %swap3A_2189 = vector.shape_cast %swap3A_2188 : vector<1x16xf32> to vector<16xf32>
      %swap3A_2190 = vector.shape_cast %get3A_2184 : vector<16xf32> to vector<1x16xf32>
      tpu.vector_store %arg8[%swap3A_2186, %swap3A_2187], %swap3A_2190 {strides = array<i32>} : memref<32x128xf32, #tpu.memory_space<vmem>>, vector<1x16xf32>,
      %add3A_2191 = arith.constant 16 : i32
      %add3A_2192 = arith.addi %squeeze3A_2179, %add3A_2191 : i32
      %get3A_2193 = arith.constant 80 : i32
      %get3A_2194 = arith.index_cast %get3A_2193 : i32 to index
      %get3A_2195 = arith.index_cast %add3A_2192 : i32 to index
      %get3A_2196 = tpu.vector_load %arg7[%get3A_2194, %get3A_2195] {strides = array<i32>} : memref<128x128xf32, #tpu.memory_space<vmem>>, vector<1x16xf32>,
      %get3A_2197 = vector.shape_cast %get3A_2196 : vector<1x16xf32> to vector<16xf32>
      %swap3A_2198 = arith.constant 20 : i32
      %swap3A_2199 = arith.index_cast %swap3A_2198 : i32 to index
      %swap3A_2200 = arith.constant 16 : index
      %swap3A_2201 = tpu.vector_load %arg8[%swap3A_2199, %swap3A_2200] {strides = array<i32>} : memref<32x128xf32, #tpu.memory_space<vmem>>, vector<1x16xf32>,
      %swap3A_2202 = vector.shape_cast %swap3A_2201 : vector<1x16xf32> to vector<16xf32>
      %swap3A_2203 = vector.shape_cast %get3A_2197 : vector<16xf32> to vector<1x16xf32>
      tpu.vector_store %arg8[%swap3A_2199, %swap3A_2200], %swap3A_2203 {strides = array<i32>} : memref<32x128xf32, #tpu.memory_space<vmem>>, vector<1x16xf32>,
      %slice3A_2204 = vector.extract_strided_slice %mul3A_2177 {offsets = [1], sizes = [1], strides = [1]} : vector<16xi32> to vector<1xi32>
      %squeeze3A_2205 = vector.extract %slice3A_2204[0] : i32 from vector<1xi32>
      %get3A_2206 = arith.constant 81 : i32
      %get3A_2207 = arith.index_cast %get3A_2206 : i32 to index
      %get3A_2208 = arith.index_cast %squeeze3A_2205 : i32 to index
      %get3A_2209 = tpu.vector_load %arg7[%get3A_2207, %get3A_2208] {strides = array<i32>} : memref<128x128xf32, #tpu.memory_space<vmem>>, vector<1x16xf32>,
      %get3A_2210 = vector.shape_cast %get3A_2209 : vector<1x16xf32> to vector<16xf32>
      %swap3A_2211 = arith.constant 20 : i32
      %swap3A_2212 = arith.index_cast %swap3A_2211 : i32 to index
      %swap3A_2213 = arith.constant 32 : index
      %swap3A_2214 = tpu.vector_load %arg8[%swap3A_2212, %swap3A_2213] {strides = array<i32>} : memref<32x128xf32, #tpu.memory_space<vmem>>, vector<1x16xf32>,
      %swap3A_2215 = vector.shape_cast %swap3A_2214 : vector<1x16xf32> to vector<16xf32>
      %swap3A_2216 = vector.shape_cast %get3A_2210 : vector<16xf32> to vector<1x16xf32>
      tpu.vector_store %arg8[%swap3A_2212, %swap3A_2213], %swap3A_2216 {strides = array<i32>} : memref<32x128xf32, #tpu.memory_space<vmem>>, vector<1x16xf32>,
      %add3A_2217 = arith.constant 16 : i32
      %add3A_2218 = arith.addi %squeeze3A_2205, %add3A_2217 : i32
      %get3A_2219 = arith.constant 81 : i32
      %get3A_2220 = arith.index_cast %get3A_2219 : i32 to index
      %get3A_2221 = arith.index_cast %add3A_2218 : i32 to index
      %get3A_2222 = tpu.vector_load %arg7[%get3A_2220, %get3A_2221] {strides = array<i32>} : memref<128x128xf32, #tpu.memory_space<vmem>>, vector<1x16xf32>,
      %get3A_2223 = vector.shape_cast %get3A_2222 : vector<1x16xf32> to vector<16xf32>
      %swap3A_2224 = arith.constant 20 : i32
      %swap3A_2225 = arith.index_cast %swap3A_2224 : i32 to index
      %swap3A_2226 = arith.constant 48 : index
      %swap3A_2227 = tpu.vector_load %arg8[%swap3A_2225, %swap3A_2226] {strides = array<i32>} : memref<32x128xf32, #tpu.memory_space<vmem>>, vector<1x16xf32>,
      %swap3A_2228 = vector.shape_cast %swap3A_2227 : vector<1x16xf32> to vector<16xf32>
      %swap3A_2229 = vector.shape_cast %get3A_2223 : vector<16xf32> to vector<1x16xf32>
      tpu.vector_store %arg8[%swap3A_2225, %swap3A_2226], %swap3A_2229 {strides = array<i32>} : memref<32x128xf32, #tpu.memory_space<vmem>>, vector<1x16xf32>,
      %slice3A_2230 = vector.extract_strided_slice %mul3A_2177 {offsets = [2], sizes = [1], strides = [1]} : vector<16xi32> to vector<1xi32>
      %squeeze3A_2231 = vector.extract %slice3A_2230[0] : i32 from vector<1xi32>
      %get3A_2232 = arith.constant 82 : i32
      %get3A_2233 = arith.index_cast %get3A_2232 : i32 to index
      %get3A_2234 = arith.index_cast %squeeze3A_2231 : i32 to index
      %get3A_2235 = tpu.vector_load %arg7[%get3A_2233, %get3A_2234] {strides = array<i32>} : memref<128x128xf32, #tpu.memory_space<vmem>>, vector<1x16xf32>,
      %get3A_2236 = vector.shape_cast %get3A_2235 : vector<1x16xf32> to vector<16xf32>
      %swap3A_2237 = arith.constant 20 : i32
      %swap3A_2238 = arith.index_cast %swap3A_2237 : i32 to index
      %swap3A_2239 = arith.constant 64 : index
      %swap3A_2240 = tpu.vector_load %arg8[%swap3A_2238, %swap3A_2239] {strides = array<i32>} : memref<32x128xf32, #tpu.memory_space<vmem>>, vector<1x16xf32>,
      %swap3A_2241 = vector.shape_cast %swap3A_2240 : vector<1x16xf32> to vector<16xf32>
      %swap3A_2242 = vector.shape_cast %get3A_2236 : vector<16xf32> to vector<1x16xf32>
      tpu.vector_store %arg8[%swap3A_2238, %swap3A_2239], %swap3A_2242 {strides = array<i32>} : memref<32x128xf32, #tpu.memory_space<vmem>>, vector<1x16xf32>,
      %add3A_2243 = arith.constant 16 : i32
      %add3A_2244 = arith.addi %squeeze3A_2231, %add3A_2243 : i32
      %get3A_2245 = arith.constant 82 : i32
      %get3A_2246 = arith.index_cast %get3A_2245 : i32 to index
      %get3A_2247 = arith.index_cast %add3A_2244 : i32 to index
      %get3A_2248 = tpu.vector_load %arg7[%get3A_2246, %get3A_2247] {strides = array<i32>} : memref<128x128xf32, #tpu.memory_space<vmem>>, vector<1x16xf32>,
      %get3A_2249 = vector.shape_cast %get3A_2248 : vector<1x16xf32> to vector<16xf32>
      %swap3A_2250 = arith.constant 20 : i32
      %swap3A_2251 = arith.index_cast %swap3A_2250 : i32 to index
      %swap3A_2252 = arith.constant 80 : index
      %swap3A_2253 = tpu.vector_load %arg8[%swap3A_2251, %swap3A_2252] {strides = array<i32>} : memref<32x128xf32, #tpu.memory_space<vmem>>, vector<1x16xf32>,
      %swap3A_2254 = vector.shape_cast %swap3A_2253 : vector<1x16xf32> to vector<16xf32>
      %swap3A_2255 = vector.shape_cast %get3A_2249 : vector<16xf32> to vector<1x16xf32>
      tpu.vector_store %arg8[%swap3A_2251, %swap3A_2252], %swap3A_2255 {strides = array<i32>} : memref<32x128xf32, #tpu.memory_space<vmem>>, vector<1x16xf32>,
      %slice3A_2256 = vector.extract_strided_slice %mul3A_2177 {offsets = [3], sizes = [1], strides = [1]} : vector<16xi32> to vector<1xi32>
      %squeeze3A_2257 = vector.extract %slice3A_2256[0] : i32 from vector<1xi32>
      %get3A_2258 = arith.constant 83 : i32
      %get3A_2259 = arith.index_cast %get3A_2258 : i32 to index
      %get3A_2260 = arith.index_cast %squeeze3A_2257 : i32 to index
      %get3A_2261 = tpu.vector_load %arg7[%get3A_2259, %get3A_2260] {strides = array<i32>} : memref<128x128xf32, #tpu.memory_space<vmem>>, vector<1x16xf32>,
      %get3A_2262 = vector.shape_cast %get3A_2261 : vector<1x16xf32> to vector<16xf32>
      %swap3A_2263 = arith.constant 20 : i32
      %swap3A_2264 = arith.index_cast %swap3A_2263 : i32 to index
      %swap3A_2265 = arith.constant 96 : index
      %swap3A_2266 = tpu.vector_load %arg8[%swap3A_2264, %swap3A_2265] {strides = array<i32>} : memref<32x128xf32, #tpu.memory_space<vmem>>, vector<1x16xf32>,
      %swap3A_2267 = vector.shape_cast %swap3A_2266 : vector<1x16xf32> to vector<16xf32>
      %swap3A_2268 = vector.shape_cast %get3A_2262 : vector<16xf32> to vector<1x16xf32>
      tpu.vector_store %arg8[%swap3A_2264, %swap3A_2265], %swap3A_2268 {strides = array<i32>} : memref<32x128xf32, #tpu.memory_space<vmem>>, vector<1x16xf32>,
      %add3A_2269 = arith.constant 16 : i32
      %add3A_2270 = arith.addi %squeeze3A_2257, %add3A_2269 : i32
      %get3A_2271 = arith.constant 83 : i32
      %get3A_2272 = arith.index_cast %get3A_2271 : i32 to index
      %get3A_2273 = arith.index_cast %add3A_2270 : i32 to index
      %get3A_2274 = tpu.vector_load %arg7[%get3A_2272, %get3A_2273] {strides = array<i32>} : memref<128x128xf32, #tpu.memory_space<vmem>>, vector<1x16xf32>,
      %get3A_2275 = vector.shape_cast %get3A_2274 : vector<1x16xf32> to vector<16xf32>
      %swap3A_2276 = arith.constant 20 : i32
      %swap3A_2277 = arith.index_cast %swap3A_2276 : i32 to index
      %swap3A_2278 = arith.constant 112 : index
      %swap3A_2279 = tpu.vector_load %arg8[%swap3A_2277, %swap3A_2278] {strides = array<i32>} : memref<32x128xf32, #tpu.memory_space<vmem>>, vector<1x16xf32>,
      %swap3A_2280 = vector.shape_cast %swap3A_2279 : vector<1x16xf32> to vector<16xf32>
      %swap3A_2281 = vector.shape_cast %get3A_2275 : vector<16xf32> to vector<1x16xf32>
      tpu.vector_store %arg8[%swap3A_2277, %swap3A_2278], %swap3A_2281 {strides = array<i32>} : memref<32x128xf32, #tpu.memory_space<vmem>>, vector<1x16xf32>,
      %slice3A_2282 = vector.extract_strided_slice %mul3A_2177 {offsets = [4], sizes = [1], strides = [1]} : vector<16xi32> to vector<1xi32>
      %squeeze3A_2283 = vector.extract %slice3A_2282[0] : i32 from vector<1xi32>
      %get3A_2284 = arith.constant 84 : i32
      %get3A_2285 = arith.index_cast %get3A_2284 : i32 to index
      %get3A_2286 = arith.index_cast %squeeze3A_2283 : i32 to index
      %get3A_2287 = tpu.vector_load %arg7[%get3A_2285, %get3A_2286] {strides = array<i32>} : memref<128x128xf32, #tpu.memory_space<vmem>>, vector<1x16xf32>,
      %get3A_2288 = vector.shape_cast %get3A_2287 : vector<1x16xf32> to vector<16xf32>
      %swap3A_2289 = arith.constant 21 : i32
      %swap3A_2290 = arith.index_cast %swap3A_2289 : i32 to index
      %swap3A_2291 = arith.constant 0 : index
      %swap3A_2292 = tpu.vector_load %arg8[%swap3A_2290, %swap3A_2291] {strides = array<i32>} : memref<32x128xf32, #tpu.memory_space<vmem>>, vector<1x16xf32>,
      %swap3A_2293 = vector.shape_cast %swap3A_2292 : vector<1x16xf32> to vector<16xf32>
      %swap3A_2294 = vector.shape_cast %get3A_2288 : vector<16xf32> to vector<1x16xf32>
      tpu.vector_store %arg8[%swap3A_2290, %swap3A_2291], %swap3A_2294 {strides = array<i32>} : memref<32x128xf32, #tpu.memory_space<vmem>>, vector<1x16xf32>,
      %add3A_2295 = arith.constant 16 : i32
      %add3A_2296 = arith.addi %squeeze3A_2283, %add3A_2295 : i32
      %get3A_2297 = arith.constant 84 : i32
      %get3A_2298 = arith.index_cast %get3A_2297 : i32 to index
      %get3A_2299 = arith.index_cast %add3A_2296 : i32 to index
      %get3A_2300 = tpu.vector_load %arg7[%get3A_2298, %get3A_2299] {strides = array<i32>} : memref<128x128xf32, #tpu.memory_space<vmem>>, vector<1x16xf32>,
      %get3A_2301 = vector.shape_cast %get3A_2300 : vector<1x16xf32> to vector<16xf32>
      %swap3A_2302 = arith.constant 21 : i32
      %swap3A_2303 = arith.index_cast %swap3A_2302 : i32 to index
      %swap3A_2304 = arith.constant 16 : index
      %swap3A_2305 = tpu.vector_load %arg8[%swap3A_2303, %swap3A_2304] {strides = array<i32>} : memref<32x128xf32, #tpu.memory_space<vmem>>, vector<1x16xf32>,
      %swap3A_2306 = vector.shape_cast %swap3A_2305 : vector<1x16xf32> to vector<16xf32>
      %swap3A_2307 = vector.shape_cast %get3A_2301 : vector<16xf32> to vector<1x16xf32>
      tpu.vector_store %arg8[%swap3A_2303, %swap3A_2304], %swap3A_2307 {strides = array<i32>} : memref<32x128xf32, #tpu.memory_space<vmem>>, vector<1x16xf32>,
      %slice3A_2308 = vector.extract_strided_slice %mul3A_2177 {offsets = [5], sizes = [1], strides = [1]} : vector<16xi32> to vector<1xi32>
      %squeeze3A_2309 = vector.extract %slice3A_2308[0] : i32 from vector<1xi32>
      %get3A_2310 = arith.constant 85 : i32
      %get3A_2311 = arith.index_cast %get3A_2310 : i32 to index
      %get3A_2312 = arith.index_cast %squeeze3A_2309 : i32 to index
      %get3A_2313 = tpu.vector_load %arg7[%get3A_2311, %get3A_2312] {strides = array<i32>} : memref<128x128xf32, #tpu.memory_space<vmem>>, vector<1x16xf32>,
      %get3A_2314 = vector.shape_cast %get3A_2313 : vector<1x16xf32> to vector<16xf32>
      %swap3A_2315 = arith.constant 21 : i32
      %swap3A_2316 = arith.index_cast %swap3A_2315 : i32 to index
      %swap3A_2317 = arith.constant 32 : index
      %swap3A_2318 = tpu.vector_load %arg8[%swap3A_2316, %swap3A_2317] {strides = array<i32>} : memref<32x128xf32, #tpu.memory_space<vmem>>, vector<1x16xf32>,
      %swap3A_2319 = vector.shape_cast %swap3A_2318 : vector<1x16xf32> to vector<16xf32>
      %swap3A_2320 = vector.shape_cast %get3A_2314 : vector<16xf32> to vector<1x16xf32>
      tpu.vector_store %arg8[%swap3A_2316, %swap3A_2317], %swap3A_2320 {strides = array<i32>} : memref<32x128xf32, #tpu.memory_space<vmem>>, vector<1x16xf32>,
      %add3A_2321 = arith.constant 16 : i32
      %add3A_2322 = arith.addi %squeeze3A_2309, %add3A_2321 : i32
      %get3A_2323 = arith.constant 85 : i32
      %get3A_2324 = arith.index_cast %get3A_2323 : i32 to index
      %get3A_2325 = arith.index_cast %add3A_2322 : i32 to index
      %get3A_2326 = tpu.vector_load %arg7[%get3A_2324, %get3A_2325] {strides = array<i32>} : memref<128x128xf32, #tpu.memory_space<vmem>>, vector<1x16xf32>,
      %get3A_2327 = vector.shape_cast %get3A_2326 : vector<1x16xf32> to vector<16xf32>
      %swap3A_2328 = arith.constant 21 : i32
      %swap3A_2329 = arith.index_cast %swap3A_2328 : i32 to index
      %swap3A_2330 = arith.constant 48 : index
      %swap3A_2331 = tpu.vector_load %arg8[%swap3A_2329, %swap3A_2330] {strides = array<i32>} : memref<32x128xf32, #tpu.memory_space<vmem>>, vector<1x16xf32>,
      %swap3A_2332 = vector.shape_cast %swap3A_2331 : vector<1x16xf32> to vector<16xf32>
      %swap3A_2333 = vector.shape_cast %get3A_2327 : vector<16xf32> to vector<1x16xf32>
      tpu.vector_store %arg8[%swap3A_2329, %swap3A_2330], %swap3A_2333 {strides = array<i32>} : memref<32x128xf32, #tpu.memory_space<vmem>>, vector<1x16xf32>,
      %slice3A_2334 = vector.extract_strided_slice %mul3A_2177 {offsets = [6], sizes = [1], strides = [1]} : vector<16xi32> to vector<1xi32>
      %squeeze3A_2335 = vector.extract %slice3A_2334[0] : i32 from vector<1xi32>
      %get3A_2336 = arith.constant 86 : i32
      %get3A_2337 = arith.index_cast %get3A_2336 : i32 to index
      %get3A_2338 = arith.index_cast %squeeze3A_2335 : i32 to index
      %get3A_2339 = tpu.vector_load %arg7[%get3A_2337, %get3A_2338] {strides = array<i32>} : memref<128x128xf32, #tpu.memory_space<vmem>>, vector<1x16xf32>,
      %get3A_2340 = vector.shape_cast %get3A_2339 : vector<1x16xf32> to vector<16xf32>
      %swap3A_2341 = arith.constant 21 : i32
      %swap3A_2342 = arith.index_cast %swap3A_2341 : i32 to index
      %swap3A_2343 = arith.constant 64 : index
      %swap3A_2344 = tpu.vector_load %arg8[%swap3A_2342, %swap3A_2343] {strides = array<i32>} : memref<32x128xf32, #tpu.memory_space<vmem>>, vector<1x16xf32>,
      %swap3A_2345 = vector.shape_cast %swap3A_2344 : vector<1x16xf32> to vector<16xf32>
      %swap3A_2346 = vector.shape_cast %get3A_2340 : vector<16xf32> to vector<1x16xf32>
      tpu.vector_store %arg8[%swap3A_2342, %swap3A_2343], %swap3A_2346 {strides = array<i32>} : memref<32x128xf32, #tpu.memory_space<vmem>>, vector<1x16xf32>,
      %add3A_2347 = arith.constant 16 : i32
      %add3A_2348 = arith.addi %squeeze3A_2335, %add3A_2347 : i32
      %get3A_2349 = arith.constant 86 : i32
      %get3A_2350 = arith.index_cast %get3A_2349 : i32 to index
      %get3A_2351 = arith.index_cast %add3A_2348 : i32 to index
      %get3A_2352 = tpu.vector_load %arg7[%get3A_2350, %get3A_2351] {strides = array<i32>} : memref<128x128xf32, #tpu.memory_space<vmem>>, vector<1x16xf32>,
      %get3A_2353 = vector.shape_cast %get3A_2352 : vector<1x16xf32> to vector<16xf32>
      %swap3A_2354 = arith.constant 21 : i32
      %swap3A_2355 = arith.index_cast %swap3A_2354 : i32 to index
      %swap3A_2356 = arith.constant 80 : index
      %swap3A_2357 = tpu.vector_load %arg8[%swap3A_2355, %swap3A_2356] {strides = array<i32>} : memref<32x128xf32, #tpu.memory_space<vmem>>, vector<1x16xf32>,
      %swap3A_2358 = vector.shape_cast %swap3A_2357 : vector<1x16xf32> to vector<16xf32>
      %swap3A_2359 = vector.shape_cast %get3A_2353 : vector<16xf32> to vector<1x16xf32>
      tpu.vector_store %arg8[%swap3A_2355, %swap3A_2356], %swap3A_2359 {strides = array<i32>} : memref<32x128xf32, #tpu.memory_space<vmem>>, vector<1x16xf32>,
      %slice3A_2360 = vector.extract_strided_slice %mul3A_2177 {offsets = [7], sizes = [1], strides = [1]} : vector<16xi32> to vector<1xi32>
      %squeeze3A_2361 = vector.extract %slice3A_2360[0] : i32 from vector<1xi32>
      %get3A_2362 = arith.constant 87 : i32
      %get3A_2363 = arith.index_cast %get3A_2362 : i32 to index
      %get3A_2364 = arith.index_cast %squeeze3A_2361 : i32 to index
      %get3A_2365 = tpu.vector_load %arg7[%get3A_2363, %get3A_2364] {strides = array<i32>} : memref<128x128xf32, #tpu.memory_space<vmem>>, vector<1x16xf32>,
      %get3A_2366 = vector.shape_cast %get3A_2365 : vector<1x16xf32> to vector<16xf32>
      %swap3A_2367 = arith.constant 21 : i32
      %swap3A_2368 = arith.index_cast %swap3A_2367 : i32 to index
      %swap3A_2369 = arith.constant 96 : index
      %swap3A_2370 = tpu.vector_load %arg8[%swap3A_2368, %swap3A_2369] {strides = array<i32>} : memref<32x128xf32, #tpu.memory_space<vmem>>, vector<1x16xf32>,
      %swap3A_2371 = vector.shape_cast %swap3A_2370 : vector<1x16xf32> to vector<16xf32>
      %swap3A_2372 = vector.shape_cast %get3A_2366 : vector<16xf32> to vector<1x16xf32>
      tpu.vector_store %arg8[%swap3A_2368, %swap3A_2369], %swap3A_2372 {strides = array<i32>} : memref<32x128xf32, #tpu.memory_space<vmem>>, vector<1x16xf32>,
      %add3A_2373 = arith.constant 16 : i32
      %add3A_2374 = arith.addi %squeeze3A_2361, %add3A_2373 : i32
      %get3A_2375 = arith.constant 87 : i32
      %get3A_2376 = arith.index_cast %get3A_2375 : i32 to index
      %get3A_2377 = arith.index_cast %add3A_2374 : i32 to index
      %get3A_2378 = tpu.vector_load %arg7[%get3A_2376, %get3A_2377] {strides = array<i32>} : memref<128x128xf32, #tpu.memory_space<vmem>>, vector<1x16xf32>,
      %get3A_2379 = vector.shape_cast %get3A_2378 : vector<1x16xf32> to vector<16xf32>
      %swap3A_2380 = arith.constant 21 : i32
      %swap3A_2381 = arith.index_cast %swap3A_2380 : i32 to index
      %swap3A_2382 = arith.constant 112 : index
      %swap3A_2383 = tpu.vector_load %arg8[%swap3A_2381, %swap3A_2382] {strides = array<i32>} : memref<32x128xf32, #tpu.memory_space<vmem>>, vector<1x16xf32>,
      %swap3A_2384 = vector.shape_cast %swap3A_2383 : vector<1x16xf32> to vector<16xf32>
      %swap3A_2385 = vector.shape_cast %get3A_2379 : vector<16xf32> to vector<1x16xf32>
      tpu.vector_store %arg8[%swap3A_2381, %swap3A_2382], %swap3A_2385 {strides = array<i32>} : memref<32x128xf32, #tpu.memory_space<vmem>>, vector<1x16xf32>,
      %slice3A_2386 = vector.extract_strided_slice %mul3A_2177 {offsets = [8], sizes = [1], strides = [1]} : vector<16xi32> to vector<1xi32>
      %squeeze3A_2387 = vector.extract %slice3A_2386[0] : i32 from vector<1xi32>
      %get3A_2388 = arith.constant 88 : i32
      %get3A_2389 = arith.index_cast %get3A_2388 : i32 to index
      %get3A_2390 = arith.index_cast %squeeze3A_2387 : i32 to index
      %get3A_2391 = tpu.vector_load %arg7[%get3A_2389, %get3A_2390] {strides = array<i32>} : memref<128x128xf32, #tpu.memory_space<vmem>>, vector<1x16xf32>,
      %get3A_2392 = vector.shape_cast %get3A_2391 : vector<1x16xf32> to vector<16xf32>
      %swap3A_2393 = arith.constant 22 : i32
      %swap3A_2394 = arith.index_cast %swap3A_2393 : i32 to index
      %swap3A_2395 = arith.constant 0 : index
      %swap3A_2396 = tpu.vector_load %arg8[%swap3A_2394, %swap3A_2395] {strides = array<i32>} : memref<32x128xf32, #tpu.memory_space<vmem>>, vector<1x16xf32>,
      %swap3A_2397 = vector.shape_cast %swap3A_2396 : vector<1x16xf32> to vector<16xf32>
      %swap3A_2398 = vector.shape_cast %get3A_2392 : vector<16xf32> to vector<1x16xf32>
      tpu.vector_store %arg8[%swap3A_2394, %swap3A_2395], %swap3A_2398 {strides = array<i32>} : memref<32x128xf32, #tpu.memory_space<vmem>>, vector<1x16xf32>,
      %add3A_2399 = arith.constant 16 : i32
      %add3A_2400 = arith.addi %squeeze3A_2387, %add3A_2399 : i32
      %get3A_2401 = arith.constant 88 : i32
      %get3A_2402 = arith.index_cast %get3A_2401 : i32 to index
      %get3A_2403 = arith.index_cast %add3A_2400 : i32 to index
      %get3A_2404 = tpu.vector_load %arg7[%get3A_2402, %get3A_2403] {strides = array<i32>} : memref<128x128xf32, #tpu.memory_space<vmem>>, vector<1x16xf32>,
      %get3A_2405 = vector.shape_cast %get3A_2404 : vector<1x16xf32> to vector<16xf32>
      %swap3A_2406 = arith.constant 22 : i32
      %swap3A_2407 = arith.index_cast %swap3A_2406 : i32 to index
      %swap3A_2408 = arith.constant 16 : index
      %swap3A_2409 = tpu.vector_load %arg8[%swap3A_2407, %swap3A_2408] {strides = array<i32>} : memref<32x128xf32, #tpu.memory_space<vmem>>, vector<1x16xf32>,
      %swap3A_2410 = vector.shape_cast %swap3A_2409 : vector<1x16xf32> to vector<16xf32>
      %swap3A_2411 = vector.shape_cast %get3A_2405 : vector<16xf32> to vector<1x16xf32>
      tpu.vector_store %arg8[%swap3A_2407, %swap3A_2408], %swap3A_2411 {strides = array<i32>} : memref<32x128xf32, #tpu.memory_space<vmem>>, vector<1x16xf32>,
      %slice3A_2412 = vector.extract_strided_slice %mul3A_2177 {offsets = [9], sizes = [1], strides = [1]} : vector<16xi32> to vector<1xi32>
      %squeeze3A_2413 = vector.extract %slice3A_2412[0] : i32 from vector<1xi32>
      %get3A_2414 = arith.constant 89 : i32
      %get3A_2415 = arith.index_cast %get3A_2414 : i32 to index
      %get3A_2416 = arith.index_cast %squeeze3A_2413 : i32 to index
      %get3A_2417 = tpu.vector_load %arg7[%get3A_2415, %get3A_2416] {strides = array<i32>} : memref<128x128xf32, #tpu.memory_space<vmem>>, vector<1x16xf32>,
      %get3A_2418 = vector.shape_cast %get3A_2417 : vector<1x16xf32> to vector<16xf32>
      %swap3A_2419 = arith.constant 22 : i32
      %swap3A_2420 = arith.index_cast %swap3A_2419 : i32 to index
      %swap3A_2421 = arith.constant 32 : index
      %swap3A_2422 = tpu.vector_load %arg8[%swap3A_2420, %swap3A_2421] {strides = array<i32>} : memref<32x128xf32, #tpu.memory_space<vmem>>, vector<1x16xf32>,
      %swap3A_2423 = vector.shape_cast %swap3A_2422 : vector<1x16xf32> to vector<16xf32>
      %swap3A_2424 = vector.shape_cast %get3A_2418 : vector<16xf32> to vector<1x16xf32>
      tpu.vector_store %arg8[%swap3A_2420, %swap3A_2421], %swap3A_2424 {strides = array<i32>} : memref<32x128xf32, #tpu.memory_space<vmem>>, vector<1x16xf32>,
      %add3A_2425 = arith.constant 16 : i32
      %add3A_2426 = arith.addi %squeeze3A_2413, %add3A_2425 : i32
      %get3A_2427 = arith.constant 89 : i32
      %get3A_2428 = arith.index_cast %get3A_2427 : i32 to index
      %get3A_2429 = arith.index_cast %add3A_2426 : i32 to index
      %get3A_2430 = tpu.vector_load %arg7[%get3A_2428, %get3A_2429] {strides = array<i32>} : memref<128x128xf32, #tpu.memory_space<vmem>>, vector<1x16xf32>,
      %get3A_2431 = vector.shape_cast %get3A_2430 : vector<1x16xf32> to vector<16xf32>
      %swap3A_2432 = arith.constant 22 : i32
      %swap3A_2433 = arith.index_cast %swap3A_2432 : i32 to index
      %swap3A_2434 = arith.constant 48 : index
      %swap3A_2435 = tpu.vector_load %arg8[%swap3A_2433, %swap3A_2434] {strides = array<i32>} : memref<32x128xf32, #tpu.memory_space<vmem>>, vector<1x16xf32>,
      %swap3A_2436 = vector.shape_cast %swap3A_2435 : vector<1x16xf32> to vector<16xf32>
      %swap3A_2437 = vector.shape_cast %get3A_2431 : vector<16xf32> to vector<1x16xf32>
      tpu.vector_store %arg8[%swap3A_2433, %swap3A_2434], %swap3A_2437 {strides = array<i32>} : memref<32x128xf32, #tpu.memory_space<vmem>>, vector<1x16xf32>,
      %slice3A_2438 = vector.extract_strided_slice %mul3A_2177 {offsets = [10], sizes = [1], strides = [1]} : vector<16xi32> to vector<1xi32>
      %squeeze3A_2439 = vector.extract %slice3A_2438[0] : i32 from vector<1xi32>
      %get3A_2440 = arith.constant 90 : i32
      %get3A_2441 = arith.index_cast %get3A_2440 : i32 to index
      %get3A_2442 = arith.index_cast %squeeze3A_2439 : i32 to index
      %get3A_2443 = tpu.vector_load %arg7[%get3A_2441, %get3A_2442] {strides = array<i32>} : memref<128x128xf32, #tpu.memory_space<vmem>>, vector<1x16xf32>,
      %get3A_2444 = vector.shape_cast %get3A_2443 : vector<1x16xf32> to vector<16xf32>
      %swap3A_2445 = arith.constant 22 : i32
      %swap3A_2446 = arith.index_cast %swap3A_2445 : i32 to index
      %swap3A_2447 = arith.constant 64 : index
      %swap3A_2448 = tpu.vector_load %arg8[%swap3A_2446, %swap3A_2447] {strides = array<i32>} : memref<32x128xf32, #tpu.memory_space<vmem>>, vector<1x16xf32>,
      %swap3A_2449 = vector.shape_cast %swap3A_2448 : vector<1x16xf32> to vector<16xf32>
      %swap3A_2450 = vector.shape_cast %get3A_2444 : vector<16xf32> to vector<1x16xf32>
      tpu.vector_store %arg8[%swap3A_2446, %swap3A_2447], %swap3A_2450 {strides = array<i32>} : memref<32x128xf32, #tpu.memory_space<vmem>>, vector<1x16xf32>,
      %add3A_2451 = arith.constant 16 : i32
      %add3A_2452 = arith.addi %squeeze3A_2439, %add3A_2451 : i32
      %get3A_2453 = arith.constant 90 : i32
      %get3A_2454 = arith.index_cast %get3A_2453 : i32 to index
      %get3A_2455 = arith.index_cast %add3A_2452 : i32 to index
      %get3A_2456 = tpu.vector_load %arg7[%get3A_2454, %get3A_2455] {strides = array<i32>} : memref<128x128xf32, #tpu.memory_space<vmem>>, vector<1x16xf32>,
      %get3A_2457 = vector.shape_cast %get3A_2456 : vector<1x16xf32> to vector<16xf32>
      %swap3A_2458 = arith.constant 22 : i32
      %swap3A_2459 = arith.index_cast %swap3A_2458 : i32 to index
      %swap3A_2460 = arith.constant 80 : index
      %swap3A_2461 = tpu.vector_load %arg8[%swap3A_2459, %swap3A_2460] {strides = array<i32>} : memref<32x128xf32, #tpu.memory_space<vmem>>, vector<1x16xf32>,
      %swap3A_2462 = vector.shape_cast %swap3A_2461 : vector<1x16xf32> to vector<16xf32>
      %swap3A_2463 = vector.shape_cast %get3A_2457 : vector<16xf32> to vector<1x16xf32>
      tpu.vector_store %arg8[%swap3A_2459, %swap3A_2460], %swap3A_2463 {strides = array<i32>} : memref<32x128xf32, #tpu.memory_space<vmem>>, vector<1x16xf32>,
      %slice3A_2464 = vector.extract_strided_slice %mul3A_2177 {offsets = [11], sizes = [1], strides = [1]} : vector<16xi32> to vector<1xi32>
      %squeeze3A_2465 = vector.extract %slice3A_2464[0] : i32 from vector<1xi32>
      %get3A_2466 = arith.constant 91 : i32
      %get3A_2467 = arith.index_cast %get3A_2466 : i32 to index
      %get3A_2468 = arith.index_cast %squeeze3A_2465 : i32 to index
      %get3A_2469 = tpu.vector_load %arg7[%get3A_2467, %get3A_2468] {strides = array<i32>} : memref<128x128xf32, #tpu.memory_space<vmem>>, vector<1x16xf32>,
      %get3A_2470 = vector.shape_cast %get3A_2469 : vector<1x16xf32> to vector<16xf32>
      %swap3A_2471 = arith.constant 22 : i32
      %swap3A_2472 = arith.index_cast %swap3A_2471 : i32 to index
      %swap3A_2473 = arith.constant 96 : index
      %swap3A_2474 = tpu.vector_load %arg8[%swap3A_2472, %swap3A_2473] {strides = array<i32>} : memref<32x128xf32, #tpu.memory_space<vmem>>, vector<1x16xf32>,
      %swap3A_2475 = vector.shape_cast %swap3A_2474 : vector<1x16xf32> to vector<16xf32>
      %swap3A_2476 = vector.shape_cast %get3A_2470 : vector<16xf32> to vector<1x16xf32>
      tpu.vector_store %arg8[%swap3A_2472, %swap3A_2473], %swap3A_2476 {strides = array<i32>} : memref<32x128xf32, #tpu.memory_space<vmem>>, vector<1x16xf32>,
      %add3A_2477 = arith.constant 16 : i32
      %add3A_2478 = arith.addi %squeeze3A_2465, %add3A_2477 : i32
      %get3A_2479 = arith.constant 91 : i32
      %get3A_2480 = arith.index_cast %get3A_2479 : i32 to index
      %get3A_2481 = arith.index_cast %add3A_2478 : i32 to index
      %get3A_2482 = tpu.vector_load %arg7[%get3A_2480, %get3A_2481] {strides = array<i32>} : memref<128x128xf32, #tpu.memory_space<vmem>>, vector<1x16xf32>,
      %get3A_2483 = vector.shape_cast %get3A_2482 : vector<1x16xf32> to vector<16xf32>
      %swap3A_2484 = arith.constant 22 : i32
      %swap3A_2485 = arith.index_cast %swap3A_2484 : i32 to index
      %swap3A_2486 = arith.constant 112 : index
      %swap3A_2487 = tpu.vector_load %arg8[%swap3A_2485, %swap3A_2486] {strides = array<i32>} : memref<32x128xf32, #tpu.memory_space<vmem>>, vector<1x16xf32>,
      %swap3A_2488 = vector.shape_cast %swap3A_2487 : vector<1x16xf32> to vector<16xf32>
      %swap3A_2489 = vector.shape_cast %get3A_2483 : vector<16xf32> to vector<1x16xf32>
      tpu.vector_store %arg8[%swap3A_2485, %swap3A_2486], %swap3A_2489 {strides = array<i32>} : memref<32x128xf32, #tpu.memory_space<vmem>>, vector<1x16xf32>,
      %slice3A_2490 = vector.extract_strided_slice %mul3A_2177 {offsets = [12], sizes = [1], strides = [1]} : vector<16xi32> to vector<1xi32>
      %squeeze3A_2491 = vector.extract %slice3A_2490[0] : i32 from vector<1xi32>
      %get3A_2492 = arith.constant 92 : i32
      %get3A_2493 = arith.index_cast %get3A_2492 : i32 to index
      %get3A_2494 = arith.index_cast %squeeze3A_2491 : i32 to index
      %get3A_2495 = tpu.vector_load %arg7[%get3A_2493, %get3A_2494] {strides = array<i32>} : memref<128x128xf32, #tpu.memory_space<vmem>>, vector<1x16xf32>,
      %get3A_2496 = vector.shape_cast %get3A_2495 : vector<1x16xf32> to vector<16xf32>
      %swap3A_2497 = arith.constant 23 : i32
      %swap3A_2498 = arith.index_cast %swap3A_2497 : i32 to index
      %swap3A_2499 = arith.constant 0 : index
      %swap3A_2500 = tpu.vector_load %arg8[%swap3A_2498, %swap3A_2499] {strides = array<i32>} : memref<32x128xf32, #tpu.memory_space<vmem>>, vector<1x16xf32>,
      %swap3A_2501 = vector.shape_cast %swap3A_2500 : vector<1x16xf32> to vector<16xf32>
      %swap3A_2502 = vector.shape_cast %get3A_2496 : vector<16xf32> to vector<1x16xf32>
      tpu.vector_store %arg8[%swap3A_2498, %swap3A_2499], %swap3A_2502 {strides = array<i32>} : memref<32x128xf32, #tpu.memory_space<vmem>>, vector<1x16xf32>,
      %add3A_2503 = arith.constant 16 : i32
      %add3A_2504 = arith.addi %squeeze3A_2491, %add3A_2503 : i32
      %get3A_2505 = arith.constant 92 : i32
      %get3A_2506 = arith.index_cast %get3A_2505 : i32 to index
      %get3A_2507 = arith.index_cast %add3A_2504 : i32 to index
      %get3A_2508 = tpu.vector_load %arg7[%get3A_2506, %get3A_2507] {strides = array<i32>} : memref<128x128xf32, #tpu.memory_space<vmem>>, vector<1x16xf32>,
      %get3A_2509 = vector.shape_cast %get3A_2508 : vector<1x16xf32> to vector<16xf32>
      %swap3A_2510 = arith.constant 23 : i32
      %swap3A_2511 = arith.index_cast %swap3A_2510 : i32 to index
      %swap3A_2512 = arith.constant 16 : index
      %swap3A_2513 = tpu.vector_load %arg8[%swap3A_2511, %swap3A_2512] {strides = array<i32>} : memref<32x128xf32, #tpu.memory_space<vmem>>, vector<1x16xf32>,
      %swap3A_2514 = vector.shape_cast %swap3A_2513 : vector<1x16xf32> to vector<16xf32>
      %swap3A_2515 = vector.shape_cast %get3A_2509 : vector<16xf32> to vector<1x16xf32>
      tpu.vector_store %arg8[%swap3A_2511, %swap3A_2512], %swap3A_2515 {strides = array<i32>} : memref<32x128xf32, #tpu.memory_space<vmem>>, vector<1x16xf32>,
      %slice3A_2516 = vector.extract_strided_slice %mul3A_2177 {offsets = [13], sizes = [1], strides = [1]} : vector<16xi32> to vector<1xi32>
      %squeeze3A_2517 = vector.extract %slice3A_2516[0] : i32 from vector<1xi32>
      %get3A_2518 = arith.constant 93 : i32
      %get3A_2519 = arith.index_cast %get3A_2518 : i32 to index
      %get3A_2520 = arith.index_cast %squeeze3A_2517 : i32 to index
      %get3A_2521 = tpu.vector_load %arg7[%get3A_2519, %get3A_2520] {strides = array<i32>} : memref<128x128xf32, #tpu.memory_space<vmem>>, vector<1x16xf32>,
      %get3A_2522 = vector.shape_cast %get3A_2521 : vector<1x16xf32> to vector<16xf32>
      %swap3A_2523 = arith.constant 23 : i32
      %swap3A_2524 = arith.index_cast %swap3A_2523 : i32 to index
      %swap3A_2525 = arith.constant 32 : index
      %swap3A_2526 = tpu.vector_load %arg8[%swap3A_2524, %swap3A_2525] {strides = array<i32>} : memref<32x128xf32, #tpu.memory_space<vmem>>, vector<1x16xf32>,
      %swap3A_2527 = vector.shape_cast %swap3A_2526 : vector<1x16xf32> to vector<16xf32>
      %swap3A_2528 = vector.shape_cast %get3A_2522 : vector<16xf32> to vector<1x16xf32>
      tpu.vector_store %arg8[%swap3A_2524, %swap3A_2525], %swap3A_2528 {strides = array<i32>} : memref<32x128xf32, #tpu.memory_space<vmem>>, vector<1x16xf32>,
      %add3A_2529 = arith.constant 16 : i32
      %add3A_2530 = arith.addi %squeeze3A_2517, %add3A_2529 : i32
      %get3A_2531 = arith.constant 93 : i32
      %get3A_2532 = arith.index_cast %get3A_2531 : i32 to index
      %get3A_2533 = arith.index_cast %add3A_2530 : i32 to index
      %get3A_2534 = tpu.vector_load %arg7[%get3A_2532, %get3A_2533] {strides = array<i32>} : memref<128x128xf32, #tpu.memory_space<vmem>>, vector<1x16xf32>,
      %get3A_2535 = vector.shape_cast %get3A_2534 : vector<1x16xf32> to vector<16xf32>
      %swap3A_2536 = arith.constant 23 : i32
      %swap3A_2537 = arith.index_cast %swap3A_2536 : i32 to index
      %swap3A_2538 = arith.constant 48 : index
      %swap3A_2539 = tpu.vector_load %arg8[%swap3A_2537, %swap3A_2538] {strides = array<i32>} : memref<32x128xf32, #tpu.memory_space<vmem>>, vector<1x16xf32>,
      %swap3A_2540 = vector.shape_cast %swap3A_2539 : vector<1x16xf32> to vector<16xf32>
      %swap3A_2541 = vector.shape_cast %get3A_2535 : vector<16xf32> to vector<1x16xf32>
      tpu.vector_store %arg8[%swap3A_2537, %swap3A_2538], %swap3A_2541 {strides = array<i32>} : memref<32x128xf32, #tpu.memory_space<vmem>>, vector<1x16xf32>,
      %slice3A_2542 = vector.extract_strided_slice %mul3A_2177 {offsets = [14], sizes = [1], strides = [1]} : vector<16xi32> to vector<1xi32>
      %squeeze3A_2543 = vector.extract %slice3A_2542[0] : i32 from vector<1xi32>
      %get3A_2544 = arith.constant 94 : i32
      %get3A_2545 = arith.index_cast %get3A_2544 : i32 to index
      %get3A_2546 = arith.index_cast %squeeze3A_2543 : i32 to index
      %get3A_2547 = tpu.vector_load %arg7[%get3A_2545, %get3A_2546] {strides = array<i32>} : memref<128x128xf32, #tpu.memory_space<vmem>>, vector<1x16xf32>,
      %get3A_2548 = vector.shape_cast %get3A_2547 : vector<1x16xf32> to vector<16xf32>
      %swap3A_2549 = arith.constant 23 : i32
      %swap3A_2550 = arith.index_cast %swap3A_2549 : i32 to index
      %swap3A_2551 = arith.constant 64 : index
      %swap3A_2552 = tpu.vector_load %arg8[%swap3A_2550, %swap3A_2551] {strides = array<i32>} : memref<32x128xf32, #tpu.memory_space<vmem>>, vector<1x16xf32>,
      %swap3A_2553 = vector.shape_cast %swap3A_2552 : vector<1x16xf32> to vector<16xf32>
      %swap3A_2554 = vector.shape_cast %get3A_2548 : vector<16xf32> to vector<1x16xf32>
      tpu.vector_store %arg8[%swap3A_2550, %swap3A_2551], %swap3A_2554 {strides = array<i32>} : memref<32x128xf32, #tpu.memory_space<vmem>>, vector<1x16xf32>,
      %add3A_2555 = arith.constant 16 : i32
      %add3A_2556 = arith.addi %squeeze3A_2543, %add3A_2555 : i32
      %get3A_2557 = arith.constant 94 : i32
      %get3A_2558 = arith.index_cast %get3A_2557 : i32 to index
      %get3A_2559 = arith.index_cast %add3A_2556 : i32 to index
      %get3A_2560 = tpu.vector_load %arg7[%get3A_2558, %get3A_2559] {strides = array<i32>} : memref<128x128xf32, #tpu.memory_space<vmem>>, vector<1x16xf32>,
      %get3A_2561 = vector.shape_cast %get3A_2560 : vector<1x16xf32> to vector<16xf32>
      %swap3A_2562 = arith.constant 23 : i32
      %swap3A_2563 = arith.index_cast %swap3A_2562 : i32 to index
      %swap3A_2564 = arith.constant 80 : index
      %swap3A_2565 = tpu.vector_load %arg8[%swap3A_2563, %swap3A_2564] {strides = array<i32>} : memref<32x128xf32, #tpu.memory_space<vmem>>, vector<1x16xf32>,
      %swap3A_2566 = vector.shape_cast %swap3A_2565 : vector<1x16xf32> to vector<16xf32>
      %swap3A_2567 = vector.shape_cast %get3A_2561 : vector<16xf32> to vector<1x16xf32>
      tpu.vector_store %arg8[%swap3A_2563, %swap3A_2564], %swap3A_2567 {strides = array<i32>} : memref<32x128xf32, #tpu.memory_space<vmem>>, vector<1x16xf32>,
      %slice3A_2568 = vector.extract_strided_slice %mul3A_2177 {offsets = [15], sizes = [1], strides = [1]} : vector<16xi32> to vector<1xi32>
      %squeeze3A_2569 = vector.extract %slice3A_2568[0] : i32 from vector<1xi32>
      %get3A_2570 = arith.constant 95 : i32
      %get3A_2571 = arith.index_cast %get3A_2570 : i32 to index
      %get3A_2572 = arith.index_cast %squeeze3A_2569 : i32 to index
      %get3A_2573 = tpu.vector_load %arg7[%get3A_2571, %get3A_2572] {strides = array<i32>} : memref<128x128xf32, #tpu.memory_space<vmem>>, vector<1x16xf32>,
      %get3A_2574 = vector.shape_cast %get3A_2573 : vector<1x16xf32> to vector<16xf32>
      %swap3A_2575 = arith.constant 23 : i32
      %swap3A_2576 = arith.index_cast %swap3A_2575 : i32 to index
      %swap3A_2577 = arith.constant 96 : index
      %swap3A_2578 = tpu.vector_load %arg8[%swap3A_2576, %swap3A_2577] {strides = array<i32>} : memref<32x128xf32, #tpu.memory_space<vmem>>, vector<1x16xf32>,
      %swap3A_2579 = vector.shape_cast %swap3A_2578 : vector<1x16xf32> to vector<16xf32>
      %swap3A_2580 = vector.shape_cast %get3A_2574 : vector<16xf32> to vector<1x16xf32>
      tpu.vector_store %arg8[%swap3A_2576, %swap3A_2577], %swap3A_2580 {strides = array<i32>} : memref<32x128xf32, #tpu.memory_space<vmem>>, vector<1x16xf32>,
      %add3A_2581 = arith.constant 16 : i32
      %add3A_2582 = arith.addi %squeeze3A_2569, %add3A_2581 : i32
      %get3A_2583 = arith.constant 95 : i32
      %get3A_2584 = arith.index_cast %get3A_2583 : i32 to index
      %get3A_2585 = arith.index_cast %add3A_2582 : i32 to index
      %get3A_2586 = tpu.vector_load %arg7[%get3A_2584, %get3A_2585] {strides = array<i32>} : memref<128x128xf32, #tpu.memory_space<vmem>>, vector<1x16xf32>,
      %get3A_2587 = vector.shape_cast %get3A_2586 : vector<1x16xf32> to vector<16xf32>
      %swap3A_2588 = arith.constant 23 : i32
      %swap3A_2589 = arith.index_cast %swap3A_2588 : i32 to index
      %swap3A_2590 = arith.constant 112 : index
      %swap3A_2591 = tpu.vector_load %arg8[%swap3A_2589, %swap3A_2590] {strides = array<i32>} : memref<32x128xf32, #tpu.memory_space<vmem>>, vector<1x16xf32>,
      %swap3A_2592 = vector.shape_cast %swap3A_2591 : vector<1x16xf32> to vector<16xf32>
      %swap3A_2593 = vector.shape_cast %get3A_2587 : vector<16xf32> to vector<1x16xf32>
      tpu.vector_store %arg8[%swap3A_2589, %swap3A_2590], %swap3A_2593 {strides = array<i32>} : memref<32x128xf32, #tpu.memory_space<vmem>>, vector<1x16xf32>,
      %mul3A_2594 = arith.constant 128 : i32
      %mul3A_2595 = arith.muli %scan3A_16, %mul3A_2594 : i32
      %add3A_2596 = arith.constant 96 : i32
      %add3A_2597 = arith.addi %mul3A_2595, %add3A_2596 : i32
      %get3A_2598 = arith.index_cast %add3A_2597 : i32 to index
      %get3A_2599 = tpu.vector_load %arg5[%get3A_2598] {strides = array<i32>} : memref<6400xi32, #tpu.memory_space<vmem>>, vector<16xi32>,
      %get3A_2600 = vector.shape_cast %get3A_2599 : vector<16xi32> to vector<16xi32>
      %and3A_2601 = arith.constant 3 : i32
      %and3A_2602 = vector.broadcast %and3A_2601 : i32 to vector<16xi32>
      %and3A_2603 = arith.andi %get3A_2600, %and3A_2602 : vector<16xi32>
      %mul3A_2604 = arith.constant 32 : i32
      %mul3A_2605 = vector.broadcast %mul3A_2604 : i32 to vector<16xi32>
      %mul3A_2606 = arith.muli %and3A_2603, %mul3A_2605 : vector<16xi32>
      %slice3A_2607 = vector.extract_strided_slice %mul3A_2606 {offsets = [0], sizes = [1], strides = [1]} : vector<16xi32> to vector<1xi32>
      %squeeze3A_2608 = vector.extract %slice3A_2607[0] : i32 from vector<1xi32>
      %get3A_2609 = arith.constant 96 : i32
      %get3A_2610 = arith.index_cast %get3A_2609 : i32 to index
      %get3A_2611 = arith.index_cast %squeeze3A_2608 : i32 to index
      %get3A_2612 = tpu.vector_load %arg7[%get3A_2610, %get3A_2611] {strides = array<i32>} : memref<128x128xf32, #tpu.memory_space<vmem>>, vector<1x16xf32>,
      %get3A_2613 = vector.shape_cast %get3A_2612 : vector<1x16xf32> to vector<16xf32>
      %swap3A_2614 = arith.constant 24 : i32
      %swap3A_2615 = arith.index_cast %swap3A_2614 : i32 to index
      %swap3A_2616 = arith.constant 0 : index
      %swap3A_2617 = tpu.vector_load %arg8[%swap3A_2615, %swap3A_2616] {strides = array<i32>} : memref<32x128xf32, #tpu.memory_space<vmem>>, vector<1x16xf32>,
      %swap3A_2618 = vector.shape_cast %swap3A_2617 : vector<1x16xf32> to vector<16xf32>
      %swap3A_2619 = vector.shape_cast %get3A_2613 : vector<16xf32> to vector<1x16xf32>
      tpu.vector_store %arg8[%swap3A_2615, %swap3A_2616], %swap3A_2619 {strides = array<i32>} : memref<32x128xf32, #tpu.memory_space<vmem>>, vector<1x16xf32>,
      %add3A_2620 = arith.constant 16 : i32
      %add3A_2621 = arith.addi %squeeze3A_2608, %add3A_2620 : i32
      %get3A_2622 = arith.constant 96 : i32
      %get3A_2623 = arith.index_cast %get3A_2622 : i32 to index
      %get3A_2624 = arith.index_cast %add3A_2621 : i32 to index
      %get3A_2625 = tpu.vector_load %arg7[%get3A_2623, %get3A_2624] {strides = array<i32>} : memref<128x128xf32, #tpu.memory_space<vmem>>, vector<1x16xf32>,
      %get3A_2626 = vector.shape_cast %get3A_2625 : vector<1x16xf32> to vector<16xf32>
      %swap3A_2627 = arith.constant 24 : i32
      %swap3A_2628 = arith.index_cast %swap3A_2627 : i32 to index
      %swap3A_2629 = arith.constant 16 : index
      %swap3A_2630 = tpu.vector_load %arg8[%swap3A_2628, %swap3A_2629] {strides = array<i32>} : memref<32x128xf32, #tpu.memory_space<vmem>>, vector<1x16xf32>,
      %swap3A_2631 = vector.shape_cast %swap3A_2630 : vector<1x16xf32> to vector<16xf32>
      %swap3A_2632 = vector.shape_cast %get3A_2626 : vector<16xf32> to vector<1x16xf32>
      tpu.vector_store %arg8[%swap3A_2628, %swap3A_2629], %swap3A_2632 {strides = array<i32>} : memref<32x128xf32, #tpu.memory_space<vmem>>, vector<1x16xf32>,
      %slice3A_2633 = vector.extract_strided_slice %mul3A_2606 {offsets = [1], sizes = [1], strides = [1]} : vector<16xi32> to vector<1xi32>
      %squeeze3A_2634 = vector.extract %slice3A_2633[0] : i32 from vector<1xi32>
      %get3A_2635 = arith.constant 97 : i32
      %get3A_2636 = arith.index_cast %get3A_2635 : i32 to index
      %get3A_2637 = arith.index_cast %squeeze3A_2634 : i32 to index
      %get3A_2638 = tpu.vector_load %arg7[%get3A_2636, %get3A_2637] {strides = array<i32>} : memref<128x128xf32, #tpu.memory_space<vmem>>, vector<1x16xf32>,
      %get3A_2639 = vector.shape_cast %get3A_2638 : vector<1x16xf32> to vector<16xf32>
      %swap3A_2640 = arith.constant 24 : i32
      %swap3A_2641 = arith.index_cast %swap3A_2640 : i32 to index
      %swap3A_2642 = arith.constant 32 : index
      %swap3A_2643 = tpu.vector_load %arg8[%swap3A_2641, %swap3A_2642] {strides = array<i32>} : memref<32x128xf32, #tpu.memory_space<vmem>>, vector<1x16xf32>,
      %swap3A_2644 = vector.shape_cast %swap3A_2643 : vector<1x16xf32> to vector<16xf32>
      %swap3A_2645 = vector.shape_cast %get3A_2639 : vector<16xf32> to vector<1x16xf32>
      tpu.vector_store %arg8[%swap3A_2641, %swap3A_2642], %swap3A_2645 {strides = array<i32>} : memref<32x128xf32, #tpu.memory_space<vmem>>, vector<1x16xf32>,
      %add3A_2646 = arith.constant 16 : i32
      %add3A_2647 = arith.addi %squeeze3A_2634, %add3A_2646 : i32
      %get3A_2648 = arith.constant 97 : i32
      %get3A_2649 = arith.index_cast %get3A_2648 : i32 to index
      %get3A_2650 = arith.index_cast %add3A_2647 : i32 to index
      %get3A_2651 = tpu.vector_load %arg7[%get3A_2649, %get3A_2650] {strides = array<i32>} : memref<128x128xf32, #tpu.memory_space<vmem>>, vector<1x16xf32>,
      %get3A_2652 = vector.shape_cast %get3A_2651 : vector<1x16xf32> to vector<16xf32>
      %swap3A_2653 = arith.constant 24 : i32
      %swap3A_2654 = arith.index_cast %swap3A_2653 : i32 to index
      %swap3A_2655 = arith.constant 48 : index
      %swap3A_2656 = tpu.vector_load %arg8[%swap3A_2654, %swap3A_2655] {strides = array<i32>} : memref<32x128xf32, #tpu.memory_space<vmem>>, vector<1x16xf32>,
      %swap3A_2657 = vector.shape_cast %swap3A_2656 : vector<1x16xf32> to vector<16xf32>
      %swap3A_2658 = vector.shape_cast %get3A_2652 : vector<16xf32> to vector<1x16xf32>
      tpu.vector_store %arg8[%swap3A_2654, %swap3A_2655], %swap3A_2658 {strides = array<i32>} : memref<32x128xf32, #tpu.memory_space<vmem>>, vector<1x16xf32>,
      %slice3A_2659 = vector.extract_strided_slice %mul3A_2606 {offsets = [2], sizes = [1], strides = [1]} : vector<16xi32> to vector<1xi32>
      %squeeze3A_2660 = vector.extract %slice3A_2659[0] : i32 from vector<1xi32>
      %get3A_2661 = arith.constant 98 : i32
      %get3A_2662 = arith.index_cast %get3A_2661 : i32 to index
      %get3A_2663 = arith.index_cast %squeeze3A_2660 : i32 to index
      %get3A_2664 = tpu.vector_load %arg7[%get3A_2662, %get3A_2663] {strides = array<i32>} : memref<128x128xf32, #tpu.memory_space<vmem>>, vector<1x16xf32>,
      %get3A_2665 = vector.shape_cast %get3A_2664 : vector<1x16xf32> to vector<16xf32>
      %swap3A_2666 = arith.constant 24 : i32
      %swap3A_2667 = arith.index_cast %swap3A_2666 : i32 to index
      %swap3A_2668 = arith.constant 64 : index
      %swap3A_2669 = tpu.vector_load %arg8[%swap3A_2667, %swap3A_2668] {strides = array<i32>} : memref<32x128xf32, #tpu.memory_space<vmem>>, vector<1x16xf32>,
      %swap3A_2670 = vector.shape_cast %swap3A_2669 : vector<1x16xf32> to vector<16xf32>
      %swap3A_2671 = vector.shape_cast %get3A_2665 : vector<16xf32> to vector<1x16xf32>
      tpu.vector_store %arg8[%swap3A_2667, %swap3A_2668], %swap3A_2671 {strides = array<i32>} : memref<32x128xf32, #tpu.memory_space<vmem>>, vector<1x16xf32>,
      %add3A_2672 = arith.constant 16 : i32
      %add3A_2673 = arith.addi %squeeze3A_2660, %add3A_2672 : i32
      %get3A_2674 = arith.constant 98 : i32
      %get3A_2675 = arith.index_cast %get3A_2674 : i32 to index
      %get3A_2676 = arith.index_cast %add3A_2673 : i32 to index
      %get3A_2677 = tpu.vector_load %arg7[%get3A_2675, %get3A_2676] {strides = array<i32>} : memref<128x128xf32, #tpu.memory_space<vmem>>, vector<1x16xf32>,
      %get3A_2678 = vector.shape_cast %get3A_2677 : vector<1x16xf32> to vector<16xf32>
      %swap3A_2679 = arith.constant 24 : i32
      %swap3A_2680 = arith.index_cast %swap3A_2679 : i32 to index
      %swap3A_2681 = arith.constant 80 : index
      %swap3A_2682 = tpu.vector_load %arg8[%swap3A_2680, %swap3A_2681] {strides = array<i32>} : memref<32x128xf32, #tpu.memory_space<vmem>>, vector<1x16xf32>,
      %swap3A_2683 = vector.shape_cast %swap3A_2682 : vector<1x16xf32> to vector<16xf32>
      %swap3A_2684 = vector.shape_cast %get3A_2678 : vector<16xf32> to vector<1x16xf32>
      tpu.vector_store %arg8[%swap3A_2680, %swap3A_2681], %swap3A_2684 {strides = array<i32>} : memref<32x128xf32, #tpu.memory_space<vmem>>, vector<1x16xf32>,
      %slice3A_2685 = vector.extract_strided_slice %mul3A_2606 {offsets = [3], sizes = [1], strides = [1]} : vector<16xi32> to vector<1xi32>
      %squeeze3A_2686 = vector.extract %slice3A_2685[0] : i32 from vector<1xi32>
      %get3A_2687 = arith.constant 99 : i32
      %get3A_2688 = arith.index_cast %get3A_2687 : i32 to index
      %get3A_2689 = arith.index_cast %squeeze3A_2686 : i32 to index
      %get3A_2690 = tpu.vector_load %arg7[%get3A_2688, %get3A_2689] {strides = array<i32>} : memref<128x128xf32, #tpu.memory_space<vmem>>, vector<1x16xf32>,
      %get3A_2691 = vector.shape_cast %get3A_2690 : vector<1x16xf32> to vector<16xf32>
      %swap3A_2692 = arith.constant 24 : i32
      %swap3A_2693 = arith.index_cast %swap3A_2692 : i32 to index
      %swap3A_2694 = arith.constant 96 : index
      %swap3A_2695 = tpu.vector_load %arg8[%swap3A_2693, %swap3A_2694] {strides = array<i32>} : memref<32x128xf32, #tpu.memory_space<vmem>>, vector<1x16xf32>,
      %swap3A_2696 = vector.shape_cast %swap3A_2695 : vector<1x16xf32> to vector<16xf32>
      %swap3A_2697 = vector.shape_cast %get3A_2691 : vector<16xf32> to vector<1x16xf32>
      tpu.vector_store %arg8[%swap3A_2693, %swap3A_2694], %swap3A_2697 {strides = array<i32>} : memref<32x128xf32, #tpu.memory_space<vmem>>, vector<1x16xf32>,
      %add3A_2698 = arith.constant 16 : i32
      %add3A_2699 = arith.addi %squeeze3A_2686, %add3A_2698 : i32
      %get3A_2700 = arith.constant 99 : i32
      %get3A_2701 = arith.index_cast %get3A_2700 : i32 to index
      %get3A_2702 = arith.index_cast %add3A_2699 : i32 to index
      %get3A_2703 = tpu.vector_load %arg7[%get3A_2701, %get3A_2702] {strides = array<i32>} : memref<128x128xf32, #tpu.memory_space<vmem>>, vector<1x16xf32>,
      %get3A_2704 = vector.shape_cast %get3A_2703 : vector<1x16xf32> to vector<16xf32>
      %swap3A_2705 = arith.constant 24 : i32
      %swap3A_2706 = arith.index_cast %swap3A_2705 : i32 to index
      %swap3A_2707 = arith.constant 112 : index
      %swap3A_2708 = tpu.vector_load %arg8[%swap3A_2706, %swap3A_2707] {strides = array<i32>} : memref<32x128xf32, #tpu.memory_space<vmem>>, vector<1x16xf32>,
      %swap3A_2709 = vector.shape_cast %swap3A_2708 : vector<1x16xf32> to vector<16xf32>
      %swap3A_2710 = vector.shape_cast %get3A_2704 : vector<16xf32> to vector<1x16xf32>
      tpu.vector_store %arg8[%swap3A_2706, %swap3A_2707], %swap3A_2710 {strides = array<i32>} : memref<32x128xf32, #tpu.memory_space<vmem>>, vector<1x16xf32>,
      %slice3A_2711 = vector.extract_strided_slice %mul3A_2606 {offsets = [4], sizes = [1], strides = [1]} : vector<16xi32> to vector<1xi32>
      %squeeze3A_2712 = vector.extract %slice3A_2711[0] : i32 from vector<1xi32>
      %get3A_2713 = arith.constant 100 : i32
      %get3A_2714 = arith.index_cast %get3A_2713 : i32 to index
      %get3A_2715 = arith.index_cast %squeeze3A_2712 : i32 to index
      %get3A_2716 = tpu.vector_load %arg7[%get3A_2714, %get3A_2715] {strides = array<i32>} : memref<128x128xf32, #tpu.memory_space<vmem>>, vector<1x16xf32>,
      %get3A_2717 = vector.shape_cast %get3A_2716 : vector<1x16xf32> to vector<16xf32>
      %swap3A_2718 = arith.constant 25 : i32
      %swap3A_2719 = arith.index_cast %swap3A_2718 : i32 to index
      %swap3A_2720 = arith.constant 0 : index
      %swap3A_2721 = tpu.vector_load %arg8[%swap3A_2719, %swap3A_2720] {strides = array<i32>} : memref<32x128xf32, #tpu.memory_space<vmem>>, vector<1x16xf32>,
      %swap3A_2722 = vector.shape_cast %swap3A_2721 : vector<1x16xf32> to vector<16xf32>
      %swap3A_2723 = vector.shape_cast %get3A_2717 : vector<16xf32> to vector<1x16xf32>
      tpu.vector_store %arg8[%swap3A_2719, %swap3A_2720], %swap3A_2723 {strides = array<i32>} : memref<32x128xf32, #tpu.memory_space<vmem>>, vector<1x16xf32>,
      %add3A_2724 = arith.constant 16 : i32
      %add3A_2725 = arith.addi %squeeze3A_2712, %add3A_2724 : i32
      %get3A_2726 = arith.constant 100 : i32
      %get3A_2727 = arith.index_cast %get3A_2726 : i32 to index
      %get3A_2728 = arith.index_cast %add3A_2725 : i32 to index
      %get3A_2729 = tpu.vector_load %arg7[%get3A_2727, %get3A_2728] {strides = array<i32>} : memref<128x128xf32, #tpu.memory_space<vmem>>, vector<1x16xf32>,
      %get3A_2730 = vector.shape_cast %get3A_2729 : vector<1x16xf32> to vector<16xf32>
      %swap3A_2731 = arith.constant 25 : i32
      %swap3A_2732 = arith.index_cast %swap3A_2731 : i32 to index
      %swap3A_2733 = arith.constant 16 : index
      %swap3A_2734 = tpu.vector_load %arg8[%swap3A_2732, %swap3A_2733] {strides = array<i32>} : memref<32x128xf32, #tpu.memory_space<vmem>>, vector<1x16xf32>,
      %swap3A_2735 = vector.shape_cast %swap3A_2734 : vector<1x16xf32> to vector<16xf32>
      %swap3A_2736 = vector.shape_cast %get3A_2730 : vector<16xf32> to vector<1x16xf32>
      tpu.vector_store %arg8[%swap3A_2732, %swap3A_2733], %swap3A_2736 {strides = array<i32>} : memref<32x128xf32, #tpu.memory_space<vmem>>, vector<1x16xf32>,
      %slice3A_2737 = vector.extract_strided_slice %mul3A_2606 {offsets = [5], sizes = [1], strides = [1]} : vector<16xi32> to vector<1xi32>
      %squeeze3A_2738 = vector.extract %slice3A_2737[0] : i32 from vector<1xi32>
      %get3A_2739 = arith.constant 101 : i32
      %get3A_2740 = arith.index_cast %get3A_2739 : i32 to index
      %get3A_2741 = arith.index_cast %squeeze3A_2738 : i32 to index
      %get3A_2742 = tpu.vector_load %arg7[%get3A_2740, %get3A_2741] {strides = array<i32>} : memref<128x128xf32, #tpu.memory_space<vmem>>, vector<1x16xf32>,
      %get3A_2743 = vector.shape_cast %get3A_2742 : vector<1x16xf32> to vector<16xf32>
      %swap3A_2744 = arith.constant 25 : i32
      %swap3A_2745 = arith.index_cast %swap3A_2744 : i32 to index
      %swap3A_2746 = arith.constant 32 : index
      %swap3A_2747 = tpu.vector_load %arg8[%swap3A_2745, %swap3A_2746] {strides = array<i32>} : memref<32x128xf32, #tpu.memory_space<vmem>>, vector<1x16xf32>,
      %swap3A_2748 = vector.shape_cast %swap3A_2747 : vector<1x16xf32> to vector<16xf32>
      %swap3A_2749 = vector.shape_cast %get3A_2743 : vector<16xf32> to vector<1x16xf32>
      tpu.vector_store %arg8[%swap3A_2745, %swap3A_2746], %swap3A_2749 {strides = array<i32>} : memref<32x128xf32, #tpu.memory_space<vmem>>, vector<1x16xf32>,
      %add3A_2750 = arith.constant 16 : i32
      %add3A_2751 = arith.addi %squeeze3A_2738, %add3A_2750 : i32
      %get3A_2752 = arith.constant 101 : i32
      %get3A_2753 = arith.index_cast %get3A_2752 : i32 to index
      %get3A_2754 = arith.index_cast %add3A_2751 : i32 to index
      %get3A_2755 = tpu.vector_load %arg7[%get3A_2753, %get3A_2754] {strides = array<i32>} : memref<128x128xf32, #tpu.memory_space<vmem>>, vector<1x16xf32>,
      %get3A_2756 = vector.shape_cast %get3A_2755 : vector<1x16xf32> to vector<16xf32>
      %swap3A_2757 = arith.constant 25 : i32
      %swap3A_2758 = arith.index_cast %swap3A_2757 : i32 to index
      %swap3A_2759 = arith.constant 48 : index
      %swap3A_2760 = tpu.vector_load %arg8[%swap3A_2758, %swap3A_2759] {strides = array<i32>} : memref<32x128xf32, #tpu.memory_space<vmem>>, vector<1x16xf32>,
      %swap3A_2761 = vector.shape_cast %swap3A_2760 : vector<1x16xf32> to vector<16xf32>
      %swap3A_2762 = vector.shape_cast %get3A_2756 : vector<16xf32> to vector<1x16xf32>
      tpu.vector_store %arg8[%swap3A_2758, %swap3A_2759], %swap3A_2762 {strides = array<i32>} : memref<32x128xf32, #tpu.memory_space<vmem>>, vector<1x16xf32>,
      %slice3A_2763 = vector.extract_strided_slice %mul3A_2606 {offsets = [6], sizes = [1], strides = [1]} : vector<16xi32> to vector<1xi32>
      %squeeze3A_2764 = vector.extract %slice3A_2763[0] : i32 from vector<1xi32>
      %get3A_2765 = arith.constant 102 : i32
      %get3A_2766 = arith.index_cast %get3A_2765 : i32 to index
      %get3A_2767 = arith.index_cast %squeeze3A_2764 : i32 to index
      %get3A_2768 = tpu.vector_load %arg7[%get3A_2766, %get3A_2767] {strides = array<i32>} : memref<128x128xf32, #tpu.memory_space<vmem>>, vector<1x16xf32>,
      %get3A_2769 = vector.shape_cast %get3A_2768 : vector<1x16xf32> to vector<16xf32>
      %swap3A_2770 = arith.constant 25 : i32
      %swap3A_2771 = arith.index_cast %swap3A_2770 : i32 to index
      %swap3A_2772 = arith.constant 64 : index
      %swap3A_2773 = tpu.vector_load %arg8[%swap3A_2771, %swap3A_2772] {strides = array<i32>} : memref<32x128xf32, #tpu.memory_space<vmem>>, vector<1x16xf32>,
      %swap3A_2774 = vector.shape_cast %swap3A_2773 : vector<1x16xf32> to vector<16xf32>
      %swap3A_2775 = vector.shape_cast %get3A_2769 : vector<16xf32> to vector<1x16xf32>
      tpu.vector_store %arg8[%swap3A_2771, %swap3A_2772], %swap3A_2775 {strides = array<i32>} : memref<32x128xf32, #tpu.memory_space<vmem>>, vector<1x16xf32>,
      %add3A_2776 = arith.constant 16 : i32
      %add3A_2777 = arith.addi %squeeze3A_2764, %add3A_2776 : i32
      %get3A_2778 = arith.constant 102 : i32
      %get3A_2779 = arith.index_cast %get3A_2778 : i32 to index
      %get3A_2780 = arith.index_cast %add3A_2777 : i32 to index
      %get3A_2781 = tpu.vector_load %arg7[%get3A_2779, %get3A_2780] {strides = array<i32>} : memref<128x128xf32, #tpu.memory_space<vmem>>, vector<1x16xf32>,
      %get3A_2782 = vector.shape_cast %get3A_2781 : vector<1x16xf32> to vector<16xf32>
      %swap3A_2783 = arith.constant 25 : i32
      %swap3A_2784 = arith.index_cast %swap3A_2783 : i32 to index
      %swap3A_2785 = arith.constant 80 : index
      %swap3A_2786 = tpu.vector_load %arg8[%swap3A_2784, %swap3A_2785] {strides = array<i32>} : memref<32x128xf32, #tpu.memory_space<vmem>>, vector<1x16xf32>,
      %swap3A_2787 = vector.shape_cast %swap3A_2786 : vector<1x16xf32> to vector<16xf32>
      %swap3A_2788 = vector.shape_cast %get3A_2782 : vector<16xf32> to vector<1x16xf32>
      tpu.vector_store %arg8[%swap3A_2784, %swap3A_2785], %swap3A_2788 {strides = array<i32>} : memref<32x128xf32, #tpu.memory_space<vmem>>, vector<1x16xf32>,
      %slice3A_2789 = vector.extract_strided_slice %mul3A_2606 {offsets = [7], sizes = [1], strides = [1]} : vector<16xi32> to vector<1xi32>
      %squeeze3A_2790 = vector.extract %slice3A_2789[0] : i32 from vector<1xi32>
      %get3A_2791 = arith.constant 103 : i32
      %get3A_2792 = arith.index_cast %get3A_2791 : i32 to index
      %get3A_2793 = arith.index_cast %squeeze3A_2790 : i32 to index
      %get3A_2794 = tpu.vector_load %arg7[%get3A_2792, %get3A_2793] {strides = array<i32>} : memref<128x128xf32, #tpu.memory_space<vmem>>, vector<1x16xf32>,
      %get3A_2795 = vector.shape_cast %get3A_2794 : vector<1x16xf32> to vector<16xf32>
      %swap3A_2796 = arith.constant 25 : i32
      %swap3A_2797 = arith.index_cast %swap3A_2796 : i32 to index
      %swap3A_2798 = arith.constant 96 : index
      %swap3A_2799 = tpu.vector_load %arg8[%swap3A_2797, %swap3A_2798] {strides = array<i32>} : memref<32x128xf32, #tpu.memory_space<vmem>>, vector<1x16xf32>,
      %swap3A_2800 = vector.shape_cast %swap3A_2799 : vector<1x16xf32> to vector<16xf32>
      %swap3A_2801 = vector.shape_cast %get3A_2795 : vector<16xf32> to vector<1x16xf32>
      tpu.vector_store %arg8[%swap3A_2797, %swap3A_2798], %swap3A_2801 {strides = array<i32>} : memref<32x128xf32, #tpu.memory_space<vmem>>, vector<1x16xf32>,
      %add3A_2802 = arith.constant 16 : i32
      %add3A_2803 = arith.addi %squeeze3A_2790, %add3A_2802 : i32
      %get3A_2804 = arith.constant 103 : i32
      %get3A_2805 = arith.index_cast %get3A_2804 : i32 to index
      %get3A_2806 = arith.index_cast %add3A_2803 : i32 to index
      %get3A_2807 = tpu.vector_load %arg7[%get3A_2805, %get3A_2806] {strides = array<i32>} : memref<128x128xf32, #tpu.memory_space<vmem>>, vector<1x16xf32>,
      %get3A_2808 = vector.shape_cast %get3A_2807 : vector<1x16xf32> to vector<16xf32>
      %swap3A_2809 = arith.constant 25 : i32
      %swap3A_2810 = arith.index_cast %swap3A_2809 : i32 to index
      %swap3A_2811 = arith.constant 112 : index
      %swap3A_2812 = tpu.vector_load %arg8[%swap3A_2810, %swap3A_2811] {strides = array<i32>} : memref<32x128xf32, #tpu.memory_space<vmem>>, vector<1x16xf32>,
      %swap3A_2813 = vector.shape_cast %swap3A_2812 : vector<1x16xf32> to vector<16xf32>
      %swap3A_2814 = vector.shape_cast %get3A_2808 : vector<16xf32> to vector<1x16xf32>
      tpu.vector_store %arg8[%swap3A_2810, %swap3A_2811], %swap3A_2814 {strides = array<i32>} : memref<32x128xf32, #tpu.memory_space<vmem>>, vector<1x16xf32>,
      %slice3A_2815 = vector.extract_strided_slice %mul3A_2606 {offsets = [8], sizes = [1], strides = [1]} : vector<16xi32> to vector<1xi32>
      %squeeze3A_2816 = vector.extract %slice3A_2815[0] : i32 from vector<1xi32>
      %get3A_2817 = arith.constant 104 : i32
      %get3A_2818 = arith.index_cast %get3A_2817 : i32 to index
      %get3A_2819 = arith.index_cast %squeeze3A_2816 : i32 to index
      %get3A_2820 = tpu.vector_load %arg7[%get3A_2818, %get3A_2819] {strides = array<i32>} : memref<128x128xf32, #tpu.memory_space<vmem>>, vector<1x16xf32>,
      %get3A_2821 = vector.shape_cast %get3A_2820 : vector<1x16xf32> to vector<16xf32>
      %swap3A_2822 = arith.constant 26 : i32
      %swap3A_2823 = arith.index_cast %swap3A_2822 : i32 to index
      %swap3A_2824 = arith.constant 0 : index
      %swap3A_2825 = tpu.vector_load %arg8[%swap3A_2823, %swap3A_2824] {strides = array<i32>} : memref<32x128xf32, #tpu.memory_space<vmem>>, vector<1x16xf32>,
      %swap3A_2826 = vector.shape_cast %swap3A_2825 : vector<1x16xf32> to vector<16xf32>
      %swap3A_2827 = vector.shape_cast %get3A_2821 : vector<16xf32> to vector<1x16xf32>
      tpu.vector_store %arg8[%swap3A_2823, %swap3A_2824], %swap3A_2827 {strides = array<i32>} : memref<32x128xf32, #tpu.memory_space<vmem>>, vector<1x16xf32>,
      %add3A_2828 = arith.constant 16 : i32
      %add3A_2829 = arith.addi %squeeze3A_2816, %add3A_2828 : i32
      %get3A_2830 = arith.constant 104 : i32
      %get3A_2831 = arith.index_cast %get3A_2830 : i32 to index
      %get3A_2832 = arith.index_cast %add3A_2829 : i32 to index
      %get3A_2833 = tpu.vector_load %arg7[%get3A_2831, %get3A_2832] {strides = array<i32>} : memref<128x128xf32, #tpu.memory_space<vmem>>, vector<1x16xf32>,
      %get3A_2834 = vector.shape_cast %get3A_2833 : vector<1x16xf32> to vector<16xf32>
      %swap3A_2835 = arith.constant 26 : i32
      %swap3A_2836 = arith.index_cast %swap3A_2835 : i32 to index
      %swap3A_2837 = arith.constant 16 : index
      %swap3A_2838 = tpu.vector_load %arg8[%swap3A_2836, %swap3A_2837] {strides = array<i32>} : memref<32x128xf32, #tpu.memory_space<vmem>>, vector<1x16xf32>,
      %swap3A_2839 = vector.shape_cast %swap3A_2838 : vector<1x16xf32> to vector<16xf32>
      %swap3A_2840 = vector.shape_cast %get3A_2834 : vector<16xf32> to vector<1x16xf32>
      tpu.vector_store %arg8[%swap3A_2836, %swap3A_2837], %swap3A_2840 {strides = array<i32>} : memref<32x128xf32, #tpu.memory_space<vmem>>, vector<1x16xf32>,
      %slice3A_2841 = vector.extract_strided_slice %mul3A_2606 {offsets = [9], sizes = [1], strides = [1]} : vector<16xi32> to vector<1xi32>
      %squeeze3A_2842 = vector.extract %slice3A_2841[0] : i32 from vector<1xi32>
      %get3A_2843 = arith.constant 105 : i32
      %get3A_2844 = arith.index_cast %get3A_2843 : i32 to index
      %get3A_2845 = arith.index_cast %squeeze3A_2842 : i32 to index
      %get3A_2846 = tpu.vector_load %arg7[%get3A_2844, %get3A_2845] {strides = array<i32>} : memref<128x128xf32, #tpu.memory_space<vmem>>, vector<1x16xf32>,
      %get3A_2847 = vector.shape_cast %get3A_2846 : vector<1x16xf32> to vector<16xf32>
      %swap3A_2848 = arith.constant 26 : i32
      %swap3A_2849 = arith.index_cast %swap3A_2848 : i32 to index
      %swap3A_2850 = arith.constant 32 : index
      %swap3A_2851 = tpu.vector_load %arg8[%swap3A_2849, %swap3A_2850] {strides = array<i32>} : memref<32x128xf32, #tpu.memory_space<vmem>>, vector<1x16xf32>,
      %swap3A_2852 = vector.shape_cast %swap3A_2851 : vector<1x16xf32> to vector<16xf32>
      %swap3A_2853 = vector.shape_cast %get3A_2847 : vector<16xf32> to vector<1x16xf32>
      tpu.vector_store %arg8[%swap3A_2849, %swap3A_2850], %swap3A_2853 {strides = array<i32>} : memref<32x128xf32, #tpu.memory_space<vmem>>, vector<1x16xf32>,
      %add3A_2854 = arith.constant 16 : i32
      %add3A_2855 = arith.addi %squeeze3A_2842, %add3A_2854 : i32
      %get3A_2856 = arith.constant 105 : i32
      %get3A_2857 = arith.index_cast %get3A_2856 : i32 to index
      %get3A_2858 = arith.index_cast %add3A_2855 : i32 to index
      %get3A_2859 = tpu.vector_load %arg7[%get3A_2857, %get3A_2858] {strides = array<i32>} : memref<128x128xf32, #tpu.memory_space<vmem>>, vector<1x16xf32>,
      %get3A_2860 = vector.shape_cast %get3A_2859 : vector<1x16xf32> to vector<16xf32>
      %swap3A_2861 = arith.constant 26 : i32
      %swap3A_2862 = arith.index_cast %swap3A_2861 : i32 to index
      %swap3A_2863 = arith.constant 48 : index
      %swap3A_2864 = tpu.vector_load %arg8[%swap3A_2862, %swap3A_2863] {strides = array<i32>} : memref<32x128xf32, #tpu.memory_space<vmem>>, vector<1x16xf32>,
      %swap3A_2865 = vector.shape_cast %swap3A_2864 : vector<1x16xf32> to vector<16xf32>
      %swap3A_2866 = vector.shape_cast %get3A_2860 : vector<16xf32> to vector<1x16xf32>
      tpu.vector_store %arg8[%swap3A_2862, %swap3A_2863], %swap3A_2866 {strides = array<i32>} : memref<32x128xf32, #tpu.memory_space<vmem>>, vector<1x16xf32>,
      %slice3A_2867 = vector.extract_strided_slice %mul3A_2606 {offsets = [10], sizes = [1], strides = [1]} : vector<16xi32> to vector<1xi32>
      %squeeze3A_2868 = vector.extract %slice3A_2867[0] : i32 from vector<1xi32>
      %get3A_2869 = arith.constant 106 : i32
      %get3A_2870 = arith.index_cast %get3A_2869 : i32 to index
      %get3A_2871 = arith.index_cast %squeeze3A_2868 : i32 to index
      %get3A_2872 = tpu.vector_load %arg7[%get3A_2870, %get3A_2871] {strides = array<i32>} : memref<128x128xf32, #tpu.memory_space<vmem>>, vector<1x16xf32>,
      %get3A_2873 = vector.shape_cast %get3A_2872 : vector<1x16xf32> to vector<16xf32>
      %swap3A_2874 = arith.constant 26 : i32
      %swap3A_2875 = arith.index_cast %swap3A_2874 : i32 to index
      %swap3A_2876 = arith.constant 64 : index
      %swap3A_2877 = tpu.vector_load %arg8[%swap3A_2875, %swap3A_2876] {strides = array<i32>} : memref<32x128xf32, #tpu.memory_space<vmem>>, vector<1x16xf32>,
      %swap3A_2878 = vector.shape_cast %swap3A_2877 : vector<1x16xf32> to vector<16xf32>
      %swap3A_2879 = vector.shape_cast %get3A_2873 : vector<16xf32> to vector<1x16xf32>
      tpu.vector_store %arg8[%swap3A_2875, %swap3A_2876], %swap3A_2879 {strides = array<i32>} : memref<32x128xf32, #tpu.memory_space<vmem>>, vector<1x16xf32>,
      %add3A_2880 = arith.constant 16 : i32
      %add3A_2881 = arith.addi %squeeze3A_2868, %add3A_2880 : i32
      %get3A_2882 = arith.constant 106 : i32
      %get3A_2883 = arith.index_cast %get3A_2882 : i32 to index
      %get3A_2884 = arith.index_cast %add3A_2881 : i32 to index
      %get3A_2885 = tpu.vector_load %arg7[%get3A_2883, %get3A_2884] {strides = array<i32>} : memref<128x128xf32, #tpu.memory_space<vmem>>, vector<1x16xf32>,
      %get3A_2886 = vector.shape_cast %get3A_2885 : vector<1x16xf32> to vector<16xf32>
      %swap3A_2887 = arith.constant 26 : i32
      %swap3A_2888 = arith.index_cast %swap3A_2887 : i32 to index
      %swap3A_2889 = arith.constant 80 : index
      %swap3A_2890 = tpu.vector_load %arg8[%swap3A_2888, %swap3A_2889] {strides = array<i32>} : memref<32x128xf32, #tpu.memory_space<vmem>>, vector<1x16xf32>,
      %swap3A_2891 = vector.shape_cast %swap3A_2890 : vector<1x16xf32> to vector<16xf32>
      %swap3A_2892 = vector.shape_cast %get3A_2886 : vector<16xf32> to vector<1x16xf32>
      tpu.vector_store %arg8[%swap3A_2888, %swap3A_2889], %swap3A_2892 {strides = array<i32>} : memref<32x128xf32, #tpu.memory_space<vmem>>, vector<1x16xf32>,
      %slice3A_2893 = vector.extract_strided_slice %mul3A_2606 {offsets = [11], sizes = [1], strides = [1]} : vector<16xi32> to vector<1xi32>
      %squeeze3A_2894 = vector.extract %slice3A_2893[0] : i32 from vector<1xi32>
      %get3A_2895 = arith.constant 107 : i32
      %get3A_2896 = arith.index_cast %get3A_2895 : i32 to index
      %get3A_2897 = arith.index_cast %squeeze3A_2894 : i32 to index
      %get3A_2898 = tpu.vector_load %arg7[%get3A_2896, %get3A_2897] {strides = array<i32>} : memref<128x128xf32, #tpu.memory_space<vmem>>, vector<1x16xf32>,
      %get3A_2899 = vector.shape_cast %get3A_2898 : vector<1x16xf32> to vector<16xf32>
      %swap3A_2900 = arith.constant 26 : i32
      %swap3A_2901 = arith.index_cast %swap3A_2900 : i32 to index
      %swap3A_2902 = arith.constant 96 : index
      %swap3A_2903 = tpu.vector_load %arg8[%swap3A_2901, %swap3A_2902] {strides = array<i32>} : memref<32x128xf32, #tpu.memory_space<vmem>>, vector<1x16xf32>,
      %swap3A_2904 = vector.shape_cast %swap3A_2903 : vector<1x16xf32> to vector<16xf32>
      %swap3A_2905 = vector.shape_cast %get3A_2899 : vector<16xf32> to vector<1x16xf32>
      tpu.vector_store %arg8[%swap3A_2901, %swap3A_2902], %swap3A_2905 {strides = array<i32>} : memref<32x128xf32, #tpu.memory_space<vmem>>, vector<1x16xf32>,
      %add3A_2906 = arith.constant 16 : i32
      %add3A_2907 = arith.addi %squeeze3A_2894, %add3A_2906 : i32
      %get3A_2908 = arith.constant 107 : i32
      %get3A_2909 = arith.index_cast %get3A_2908 : i32 to index
      %get3A_2910 = arith.index_cast %add3A_2907 : i32 to index
      %get3A_2911 = tpu.vector_load %arg7[%get3A_2909, %get3A_2910] {strides = array<i32>} : memref<128x128xf32, #tpu.memory_space<vmem>>, vector<1x16xf32>,
      %get3A_2912 = vector.shape_cast %get3A_2911 : vector<1x16xf32> to vector<16xf32>
      %swap3A_2913 = arith.constant 26 : i32
      %swap3A_2914 = arith.index_cast %swap3A_2913 : i32 to index
      %swap3A_2915 = arith.constant 112 : index
      %swap3A_2916 = tpu.vector_load %arg8[%swap3A_2914, %swap3A_2915] {strides = array<i32>} : memref<32x128xf32, #tpu.memory_space<vmem>>, vector<1x16xf32>,
      %swap3A_2917 = vector.shape_cast %swap3A_2916 : vector<1x16xf32> to vector<16xf32>
      %swap3A_2918 = vector.shape_cast %get3A_2912 : vector<16xf32> to vector<1x16xf32>
      tpu.vector_store %arg8[%swap3A_2914, %swap3A_2915], %swap3A_2918 {strides = array<i32>} : memref<32x128xf32, #tpu.memory_space<vmem>>, vector<1x16xf32>,
      %slice3A_2919 = vector.extract_strided_slice %mul3A_2606 {offsets = [12], sizes = [1], strides = [1]} : vector<16xi32> to vector<1xi32>
      %squeeze3A_2920 = vector.extract %slice3A_2919[0] : i32 from vector<1xi32>
      %get3A_2921 = arith.constant 108 : i32
      %get3A_2922 = arith.index_cast %get3A_2921 : i32 to index
      %get3A_2923 = arith.index_cast %squeeze3A_2920 : i32 to index
      %get3A_2924 = tpu.vector_load %arg7[%get3A_2922, %get3A_2923] {strides = array<i32>} : memref<128x128xf32, #tpu.memory_space<vmem>>, vector<1x16xf32>,
      %get3A_2925 = vector.shape_cast %get3A_2924 : vector<1x16xf32> to vector<16xf32>
      %swap3A_2926 = arith.constant 27 : i32
      %swap3A_2927 = arith.index_cast %swap3A_2926 : i32 to index
      %swap3A_2928 = arith.constant 0 : index
      %swap3A_2929 = tpu.vector_load %arg8[%swap3A_2927, %swap3A_2928] {strides = array<i32>} : memref<32x128xf32, #tpu.memory_space<vmem>>, vector<1x16xf32>,
      %swap3A_2930 = vector.shape_cast %swap3A_2929 : vector<1x16xf32> to vector<16xf32>
      %swap3A_2931 = vector.shape_cast %get3A_2925 : vector<16xf32> to vector<1x16xf32>
      tpu.vector_store %arg8[%swap3A_2927, %swap3A_2928], %swap3A_2931 {strides = array<i32>} : memref<32x128xf32, #tpu.memory_space<vmem>>, vector<1x16xf32>,
      %add3A_2932 = arith.constant 16 : i32
      %add3A_2933 = arith.addi %squeeze3A_2920, %add3A_2932 : i32
      %get3A_2934 = arith.constant 108 : i32
      %get3A_2935 = arith.index_cast %get3A_2934 : i32 to index
      %get3A_2936 = arith.index_cast %add3A_2933 : i32 to index
      %get3A_2937 = tpu.vector_load %arg7[%get3A_2935, %get3A_2936] {strides = array<i32>} : memref<128x128xf32, #tpu.memory_space<vmem>>, vector<1x16xf32>,
      %get3A_2938 = vector.shape_cast %get3A_2937 : vector<1x16xf32> to vector<16xf32>
      %swap3A_2939 = arith.constant 27 : i32
      %swap3A_2940 = arith.index_cast %swap3A_2939 : i32 to index
      %swap3A_2941 = arith.constant 16 : index
      %swap3A_2942 = tpu.vector_load %arg8[%swap3A_2940, %swap3A_2941] {strides = array<i32>} : memref<32x128xf32, #tpu.memory_space<vmem>>, vector<1x16xf32>,
      %swap3A_2943 = vector.shape_cast %swap3A_2942 : vector<1x16xf32> to vector<16xf32>
      %swap3A_2944 = vector.shape_cast %get3A_2938 : vector<16xf32> to vector<1x16xf32>
      tpu.vector_store %arg8[%swap3A_2940, %swap3A_2941], %swap3A_2944 {strides = array<i32>} : memref<32x128xf32, #tpu.memory_space<vmem>>, vector<1x16xf32>,
      %slice3A_2945 = vector.extract_strided_slice %mul3A_2606 {offsets = [13], sizes = [1], strides = [1]} : vector<16xi32> to vector<1xi32>
      %squeeze3A_2946 = vector.extract %slice3A_2945[0] : i32 from vector<1xi32>
      %get3A_2947 = arith.constant 109 : i32
      %get3A_2948 = arith.index_cast %get3A_2947 : i32 to index
      %get3A_2949 = arith.index_cast %squeeze3A_2946 : i32 to index
      %get3A_2950 = tpu.vector_load %arg7[%get3A_2948, %get3A_2949] {strides = array<i32>} : memref<128x128xf32, #tpu.memory_space<vmem>>, vector<1x16xf32>,
      %get3A_2951 = vector.shape_cast %get3A_2950 : vector<1x16xf32> to vector<16xf32>
      %swap3A_2952 = arith.constant 27 : i32
      %swap3A_2953 = arith.index_cast %swap3A_2952 : i32 to index
      %swap3A_2954 = arith.constant 32 : index
      %swap3A_2955 = tpu.vector_load %arg8[%swap3A_2953, %swap3A_2954] {strides = array<i32>} : memref<32x128xf32, #tpu.memory_space<vmem>>, vector<1x16xf32>,
      %swap3A_2956 = vector.shape_cast %swap3A_2955 : vector<1x16xf32> to vector<16xf32>
      %swap3A_2957 = vector.shape_cast %get3A_2951 : vector<16xf32> to vector<1x16xf32>
      tpu.vector_store %arg8[%swap3A_2953, %swap3A_2954], %swap3A_2957 {strides = array<i32>} : memref<32x128xf32, #tpu.memory_space<vmem>>, vector<1x16xf32>,
      %add3A_2958 = arith.constant 16 : i32
      %add3A_2959 = arith.addi %squeeze3A_2946, %add3A_2958 : i32
      %get3A_2960 = arith.constant 109 : i32
      %get3A_2961 = arith.index_cast %get3A_2960 : i32 to index
      %get3A_2962 = arith.index_cast %add3A_2959 : i32 to index
      %get3A_2963 = tpu.vector_load %arg7[%get3A_2961, %get3A_2962] {strides = array<i32>} : memref<128x128xf32, #tpu.memory_space<vmem>>, vector<1x16xf32>,
      %get3A_2964 = vector.shape_cast %get3A_2963 : vector<1x16xf32> to vector<16xf32>
      %swap3A_2965 = arith.constant 27 : i32
      %swap3A_2966 = arith.index_cast %swap3A_2965 : i32 to index
      %swap3A_2967 = arith.constant 48 : index
      %swap3A_2968 = tpu.vector_load %arg8[%swap3A_2966, %swap3A_2967] {strides = array<i32>} : memref<32x128xf32, #tpu.memory_space<vmem>>, vector<1x16xf32>,
      %swap3A_2969 = vector.shape_cast %swap3A_2968 : vector<1x16xf32> to vector<16xf32>
      %swap3A_2970 = vector.shape_cast %get3A_2964 : vector<16xf32> to vector<1x16xf32>
      tpu.vector_store %arg8[%swap3A_2966, %swap3A_2967], %swap3A_2970 {strides = array<i32>} : memref<32x128xf32, #tpu.memory_space<vmem>>, vector<1x16xf32>,
      %slice3A_2971 = vector.extract_strided_slice %mul3A_2606 {offsets = [14], sizes = [1], strides = [1]} : vector<16xi32> to vector<1xi32>
      %squeeze3A_2972 = vector.extract %slice3A_2971[0] : i32 from vector<1xi32>
      %get3A_2973 = arith.constant 110 : i32
      %get3A_2974 = arith.index_cast %get3A_2973 : i32 to index
      %get3A_2975 = arith.index_cast %squeeze3A_2972 : i32 to index
      %get3A_2976 = tpu.vector_load %arg7[%get3A_2974, %get3A_2975] {strides = array<i32>} : memref<128x128xf32, #tpu.memory_space<vmem>>, vector<1x16xf32>,
      %get3A_2977 = vector.shape_cast %get3A_2976 : vector<1x16xf32> to vector<16xf32>
      %swap3A_2978 = arith.constant 27 : i32
      %swap3A_2979 = arith.index_cast %swap3A_2978 : i32 to index
      %swap3A_2980 = arith.constant 64 : index
      %swap3A_2981 = tpu.vector_load %arg8[%swap3A_2979, %swap3A_2980] {strides = array<i32>} : memref<32x128xf32, #tpu.memory_space<vmem>>, vector<1x16xf32>,
      %swap3A_2982 = vector.shape_cast %swap3A_2981 : vector<1x16xf32> to vector<16xf32>
      %swap3A_2983 = vector.shape_cast %get3A_2977 : vector<16xf32> to vector<1x16xf32>
      tpu.vector_store %arg8[%swap3A_2979, %swap3A_2980], %swap3A_2983 {strides = array<i32>} : memref<32x128xf32, #tpu.memory_space<vmem>>, vector<1x16xf32>,
      %add3A_2984 = arith.constant 16 : i32
      %add3A_2985 = arith.addi %squeeze3A_2972, %add3A_2984 : i32
      %get3A_2986 = arith.constant 110 : i32
      %get3A_2987 = arith.index_cast %get3A_2986 : i32 to index
      %get3A_2988 = arith.index_cast %add3A_2985 : i32 to index
      %get3A_2989 = tpu.vector_load %arg7[%get3A_2987, %get3A_2988] {strides = array<i32>} : memref<128x128xf32, #tpu.memory_space<vmem>>, vector<1x16xf32>,
      %get3A_2990 = vector.shape_cast %get3A_2989 : vector<1x16xf32> to vector<16xf32>
      %swap3A_2991 = arith.constant 27 : i32
      %swap3A_2992 = arith.index_cast %swap3A_2991 : i32 to index
      %swap3A_2993 = arith.constant 80 : index
      %swap3A_2994 = tpu.vector_load %arg8[%swap3A_2992, %swap3A_2993] {strides = array<i32>} : memref<32x128xf32, #tpu.memory_space<vmem>>, vector<1x16xf32>,
      %swap3A_2995 = vector.shape_cast %swap3A_2994 : vector<1x16xf32> to vector<16xf32>
      %swap3A_2996 = vector.shape_cast %get3A_2990 : vector<16xf32> to vector<1x16xf32>
      tpu.vector_store %arg8[%swap3A_2992, %swap3A_2993], %swap3A_2996 {strides = array<i32>} : memref<32x128xf32, #tpu.memory_space<vmem>>, vector<1x16xf32>,
      %slice3A_2997 = vector.extract_strided_slice %mul3A_2606 {offsets = [15], sizes = [1], strides = [1]} : vector<16xi32> to vector<1xi32>
      %squeeze3A_2998 = vector.extract %slice3A_2997[0] : i32 from vector<1xi32>
      %get3A_2999 = arith.constant 111 : i32
      %get3A_3000 = arith.index_cast %get3A_2999 : i32 to index
      %get3A_3001 = arith.index_cast %squeeze3A_2998 : i32 to index
      %get3A_3002 = tpu.vector_load %arg7[%get3A_3000, %get3A_3001] {strides = array<i32>} : memref<128x128xf32, #tpu.memory_space<vmem>>, vector<1x16xf32>,
      %get3A_3003 = vector.shape_cast %get3A_3002 : vector<1x16xf32> to vector<16xf32>
      %swap3A_3004 = arith.constant 27 : i32
      %swap3A_3005 = arith.index_cast %swap3A_3004 : i32 to index
      %swap3A_3006 = arith.constant 96 : index
      %swap3A_3007 = tpu.vector_load %arg8[%swap3A_3005, %swap3A_3006] {strides = array<i32>} : memref<32x128xf32, #tpu.memory_space<vmem>>, vector<1x16xf32>,
      %swap3A_3008 = vector.shape_cast %swap3A_3007 : vector<1x16xf32> to vector<16xf32>
      %swap3A_3009 = vector.shape_cast %get3A_3003 : vector<16xf32> to vector<1x16xf32>
      tpu.vector_store %arg8[%swap3A_3005, %swap3A_3006], %swap3A_3009 {strides = array<i32>} : memref<32x128xf32, #tpu.memory_space<vmem>>, vector<1x16xf32>,
      %add3A_3010 = arith.constant 16 : i32
      %add3A_3011 = arith.addi %squeeze3A_2998, %add3A_3010 : i32
      %get3A_3012 = arith.constant 111 : i32
      %get3A_3013 = arith.index_cast %get3A_3012 : i32 to index
      %get3A_3014 = arith.index_cast %add3A_3011 : i32 to index
      %get3A_3015 = tpu.vector_load %arg7[%get3A_3013, %get3A_3014] {strides = array<i32>} : memref<128x128xf32, #tpu.memory_space<vmem>>, vector<1x16xf32>,
      %get3A_3016 = vector.shape_cast %get3A_3015 : vector<1x16xf32> to vector<16xf32>
      %swap3A_3017 = arith.constant 27 : i32
      %swap3A_3018 = arith.index_cast %swap3A_3017 : i32 to index
      %swap3A_3019 = arith.constant 112 : index
      %swap3A_3020 = tpu.vector_load %arg8[%swap3A_3018, %swap3A_3019] {strides = array<i32>} : memref<32x128xf32, #tpu.memory_space<vmem>>, vector<1x16xf32>,
      %swap3A_3021 = vector.shape_cast %swap3A_3020 : vector<1x16xf32> to vector<16xf32>
      %swap3A_3022 = vector.shape_cast %get3A_3016 : vector<16xf32> to vector<1x16xf32>
      tpu.vector_store %arg8[%swap3A_3018, %swap3A_3019], %swap3A_3022 {strides = array<i32>} : memref<32x128xf32, #tpu.memory_space<vmem>>, vector<1x16xf32>,
      %mul3A_3023 = arith.constant 128 : i32
      %mul3A_3024 = arith.muli %scan3A_16, %mul3A_3023 : i32
      %add3A_3025 = arith.constant 112 : i32
      %add3A_3026 = arith.addi %mul3A_3024, %add3A_3025 : i32
      %get3A_3027 = arith.index_cast %add3A_3026 : i32 to index
      %get3A_3028 = tpu.vector_load %arg5[%get3A_3027] {strides = array<i32>} : memref<6400xi32, #tpu.memory_space<vmem>>, vector<16xi32>,
      %get3A_3029 = vector.shape_cast %get3A_3028 : vector<16xi32> to vector<16xi32>
      %and3A_3030 = arith.constant 3 : i32
      %and3A_3031 = vector.broadcast %and3A_3030 : i32 to vector<16xi32>
      %and3A_3032 = arith.andi %get3A_3029, %and3A_3031 : vector<16xi32>
      %mul3A_3033 = arith.constant 32 : i32
      %mul3A_3034 = vector.broadcast %mul3A_3033 : i32 to vector<16xi32>
      %mul3A_3035 = arith.muli %and3A_3032, %mul3A_3034 : vector<16xi32>
      %slice3A_3036 = vector.extract_strided_slice %mul3A_3035 {offsets = [0], sizes = [1], strides = [1]} : vector<16xi32> to vector<1xi32>
      %squeeze3A_3037 = vector.extract %slice3A_3036[0] : i32 from vector<1xi32>
      %get3A_3038 = arith.constant 112 : i32
      %get3A_3039 = arith.index_cast %get3A_3038 : i32 to index
      %get3A_3040 = arith.index_cast %squeeze3A_3037 : i32 to index
      %get3A_3041 = tpu.vector_load %arg7[%get3A_3039, %get3A_3040] {strides = array<i32>} : memref<128x128xf32, #tpu.memory_space<vmem>>, vector<1x16xf32>,
      %get3A_3042 = vector.shape_cast %get3A_3041 : vector<1x16xf32> to vector<16xf32>
      %swap3A_3043 = arith.constant 28 : i32
      %swap3A_3044 = arith.index_cast %swap3A_3043 : i32 to index
      %swap3A_3045 = arith.constant 0 : index
      %swap3A_3046 = tpu.vector_load %arg8[%swap3A_3044, %swap3A_3045] {strides = array<i32>} : memref<32x128xf32, #tpu.memory_space<vmem>>, vector<1x16xf32>,
      %swap3A_3047 = vector.shape_cast %swap3A_3046 : vector<1x16xf32> to vector<16xf32>
      %swap3A_3048 = vector.shape_cast %get3A_3042 : vector<16xf32> to vector<1x16xf32>
      tpu.vector_store %arg8[%swap3A_3044, %swap3A_3045], %swap3A_3048 {strides = array<i32>} : memref<32x128xf32, #tpu.memory_space<vmem>>, vector<1x16xf32>,
      %add3A_3049 = arith.constant 16 : i32
      %add3A_3050 = arith.addi %squeeze3A_3037, %add3A_3049 : i32
      %get3A_3051 = arith.constant 112 : i32
      %get3A_3052 = arith.index_cast %get3A_3051 : i32 to index
      %get3A_3053 = arith.index_cast %add3A_3050 : i32 to index
      %get3A_3054 = tpu.vector_load %arg7[%get3A_3052, %get3A_3053] {strides = array<i32>} : memref<128x128xf32, #tpu.memory_space<vmem>>, vector<1x16xf32>,
      %get3A_3055 = vector.shape_cast %get3A_3054 : vector<1x16xf32> to vector<16xf32>
      %swap3A_3056 = arith.constant 28 : i32
      %swap3A_3057 = arith.index_cast %swap3A_3056 : i32 to index
      %swap3A_3058 = arith.constant 16 : index
      %swap3A_3059 = tpu.vector_load %arg8[%swap3A_3057, %swap3A_3058] {strides = array<i32>} : memref<32x128xf32, #tpu.memory_space<vmem>>, vector<1x16xf32>,
      %swap3A_3060 = vector.shape_cast %swap3A_3059 : vector<1x16xf32> to vector<16xf32>
      %swap3A_3061 = vector.shape_cast %get3A_3055 : vector<16xf32> to vector<1x16xf32>
      tpu.vector_store %arg8[%swap3A_3057, %swap3A_3058], %swap3A_3061 {strides = array<i32>} : memref<32x128xf32, #tpu.memory_space<vmem>>, vector<1x16xf32>,
      %slice3A_3062 = vector.extract_strided_slice %mul3A_3035 {offsets = [1], sizes = [1], strides = [1]} : vector<16xi32> to vector<1xi32>
      %squeeze3A_3063 = vector.extract %slice3A_3062[0] : i32 from vector<1xi32>
      %get3A_3064 = arith.constant 113 : i32
      %get3A_3065 = arith.index_cast %get3A_3064 : i32 to index
      %get3A_3066 = arith.index_cast %squeeze3A_3063 : i32 to index
      %get3A_3067 = tpu.vector_load %arg7[%get3A_3065, %get3A_3066] {strides = array<i32>} : memref<128x128xf32, #tpu.memory_space<vmem>>, vector<1x16xf32>,
      %get3A_3068 = vector.shape_cast %get3A_3067 : vector<1x16xf32> to vector<16xf32>
      %swap3A_3069 = arith.constant 28 : i32
      %swap3A_3070 = arith.index_cast %swap3A_3069 : i32 to index
      %swap3A_3071 = arith.constant 32 : index
      %swap3A_3072 = tpu.vector_load %arg8[%swap3A_3070, %swap3A_3071] {strides = array<i32>} : memref<32x128xf32, #tpu.memory_space<vmem>>, vector<1x16xf32>,
      %swap3A_3073 = vector.shape_cast %swap3A_3072 : vector<1x16xf32> to vector<16xf32>
      %swap3A_3074 = vector.shape_cast %get3A_3068 : vector<16xf32> to vector<1x16xf32>
      tpu.vector_store %arg8[%swap3A_3070, %swap3A_3071], %swap3A_3074 {strides = array<i32>} : memref<32x128xf32, #tpu.memory_space<vmem>>, vector<1x16xf32>,
      %add3A_3075 = arith.constant 16 : i32
      %add3A_3076 = arith.addi %squeeze3A_3063, %add3A_3075 : i32
      %get3A_3077 = arith.constant 113 : i32
      %get3A_3078 = arith.index_cast %get3A_3077 : i32 to index
      %get3A_3079 = arith.index_cast %add3A_3076 : i32 to index
      %get3A_3080 = tpu.vector_load %arg7[%get3A_3078, %get3A_3079] {strides = array<i32>} : memref<128x128xf32, #tpu.memory_space<vmem>>, vector<1x16xf32>,
      %get3A_3081 = vector.shape_cast %get3A_3080 : vector<1x16xf32> to vector<16xf32>
      %swap3A_3082 = arith.constant 28 : i32
      %swap3A_3083 = arith.index_cast %swap3A_3082 : i32 to index
      %swap3A_3084 = arith.constant 48 : index
      %swap3A_3085 = tpu.vector_load %arg8[%swap3A_3083, %swap3A_3084] {strides = array<i32>} : memref<32x128xf32, #tpu.memory_space<vmem>>, vector<1x16xf32>,
      %swap3A_3086 = vector.shape_cast %swap3A_3085 : vector<1x16xf32> to vector<16xf32>
      %swap3A_3087 = vector.shape_cast %get3A_3081 : vector<16xf32> to vector<1x16xf32>
      tpu.vector_store %arg8[%swap3A_3083, %swap3A_3084], %swap3A_3087 {strides = array<i32>} : memref<32x128xf32, #tpu.memory_space<vmem>>, vector<1x16xf32>,
      %slice3A_3088 = vector.extract_strided_slice %mul3A_3035 {offsets = [2], sizes = [1], strides = [1]} : vector<16xi32> to vector<1xi32>
      %squeeze3A_3089 = vector.extract %slice3A_3088[0] : i32 from vector<1xi32>
      %get3A_3090 = arith.constant 114 : i32
      %get3A_3091 = arith.index_cast %get3A_3090 : i32 to index
      %get3A_3092 = arith.index_cast %squeeze3A_3089 : i32 to index
      %get3A_3093 = tpu.vector_load %arg7[%get3A_3091, %get3A_3092] {strides = array<i32>} : memref<128x128xf32, #tpu.memory_space<vmem>>, vector<1x16xf32>,
      %get3A_3094 = vector.shape_cast %get3A_3093 : vector<1x16xf32> to vector<16xf32>
      %swap3A_3095 = arith.constant 28 : i32
      %swap3A_3096 = arith.index_cast %swap3A_3095 : i32 to index
      %swap3A_3097 = arith.constant 64 : index
      %swap3A_3098 = tpu.vector_load %arg8[%swap3A_3096, %swap3A_3097] {strides = array<i32>} : memref<32x128xf32, #tpu.memory_space<vmem>>, vector<1x16xf32>,
      %swap3A_3099 = vector.shape_cast %swap3A_3098 : vector<1x16xf32> to vector<16xf32>
      %swap3A_3100 = vector.shape_cast %get3A_3094 : vector<16xf32> to vector<1x16xf32>
      tpu.vector_store %arg8[%swap3A_3096, %swap3A_3097], %swap3A_3100 {strides = array<i32>} : memref<32x128xf32, #tpu.memory_space<vmem>>, vector<1x16xf32>,
      %add3A_3101 = arith.constant 16 : i32
      %add3A_3102 = arith.addi %squeeze3A_3089, %add3A_3101 : i32
      %get3A_3103 = arith.constant 114 : i32
      %get3A_3104 = arith.index_cast %get3A_3103 : i32 to index
      %get3A_3105 = arith.index_cast %add3A_3102 : i32 to index
      %get3A_3106 = tpu.vector_load %arg7[%get3A_3104, %get3A_3105] {strides = array<i32>} : memref<128x128xf32, #tpu.memory_space<vmem>>, vector<1x16xf32>,
      %get3A_3107 = vector.shape_cast %get3A_3106 : vector<1x16xf32> to vector<16xf32>
      %swap3A_3108 = arith.constant 28 : i32
      %swap3A_3109 = arith.index_cast %swap3A_3108 : i32 to index
      %swap3A_3110 = arith.constant 80 : index
      %swap3A_3111 = tpu.vector_load %arg8[%swap3A_3109, %swap3A_3110] {strides = array<i32>} : memref<32x128xf32, #tpu.memory_space<vmem>>, vector<1x16xf32>,
      %swap3A_3112 = vector.shape_cast %swap3A_3111 : vector<1x16xf32> to vector<16xf32>
      %swap3A_3113 = vector.shape_cast %get3A_3107 : vector<16xf32> to vector<1x16xf32>
      tpu.vector_store %arg8[%swap3A_3109, %swap3A_3110], %swap3A_3113 {strides = array<i32>} : memref<32x128xf32, #tpu.memory_space<vmem>>, vector<1x16xf32>,
      %slice3A_3114 = vector.extract_strided_slice %mul3A_3035 {offsets = [3], sizes = [1], strides = [1]} : vector<16xi32> to vector<1xi32>
      %squeeze3A_3115 = vector.extract %slice3A_3114[0] : i32 from vector<1xi32>
      %get3A_3116 = arith.constant 115 : i32
      %get3A_3117 = arith.index_cast %get3A_3116 : i32 to index
      %get3A_3118 = arith.index_cast %squeeze3A_3115 : i32 to index
      %get3A_3119 = tpu.vector_load %arg7[%get3A_3117, %get3A_3118] {strides = array<i32>} : memref<128x128xf32, #tpu.memory_space<vmem>>, vector<1x16xf32>,
      %get3A_3120 = vector.shape_cast %get3A_3119 : vector<1x16xf32> to vector<16xf32>
      %swap3A_3121 = arith.constant 28 : i32
      %swap3A_3122 = arith.index_cast %swap3A_3121 : i32 to index
      %swap3A_3123 = arith.constant 96 : index
      %swap3A_3124 = tpu.vector_load %arg8[%swap3A_3122, %swap3A_3123] {strides = array<i32>} : memref<32x128xf32, #tpu.memory_space<vmem>>, vector<1x16xf32>,
      %swap3A_3125 = vector.shape_cast %swap3A_3124 : vector<1x16xf32> to vector<16xf32>
      %swap3A_3126 = vector.shape_cast %get3A_3120 : vector<16xf32> to vector<1x16xf32>
      tpu.vector_store %arg8[%swap3A_3122, %swap3A_3123], %swap3A_3126 {strides = array<i32>} : memref<32x128xf32, #tpu.memory_space<vmem>>, vector<1x16xf32>,
      %add3A_3127 = arith.constant 16 : i32
      %add3A_3128 = arith.addi %squeeze3A_3115, %add3A_3127 : i32
      %get3A_3129 = arith.constant 115 : i32
      %get3A_3130 = arith.index_cast %get3A_3129 : i32 to index
      %get3A_3131 = arith.index_cast %add3A_3128 : i32 to index
      %get3A_3132 = tpu.vector_load %arg7[%get3A_3130, %get3A_3131] {strides = array<i32>} : memref<128x128xf32, #tpu.memory_space<vmem>>, vector<1x16xf32>,
      %get3A_3133 = vector.shape_cast %get3A_3132 : vector<1x16xf32> to vector<16xf32>
      %swap3A_3134 = arith.constant 28 : i32
      %swap3A_3135 = arith.index_cast %swap3A_3134 : i32 to index
      %swap3A_3136 = arith.constant 112 : index
      %swap3A_3137 = tpu.vector_load %arg8[%swap3A_3135, %swap3A_3136] {strides = array<i32>} : memref<32x128xf32, #tpu.memory_space<vmem>>, vector<1x16xf32>,
      %swap3A_3138 = vector.shape_cast %swap3A_3137 : vector<1x16xf32> to vector<16xf32>
      %swap3A_3139 = vector.shape_cast %get3A_3133 : vector<16xf32> to vector<1x16xf32>
      tpu.vector_store %arg8[%swap3A_3135, %swap3A_3136], %swap3A_3139 {strides = array<i32>} : memref<32x128xf32, #tpu.memory_space<vmem>>, vector<1x16xf32>,
      %slice3A_3140 = vector.extract_strided_slice %mul3A_3035 {offsets = [4], sizes = [1], strides = [1]} : vector<16xi32> to vector<1xi32>
      %squeeze3A_3141 = vector.extract %slice3A_3140[0] : i32 from vector<1xi32>
      %get3A_3142 = arith.constant 116 : i32
      %get3A_3143 = arith.index_cast %get3A_3142 : i32 to index
      %get3A_3144 = arith.index_cast %squeeze3A_3141 : i32 to index
      %get3A_3145 = tpu.vector_load %arg7[%get3A_3143, %get3A_3144] {strides = array<i32>} : memref<128x128xf32, #tpu.memory_space<vmem>>, vector<1x16xf32>,
      %get3A_3146 = vector.shape_cast %get3A_3145 : vector<1x16xf32> to vector<16xf32>
      %swap3A_3147 = arith.constant 29 : i32
      %swap3A_3148 = arith.index_cast %swap3A_3147 : i32 to index
      %swap3A_3149 = arith.constant 0 : index
      %swap3A_3150 = tpu.vector_load %arg8[%swap3A_3148, %swap3A_3149] {strides = array<i32>} : memref<32x128xf32, #tpu.memory_space<vmem>>, vector<1x16xf32>,
      %swap3A_3151 = vector.shape_cast %swap3A_3150 : vector<1x16xf32> to vector<16xf32>
      %swap3A_3152 = vector.shape_cast %get3A_3146 : vector<16xf32> to vector<1x16xf32>
      tpu.vector_store %arg8[%swap3A_3148, %swap3A_3149], %swap3A_3152 {strides = array<i32>} : memref<32x128xf32, #tpu.memory_space<vmem>>, vector<1x16xf32>,
      %add3A_3153 = arith.constant 16 : i32
      %add3A_3154 = arith.addi %squeeze3A_3141, %add3A_3153 : i32
      %get3A_3155 = arith.constant 116 : i32
      %get3A_3156 = arith.index_cast %get3A_3155 : i32 to index
      %get3A_3157 = arith.index_cast %add3A_3154 : i32 to index
      %get3A_3158 = tpu.vector_load %arg7[%get3A_3156, %get3A_3157] {strides = array<i32>} : memref<128x128xf32, #tpu.memory_space<vmem>>, vector<1x16xf32>,
      %get3A_3159 = vector.shape_cast %get3A_3158 : vector<1x16xf32> to vector<16xf32>
      %swap3A_3160 = arith.constant 29 : i32
      %swap3A_3161 = arith.index_cast %swap3A_3160 : i32 to index
      %swap3A_3162 = arith.constant 16 : index
      %swap3A_3163 = tpu.vector_load %arg8[%swap3A_3161, %swap3A_3162] {strides = array<i32>} : memref<32x128xf32, #tpu.memory_space<vmem>>, vector<1x16xf32>,
      %swap3A_3164 = vector.shape_cast %swap3A_3163 : vector<1x16xf32> to vector<16xf32>
      %swap3A_3165 = vector.shape_cast %get3A_3159 : vector<16xf32> to vector<1x16xf32>
      tpu.vector_store %arg8[%swap3A_3161, %swap3A_3162], %swap3A_3165 {strides = array<i32>} : memref<32x128xf32, #tpu.memory_space<vmem>>, vector<1x16xf32>,
      %slice3A_3166 = vector.extract_strided_slice %mul3A_3035 {offsets = [5], sizes = [1], strides = [1]} : vector<16xi32> to vector<1xi32>
      %squeeze3A_3167 = vector.extract %slice3A_3166[0] : i32 from vector<1xi32>
      %get3A_3168 = arith.constant 117 : i32
      %get3A_3169 = arith.index_cast %get3A_3168 : i32 to index
      %get3A_3170 = arith.index_cast %squeeze3A_3167 : i32 to index
      %get3A_3171 = tpu.vector_load %arg7[%get3A_3169, %get3A_3170] {strides = array<i32>} : memref<128x128xf32, #tpu.memory_space<vmem>>, vector<1x16xf32>,
      %get3A_3172 = vector.shape_cast %get3A_3171 : vector<1x16xf32> to vector<16xf32>
      %swap3A_3173 = arith.constant 29 : i32
      %swap3A_3174 = arith.index_cast %swap3A_3173 : i32 to index
      %swap3A_3175 = arith.constant 32 : index
      %swap3A_3176 = tpu.vector_load %arg8[%swap3A_3174, %swap3A_3175] {strides = array<i32>} : memref<32x128xf32, #tpu.memory_space<vmem>>, vector<1x16xf32>,
      %swap3A_3177 = vector.shape_cast %swap3A_3176 : vector<1x16xf32> to vector<16xf32>
      %swap3A_3178 = vector.shape_cast %get3A_3172 : vector<16xf32> to vector<1x16xf32>
      tpu.vector_store %arg8[%swap3A_3174, %swap3A_3175], %swap3A_3178 {strides = array<i32>} : memref<32x128xf32, #tpu.memory_space<vmem>>, vector<1x16xf32>,
      %add3A_3179 = arith.constant 16 : i32
      %add3A_3180 = arith.addi %squeeze3A_3167, %add3A_3179 : i32
      %get3A_3181 = arith.constant 117 : i32
      %get3A_3182 = arith.index_cast %get3A_3181 : i32 to index
      %get3A_3183 = arith.index_cast %add3A_3180 : i32 to index
      %get3A_3184 = tpu.vector_load %arg7[%get3A_3182, %get3A_3183] {strides = array<i32>} : memref<128x128xf32, #tpu.memory_space<vmem>>, vector<1x16xf32>,
      %get3A_3185 = vector.shape_cast %get3A_3184 : vector<1x16xf32> to vector<16xf32>
      %swap3A_3186 = arith.constant 29 : i32
      %swap3A_3187 = arith.index_cast %swap3A_3186 : i32 to index
      %swap3A_3188 = arith.constant 48 : index
      %swap3A_3189 = tpu.vector_load %arg8[%swap3A_3187, %swap3A_3188] {strides = array<i32>} : memref<32x128xf32, #tpu.memory_space<vmem>>, vector<1x16xf32>,
      %swap3A_3190 = vector.shape_cast %swap3A_3189 : vector<1x16xf32> to vector<16xf32>
      %swap3A_3191 = vector.shape_cast %get3A_3185 : vector<16xf32> to vector<1x16xf32>
      tpu.vector_store %arg8[%swap3A_3187, %swap3A_3188], %swap3A_3191 {strides = array<i32>} : memref<32x128xf32, #tpu.memory_space<vmem>>, vector<1x16xf32>,
      %slice3A_3192 = vector.extract_strided_slice %mul3A_3035 {offsets = [6], sizes = [1], strides = [1]} : vector<16xi32> to vector<1xi32>
      %squeeze3A_3193 = vector.extract %slice3A_3192[0] : i32 from vector<1xi32>
      %get3A_3194 = arith.constant 118 : i32
      %get3A_3195 = arith.index_cast %get3A_3194 : i32 to index
      %get3A_3196 = arith.index_cast %squeeze3A_3193 : i32 to index
      %get3A_3197 = tpu.vector_load %arg7[%get3A_3195, %get3A_3196] {strides = array<i32>} : memref<128x128xf32, #tpu.memory_space<vmem>>, vector<1x16xf32>,
      %get3A_3198 = vector.shape_cast %get3A_3197 : vector<1x16xf32> to vector<16xf32>
      %swap3A_3199 = arith.constant 29 : i32
      %swap3A_3200 = arith.index_cast %swap3A_3199 : i32 to index
      %swap3A_3201 = arith.constant 64 : index
      %swap3A_3202 = tpu.vector_load %arg8[%swap3A_3200, %swap3A_3201] {strides = array<i32>} : memref<32x128xf32, #tpu.memory_space<vmem>>, vector<1x16xf32>,
      %swap3A_3203 = vector.shape_cast %swap3A_3202 : vector<1x16xf32> to vector<16xf32>
      %swap3A_3204 = vector.shape_cast %get3A_3198 : vector<16xf32> to vector<1x16xf32>
      tpu.vector_store %arg8[%swap3A_3200, %swap3A_3201], %swap3A_3204 {strides = array<i32>} : memref<32x128xf32, #tpu.memory_space<vmem>>, vector<1x16xf32>,
      %add3A_3205 = arith.constant 16 : i32
      %add3A_3206 = arith.addi %squeeze3A_3193, %add3A_3205 : i32
      %get3A_3207 = arith.constant 118 : i32
      %get3A_3208 = arith.index_cast %get3A_3207 : i32 to index
      %get3A_3209 = arith.index_cast %add3A_3206 : i32 to index
      %get3A_3210 = tpu.vector_load %arg7[%get3A_3208, %get3A_3209] {strides = array<i32>} : memref<128x128xf32, #tpu.memory_space<vmem>>, vector<1x16xf32>,
      %get3A_3211 = vector.shape_cast %get3A_3210 : vector<1x16xf32> to vector<16xf32>
      %swap3A_3212 = arith.constant 29 : i32
      %swap3A_3213 = arith.index_cast %swap3A_3212 : i32 to index
      %swap3A_3214 = arith.constant 80 : index
      %swap3A_3215 = tpu.vector_load %arg8[%swap3A_3213, %swap3A_3214] {strides = array<i32>} : memref<32x128xf32, #tpu.memory_space<vmem>>, vector<1x16xf32>,
      %swap3A_3216 = vector.shape_cast %swap3A_3215 : vector<1x16xf32> to vector<16xf32>
      %swap3A_3217 = vector.shape_cast %get3A_3211 : vector<16xf32> to vector<1x16xf32>
      tpu.vector_store %arg8[%swap3A_3213, %swap3A_3214], %swap3A_3217 {strides = array<i32>} : memref<32x128xf32, #tpu.memory_space<vmem>>, vector<1x16xf32>,
      %slice3A_3218 = vector.extract_strided_slice %mul3A_3035 {offsets = [7], sizes = [1], strides = [1]} : vector<16xi32> to vector<1xi32>
      %squeeze3A_3219 = vector.extract %slice3A_3218[0] : i32 from vector<1xi32>
      %get3A_3220 = arith.constant 119 : i32
      %get3A_3221 = arith.index_cast %get3A_3220 : i32 to index
      %get3A_3222 = arith.index_cast %squeeze3A_3219 : i32 to index
      %get3A_3223 = tpu.vector_load %arg7[%get3A_3221, %get3A_3222] {strides = array<i32>} : memref<128x128xf32, #tpu.memory_space<vmem>>, vector<1x16xf32>,
      %get3A_3224 = vector.shape_cast %get3A_3223 : vector<1x16xf32> to vector<16xf32>
      %swap3A_3225 = arith.constant 29 : i32
      %swap3A_3226 = arith.index_cast %swap3A_3225 : i32 to index
      %swap3A_3227 = arith.constant 96 : index
      %swap3A_3228 = tpu.vector_load %arg8[%swap3A_3226, %swap3A_3227] {strides = array<i32>} : memref<32x128xf32, #tpu.memory_space<vmem>>, vector<1x16xf32>,
      %swap3A_3229 = vector.shape_cast %swap3A_3228 : vector<1x16xf32> to vector<16xf32>
      %swap3A_3230 = vector.shape_cast %get3A_3224 : vector<16xf32> to vector<1x16xf32>
      tpu.vector_store %arg8[%swap3A_3226, %swap3A_3227], %swap3A_3230 {strides = array<i32>} : memref<32x128xf32, #tpu.memory_space<vmem>>, vector<1x16xf32>,
      %add3A_3231 = arith.constant 16 : i32
      %add3A_3232 = arith.addi %squeeze3A_3219, %add3A_3231 : i32
      %get3A_3233 = arith.constant 119 : i32
      %get3A_3234 = arith.index_cast %get3A_3233 : i32 to index
      %get3A_3235 = arith.index_cast %add3A_3232 : i32 to index
      %get3A_3236 = tpu.vector_load %arg7[%get3A_3234, %get3A_3235] {strides = array<i32>} : memref<128x128xf32, #tpu.memory_space<vmem>>, vector<1x16xf32>,
      %get3A_3237 = vector.shape_cast %get3A_3236 : vector<1x16xf32> to vector<16xf32>
      %swap3A_3238 = arith.constant 29 : i32
      %swap3A_3239 = arith.index_cast %swap3A_3238 : i32 to index
      %swap3A_3240 = arith.constant 112 : index
      %swap3A_3241 = tpu.vector_load %arg8[%swap3A_3239, %swap3A_3240] {strides = array<i32>} : memref<32x128xf32, #tpu.memory_space<vmem>>, vector<1x16xf32>,
      %swap3A_3242 = vector.shape_cast %swap3A_3241 : vector<1x16xf32> to vector<16xf32>
      %swap3A_3243 = vector.shape_cast %get3A_3237 : vector<16xf32> to vector<1x16xf32>
      tpu.vector_store %arg8[%swap3A_3239, %swap3A_3240], %swap3A_3243 {strides = array<i32>} : memref<32x128xf32, #tpu.memory_space<vmem>>, vector<1x16xf32>,
      %slice3A_3244 = vector.extract_strided_slice %mul3A_3035 {offsets = [8], sizes = [1], strides = [1]} : vector<16xi32> to vector<1xi32>
      %squeeze3A_3245 = vector.extract %slice3A_3244[0] : i32 from vector<1xi32>
      %get3A_3246 = arith.constant 120 : i32
      %get3A_3247 = arith.index_cast %get3A_3246 : i32 to index
      %get3A_3248 = arith.index_cast %squeeze3A_3245 : i32 to index
      %get3A_3249 = tpu.vector_load %arg7[%get3A_3247, %get3A_3248] {strides = array<i32>} : memref<128x128xf32, #tpu.memory_space<vmem>>, vector<1x16xf32>,
      %get3A_3250 = vector.shape_cast %get3A_3249 : vector<1x16xf32> to vector<16xf32>
      %swap3A_3251 = arith.constant 30 : i32
      %swap3A_3252 = arith.index_cast %swap3A_3251 : i32 to index
      %swap3A_3253 = arith.constant 0 : index
      %swap3A_3254 = tpu.vector_load %arg8[%swap3A_3252, %swap3A_3253] {strides = array<i32>} : memref<32x128xf32, #tpu.memory_space<vmem>>, vector<1x16xf32>,
      %swap3A_3255 = vector.shape_cast %swap3A_3254 : vector<1x16xf32> to vector<16xf32>
      %swap3A_3256 = vector.shape_cast %get3A_3250 : vector<16xf32> to vector<1x16xf32>
      tpu.vector_store %arg8[%swap3A_3252, %swap3A_3253], %swap3A_3256 {strides = array<i32>} : memref<32x128xf32, #tpu.memory_space<vmem>>, vector<1x16xf32>,
      %add3A_3257 = arith.constant 16 : i32
      %add3A_3258 = arith.addi %squeeze3A_3245, %add3A_3257 : i32
      %get3A_3259 = arith.constant 120 : i32
      %get3A_3260 = arith.index_cast %get3A_3259 : i32 to index
      %get3A_3261 = arith.index_cast %add3A_3258 : i32 to index
      %get3A_3262 = tpu.vector_load %arg7[%get3A_3260, %get3A_3261] {strides = array<i32>} : memref<128x128xf32, #tpu.memory_space<vmem>>, vector<1x16xf32>,
      %get3A_3263 = vector.shape_cast %get3A_3262 : vector<1x16xf32> to vector<16xf32>
      %swap3A_3264 = arith.constant 30 : i32
      %swap3A_3265 = arith.index_cast %swap3A_3264 : i32 to index
      %swap3A_3266 = arith.constant 16 : index
      %swap3A_3267 = tpu.vector_load %arg8[%swap3A_3265, %swap3A_3266] {strides = array<i32>} : memref<32x128xf32, #tpu.memory_space<vmem>>, vector<1x16xf32>,
      %swap3A_3268 = vector.shape_cast %swap3A_3267 : vector<1x16xf32> to vector<16xf32>
      %swap3A_3269 = vector.shape_cast %get3A_3263 : vector<16xf32> to vector<1x16xf32>
      tpu.vector_store %arg8[%swap3A_3265, %swap3A_3266], %swap3A_3269 {strides = array<i32>} : memref<32x128xf32, #tpu.memory_space<vmem>>, vector<1x16xf32>,
      %slice3A_3270 = vector.extract_strided_slice %mul3A_3035 {offsets = [9], sizes = [1], strides = [1]} : vector<16xi32> to vector<1xi32>
      %squeeze3A_3271 = vector.extract %slice3A_3270[0] : i32 from vector<1xi32>
      %get3A_3272 = arith.constant 121 : i32
      %get3A_3273 = arith.index_cast %get3A_3272 : i32 to index
      %get3A_3274 = arith.index_cast %squeeze3A_3271 : i32 to index
      %get3A_3275 = tpu.vector_load %arg7[%get3A_3273, %get3A_3274] {strides = array<i32>} : memref<128x128xf32, #tpu.memory_space<vmem>>, vector<1x16xf32>,
      %get3A_3276 = vector.shape_cast %get3A_3275 : vector<1x16xf32> to vector<16xf32>
      %swap3A_3277 = arith.constant 30 : i32
      %swap3A_3278 = arith.index_cast %swap3A_3277 : i32 to index
      %swap3A_3279 = arith.constant 32 : index
      %swap3A_3280 = tpu.vector_load %arg8[%swap3A_3278, %swap3A_3279] {strides = array<i32>} : memref<32x128xf32, #tpu.memory_space<vmem>>, vector<1x16xf32>,
      %swap3A_3281 = vector.shape_cast %swap3A_3280 : vector<1x16xf32> to vector<16xf32>
      %swap3A_3282 = vector.shape_cast %get3A_3276 : vector<16xf32> to vector<1x16xf32>
      tpu.vector_store %arg8[%swap3A_3278, %swap3A_3279], %swap3A_3282 {strides = array<i32>} : memref<32x128xf32, #tpu.memory_space<vmem>>, vector<1x16xf32>,
      %add3A_3283 = arith.constant 16 : i32
      %add3A_3284 = arith.addi %squeeze3A_3271, %add3A_3283 : i32
      %get3A_3285 = arith.constant 121 : i32
      %get3A_3286 = arith.index_cast %get3A_3285 : i32 to index
      %get3A_3287 = arith.index_cast %add3A_3284 : i32 to index
      %get3A_3288 = tpu.vector_load %arg7[%get3A_3286, %get3A_3287] {strides = array<i32>} : memref<128x128xf32, #tpu.memory_space<vmem>>, vector<1x16xf32>,
      %get3A_3289 = vector.shape_cast %get3A_3288 : vector<1x16xf32> to vector<16xf32>
      %swap3A_3290 = arith.constant 30 : i32
      %swap3A_3291 = arith.index_cast %swap3A_3290 : i32 to index
      %swap3A_3292 = arith.constant 48 : index
      %swap3A_3293 = tpu.vector_load %arg8[%swap3A_3291, %swap3A_3292] {strides = array<i32>} : memref<32x128xf32, #tpu.memory_space<vmem>>, vector<1x16xf32>,
      %swap3A_3294 = vector.shape_cast %swap3A_3293 : vector<1x16xf32> to vector<16xf32>
      %swap3A_3295 = vector.shape_cast %get3A_3289 : vector<16xf32> to vector<1x16xf32>
      tpu.vector_store %arg8[%swap3A_3291, %swap3A_3292], %swap3A_3295 {strides = array<i32>} : memref<32x128xf32, #tpu.memory_space<vmem>>, vector<1x16xf32>,
      %slice3A_3296 = vector.extract_strided_slice %mul3A_3035 {offsets = [10], sizes = [1], strides = [1]} : vector<16xi32> to vector<1xi32>
      %squeeze3A_3297 = vector.extract %slice3A_3296[0] : i32 from vector<1xi32>
      %get3A_3298 = arith.constant 122 : i32
      %get3A_3299 = arith.index_cast %get3A_3298 : i32 to index
      %get3A_3300 = arith.index_cast %squeeze3A_3297 : i32 to index
      %get3A_3301 = tpu.vector_load %arg7[%get3A_3299, %get3A_3300] {strides = array<i32>} : memref<128x128xf32, #tpu.memory_space<vmem>>, vector<1x16xf32>,
      %get3A_3302 = vector.shape_cast %get3A_3301 : vector<1x16xf32> to vector<16xf32>
      %swap3A_3303 = arith.constant 30 : i32
      %swap3A_3304 = arith.index_cast %swap3A_3303 : i32 to index
      %swap3A_3305 = arith.constant 64 : index
      %swap3A_3306 = tpu.vector_load %arg8[%swap3A_3304, %swap3A_3305] {strides = array<i32>} : memref<32x128xf32, #tpu.memory_space<vmem>>, vector<1x16xf32>,
      %swap3A_3307 = vector.shape_cast %swap3A_3306 : vector<1x16xf32> to vector<16xf32>
      %swap3A_3308 = vector.shape_cast %get3A_3302 : vector<16xf32> to vector<1x16xf32>
      tpu.vector_store %arg8[%swap3A_3304, %swap3A_3305], %swap3A_3308 {strides = array<i32>} : memref<32x128xf32, #tpu.memory_space<vmem>>, vector<1x16xf32>,
      %add3A_3309 = arith.constant 16 : i32
      %add3A_3310 = arith.addi %squeeze3A_3297, %add3A_3309 : i32
      %get3A_3311 = arith.constant 122 : i32
      %get3A_3312 = arith.index_cast %get3A_3311 : i32 to index
      %get3A_3313 = arith.index_cast %add3A_3310 : i32 to index
      %get3A_3314 = tpu.vector_load %arg7[%get3A_3312, %get3A_3313] {strides = array<i32>} : memref<128x128xf32, #tpu.memory_space<vmem>>, vector<1x16xf32>,
      %get3A_3315 = vector.shape_cast %get3A_3314 : vector<1x16xf32> to vector<16xf32>
      %swap3A_3316 = arith.constant 30 : i32
      %swap3A_3317 = arith.index_cast %swap3A_3316 : i32 to index
      %swap3A_3318 = arith.constant 80 : index
      %swap3A_3319 = tpu.vector_load %arg8[%swap3A_3317, %swap3A_3318] {strides = array<i32>} : memref<32x128xf32, #tpu.memory_space<vmem>>, vector<1x16xf32>,
      %swap3A_3320 = vector.shape_cast %swap3A_3319 : vector<1x16xf32> to vector<16xf32>
      %swap3A_3321 = vector.shape_cast %get3A_3315 : vector<16xf32> to vector<1x16xf32>
      tpu.vector_store %arg8[%swap3A_3317, %swap3A_3318], %swap3A_3321 {strides = array<i32>} : memref<32x128xf32, #tpu.memory_space<vmem>>, vector<1x16xf32>,
      %slice3A_3322 = vector.extract_strided_slice %mul3A_3035 {offsets = [11], sizes = [1], strides = [1]} : vector<16xi32> to vector<1xi32>
      %squeeze3A_3323 = vector.extract %slice3A_3322[0] : i32 from vector<1xi32>
      %get3A_3324 = arith.constant 123 : i32
      %get3A_3325 = arith.index_cast %get3A_3324 : i32 to index
      %get3A_3326 = arith.index_cast %squeeze3A_3323 : i32 to index
      %get3A_3327 = tpu.vector_load %arg7[%get3A_3325, %get3A_3326] {strides = array<i32>} : memref<128x128xf32, #tpu.memory_space<vmem>>, vector<1x16xf32>,
      %get3A_3328 = vector.shape_cast %get3A_3327 : vector<1x16xf32> to vector<16xf32>
      %swap3A_3329 = arith.constant 30 : i32
      %swap3A_3330 = arith.index_cast %swap3A_3329 : i32 to index
      %swap3A_3331 = arith.constant 96 : index
      %swap3A_3332 = tpu.vector_load %arg8[%swap3A_3330, %swap3A_3331] {strides = array<i32>} : memref<32x128xf32, #tpu.memory_space<vmem>>, vector<1x16xf32>,
      %swap3A_3333 = vector.shape_cast %swap3A_3332 : vector<1x16xf32> to vector<16xf32>
      %swap3A_3334 = vector.shape_cast %get3A_3328 : vector<16xf32> to vector<1x16xf32>
      tpu.vector_store %arg8[%swap3A_3330, %swap3A_3331], %swap3A_3334 {strides = array<i32>} : memref<32x128xf32, #tpu.memory_space<vmem>>, vector<1x16xf32>,
      %add3A_3335 = arith.constant 16 : i32
      %add3A_3336 = arith.addi %squeeze3A_3323, %add3A_3335 : i32
      %get3A_3337 = arith.constant 123 : i32
      %get3A_3338 = arith.index_cast %get3A_3337 : i32 to index
      %get3A_3339 = arith.index_cast %add3A_3336 : i32 to index
      %get3A_3340 = tpu.vector_load %arg7[%get3A_3338, %get3A_3339] {strides = array<i32>} : memref<128x128xf32, #tpu.memory_space<vmem>>, vector<1x16xf32>,
      %get3A_3341 = vector.shape_cast %get3A_3340 : vector<1x16xf32> to vector<16xf32>
      %swap3A_3342 = arith.constant 30 : i32
      %swap3A_3343 = arith.index_cast %swap3A_3342 : i32 to index
      %swap3A_3344 = arith.constant 112 : index
      %swap3A_3345 = tpu.vector_load %arg8[%swap3A_3343, %swap3A_3344] {strides = array<i32>} : memref<32x128xf32, #tpu.memory_space<vmem>>, vector<1x16xf32>,
      %swap3A_3346 = vector.shape_cast %swap3A_3345 : vector<1x16xf32> to vector<16xf32>
      %swap3A_3347 = vector.shape_cast %get3A_3341 : vector<16xf32> to vector<1x16xf32>
      tpu.vector_store %arg8[%swap3A_3343, %swap3A_3344], %swap3A_3347 {strides = array<i32>} : memref<32x128xf32, #tpu.memory_space<vmem>>, vector<1x16xf32>,
      %slice3A_3348 = vector.extract_strided_slice %mul3A_3035 {offsets = [12], sizes = [1], strides = [1]} : vector<16xi32> to vector<1xi32>
      %squeeze3A_3349 = vector.extract %slice3A_3348[0] : i32 from vector<1xi32>
      %get3A_3350 = arith.constant 124 : i32
      %get3A_3351 = arith.index_cast %get3A_3350 : i32 to index
      %get3A_3352 = arith.index_cast %squeeze3A_3349 : i32 to index
      %get3A_3353 = tpu.vector_load %arg7[%get3A_3351, %get3A_3352] {strides = array<i32>} : memref<128x128xf32, #tpu.memory_space<vmem>>, vector<1x16xf32>,
      %get3A_3354 = vector.shape_cast %get3A_3353 : vector<1x16xf32> to vector<16xf32>
      %swap3A_3355 = arith.constant 31 : i32
      %swap3A_3356 = arith.index_cast %swap3A_3355 : i32 to index
      %swap3A_3357 = arith.constant 0 : index
      %swap3A_3358 = tpu.vector_load %arg8[%swap3A_3356, %swap3A_3357] {strides = array<i32>} : memref<32x128xf32, #tpu.memory_space<vmem>>, vector<1x16xf32>,
      %swap3A_3359 = vector.shape_cast %swap3A_3358 : vector<1x16xf32> to vector<16xf32>
      %swap3A_3360 = vector.shape_cast %get3A_3354 : vector<16xf32> to vector<1x16xf32>
      tpu.vector_store %arg8[%swap3A_3356, %swap3A_3357], %swap3A_3360 {strides = array<i32>} : memref<32x128xf32, #tpu.memory_space<vmem>>, vector<1x16xf32>,
      %add3A_3361 = arith.constant 16 : i32
      %add3A_3362 = arith.addi %squeeze3A_3349, %add3A_3361 : i32
      %get3A_3363 = arith.constant 124 : i32
      %get3A_3364 = arith.index_cast %get3A_3363 : i32 to index
      %get3A_3365 = arith.index_cast %add3A_3362 : i32 to index
      %get3A_3366 = tpu.vector_load %arg7[%get3A_3364, %get3A_3365] {strides = array<i32>} : memref<128x128xf32, #tpu.memory_space<vmem>>, vector<1x16xf32>,
      %get3A_3367 = vector.shape_cast %get3A_3366 : vector<1x16xf32> to vector<16xf32>
      %swap3A_3368 = arith.constant 31 : i32
      %swap3A_3369 = arith.index_cast %swap3A_3368 : i32 to index
      %swap3A_3370 = arith.constant 16 : index
      %swap3A_3371 = tpu.vector_load %arg8[%swap3A_3369, %swap3A_3370] {strides = array<i32>} : memref<32x128xf32, #tpu.memory_space<vmem>>, vector<1x16xf32>,
      %swap3A_3372 = vector.shape_cast %swap3A_3371 : vector<1x16xf32> to vector<16xf32>
      %swap3A_3373 = vector.shape_cast %get3A_3367 : vector<16xf32> to vector<1x16xf32>
      tpu.vector_store %arg8[%swap3A_3369, %swap3A_3370], %swap3A_3373 {strides = array<i32>} : memref<32x128xf32, #tpu.memory_space<vmem>>, vector<1x16xf32>,
      %slice3A_3374 = vector.extract_strided_slice %mul3A_3035 {offsets = [13], sizes = [1], strides = [1]} : vector<16xi32> to vector<1xi32>
      %squeeze3A_3375 = vector.extract %slice3A_3374[0] : i32 from vector<1xi32>
      %get3A_3376 = arith.constant 125 : i32
      %get3A_3377 = arith.index_cast %get3A_3376 : i32 to index
      %get3A_3378 = arith.index_cast %squeeze3A_3375 : i32 to index
      %get3A_3379 = tpu.vector_load %arg7[%get3A_3377, %get3A_3378] {strides = array<i32>} : memref<128x128xf32, #tpu.memory_space<vmem>>, vector<1x16xf32>,
      %get3A_3380 = vector.shape_cast %get3A_3379 : vector<1x16xf32> to vector<16xf32>
      %swap3A_3381 = arith.constant 31 : i32
      %swap3A_3382 = arith.index_cast %swap3A_3381 : i32 to index
      %swap3A_3383 = arith.constant 32 : index
      %swap3A_3384 = tpu.vector_load %arg8[%swap3A_3382, %swap3A_3383] {strides = array<i32>} : memref<32x128xf32, #tpu.memory_space<vmem>>, vector<1x16xf32>,
      %swap3A_3385 = vector.shape_cast %swap3A_3384 : vector<1x16xf32> to vector<16xf32>
      %swap3A_3386 = vector.shape_cast %get3A_3380 : vector<16xf32> to vector<1x16xf32>
      tpu.vector_store %arg8[%swap3A_3382, %swap3A_3383], %swap3A_3386 {strides = array<i32>} : memref<32x128xf32, #tpu.memory_space<vmem>>, vector<1x16xf32>,
      %add3A_3387 = arith.constant 16 : i32
      %add3A_3388 = arith.addi %squeeze3A_3375, %add3A_3387 : i32
      %get3A_3389 = arith.constant 125 : i32
      %get3A_3390 = arith.index_cast %get3A_3389 : i32 to index
      %get3A_3391 = arith.index_cast %add3A_3388 : i32 to index
      %get3A_3392 = tpu.vector_load %arg7[%get3A_3390, %get3A_3391] {strides = array<i32>} : memref<128x128xf32, #tpu.memory_space<vmem>>, vector<1x16xf32>,
      %get3A_3393 = vector.shape_cast %get3A_3392 : vector<1x16xf32> to vector<16xf32>
      %swap3A_3394 = arith.constant 31 : i32
      %swap3A_3395 = arith.index_cast %swap3A_3394 : i32 to index
      %swap3A_3396 = arith.constant 48 : index
      %swap3A_3397 = tpu.vector_load %arg8[%swap3A_3395, %swap3A_3396] {strides = array<i32>} : memref<32x128xf32, #tpu.memory_space<vmem>>, vector<1x16xf32>,
      %swap3A_3398 = vector.shape_cast %swap3A_3397 : vector<1x16xf32> to vector<16xf32>
      %swap3A_3399 = vector.shape_cast %get3A_3393 : vector<16xf32> to vector<1x16xf32>
      tpu.vector_store %arg8[%swap3A_3395, %swap3A_3396], %swap3A_3399 {strides = array<i32>} : memref<32x128xf32, #tpu.memory_space<vmem>>, vector<1x16xf32>,
      %slice3A_3400 = vector.extract_strided_slice %mul3A_3035 {offsets = [14], sizes = [1], strides = [1]} : vector<16xi32> to vector<1xi32>
      %squeeze3A_3401 = vector.extract %slice3A_3400[0] : i32 from vector<1xi32>
      %get3A_3402 = arith.constant 126 : i32
      %get3A_3403 = arith.index_cast %get3A_3402 : i32 to index
      %get3A_3404 = arith.index_cast %squeeze3A_3401 : i32 to index
      %get3A_3405 = tpu.vector_load %arg7[%get3A_3403, %get3A_3404] {strides = array<i32>} : memref<128x128xf32, #tpu.memory_space<vmem>>, vector<1x16xf32>,
      %get3A_3406 = vector.shape_cast %get3A_3405 : vector<1x16xf32> to vector<16xf32>
      %swap3A_3407 = arith.constant 31 : i32
      %swap3A_3408 = arith.index_cast %swap3A_3407 : i32 to index
      %swap3A_3409 = arith.constant 64 : index
      %swap3A_3410 = tpu.vector_load %arg8[%swap3A_3408, %swap3A_3409] {strides = array<i32>} : memref<32x128xf32, #tpu.memory_space<vmem>>, vector<1x16xf32>,
      %swap3A_3411 = vector.shape_cast %swap3A_3410 : vector<1x16xf32> to vector<16xf32>
      %swap3A_3412 = vector.shape_cast %get3A_3406 : vector<16xf32> to vector<1x16xf32>
      tpu.vector_store %arg8[%swap3A_3408, %swap3A_3409], %swap3A_3412 {strides = array<i32>} : memref<32x128xf32, #tpu.memory_space<vmem>>, vector<1x16xf32>,
      %add3A_3413 = arith.constant 16 : i32
      %add3A_3414 = arith.addi %squeeze3A_3401, %add3A_3413 : i32
      %get3A_3415 = arith.constant 126 : i32
      %get3A_3416 = arith.index_cast %get3A_3415 : i32 to index
      %get3A_3417 = arith.index_cast %add3A_3414 : i32 to index
      %get3A_3418 = tpu.vector_load %arg7[%get3A_3416, %get3A_3417] {strides = array<i32>} : memref<128x128xf32, #tpu.memory_space<vmem>>, vector<1x16xf32>,
      %get3A_3419 = vector.shape_cast %get3A_3418 : vector<1x16xf32> to vector<16xf32>
      %swap3A_3420 = arith.constant 31 : i32
      %swap3A_3421 = arith.index_cast %swap3A_3420 : i32 to index
      %swap3A_3422 = arith.constant 80 : index
      %swap3A_3423 = tpu.vector_load %arg8[%swap3A_3421, %swap3A_3422] {strides = array<i32>} : memref<32x128xf32, #tpu.memory_space<vmem>>, vector<1x16xf32>,
      %swap3A_3424 = vector.shape_cast %swap3A_3423 : vector<1x16xf32> to vector<16xf32>
      %swap3A_3425 = vector.shape_cast %get3A_3419 : vector<16xf32> to vector<1x16xf32>
      tpu.vector_store %arg8[%swap3A_3421, %swap3A_3422], %swap3A_3425 {strides = array<i32>} : memref<32x128xf32, #tpu.memory_space<vmem>>, vector<1x16xf32>,
      %slice3A_3426 = vector.extract_strided_slice %mul3A_3035 {offsets = [15], sizes = [1], strides = [1]} : vector<16xi32> to vector<1xi32>
      %squeeze3A_3427 = vector.extract %slice3A_3426[0] : i32 from vector<1xi32>
      %get3A_3428 = arith.constant 127 : i32
      %get3A_3429 = arith.index_cast %get3A_3428 : i32 to index
      %get3A_3430 = arith.index_cast %squeeze3A_3427 : i32 to index
      %get3A_3431 = tpu.vector_load %arg7[%get3A_3429, %get3A_3430] {strides = array<i32>} : memref<128x128xf32, #tpu.memory_space<vmem>>, vector<1x16xf32>,
      %get3A_3432 = vector.shape_cast %get3A_3431 : vector<1x16xf32> to vector<16xf32>
      %swap3A_3433 = arith.constant 31 : i32
      %swap3A_3434 = arith.index_cast %swap3A_3433 : i32 to index
      %swap3A_3435 = arith.constant 96 : index
      %swap3A_3436 = tpu.vector_load %arg8[%swap3A_3434, %swap3A_3435] {strides = array<i32>} : memref<32x128xf32, #tpu.memory_space<vmem>>, vector<1x16xf32>,
      %swap3A_3437 = vector.shape_cast %swap3A_3436 : vector<1x16xf32> to vector<16xf32>
      %swap3A_3438 = vector.shape_cast %get3A_3432 : vector<16xf32> to vector<1x16xf32>
      tpu.vector_store %arg8[%swap3A_3434, %swap3A_3435], %swap3A_3438 {strides = array<i32>} : memref<32x128xf32, #tpu.memory_space<vmem>>, vector<1x16xf32>,
      %add3A_3439 = arith.constant 16 : i32
      %add3A_3440 = arith.addi %squeeze3A_3427, %add3A_3439 : i32
      %get3A_3441 = arith.constant 127 : i32
      %get3A_3442 = arith.index_cast %get3A_3441 : i32 to index
      %get3A_3443 = arith.index_cast %add3A_3440 : i32 to index
      %get3A_3444 = tpu.vector_load %arg7[%get3A_3442, %get3A_3443] {strides = array<i32>} : memref<128x128xf32, #tpu.memory_space<vmem>>, vector<1x16xf32>,
      %get3A_3445 = vector.shape_cast %get3A_3444 : vector<1x16xf32> to vector<16xf32>
      %swap3A_3446 = arith.constant 31 : i32
      %swap3A_3447 = arith.index_cast %swap3A_3446 : i32 to index
      %swap3A_3448 = arith.constant 112 : index
      %swap3A_3449 = tpu.vector_load %arg8[%swap3A_3447, %swap3A_3448] {strides = array<i32>} : memref<32x128xf32, #tpu.memory_space<vmem>>, vector<1x16xf32>,
      %swap3A_3450 = vector.shape_cast %swap3A_3449 : vector<1x16xf32> to vector<16xf32>
      %swap3A_3451 = vector.shape_cast %get3A_3445 : vector<16xf32> to vector<1x16xf32>
      tpu.vector_store %arg8[%swap3A_3447, %swap3A_3448], %swap3A_3451 {strides = array<i32>} : memref<32x128xf32, #tpu.memory_space<vmem>>, vector<1x16xf32>,
      %add3A_3452 = arith.addi %mul3A_2, %scan3A_16 : i32
      %mul3A_3453 = arith.constant 32 : i32
      %mul3A_3454 = arith.muli %add3A_3452, %mul3A_3453 : i32
      "tpu.region"() ({
        %run_scoped3A = tpu.sem_alloc : memref<!tpu.dma_semaphore, #tpu.memory_space<semaphore_mem>>
        %dma_start3A_3455 = arith.constant 0 : i32
        %dma_start3A_3456 = tpu.memref_slice %arg4[%mul3A_3454, %dma_start3A_3455] : memref<51200x128xf32, #tpu.memory_space<hbm>> -> memref<32x128xf32, #tpu.memory_space<hbm>>
        %dma_start3A_3457 = arith.constant 0 : i32
        %dma_start3A_3458 = tpu.memref_slice %arg4[%mul3A_3454, %dma_start3A_3457] : memref<51200x128xf32, #tpu.memory_space<hbm>> -> memref<32x128xf32, #tpu.memory_space<hbm>>
        tpu.enqueue_dma source(%arg8 : memref<32x128xf32, #tpu.memory_space<vmem>>) target(%dma_start3A_3458 : memref<32x128xf32, #tpu.memory_space<hbm>>) target_semaphore(%run_scoped3A : memref<!tpu.dma_semaphore, #tpu.memory_space<semaphore_mem>>)
        %dma_wait3A_3459 = arith.constant 0 : i32
        %dma_wait3A_3460 = tpu.memref_slice %arg4[%mul3A_3454, %dma_wait3A_3459] : memref<51200x128xf32, #tpu.memory_space<hbm>> -> memref<32x128xf32, #tpu.memory_space<hbm>>
        %dma_wait3A_3461 = arith.constant 0 : i32
        %dma_wait3A_3462 = tpu.memref_slice %arg4[%mul3A_3454, %dma_wait3A_3461] : memref<51200x128xf32, #tpu.memory_space<hbm>> -> memref<32x128xf32, #tpu.memory_space<hbm>>
        tpu.wait_dma2 semaphore(%run_scoped3A : memref<!tpu.dma_semaphore, #tpu.memory_space<semaphore_mem>>) src(%arg8 : memref<32x128xf32, #tpu.memory_space<vmem>>) dst(%dma_wait3A_3462 : memref<32x128xf32, #tpu.memory_space<hbm>>)
        tpu.yield
      }) : () -> ()
    }
    %scan3A_15 = arith.constant 50 : i32
    return
  }
}

module attributes {stable_mosaic.version = 14 : i64} {
  func.func @_sigma_body(%arg0: i32, %arg1: memref<1x32768xf32, #tpu.memory_space<vmem>>, %arg2: memref<8192x128xf32, #tpu.memory_space<vmem>>, %arg3: memref<1x1xf32, #tpu.memory_space<smem>>, %arg4: memref<128x128xf32, #tpu.memory_space<vmem>>, %arg5: memref<128x128xf32, #tpu.memory_space<vmem>>, %arg6: memref<8192x128xf32, #tpu.memory_space<vmem>>) attributes {dimension_semantics = [#tpu.dimension_semantics<arbitrary>], iteration_bounds = array<i64: 31>, scalar_prefetch = 0 : i64, scratch_operands = 3 : i64, tpu.core_type = #tpu.core_type<tc>, window_params = [{transform_indices = @transform_0, window_bounds = array<i64: 1, 32768>}, {transform_indices = @transform_1, window_bounds = array<i64: 8192, 128>}, {transform_indices = @transform_2, window_bounds = array<i64: 1, 1>}]} {
    %eq3A = arith.constant 0 : i32
    %eq3A_0 = arith.cmpi eq, %arg0, %eq3A : i32
    %convert_element_type3A = arith.extui %eq3A_0 : i1 to i32
    %cond3A = arith.constant 0 : i32
    %cond3A_1 = arith.cmpi ne, %convert_element_type3A, %cond3A : i32
    scf.if %cond3A_1 {
      %broadcast_in_dim3A = arith.constant 0.000000e+00 : f32
      %broadcast_in_dim3A_16 = vector.broadcast %broadcast_in_dim3A : f32 to vector<128x128xf32>
      %swap3A = arith.constant 0 : index
      %swap3A_17 = arith.constant 0 : index
      %swap3A_18 = vector.load %arg4[%swap3A, %swap3A_17] : memref<128x128xf32, #tpu.memory_space<vmem>>, vector<128x128xf32>
      tpu.vector_store %arg4[%swap3A, %swap3A_17], %broadcast_in_dim3A_16 {strides = array<i32>} : memref<128x128xf32, #tpu.memory_space<vmem>>, vector<128x128xf32>,
      %broadcast_in_dim3A_19 = arith.constant 0.000000e+00 : f32
      %broadcast_in_dim3A_20 = vector.broadcast %broadcast_in_dim3A_19 : f32 to vector<128x128xf32>
      %swap3A_21 = arith.constant 0 : index
      %swap3A_22 = arith.constant 0 : index
      %swap3A_23 = vector.load %arg5[%swap3A_21, %swap3A_22] : memref<128x128xf32, #tpu.memory_space<vmem>>, vector<128x128xf32>
      tpu.vector_store %arg5[%swap3A_21, %swap3A_22], %broadcast_in_dim3A_20 {strides = array<i32>} : memref<128x128xf32, #tpu.memory_space<vmem>>, vector<128x128xf32>,
      %iota3A = tpu.iota {dimensions = array<i32: 1>} : vector<8192x128xi32>
      %iota3A_24 = tpu.iota {dimensions = array<i32: 0>} : vector<8192x128xi32>
      %shift_right_arithmetic3A = arith.constant 2 : i32
      %shift_right_arithmetic3A_25 = vector.broadcast %shift_right_arithmetic3A : i32 to vector<8192x128xi32>
      %shift_right_arithmetic3A_26 = arith.shrsi %iota3A, %shift_right_arithmetic3A_25 : vector<8192x128xi32>
      %and3A = arith.constant 31 : i32
      %and3A_27 = vector.broadcast %and3A : i32 to vector<8192x128xi32>
      %and3A_28 = arith.andi %iota3A_24, %and3A_27 : vector<8192x128xi32>
      %eq3A_29 = arith.cmpi eq, %shift_right_arithmetic3A_26, %and3A_28 : vector<8192x128xi32>
      %jit3A = arith.constant 1.000000e+00 : f32
      %jit3A_30 = arith.constant 0.000000e+00 : f32
      %broadcast_in_dim3A_31 = vector.broadcast %jit3A : f32 to vector<8192x128xf32>
      %broadcast_in_dim3A_32 = vector.broadcast %jit3A_30 : f32 to vector<8192x128xf32>
      %select_n3A = arith.select %eq3A_29, %broadcast_in_dim3A_31, %broadcast_in_dim3A_32 : vector<8192x128xi1>, vector<8192x128xf32>
      %swap3A_33 = arith.constant 0 : index
      %swap3A_34 = arith.constant 0 : index
      %swap3A_35 = vector.load %arg6[%swap3A_33, %swap3A_34] : memref<8192x128xf32, #tpu.memory_space<vmem>>, vector<8192x128xf32>
      tpu.vector_store %arg6[%swap3A_33, %swap3A_34], %select_n3A {strides = array<i32>} : memref<8192x128xf32, #tpu.memory_space<vmem>>, vector<8192x128xf32>,
    } else {
    }
    %lt3A = arith.constant 30 : i32
    %lt3A_2 = arith.cmpi slt, %arg0, %lt3A : i32
    %convert_element_type3A_3 = arith.extui %lt3A_2 : i1 to i32
    %cond3A_4 = arith.constant 0 : i32
    %cond3A_5 = arith.cmpi ne, %convert_element_type3A_3, %cond3A_4 : i32
    scf.if %cond3A_5 {
      %get3A = arith.constant 0 : index
      %get3A_16 = arith.constant 0 : index
      %get3A_17 = vector.load %arg2[%get3A, %get3A_16] : memref<8192x128xf32, #tpu.memory_space<vmem>>, vector<8192x128xf32>
      %get3A_18 = arith.constant 0 : index
      %get3A_19 = arith.constant 0 : index
      %get3A_20 = vector.load %arg1[%get3A_18, %get3A_19] : memref<1x32768xf32, #tpu.memory_space<vmem>>, vector<1x32768xf32>
      %get3A_21 = arith.constant 0 : index
      %get3A_22 = arith.constant 0 : index
      %get3A_23 = vector.load %arg4[%get3A_21, %get3A_22] : memref<128x128xf32, #tpu.memory_space<vmem>>, vector<128x128xf32>
      %dot_general3A = arith.constant dense<0.000000e+00> : vector<128x128xf32>
      %dot_general3A_24 = tpu.matmul %get3A_17, %get3A_17, %dot_general3A {dimension_numbers = #tpu.dot_dimension_numbers<[0], [0], [1], [1], [0, 1, 1, 1], [], []>, transpose_lhs_hint = false} : vector<8192x128xf32>, vector<8192x128xf32>, vector<128x128xf32> -> vector<128x128xf32>
      %add3A = arith.addf %get3A_23, %dot_general3A_24 : vector<128x128xf32>
      %swap3A = arith.constant 0 : index
      %swap3A_25 = arith.constant 0 : index
      %swap3A_26 = vector.load %arg4[%swap3A, %swap3A_25] : memref<128x128xf32, #tpu.memory_space<vmem>>, vector<128x128xf32>
      tpu.vector_store %arg4[%swap3A, %swap3A_25], %add3A {strides = array<i32>} : memref<128x128xf32, #tpu.memory_space<vmem>>, vector<128x128xf32>,
      %reshape3A = vector.shape_cast %get3A_20 : vector<1x32768xf32> to vector<256x128xf32>
      %broadcast_in_dim3A = vector.shape_cast %reshape3A : vector<256x128xf32> to vector<256x1x128xf32>
      %broadcast_in_dim3A_27 = vector.shape_cast %broadcast_in_dim3A : vector<256x1x128xf32> to vector<256x1x128xf32>
      %broadcast_in_dim3A_28 = vector.broadcast %broadcast_in_dim3A_27 : vector<256x1x128xf32> to vector<256x32x128xf32>
      %reshape3A_29 = vector.shape_cast %broadcast_in_dim3A_28 : vector<256x32x128xf32> to vector<8192x128xf32>
      %get3A_30 = arith.constant 0 : index
      %get3A_31 = arith.constant 0 : index
      %get3A_32 = vector.load %arg6[%get3A_30, %get3A_31] : memref<8192x128xf32, #tpu.memory_space<vmem>>, vector<8192x128xf32>
      %mul3A = arith.mulf %reshape3A_29, %get3A_32 : vector<8192x128xf32>
      %get3A_33 = arith.constant 0 : index
      %get3A_34 = arith.constant 0 : index
      %get3A_35 = vector.load %arg5[%get3A_33, %get3A_34] : memref<128x128xf32, #tpu.memory_space<vmem>>, vector<128x128xf32>
      %dot_general3A_36 = arith.constant dense<0.000000e+00> : vector<128x128xf32>
      %dot_general3A_37 = tpu.matmul %mul3A, %get3A_17, %dot_general3A_36 {dimension_numbers = #tpu.dot_dimension_numbers<[0], [0], [1], [1], [0, 1, 1, 1], [], []>, transpose_lhs_hint = false} : vector<8192x128xf32>, vector<8192x128xf32>, vector<128x128xf32> -> vector<128x128xf32>
      %add3A_38 = arith.addf %get3A_35, %dot_general3A_37 : vector<128x128xf32>
      %swap3A_39 = arith.constant 0 : index
      %swap3A_40 = arith.constant 0 : index
      %swap3A_41 = vector.load %arg5[%swap3A_39, %swap3A_40] : memref<128x128xf32, #tpu.memory_space<vmem>>, vector<128x128xf32>
      tpu.vector_store %arg5[%swap3A_39, %swap3A_40], %add3A_38 {strides = array<i32>} : memref<128x128xf32, #tpu.memory_space<vmem>>, vector<128x128xf32>,
    } else {
    }
    %eq3A_6 = arith.constant 30 : i32
    %eq3A_7 = arith.cmpi eq, %arg0, %eq3A_6 : i32
    %convert_element_type3A_8 = arith.extui %eq3A_7 : i1 to i32
    %cond3A_9 = arith.constant 0 : i32
    %cond3A_10 = arith.cmpi ne, %convert_element_type3A_8, %cond3A_9 : i32
    scf.if %cond3A_10 {
      %iota3A = tpu.iota {dimensions = array<i32: 0>} : vector<8192x128xi32>
      %iota3A_16 = tpu.iota {dimensions = array<i32: 1>} : vector<1x32768xi32>
      %lt3A_17 = arith.constant 4240 : i32
      %lt3A_18 = vector.broadcast %lt3A_17 : i32 to vector<8192x128xi32>
      %lt3A_19 = arith.cmpi slt, %iota3A, %lt3A_18 : vector<8192x128xi32>
      %get3A = arith.constant 0 : index
      %get3A_20 = arith.constant 0 : index
      %get3A_21 = vector.load %arg2[%get3A, %get3A_20] : memref<8192x128xf32, #tpu.memory_space<vmem>>, vector<8192x128xf32>
      %jit3A = arith.constant 0.000000e+00 : f32
      %broadcast_in_dim3A = vector.broadcast %jit3A : f32 to vector<8192x128xf32>
      %select_n3A = arith.select %lt3A_19, %get3A_21, %broadcast_in_dim3A : vector<8192x128xi1>, vector<8192x128xf32>
      %lt3A_22 = arith.constant 16960 : i32
      %lt3A_23 = vector.broadcast %lt3A_22 : i32 to vector<1x32768xi32>
      %lt3A_24 = arith.cmpi slt, %iota3A_16, %lt3A_23 : vector<1x32768xi32>
      %get3A_25 = arith.constant 0 : index
      %get3A_26 = arith.constant 0 : index
      %get3A_27 = vector.load %arg1[%get3A_25, %get3A_26] : memref<1x32768xf32, #tpu.memory_space<vmem>>, vector<1x32768xf32>
      %jit3A_28 = arith.constant 0.000000e+00 : f32
      %broadcast_in_dim3A_29 = vector.broadcast %jit3A_28 : f32 to vector<1x32768xf32>
      %select_n3A_30 = arith.select %lt3A_24, %get3A_27, %broadcast_in_dim3A_29 : vector<1x32768xi1>, vector<1x32768xf32>
      %get3A_31 = arith.constant 0 : index
      %get3A_32 = arith.constant 0 : index
      %get3A_33 = vector.load %arg4[%get3A_31, %get3A_32] : memref<128x128xf32, #tpu.memory_space<vmem>>, vector<128x128xf32>
      %dot_general3A = arith.constant dense<0.000000e+00> : vector<128x128xf32>
      %dot_general3A_34 = tpu.matmul %select_n3A, %select_n3A, %dot_general3A {dimension_numbers = #tpu.dot_dimension_numbers<[0], [0], [1], [1], [0, 1, 1, 1], [], []>, transpose_lhs_hint = false} : vector<8192x128xf32>, vector<8192x128xf32>, vector<128x128xf32> -> vector<128x128xf32>
      %add3A = arith.addf %get3A_33, %dot_general3A_34 : vector<128x128xf32>
      %swap3A = arith.constant 0 : index
      %swap3A_35 = arith.constant 0 : index
      %swap3A_36 = vector.load %arg4[%swap3A, %swap3A_35] : memref<128x128xf32, #tpu.memory_space<vmem>>, vector<128x128xf32>
      tpu.vector_store %arg4[%swap3A, %swap3A_35], %add3A {strides = array<i32>} : memref<128x128xf32, #tpu.memory_space<vmem>>, vector<128x128xf32>,
      %reshape3A = vector.shape_cast %select_n3A_30 : vector<1x32768xf32> to vector<256x128xf32>
      %broadcast_in_dim3A_37 = vector.shape_cast %reshape3A : vector<256x128xf32> to vector<256x1x128xf32>
      %broadcast_in_dim3A_38 = vector.shape_cast %broadcast_in_dim3A_37 : vector<256x1x128xf32> to vector<256x1x128xf32>
      %broadcast_in_dim3A_39 = vector.broadcast %broadcast_in_dim3A_38 : vector<256x1x128xf32> to vector<256x32x128xf32>
      %reshape3A_40 = vector.shape_cast %broadcast_in_dim3A_39 : vector<256x32x128xf32> to vector<8192x128xf32>
      %get3A_41 = arith.constant 0 : index
      %get3A_42 = arith.constant 0 : index
      %get3A_43 = vector.load %arg6[%get3A_41, %get3A_42] : memref<8192x128xf32, #tpu.memory_space<vmem>>, vector<8192x128xf32>
      %mul3A = arith.mulf %reshape3A_40, %get3A_43 : vector<8192x128xf32>
      %get3A_44 = arith.constant 0 : index
      %get3A_45 = arith.constant 0 : index
      %get3A_46 = vector.load %arg5[%get3A_44, %get3A_45] : memref<128x128xf32, #tpu.memory_space<vmem>>, vector<128x128xf32>
      %dot_general3A_47 = arith.constant dense<0.000000e+00> : vector<128x128xf32>
      %dot_general3A_48 = tpu.matmul %mul3A, %select_n3A, %dot_general3A_47 {dimension_numbers = #tpu.dot_dimension_numbers<[0], [0], [1], [1], [0, 1, 1, 1], [], []>, transpose_lhs_hint = false} : vector<8192x128xf32>, vector<8192x128xf32>, vector<128x128xf32> -> vector<128x128xf32>
      %add3A_49 = arith.addf %get3A_46, %dot_general3A_48 : vector<128x128xf32>
      %swap3A_50 = arith.constant 0 : index
      %swap3A_51 = arith.constant 0 : index
      %swap3A_52 = vector.load %arg5[%swap3A_50, %swap3A_51] : memref<128x128xf32, #tpu.memory_space<vmem>>, vector<128x128xf32>
      tpu.vector_store %arg5[%swap3A_50, %swap3A_51], %add3A_49 {strides = array<i32>} : memref<128x128xf32, #tpu.memory_space<vmem>>, vector<128x128xf32>,
    } else {
    }
    %eq3A_11 = arith.constant 30 : i32
    %eq3A_12 = arith.cmpi eq, %arg0, %eq3A_11 : i32
    %convert_element_type3A_13 = arith.extui %eq3A_12 : i1 to i32
    %cond3A_14 = arith.constant 0 : i32
    %cond3A_15 = arith.cmpi ne, %convert_element_type3A_13, %cond3A_14 : i32
    scf.if %cond3A_15 {
      %get3A = arith.constant 0 : index
      %get3A_16 = arith.constant 0 : index
      %get3A_17 = vector.load %arg4[%get3A, %get3A_16] : memref<128x128xf32, #tpu.memory_space<vmem>>, vector<128x128xf32>
      %slice3A = vector.extract_strided_slice %get3A_17 {offsets = [0, 0], sizes = [32, 32], strides = [1, 1]} : vector<128x128xf32> to vector<32x32xf32>
      %slice3A_18 = vector.extract_strided_slice %get3A_17 {offsets = [32, 32], sizes = [32, 32], strides = [1, 1]} : vector<128x128xf32> to vector<32x32xf32>
      %add3A = arith.addf %slice3A, %slice3A_18 : vector<32x32xf32>
      %slice3A_19 = vector.extract_strided_slice %get3A_17 {offsets = [64, 64], sizes = [32, 32], strides = [1, 1]} : vector<128x128xf32> to vector<32x32xf32>
      %add3A_20 = arith.addf %add3A, %slice3A_19 : vector<32x32xf32>
      %slice3A_21 = vector.extract_strided_slice %get3A_17 {offsets = [96, 96], sizes = [32, 32], strides = [1, 1]} : vector<128x128xf32> to vector<32x32xf32>
      %add3A_22 = arith.addf %add3A_20, %slice3A_21 : vector<32x32xf32>
      %get3A_23 = arith.constant 0 : index
      %get3A_24 = arith.constant 0 : index
      %get3A_25 = vector.load %arg5[%get3A_23, %get3A_24] : memref<128x128xf32, #tpu.memory_space<vmem>>, vector<128x128xf32>
      %broadcast_in_dim3A = arith.constant 0.000000e+00 : f32
      %broadcast_in_dim3A_26 = vector.broadcast %broadcast_in_dim3A : f32 to vector<1x32xf32>
      %slice3A_27 = vector.extract_strided_slice %get3A_25 {offsets = [0, 0], sizes = [1, 32], strides = [1, 1]} : vector<128x128xf32> to vector<1x32xf32>
      %add3A_28 = arith.addf %broadcast_in_dim3A_26, %slice3A_27 : vector<1x32xf32>
      %slice3A_29 = vector.extract_strided_slice %get3A_25 {offsets = [1, 32], sizes = [1, 32], strides = [1, 1]} : vector<128x128xf32> to vector<1x32xf32>
      %add3A_30 = arith.addf %add3A_28, %slice3A_29 : vector<1x32xf32>
      %slice3A_31 = vector.extract_strided_slice %get3A_25 {offsets = [2, 64], sizes = [1, 32], strides = [1, 1]} : vector<128x128xf32> to vector<1x32xf32>
      %add3A_32 = arith.addf %add3A_30, %slice3A_31 : vector<1x32xf32>
      %slice3A_33 = vector.extract_strided_slice %get3A_25 {offsets = [3, 96], sizes = [1, 32], strides = [1, 1]} : vector<128x128xf32> to vector<1x32xf32>
      %add3A_34 = arith.addf %add3A_32, %slice3A_33 : vector<1x32xf32>
      %slice3A_35 = vector.extract_strided_slice %get3A_25 {offsets = [4, 0], sizes = [1, 32], strides = [1, 1]} : vector<128x128xf32> to vector<1x32xf32>
      %add3A_36 = arith.addf %add3A_34, %slice3A_35 : vector<1x32xf32>
      %slice3A_37 = vector.extract_strided_slice %get3A_25 {offsets = [5, 32], sizes = [1, 32], strides = [1, 1]} : vector<128x128xf32> to vector<1x32xf32>
      %add3A_38 = arith.addf %add3A_36, %slice3A_37 : vector<1x32xf32>
      %slice3A_39 = vector.extract_strided_slice %get3A_25 {offsets = [6, 64], sizes = [1, 32], strides = [1, 1]} : vector<128x128xf32> to vector<1x32xf32>
      %add3A_40 = arith.addf %add3A_38, %slice3A_39 : vector<1x32xf32>
      %slice3A_41 = vector.extract_strided_slice %get3A_25 {offsets = [7, 96], sizes = [1, 32], strides = [1, 1]} : vector<128x128xf32> to vector<1x32xf32>
      %add3A_42 = arith.addf %add3A_40, %slice3A_41 : vector<1x32xf32>
      %slice3A_43 = vector.extract_strided_slice %get3A_25 {offsets = [8, 0], sizes = [1, 32], strides = [1, 1]} : vector<128x128xf32> to vector<1x32xf32>
      %add3A_44 = arith.addf %add3A_42, %slice3A_43 : vector<1x32xf32>
      %slice3A_45 = vector.extract_strided_slice %get3A_25 {offsets = [9, 32], sizes = [1, 32], strides = [1, 1]} : vector<128x128xf32> to vector<1x32xf32>
      %add3A_46 = arith.addf %add3A_44, %slice3A_45 : vector<1x32xf32>
      %slice3A_47 = vector.extract_strided_slice %get3A_25 {offsets = [10, 64], sizes = [1, 32], strides = [1, 1]} : vector<128x128xf32> to vector<1x32xf32>
      %add3A_48 = arith.addf %add3A_46, %slice3A_47 : vector<1x32xf32>
      %slice3A_49 = vector.extract_strided_slice %get3A_25 {offsets = [11, 96], sizes = [1, 32], strides = [1, 1]} : vector<128x128xf32> to vector<1x32xf32>
      %add3A_50 = arith.addf %add3A_48, %slice3A_49 : vector<1x32xf32>
      %slice3A_51 = vector.extract_strided_slice %get3A_25 {offsets = [12, 0], sizes = [1, 32], strides = [1, 1]} : vector<128x128xf32> to vector<1x32xf32>
      %add3A_52 = arith.addf %add3A_50, %slice3A_51 : vector<1x32xf32>
      %slice3A_53 = vector.extract_strided_slice %get3A_25 {offsets = [13, 32], sizes = [1, 32], strides = [1, 1]} : vector<128x128xf32> to vector<1x32xf32>
      %add3A_54 = arith.addf %add3A_52, %slice3A_53 : vector<1x32xf32>
      %slice3A_55 = vector.extract_strided_slice %get3A_25 {offsets = [14, 64], sizes = [1, 32], strides = [1, 1]} : vector<128x128xf32> to vector<1x32xf32>
      %add3A_56 = arith.addf %add3A_54, %slice3A_55 : vector<1x32xf32>
      %slice3A_57 = vector.extract_strided_slice %get3A_25 {offsets = [15, 96], sizes = [1, 32], strides = [1, 1]} : vector<128x128xf32> to vector<1x32xf32>
      %add3A_58 = arith.addf %add3A_56, %slice3A_57 : vector<1x32xf32>
      %slice3A_59 = vector.extract_strided_slice %get3A_25 {offsets = [16, 0], sizes = [1, 32], strides = [1, 1]} : vector<128x128xf32> to vector<1x32xf32>
      %add3A_60 = arith.addf %add3A_58, %slice3A_59 : vector<1x32xf32>
      %slice3A_61 = vector.extract_strided_slice %get3A_25 {offsets = [17, 32], sizes = [1, 32], strides = [1, 1]} : vector<128x128xf32> to vector<1x32xf32>
      %add3A_62 = arith.addf %add3A_60, %slice3A_61 : vector<1x32xf32>
      %slice3A_63 = vector.extract_strided_slice %get3A_25 {offsets = [18, 64], sizes = [1, 32], strides = [1, 1]} : vector<128x128xf32> to vector<1x32xf32>
      %add3A_64 = arith.addf %add3A_62, %slice3A_63 : vector<1x32xf32>
      %slice3A_65 = vector.extract_strided_slice %get3A_25 {offsets = [19, 96], sizes = [1, 32], strides = [1, 1]} : vector<128x128xf32> to vector<1x32xf32>
      %add3A_66 = arith.addf %add3A_64, %slice3A_65 : vector<1x32xf32>
      %slice3A_67 = vector.extract_strided_slice %get3A_25 {offsets = [20, 0], sizes = [1, 32], strides = [1, 1]} : vector<128x128xf32> to vector<1x32xf32>
      %add3A_68 = arith.addf %add3A_66, %slice3A_67 : vector<1x32xf32>
      %slice3A_69 = vector.extract_strided_slice %get3A_25 {offsets = [21, 32], sizes = [1, 32], strides = [1, 1]} : vector<128x128xf32> to vector<1x32xf32>
      %add3A_70 = arith.addf %add3A_68, %slice3A_69 : vector<1x32xf32>
      %slice3A_71 = vector.extract_strided_slice %get3A_25 {offsets = [22, 64], sizes = [1, 32], strides = [1, 1]} : vector<128x128xf32> to vector<1x32xf32>
      %add3A_72 = arith.addf %add3A_70, %slice3A_71 : vector<1x32xf32>
      %slice3A_73 = vector.extract_strided_slice %get3A_25 {offsets = [23, 96], sizes = [1, 32], strides = [1, 1]} : vector<128x128xf32> to vector<1x32xf32>
      %add3A_74 = arith.addf %add3A_72, %slice3A_73 : vector<1x32xf32>
      %slice3A_75 = vector.extract_strided_slice %get3A_25 {offsets = [24, 0], sizes = [1, 32], strides = [1, 1]} : vector<128x128xf32> to vector<1x32xf32>
      %add3A_76 = arith.addf %add3A_74, %slice3A_75 : vector<1x32xf32>
      %slice3A_77 = vector.extract_strided_slice %get3A_25 {offsets = [25, 32], sizes = [1, 32], strides = [1, 1]} : vector<128x128xf32> to vector<1x32xf32>
      %add3A_78 = arith.addf %add3A_76, %slice3A_77 : vector<1x32xf32>
      %slice3A_79 = vector.extract_strided_slice %get3A_25 {offsets = [26, 64], sizes = [1, 32], strides = [1, 1]} : vector<128x128xf32> to vector<1x32xf32>
      %add3A_80 = arith.addf %add3A_78, %slice3A_79 : vector<1x32xf32>
      %slice3A_81 = vector.extract_strided_slice %get3A_25 {offsets = [27, 96], sizes = [1, 32], strides = [1, 1]} : vector<128x128xf32> to vector<1x32xf32>
      %add3A_82 = arith.addf %add3A_80, %slice3A_81 : vector<1x32xf32>
      %slice3A_83 = vector.extract_strided_slice %get3A_25 {offsets = [28, 0], sizes = [1, 32], strides = [1, 1]} : vector<128x128xf32> to vector<1x32xf32>
      %add3A_84 = arith.addf %add3A_82, %slice3A_83 : vector<1x32xf32>
      %slice3A_85 = vector.extract_strided_slice %get3A_25 {offsets = [29, 32], sizes = [1, 32], strides = [1, 1]} : vector<128x128xf32> to vector<1x32xf32>
      %add3A_86 = arith.addf %add3A_84, %slice3A_85 : vector<1x32xf32>
      %slice3A_87 = vector.extract_strided_slice %get3A_25 {offsets = [30, 64], sizes = [1, 32], strides = [1, 1]} : vector<128x128xf32> to vector<1x32xf32>
      %add3A_88 = arith.addf %add3A_86, %slice3A_87 : vector<1x32xf32>
      %slice3A_89 = vector.extract_strided_slice %get3A_25 {offsets = [31, 96], sizes = [1, 32], strides = [1, 1]} : vector<128x128xf32> to vector<1x32xf32>
      %add3A_90 = arith.addf %add3A_88, %slice3A_89 : vector<1x32xf32>
      %slice3A_91 = vector.extract_strided_slice %get3A_25 {offsets = [32, 0], sizes = [1, 32], strides = [1, 1]} : vector<128x128xf32> to vector<1x32xf32>
      %add3A_92 = arith.addf %add3A_90, %slice3A_91 : vector<1x32xf32>
      %slice3A_93 = vector.extract_strided_slice %get3A_25 {offsets = [33, 32], sizes = [1, 32], strides = [1, 1]} : vector<128x128xf32> to vector<1x32xf32>
      %add3A_94 = arith.addf %add3A_92, %slice3A_93 : vector<1x32xf32>
      %slice3A_95 = vector.extract_strided_slice %get3A_25 {offsets = [34, 64], sizes = [1, 32], strides = [1, 1]} : vector<128x128xf32> to vector<1x32xf32>
      %add3A_96 = arith.addf %add3A_94, %slice3A_95 : vector<1x32xf32>
      %slice3A_97 = vector.extract_strided_slice %get3A_25 {offsets = [35, 96], sizes = [1, 32], strides = [1, 1]} : vector<128x128xf32> to vector<1x32xf32>
      %add3A_98 = arith.addf %add3A_96, %slice3A_97 : vector<1x32xf32>
      %slice3A_99 = vector.extract_strided_slice %get3A_25 {offsets = [36, 0], sizes = [1, 32], strides = [1, 1]} : vector<128x128xf32> to vector<1x32xf32>
      %add3A_100 = arith.addf %add3A_98, %slice3A_99 : vector<1x32xf32>
      %slice3A_101 = vector.extract_strided_slice %get3A_25 {offsets = [37, 32], sizes = [1, 32], strides = [1, 1]} : vector<128x128xf32> to vector<1x32xf32>
      %add3A_102 = arith.addf %add3A_100, %slice3A_101 : vector<1x32xf32>
      %slice3A_103 = vector.extract_strided_slice %get3A_25 {offsets = [38, 64], sizes = [1, 32], strides = [1, 1]} : vector<128x128xf32> to vector<1x32xf32>
      %add3A_104 = arith.addf %add3A_102, %slice3A_103 : vector<1x32xf32>
      %slice3A_105 = vector.extract_strided_slice %get3A_25 {offsets = [39, 96], sizes = [1, 32], strides = [1, 1]} : vector<128x128xf32> to vector<1x32xf32>
      %add3A_106 = arith.addf %add3A_104, %slice3A_105 : vector<1x32xf32>
      %slice3A_107 = vector.extract_strided_slice %get3A_25 {offsets = [40, 0], sizes = [1, 32], strides = [1, 1]} : vector<128x128xf32> to vector<1x32xf32>
      %add3A_108 = arith.addf %add3A_106, %slice3A_107 : vector<1x32xf32>
      %slice3A_109 = vector.extract_strided_slice %get3A_25 {offsets = [41, 32], sizes = [1, 32], strides = [1, 1]} : vector<128x128xf32> to vector<1x32xf32>
      %add3A_110 = arith.addf %add3A_108, %slice3A_109 : vector<1x32xf32>
      %slice3A_111 = vector.extract_strided_slice %get3A_25 {offsets = [42, 64], sizes = [1, 32], strides = [1, 1]} : vector<128x128xf32> to vector<1x32xf32>
      %add3A_112 = arith.addf %add3A_110, %slice3A_111 : vector<1x32xf32>
      %slice3A_113 = vector.extract_strided_slice %get3A_25 {offsets = [43, 96], sizes = [1, 32], strides = [1, 1]} : vector<128x128xf32> to vector<1x32xf32>
      %add3A_114 = arith.addf %add3A_112, %slice3A_113 : vector<1x32xf32>
      %slice3A_115 = vector.extract_strided_slice %get3A_25 {offsets = [44, 0], sizes = [1, 32], strides = [1, 1]} : vector<128x128xf32> to vector<1x32xf32>
      %add3A_116 = arith.addf %add3A_114, %slice3A_115 : vector<1x32xf32>
      %slice3A_117 = vector.extract_strided_slice %get3A_25 {offsets = [45, 32], sizes = [1, 32], strides = [1, 1]} : vector<128x128xf32> to vector<1x32xf32>
      %add3A_118 = arith.addf %add3A_116, %slice3A_117 : vector<1x32xf32>
      %slice3A_119 = vector.extract_strided_slice %get3A_25 {offsets = [46, 64], sizes = [1, 32], strides = [1, 1]} : vector<128x128xf32> to vector<1x32xf32>
      %add3A_120 = arith.addf %add3A_118, %slice3A_119 : vector<1x32xf32>
      %slice3A_121 = vector.extract_strided_slice %get3A_25 {offsets = [47, 96], sizes = [1, 32], strides = [1, 1]} : vector<128x128xf32> to vector<1x32xf32>
      %add3A_122 = arith.addf %add3A_120, %slice3A_121 : vector<1x32xf32>
      %slice3A_123 = vector.extract_strided_slice %get3A_25 {offsets = [48, 0], sizes = [1, 32], strides = [1, 1]} : vector<128x128xf32> to vector<1x32xf32>
      %add3A_124 = arith.addf %add3A_122, %slice3A_123 : vector<1x32xf32>
      %slice3A_125 = vector.extract_strided_slice %get3A_25 {offsets = [49, 32], sizes = [1, 32], strides = [1, 1]} : vector<128x128xf32> to vector<1x32xf32>
      %add3A_126 = arith.addf %add3A_124, %slice3A_125 : vector<1x32xf32>
      %slice3A_127 = vector.extract_strided_slice %get3A_25 {offsets = [50, 64], sizes = [1, 32], strides = [1, 1]} : vector<128x128xf32> to vector<1x32xf32>
      %add3A_128 = arith.addf %add3A_126, %slice3A_127 : vector<1x32xf32>
      %slice3A_129 = vector.extract_strided_slice %get3A_25 {offsets = [51, 96], sizes = [1, 32], strides = [1, 1]} : vector<128x128xf32> to vector<1x32xf32>
      %add3A_130 = arith.addf %add3A_128, %slice3A_129 : vector<1x32xf32>
      %slice3A_131 = vector.extract_strided_slice %get3A_25 {offsets = [52, 0], sizes = [1, 32], strides = [1, 1]} : vector<128x128xf32> to vector<1x32xf32>
      %add3A_132 = arith.addf %add3A_130, %slice3A_131 : vector<1x32xf32>
      %slice3A_133 = vector.extract_strided_slice %get3A_25 {offsets = [53, 32], sizes = [1, 32], strides = [1, 1]} : vector<128x128xf32> to vector<1x32xf32>
      %add3A_134 = arith.addf %add3A_132, %slice3A_133 : vector<1x32xf32>
      %slice3A_135 = vector.extract_strided_slice %get3A_25 {offsets = [54, 64], sizes = [1, 32], strides = [1, 1]} : vector<128x128xf32> to vector<1x32xf32>
      %add3A_136 = arith.addf %add3A_134, %slice3A_135 : vector<1x32xf32>
      %slice3A_137 = vector.extract_strided_slice %get3A_25 {offsets = [55, 96], sizes = [1, 32], strides = [1, 1]} : vector<128x128xf32> to vector<1x32xf32>
      %add3A_138 = arith.addf %add3A_136, %slice3A_137 : vector<1x32xf32>
      %slice3A_139 = vector.extract_strided_slice %get3A_25 {offsets = [56, 0], sizes = [1, 32], strides = [1, 1]} : vector<128x128xf32> to vector<1x32xf32>
      %add3A_140 = arith.addf %add3A_138, %slice3A_139 : vector<1x32xf32>
      %slice3A_141 = vector.extract_strided_slice %get3A_25 {offsets = [57, 32], sizes = [1, 32], strides = [1, 1]} : vector<128x128xf32> to vector<1x32xf32>
      %add3A_142 = arith.addf %add3A_140, %slice3A_141 : vector<1x32xf32>
      %slice3A_143 = vector.extract_strided_slice %get3A_25 {offsets = [58, 64], sizes = [1, 32], strides = [1, 1]} : vector<128x128xf32> to vector<1x32xf32>
      %add3A_144 = arith.addf %add3A_142, %slice3A_143 : vector<1x32xf32>
      %slice3A_145 = vector.extract_strided_slice %get3A_25 {offsets = [59, 96], sizes = [1, 32], strides = [1, 1]} : vector<128x128xf32> to vector<1x32xf32>
      %add3A_146 = arith.addf %add3A_144, %slice3A_145 : vector<1x32xf32>
      %slice3A_147 = vector.extract_strided_slice %get3A_25 {offsets = [60, 0], sizes = [1, 32], strides = [1, 1]} : vector<128x128xf32> to vector<1x32xf32>
      %add3A_148 = arith.addf %add3A_146, %slice3A_147 : vector<1x32xf32>
      %slice3A_149 = vector.extract_strided_slice %get3A_25 {offsets = [61, 32], sizes = [1, 32], strides = [1, 1]} : vector<128x128xf32> to vector<1x32xf32>
      %add3A_150 = arith.addf %add3A_148, %slice3A_149 : vector<1x32xf32>
      %slice3A_151 = vector.extract_strided_slice %get3A_25 {offsets = [62, 64], sizes = [1, 32], strides = [1, 1]} : vector<128x128xf32> to vector<1x32xf32>
      %add3A_152 = arith.addf %add3A_150, %slice3A_151 : vector<1x32xf32>
      %slice3A_153 = vector.extract_strided_slice %get3A_25 {offsets = [63, 96], sizes = [1, 32], strides = [1, 1]} : vector<128x128xf32> to vector<1x32xf32>
      %add3A_154 = arith.addf %add3A_152, %slice3A_153 : vector<1x32xf32>
      %slice3A_155 = vector.extract_strided_slice %get3A_25 {offsets = [64, 0], sizes = [1, 32], strides = [1, 1]} : vector<128x128xf32> to vector<1x32xf32>
      %add3A_156 = arith.addf %add3A_154, %slice3A_155 : vector<1x32xf32>
      %slice3A_157 = vector.extract_strided_slice %get3A_25 {offsets = [65, 32], sizes = [1, 32], strides = [1, 1]} : vector<128x128xf32> to vector<1x32xf32>
      %add3A_158 = arith.addf %add3A_156, %slice3A_157 : vector<1x32xf32>
      %slice3A_159 = vector.extract_strided_slice %get3A_25 {offsets = [66, 64], sizes = [1, 32], strides = [1, 1]} : vector<128x128xf32> to vector<1x32xf32>
      %add3A_160 = arith.addf %add3A_158, %slice3A_159 : vector<1x32xf32>
      %slice3A_161 = vector.extract_strided_slice %get3A_25 {offsets = [67, 96], sizes = [1, 32], strides = [1, 1]} : vector<128x128xf32> to vector<1x32xf32>
      %add3A_162 = arith.addf %add3A_160, %slice3A_161 : vector<1x32xf32>
      %slice3A_163 = vector.extract_strided_slice %get3A_25 {offsets = [68, 0], sizes = [1, 32], strides = [1, 1]} : vector<128x128xf32> to vector<1x32xf32>
      %add3A_164 = arith.addf %add3A_162, %slice3A_163 : vector<1x32xf32>
      %slice3A_165 = vector.extract_strided_slice %get3A_25 {offsets = [69, 32], sizes = [1, 32], strides = [1, 1]} : vector<128x128xf32> to vector<1x32xf32>
      %add3A_166 = arith.addf %add3A_164, %slice3A_165 : vector<1x32xf32>
      %slice3A_167 = vector.extract_strided_slice %get3A_25 {offsets = [70, 64], sizes = [1, 32], strides = [1, 1]} : vector<128x128xf32> to vector<1x32xf32>
      %add3A_168 = arith.addf %add3A_166, %slice3A_167 : vector<1x32xf32>
      %slice3A_169 = vector.extract_strided_slice %get3A_25 {offsets = [71, 96], sizes = [1, 32], strides = [1, 1]} : vector<128x128xf32> to vector<1x32xf32>
      %add3A_170 = arith.addf %add3A_168, %slice3A_169 : vector<1x32xf32>
      %slice3A_171 = vector.extract_strided_slice %get3A_25 {offsets = [72, 0], sizes = [1, 32], strides = [1, 1]} : vector<128x128xf32> to vector<1x32xf32>
      %add3A_172 = arith.addf %add3A_170, %slice3A_171 : vector<1x32xf32>
      %slice3A_173 = vector.extract_strided_slice %get3A_25 {offsets = [73, 32], sizes = [1, 32], strides = [1, 1]} : vector<128x128xf32> to vector<1x32xf32>
      %add3A_174 = arith.addf %add3A_172, %slice3A_173 : vector<1x32xf32>
      %slice3A_175 = vector.extract_strided_slice %get3A_25 {offsets = [74, 64], sizes = [1, 32], strides = [1, 1]} : vector<128x128xf32> to vector<1x32xf32>
      %add3A_176 = arith.addf %add3A_174, %slice3A_175 : vector<1x32xf32>
      %slice3A_177 = vector.extract_strided_slice %get3A_25 {offsets = [75, 96], sizes = [1, 32], strides = [1, 1]} : vector<128x128xf32> to vector<1x32xf32>
      %add3A_178 = arith.addf %add3A_176, %slice3A_177 : vector<1x32xf32>
      %slice3A_179 = vector.extract_strided_slice %get3A_25 {offsets = [76, 0], sizes = [1, 32], strides = [1, 1]} : vector<128x128xf32> to vector<1x32xf32>
      %add3A_180 = arith.addf %add3A_178, %slice3A_179 : vector<1x32xf32>
      %slice3A_181 = vector.extract_strided_slice %get3A_25 {offsets = [77, 32], sizes = [1, 32], strides = [1, 1]} : vector<128x128xf32> to vector<1x32xf32>
      %add3A_182 = arith.addf %add3A_180, %slice3A_181 : vector<1x32xf32>
      %slice3A_183 = vector.extract_strided_slice %get3A_25 {offsets = [78, 64], sizes = [1, 32], strides = [1, 1]} : vector<128x128xf32> to vector<1x32xf32>
      %add3A_184 = arith.addf %add3A_182, %slice3A_183 : vector<1x32xf32>
      %slice3A_185 = vector.extract_strided_slice %get3A_25 {offsets = [79, 96], sizes = [1, 32], strides = [1, 1]} : vector<128x128xf32> to vector<1x32xf32>
      %add3A_186 = arith.addf %add3A_184, %slice3A_185 : vector<1x32xf32>
      %slice3A_187 = vector.extract_strided_slice %get3A_25 {offsets = [80, 0], sizes = [1, 32], strides = [1, 1]} : vector<128x128xf32> to vector<1x32xf32>
      %add3A_188 = arith.addf %add3A_186, %slice3A_187 : vector<1x32xf32>
      %slice3A_189 = vector.extract_strided_slice %get3A_25 {offsets = [81, 32], sizes = [1, 32], strides = [1, 1]} : vector<128x128xf32> to vector<1x32xf32>
      %add3A_190 = arith.addf %add3A_188, %slice3A_189 : vector<1x32xf32>
      %slice3A_191 = vector.extract_strided_slice %get3A_25 {offsets = [82, 64], sizes = [1, 32], strides = [1, 1]} : vector<128x128xf32> to vector<1x32xf32>
      %add3A_192 = arith.addf %add3A_190, %slice3A_191 : vector<1x32xf32>
      %slice3A_193 = vector.extract_strided_slice %get3A_25 {offsets = [83, 96], sizes = [1, 32], strides = [1, 1]} : vector<128x128xf32> to vector<1x32xf32>
      %add3A_194 = arith.addf %add3A_192, %slice3A_193 : vector<1x32xf32>
      %slice3A_195 = vector.extract_strided_slice %get3A_25 {offsets = [84, 0], sizes = [1, 32], strides = [1, 1]} : vector<128x128xf32> to vector<1x32xf32>
      %add3A_196 = arith.addf %add3A_194, %slice3A_195 : vector<1x32xf32>
      %slice3A_197 = vector.extract_strided_slice %get3A_25 {offsets = [85, 32], sizes = [1, 32], strides = [1, 1]} : vector<128x128xf32> to vector<1x32xf32>
      %add3A_198 = arith.addf %add3A_196, %slice3A_197 : vector<1x32xf32>
      %slice3A_199 = vector.extract_strided_slice %get3A_25 {offsets = [86, 64], sizes = [1, 32], strides = [1, 1]} : vector<128x128xf32> to vector<1x32xf32>
      %add3A_200 = arith.addf %add3A_198, %slice3A_199 : vector<1x32xf32>
      %slice3A_201 = vector.extract_strided_slice %get3A_25 {offsets = [87, 96], sizes = [1, 32], strides = [1, 1]} : vector<128x128xf32> to vector<1x32xf32>
      %add3A_202 = arith.addf %add3A_200, %slice3A_201 : vector<1x32xf32>
      %slice3A_203 = vector.extract_strided_slice %get3A_25 {offsets = [88, 0], sizes = [1, 32], strides = [1, 1]} : vector<128x128xf32> to vector<1x32xf32>
      %add3A_204 = arith.addf %add3A_202, %slice3A_203 : vector<1x32xf32>
      %slice3A_205 = vector.extract_strided_slice %get3A_25 {offsets = [89, 32], sizes = [1, 32], strides = [1, 1]} : vector<128x128xf32> to vector<1x32xf32>
      %add3A_206 = arith.addf %add3A_204, %slice3A_205 : vector<1x32xf32>
      %slice3A_207 = vector.extract_strided_slice %get3A_25 {offsets = [90, 64], sizes = [1, 32], strides = [1, 1]} : vector<128x128xf32> to vector<1x32xf32>
      %add3A_208 = arith.addf %add3A_206, %slice3A_207 : vector<1x32xf32>
      %slice3A_209 = vector.extract_strided_slice %get3A_25 {offsets = [91, 96], sizes = [1, 32], strides = [1, 1]} : vector<128x128xf32> to vector<1x32xf32>
      %add3A_210 = arith.addf %add3A_208, %slice3A_209 : vector<1x32xf32>
      %slice3A_211 = vector.extract_strided_slice %get3A_25 {offsets = [92, 0], sizes = [1, 32], strides = [1, 1]} : vector<128x128xf32> to vector<1x32xf32>
      %add3A_212 = arith.addf %add3A_210, %slice3A_211 : vector<1x32xf32>
      %slice3A_213 = vector.extract_strided_slice %get3A_25 {offsets = [93, 32], sizes = [1, 32], strides = [1, 1]} : vector<128x128xf32> to vector<1x32xf32>
      %add3A_214 = arith.addf %add3A_212, %slice3A_213 : vector<1x32xf32>
      %slice3A_215 = vector.extract_strided_slice %get3A_25 {offsets = [94, 64], sizes = [1, 32], strides = [1, 1]} : vector<128x128xf32> to vector<1x32xf32>
      %add3A_216 = arith.addf %add3A_214, %slice3A_215 : vector<1x32xf32>
      %slice3A_217 = vector.extract_strided_slice %get3A_25 {offsets = [95, 96], sizes = [1, 32], strides = [1, 1]} : vector<128x128xf32> to vector<1x32xf32>
      %add3A_218 = arith.addf %add3A_216, %slice3A_217 : vector<1x32xf32>
      %slice3A_219 = vector.extract_strided_slice %get3A_25 {offsets = [96, 0], sizes = [1, 32], strides = [1, 1]} : vector<128x128xf32> to vector<1x32xf32>
      %add3A_220 = arith.addf %add3A_218, %slice3A_219 : vector<1x32xf32>
      %slice3A_221 = vector.extract_strided_slice %get3A_25 {offsets = [97, 32], sizes = [1, 32], strides = [1, 1]} : vector<128x128xf32> to vector<1x32xf32>
      %add3A_222 = arith.addf %add3A_220, %slice3A_221 : vector<1x32xf32>
      %slice3A_223 = vector.extract_strided_slice %get3A_25 {offsets = [98, 64], sizes = [1, 32], strides = [1, 1]} : vector<128x128xf32> to vector<1x32xf32>
      %add3A_224 = arith.addf %add3A_222, %slice3A_223 : vector<1x32xf32>
      %slice3A_225 = vector.extract_strided_slice %get3A_25 {offsets = [99, 96], sizes = [1, 32], strides = [1, 1]} : vector<128x128xf32> to vector<1x32xf32>
      %add3A_226 = arith.addf %add3A_224, %slice3A_225 : vector<1x32xf32>
      %slice3A_227 = vector.extract_strided_slice %get3A_25 {offsets = [100, 0], sizes = [1, 32], strides = [1, 1]} : vector<128x128xf32> to vector<1x32xf32>
      %add3A_228 = arith.addf %add3A_226, %slice3A_227 : vector<1x32xf32>
      %slice3A_229 = vector.extract_strided_slice %get3A_25 {offsets = [101, 32], sizes = [1, 32], strides = [1, 1]} : vector<128x128xf32> to vector<1x32xf32>
      %add3A_230 = arith.addf %add3A_228, %slice3A_229 : vector<1x32xf32>
      %slice3A_231 = vector.extract_strided_slice %get3A_25 {offsets = [102, 64], sizes = [1, 32], strides = [1, 1]} : vector<128x128xf32> to vector<1x32xf32>
      %add3A_232 = arith.addf %add3A_230, %slice3A_231 : vector<1x32xf32>
      %slice3A_233 = vector.extract_strided_slice %get3A_25 {offsets = [103, 96], sizes = [1, 32], strides = [1, 1]} : vector<128x128xf32> to vector<1x32xf32>
      %add3A_234 = arith.addf %add3A_232, %slice3A_233 : vector<1x32xf32>
      %slice3A_235 = vector.extract_strided_slice %get3A_25 {offsets = [104, 0], sizes = [1, 32], strides = [1, 1]} : vector<128x128xf32> to vector<1x32xf32>
      %add3A_236 = arith.addf %add3A_234, %slice3A_235 : vector<1x32xf32>
      %slice3A_237 = vector.extract_strided_slice %get3A_25 {offsets = [105, 32], sizes = [1, 32], strides = [1, 1]} : vector<128x128xf32> to vector<1x32xf32>
      %add3A_238 = arith.addf %add3A_236, %slice3A_237 : vector<1x32xf32>
      %slice3A_239 = vector.extract_strided_slice %get3A_25 {offsets = [106, 64], sizes = [1, 32], strides = [1, 1]} : vector<128x128xf32> to vector<1x32xf32>
      %add3A_240 = arith.addf %add3A_238, %slice3A_239 : vector<1x32xf32>
      %slice3A_241 = vector.extract_strided_slice %get3A_25 {offsets = [107, 96], sizes = [1, 32], strides = [1, 1]} : vector<128x128xf32> to vector<1x32xf32>
      %add3A_242 = arith.addf %add3A_240, %slice3A_241 : vector<1x32xf32>
      %slice3A_243 = vector.extract_strided_slice %get3A_25 {offsets = [108, 0], sizes = [1, 32], strides = [1, 1]} : vector<128x128xf32> to vector<1x32xf32>
      %add3A_244 = arith.addf %add3A_242, %slice3A_243 : vector<1x32xf32>
      %slice3A_245 = vector.extract_strided_slice %get3A_25 {offsets = [109, 32], sizes = [1, 32], strides = [1, 1]} : vector<128x128xf32> to vector<1x32xf32>
      %add3A_246 = arith.addf %add3A_244, %slice3A_245 : vector<1x32xf32>
      %slice3A_247 = vector.extract_strided_slice %get3A_25 {offsets = [110, 64], sizes = [1, 32], strides = [1, 1]} : vector<128x128xf32> to vector<1x32xf32>
      %add3A_248 = arith.addf %add3A_246, %slice3A_247 : vector<1x32xf32>
      %slice3A_249 = vector.extract_strided_slice %get3A_25 {offsets = [111, 96], sizes = [1, 32], strides = [1, 1]} : vector<128x128xf32> to vector<1x32xf32>
      %add3A_250 = arith.addf %add3A_248, %slice3A_249 : vector<1x32xf32>
      %slice3A_251 = vector.extract_strided_slice %get3A_25 {offsets = [112, 0], sizes = [1, 32], strides = [1, 1]} : vector<128x128xf32> to vector<1x32xf32>
      %add3A_252 = arith.addf %add3A_250, %slice3A_251 : vector<1x32xf32>
      %slice3A_253 = vector.extract_strided_slice %get3A_25 {offsets = [113, 32], sizes = [1, 32], strides = [1, 1]} : vector<128x128xf32> to vector<1x32xf32>
      %add3A_254 = arith.addf %add3A_252, %slice3A_253 : vector<1x32xf32>
      %slice3A_255 = vector.extract_strided_slice %get3A_25 {offsets = [114, 64], sizes = [1, 32], strides = [1, 1]} : vector<128x128xf32> to vector<1x32xf32>
      %add3A_256 = arith.addf %add3A_254, %slice3A_255 : vector<1x32xf32>
      %slice3A_257 = vector.extract_strided_slice %get3A_25 {offsets = [115, 96], sizes = [1, 32], strides = [1, 1]} : vector<128x128xf32> to vector<1x32xf32>
      %add3A_258 = arith.addf %add3A_256, %slice3A_257 : vector<1x32xf32>
      %slice3A_259 = vector.extract_strided_slice %get3A_25 {offsets = [116, 0], sizes = [1, 32], strides = [1, 1]} : vector<128x128xf32> to vector<1x32xf32>
      %add3A_260 = arith.addf %add3A_258, %slice3A_259 : vector<1x32xf32>
      %slice3A_261 = vector.extract_strided_slice %get3A_25 {offsets = [117, 32], sizes = [1, 32], strides = [1, 1]} : vector<128x128xf32> to vector<1x32xf32>
      %add3A_262 = arith.addf %add3A_260, %slice3A_261 : vector<1x32xf32>
      %slice3A_263 = vector.extract_strided_slice %get3A_25 {offsets = [118, 64], sizes = [1, 32], strides = [1, 1]} : vector<128x128xf32> to vector<1x32xf32>
      %add3A_264 = arith.addf %add3A_262, %slice3A_263 : vector<1x32xf32>
      %slice3A_265 = vector.extract_strided_slice %get3A_25 {offsets = [119, 96], sizes = [1, 32], strides = [1, 1]} : vector<128x128xf32> to vector<1x32xf32>
      %add3A_266 = arith.addf %add3A_264, %slice3A_265 : vector<1x32xf32>
      %slice3A_267 = vector.extract_strided_slice %get3A_25 {offsets = [120, 0], sizes = [1, 32], strides = [1, 1]} : vector<128x128xf32> to vector<1x32xf32>
      %add3A_268 = arith.addf %add3A_266, %slice3A_267 : vector<1x32xf32>
      %slice3A_269 = vector.extract_strided_slice %get3A_25 {offsets = [121, 32], sizes = [1, 32], strides = [1, 1]} : vector<128x128xf32> to vector<1x32xf32>
      %add3A_270 = arith.addf %add3A_268, %slice3A_269 : vector<1x32xf32>
      %slice3A_271 = vector.extract_strided_slice %get3A_25 {offsets = [122, 64], sizes = [1, 32], strides = [1, 1]} : vector<128x128xf32> to vector<1x32xf32>
      %add3A_272 = arith.addf %add3A_270, %slice3A_271 : vector<1x32xf32>
      %slice3A_273 = vector.extract_strided_slice %get3A_25 {offsets = [123, 96], sizes = [1, 32], strides = [1, 1]} : vector<128x128xf32> to vector<1x32xf32>
      %add3A_274 = arith.addf %add3A_272, %slice3A_273 : vector<1x32xf32>
      %slice3A_275 = vector.extract_strided_slice %get3A_25 {offsets = [124, 0], sizes = [1, 32], strides = [1, 1]} : vector<128x128xf32> to vector<1x32xf32>
      %add3A_276 = arith.addf %add3A_274, %slice3A_275 : vector<1x32xf32>
      %slice3A_277 = vector.extract_strided_slice %get3A_25 {offsets = [125, 32], sizes = [1, 32], strides = [1, 1]} : vector<128x128xf32> to vector<1x32xf32>
      %add3A_278 = arith.addf %add3A_276, %slice3A_277 : vector<1x32xf32>
      %slice3A_279 = vector.extract_strided_slice %get3A_25 {offsets = [126, 64], sizes = [1, 32], strides = [1, 1]} : vector<128x128xf32> to vector<1x32xf32>
      %add3A_280 = arith.addf %add3A_278, %slice3A_279 : vector<1x32xf32>
      %slice3A_281 = vector.extract_strided_slice %get3A_25 {offsets = [127, 96], sizes = [1, 32], strides = [1, 1]} : vector<128x128xf32> to vector<1x32xf32>
      %add3A_282 = arith.addf %add3A_280, %slice3A_281 : vector<1x32xf32>
      %mul3A = arith.mulf %add3A_282, %add3A_282 : vector<1x32xf32>
      %reduce_sum3A = vector.shape_cast %mul3A : vector<1x32xf32> to vector<1x1x32xf32>
      %reduce_sum3A_283 = arith.constant dense<0.000000e+00> : vector<1xf32>
      %reduce_sum3A_284 = vector.multi_reduction <add>, %reduce_sum3A, %reduce_sum3A_283 [1, 2] : vector<1x1x32xf32> to vector<1xf32>
      %reduce_sum3A_285 = vector.shape_cast %reduce_sum3A_284 : vector<1xf32> to vector<1x1x1xf32>
      %reduce_sum3A_286 = vector.extract %reduce_sum3A_285[0, 0, 0] : f32 from vector<1x1x1xf32>
      %sqrt3A = math.sqrt %reduce_sum3A_286 : f32
      %add3A_287 = arith.constant 9.99999996E-13 : f32
      %add3A_288 = arith.addf %sqrt3A, %add3A_287 : f32
      %div3A = vector.broadcast %add3A_288 : f32 to vector<1x32xf32>
      %div3A_289 = arith.divf %add3A_282, %div3A : vector<1x32xf32>
      %dot_general3A = arith.constant dense<0.000000e+00> : vector<1x32xf32>
      %dot_general3A_290 = tpu.matmul %div3A_289, %add3A_22, %dot_general3A {dimension_numbers = #tpu.dot_dimension_numbers<[1], [0], [0], [1], [0, 0, 1, 1], [], []>, precision = #tpu.contract_precision<fp32>, transpose_lhs_hint = false} : vector<1x32xf32>, vector<32x32xf32>, vector<1x32xf32> -> vector<1x32xf32>
      %mul3A_291 = arith.mulf %dot_general3A_290, %div3A_289 : vector<1x32xf32>
      %reduce_sum3A_292 = vector.shape_cast %mul3A_291 : vector<1x32xf32> to vector<1x1x32xf32>
      %reduce_sum3A_293 = arith.constant dense<0.000000e+00> : vector<1xf32>
      %reduce_sum3A_294 = vector.multi_reduction <add>, %reduce_sum3A_292, %reduce_sum3A_293 [1, 2] : vector<1x1x32xf32> to vector<1xf32>
      %reduce_sum3A_295 = vector.shape_cast %reduce_sum3A_294 : vector<1xf32> to vector<1x1x1xf32>
      %reduce_sum3A_296 = vector.extract %reduce_sum3A_295[0, 0, 0] : f32 from vector<1x1x1xf32>
      %sqrt3A_297 = math.sqrt %reduce_sum3A_296 : f32
      %add3A_298 = arith.constant 9.99999996E-13 : f32
      %add3A_299 = arith.addf %sqrt3A_297, %add3A_298 : f32
      %div3A_300 = arith.divf %reduce_sum3A_296, %add3A_299 : f32
      %swap3A = arith.constant 0 : index
      %swap3A_301 = arith.constant 0 : index
      %swap3A_302 = memref.load %arg3[%swap3A, %swap3A_301] : memref<1x1xf32, #tpu.memory_space<smem>>
      memref.store %div3A_300, %arg3[%swap3A, %swap3A_301] : memref<1x1xf32, #tpu.memory_space<smem>>
    } else {
    }
    return
  }
  func.func @transform_0(%arg0: i32) -> (i32, i32) {
    %c0_i32 = arith.constant 0 : i32
    %c0_i32_0 = arith.constant 0 : i32
    return %c0_i32, %arg0 : i32, i32
  }
  func.func @transform_1(%arg0: i32) -> (i32, i32) {
    %c0_i32 = arith.constant 0 : i32
    %c0_i32_0 = arith.constant 0 : i32
    return %arg0, %c0_i32 : i32, i32
  }
  func.func @transform_2(%arg0: i32) -> (i32, i32) {
    %c0_i32 = arith.constant 0 : i32
    %c0_i32_0 = arith.constant 0 : i32
    %c0_i32_1 = arith.constant 0 : i32
    return %c0_i32, %c0_i32_0 : i32, i32
  }
}

module attributes {stable_mosaic.version = 14 : i64} {
  func.func @_scale_body(%arg0: i32, %arg1: memref<1x1xf32, #tpu.memory_space<smem>>, %arg2: memref<2048x128xf32, #tpu.memory_space<vmem>>, %arg3: memref<2048x128xf32, #tpu.memory_space<vmem>>) attributes {dimension_semantics = [#tpu.dimension_semantics<arbitrary>], iteration_bounds = array<i64: 25>, scalar_prefetch = 0 : i64, scratch_operands = 0 : i64, tpu.core_type = #tpu.core_type<tc>, window_params = [{transform_indices = @transform_0, window_bounds = array<i64: 1, 1>}, {transform_indices = @transform_1, window_bounds = array<i64: 2048, 128>}, {transform_indices = @transform_2, window_bounds = array<i64: 2048, 128>}]} {
    %get3A = arith.constant 0 : index
    %get3A_0 = arith.constant 0 : index
    %get3A_1 = vector.load %arg2[%get3A, %get3A_0] : memref<2048x128xf32, #tpu.memory_space<vmem>>, vector<2048x128xf32>
    %get3A_2 = arith.constant 0 : index
    %get3A_3 = arith.constant 0 : index
    %get3A_4 = memref.load %arg1[%get3A_2, %get3A_3] : memref<1x1xf32, #tpu.memory_space<smem>>
    %div3A = arith.constant 1.000000e+00 : f32
    %div3A_5 = arith.divf %div3A, %get3A_4 : f32
    %mul3A = vector.broadcast %div3A_5 : f32 to vector<2048x128xf32>
    %mul3A_6 = arith.mulf %get3A_1, %mul3A : vector<2048x128xf32>
    %swap3A = arith.constant 0 : index
    %swap3A_7 = arith.constant 0 : index
    %swap3A_8 = vector.load %arg3[%swap3A, %swap3A_7] : memref<2048x128xf32, #tpu.memory_space<vmem>>, vector<2048x128xf32>
    tpu.vector_store %arg3[%swap3A, %swap3A_7], %mul3A_6 {strides = array<i32>} : memref<2048x128xf32, #tpu.memory_space<vmem>>, vector<2048x128xf32>,
    return
  }
  func.func @transform_0(%arg0: i32) -> (i32, i32) {
    %c0_i32 = arith.constant 0 : i32
    %c0_i32_0 = arith.constant 0 : i32
    %c0_i32_1 = arith.constant 0 : i32
    return %c0_i32, %c0_i32_0 : i32, i32
  }
  func.func @transform_1(%arg0: i32) -> (i32, i32) {
    %c0_i32 = arith.constant 0 : i32
    %c0_i32_0 = arith.constant 0 : i32
    return %arg0, %c0_i32 : i32, i32
  }
  func.func @transform_2(%arg0: i32) -> (i32, i32) {
    %c0_i32 = arith.constant 0 : i32
    %c0_i32_0 = arith.constant 0 : i32
    return %arg0, %c0_i32 : i32, i32
  }
}

</mosaic_0001>

<sc_bundles>
// kernel: kernel.5.cloned.1.call-start
scs
__scs_entry_jumppad:
0x0: {  	(pc) =	sbr.rel $0x88, $3  }
0x1: {  	(tag) =	ssettag $0x0;
	lr =	simm.s32 $0x1  }
0x2: {  	[smem:$0x3F9E] =	sst lr;
	_ =	strace $0xD0000000  }
0x3: {  	_ = 	snop  }
0x4: {  	_ = 	snop  }
0x5: {  	_ = 	snop  }
0x6: {  	_ = 	snop  }
0x7: {  	_ = 	snop  }
__scs_overlays_trampoline_lowered:
0x8: {  	[smem:$0x3FAD] =	sst s0  }
0x9: {  	[smem:$0x3FAE] =	sst s1  }
0xa: {  	[smem:$0x3FAF] =	sst s2  }
0xb: {  	[smem:$0x3FB0] =	sst s3  }
0xc: {  	[smem:$0x3FB1] =	sst s4  }
0xd: {  	[smem:$0x3FB2] =	sst s5  }
0xe: {  	[smem:$0x3FB3] =	sst s6  }
0xf: {  	[smem:$0x3FB4] =	sst s7  }
0x10: {  	[smem:$0x3FB5] =	sst s8  }
0x11: {  	[smem:$0x3FB6] =	sst s9;
	s0 =	simm.s32 @!p0 $0x0  }
0x12: {  	s1 =	sld [smem:$0x3F9C];
	s0 =	simm.s32 @p0 $0x1  }
0x13: {  	[smem:$0x3FB7] =	sst s0;
	s0 =	simm.s32 @!p1 $0x0  }
0x14: {  	s2 =	sld [smem:$0x3F9B];
	s0 =	simm.s32 @p1 $0x1  }
0x15: {  	[smem:$0x3FB8] =	sst s0;
	s0 =	simm.s32 @!p2 $0x0  }
0x16: {  	s3 =	sld [smem:$0x3FDB];
	s0 =	simm.s32 @p2 $0x1  }
0x17: {  	s4 =	simm.s32 $0x1BF5;
	[smem:$0x3FBA] =	sst s0  }
0x18: {  	s0 =	sld [smem:$0x3F9D];
	_ =	swait.ge [sflag:s4], $0x0  }
0x19: {  	s7 =	sld [smem:$0x3F9E]  }
0x1a: {  	s8 =	sadd.s32 $0xFFFFE003, lr  }
0x1b: {  	s9 =	sadd.s32 $0xFFFFFEF7, lr;
	s5 =	simm.s32 $0xFFFFFFFF;
	p2 =	slt.u32 s8, $0xFFFFF086  }
0x1c: {  	p1 =	slt.u32 s9, $0xF7A;
	s5 =	simm.s32 @!p2 $0x0  }
0x1d: {  	s5 =	simm.s32 @p1 $0x1;
	p0 =	seq.s32 s7, s2  }
0x1e: {  	s7 =	smul.u32 @!p0 $0xF7A, s2;
	p2 =	seq.s32 @!p0 s5, $0x0  }
0x1f: {  	s9 =	smul.u32 $0xF7A, s1;
	s8 =	simm.s32 @!p0 $0x1BF5;
	p2 =	por !p2, p0  }
0x20: {  	[sflag:s8] =	ssyncset.s32 @!p0 $0xFFFFF086;
	s6 =	sadd.s32 @!p0 s3, s7;
	s7 =	simm.s32 @!p0 $0x108  }
0x21: {  	s3 =	sadd.s32 s3, s9;
	s6 =	sadd.s32 @!p0 $0x88, s6;
	s7 =	simm.s32 @p2 $0x1082  }
0x22: {  	[simem:s7], [sflag:s8] =	dma.local @!p0 [hbm:s6], $0xF7A  }
0x23: {  	s9 =	sor.u32 $0xD0000000, s2;
	s6 =	simm.s32 $0x108;
	_ =	swait.ge @!p0 [sflag:s8], $0x0  }
0x24: {  	s3 =	sadd.s32 $0x88, s3;
	s6 =	simm.s32 @!p1 $0x1082;
	[sflag:s4] =	ssyncset.s32 $0xFFFFF086  }
0x25: {  	[simem:s6], [sflag:s4] =	dma.local [hbm:s3], $0xF7A  }
0x26: {  	[smem:$0x3F9E] =	sst s1;
	(tag) =	ssettag s2;
	_ =	strace s9  }
0x27: {  	s1 =	sld [smem:$0x3FAE]  }
0x28: {  	s2 =	sld [smem:$0x3FAF]  }
0x29: {  	s4 =	sld [smem:$0x3FB1]  }
0x2a: {  	p0 =	seq.s32 s5, $0x0;
	s5 =	sld [smem:$0x3FB2]  }
0x2b: {  	s6 =	sld [smem:$0x3FB3]  }
0x2c: {  	s7 =	sld [smem:$0x3FB4]  }
0x2d: {  	s3 =	simm.s32 $0x108;
	s8 =	sld [smem:$0x3FB5]  }
0x2e: {  	s3 =	simm.s32 @!p0 $0x1082;
	s9 =	sld [smem:$0x3FB6]  }
0x2f: {  	lr =	sadd.s32 s0, s3;
	s0 =	sld [smem:$0x3FAD]  }
0x30: {  	s3 =	sld [smem:$0x3FB0]  }
0x31: {  	[smem:$0x3FB9] =	sst s10  }
0x32: {  	s10 =	sld [smem:$0x3FB7];
	_ =	sdelay $0x3  }
0x33: {  	p0 =	seq.s32 s10, $0x1;
	s10 =	sld [smem:$0x3FB9];
	_ =	sdelay $0x3  }
0x34: {  	[smem:$0x3FB9] =	sst s10  }
0x35: {  	s10 =	sld [smem:$0x3FB8];
	_ =	sdelay $0x3  }
0x36: {  	p1 =	seq.s32 s10, $0x1;
	s10 =	sld [smem:$0x3FB9];
	_ =	sdelay $0x3  }
0x37: {  	[smem:$0x3FB9] =	sst s10  }
0x38: {  	s10 =	sld [smem:$0x3FBA]  }
0x39: {  	_ = 	snop;
	(pc) =	sbr.ind lr, $3  }
0x3a: {  	_ = 	snop  }
0x3b: {  	_ = 	snop  }
0x3c: {  	p2 =	seq.s32 s10, $0x1;
	s10 =	sld [smem:$0x3FB9]  }
0x3d: {  	_ =	shalt  }
0x3e: {  	_ =	shalt  }
0x3f: {  	_ =	shalt  }
0x40: {  	_ =	shalt  }
0x41: {  	_ =	shalt  }
0x42: {  	_ =	shalt  }
0x43: {  	_ =	shalt  }
0x44: {  	_ =	shalt  }
0x45: {  	_ =	shalt  }
0x46: {  	_ =	shalt  }
0x47: {  	_ =	shalt  }
0x48: {  	_ =	shalt  }
0x49: {  	_ =	shalt  }
0x4a: {  	_ =	shalt  }
0x4b: {  	_ =	shalt  }
0x4c: {  	_ =	shalt  }
0x4d: {  	_ =	shalt  }
0x4e: {  	_ =	shalt  }
0x4f: {  	_ =	shalt  }
0x50: {  	_ =	shalt  }
0x51: {  	_ =	shalt  }
0x52: {  	_ =	shalt  }
0x53: {  	_ =	shalt  }
0x54: {  	_ =	shalt  }
0x55: {  	_ =	shalt  }
0x56: {  	_ =	shalt  }
0x57: {  	_ =	shalt  }
0x58: {  	_ =	shalt  }
0x59: {  	_ =	shalt  }
0x5a: {  	_ =	shalt  }
0x5b: {  	_ =	shalt  }
0x5c: {  	_ =	shalt  }
0x5d: {  	_ =	shalt  }
0x5e: {  	_ =	shalt  }
0x5f: {  	_ =	shalt  }
0x60: {  	_ =	shalt  }
0x61: {  	_ =	shalt  }
0x62: {  	_ =	shalt  }
0x63: {  	_ =	shalt  }
0x64: {  	_ =	shalt  }
0x65: {  	_ =	shalt  }
0x66: {  	_ =	shalt  }
0x67: {  	_ =	shalt  }
0x68: {  	_ =	shalt  }
0x69: {  	_ =	shalt  }
0x6a: {  	_ =	shalt  }
0x6b: {  	_ =	shalt  }
0x6c: {  	_ =	shalt  }
0x6d: {  	_ =	shalt  }
0x6e: {  	_ =	shalt  }
0x6f: {  	_ =	shalt  }
0x70: {  	_ =	shalt  }
0x71: {  	_ =	shalt  }
0x72: {  	_ =	shalt  }
0x73: {  	_ =	shalt  }
0x74: {  	_ =	shalt  }
0x75: {  	_ =	shalt  }
0x76: {  	_ =	shalt  }
0x77: {  	_ =	shalt  }
0x78: {  	_ =	shalt  }
0x79: {  	_ =	shalt  }
0x7a: {  	_ =	shalt  }
0x7b: {  	_ =	shalt  }
0x7c: {  	_ =	shalt  }
0x7d: {  	_ =	shalt  }
0x7e: {  	_ =	shalt  }
0x7f: {  	_ =	shalt  }
0x80: {  	_ =	shalt  }
0x81: {  	_ =	shalt  }
0x82: {  	_ =	shalt  }
0x83: {  	_ =	shalt  }
0x84: {  	_ =	shalt  }
0x85: {  	_ =	shalt  }
0x86: {  	_ =	shalt  }
0x87: {  	_ =	shalt  }
.Lfunc_end0:
.L_simem_size_0:
called_computation_lowered:
.L_overlay_start_0:
0x88: {  	s2 =	sld [smem:$0x3FD9]  }
0x89: {  	s3 =	sld [smem:$0x3FFE];
	_ =	sdelay $0x1  }
0x8a: {  	s1 =	srdreg.scid  }
0x8b: {  	s0 =	sand.u32 $0x1, s1  }
0x8c: {  	s17 =	sshll.u32 s0, $0xA;
	s2 =	sadd.s32 s3, s2  }
0x8d: {  	s2 =	sadd.s32 s2, s17  }
0x8e: {  	[smem:$0x3FC5] =	sst s2  }
0x8f: {  	_ = 	snop  }
0x90: {  	s2 =	sld [smem:$0x3FD0];
	(tm) =	ssettm $0x1  }
0x91: {  	s18 =	sld [smem:$0x3FFB];
	_ =	sdelay $0x3  }
0x92: {  	_ =	strace s18  }
0x93: {  	s3 =	sld [smem:$0x3FFC];
	_ =	sdelay $0x3  }
0x94: {  	_ =	strace s3  }
0x95: {  	s3 =	sld [smem:$0x3FFD];
	_ =	sdelay $0x3  }
0x96: {  	_ =	strace s3  }
0x97: {  	_ =	strace $0x8FFFFFFF  }
0x98: {  	s19 =	sld [smem:$0x3FDB];
	_ =	sdelay $0x1  }
0x99: {  	s4 =	simm.s32 $_scs_section_size  }
0x9a: {  	s5 =	simm.s32 $_size__tile_overlayer_lowered;
	s6 =	simm.s32 $_tile_overlayer_lowered  }
0x9b: {  	s22 =	simm.s32 $0x1BFF;
	s21 =	sshll.u32 s6, $0x1;
	s3 =	sadd.s32 s4, s19  }
0x9c: {  	s7 =	simm.s32 $0x0;
	s20 =	sshll.u32 s5, $0x1;
	s5 =	sadd.s32 s21, s3  }
0x9d: {  	[timem:s7], [sflag:s22] =	dma.local [hbm:s5], s20  }
0x9e: {  	_ =	swait.ge [sflag:s22], s20  }
0x9f: {  	s4 =	ssub.s32 $0x0, s20;
	[sflag:s22] =	ssyncset.done $0x0  }
0xa0: {  	[sflag:s22] =	ssyncadd.s32 s4;
	_ =	sdelay $0x1  }
0xa1: {  	s23 =	simm.s32 $0x1B8B  }
0xa2: {  	_ =	swait.ge [sflag:s23], $0x1  }
0xa3: {  	[sflag:s23] =	ssyncset.done $0x0  }
0xa4: {  	s25 =	simm.s32 $0x1B8E;
	s24 =	sld [smem:$0x3FFE];
	[sflag:s23] =	ssyncadd.s32 $0xFFFFFFFF  }
0xa5: {  	s26 =	simm.s32 $execute0_lowered;
	[smem:$0x3FD2] =	sst s25  }
0xa6: {  	s5 =	sshll.u32 s26, $0x1;
	_ =	strace $0x80000046;
	[dreg:$0x1] =	wrdreg $0xFFFFFFFF  }
0xa7: {  	s28 =	simm.s32 $_size_execute0_lowered;
	s3 =	sadd.s32 s3, s5;
	[dreg:$0x0] =	wrdreg $0x0  }
0xa8: {  	s5 =	sshll.u32 s28, $0x1;
	[dreg:$0x2] =	wrdreg s3  }
0xa9: {  	[dreg:$0x3] =	wrdreg s5  }
0xaa: {  	[dreg:$0x4] =	wrdreg $0xC0  }
0xab: {  	_ =	task [dreg:s7], $0x5FFFF  }
0xac: {  	[dreg:$0x1] =	wrdreg $0xFFFFFFFF  }
0xad: {  	[dreg:$0x0] =	wrdreg $0x60  }
0xae: {  	[dreg:$0x2] =	wrdreg s2  }
0xaf: {  	[dreg:$0x3] =	wrdreg s24  }
0xb0: {  	[dreg:$0x4] =	wrdreg $0x9  }
0xb1: {  	_ =	task.clear_ibuf [dreg:s7], $0x5FFFF;
	_ =	strace $0x90000046  }
0xb2: {  	s29 =	simm.s32 $0x9;
	_ =	strace $0x80000048  }
0xb3: {  	_ =	swait.ge [sflag:s29], $0x1  }
0xb4: {  	[sflag:s29] =	ssyncadd.s32 $0xFFFFFFFF  }
0xb5: {  	_ =	strace $0x90000048  }
0xb6: {  	_ =	sfence  }
0xb7: {  	s30 =	sld [smem:$0x0];
	_ =	sdelay $0x2  }
0xb8: {  	s31 =	sshll.u32 s1, $0xD;
	s1 =	sshrl.u32 s1, $0x2  }
0xb9: {  	s3 =	sand.u32 $0x4000, s31;
	s1 =	sadd.s32 s1, s30  }
0xba: {  	s0 =	sor.u32 s3, s0;
	s1 =	sshll.u32 s1, $0x11  }
0xbb: {  	s0 =	sor.u32 s1, s0  }
0xbc: {  	s0 =	sadd.s32 $0x8F2B, s0  }
0xbd: {  	[sflag:s0] =	ssyncadd.remote.s32 $0x1  }
0xbe: {  	_ =	sfence.sel $0xFFFF  }
0xbf: {  	[dreg:$0x0] =	wrdreg $0xFFFFFFFF;
	(pc) =	sbr.abs _section_cstart, $3  }
0xc0: {  	[dreg:$0x1] =	wrdreg $0xFFFFFFFF  }
0xc1: {  	_ =	task.clear_ibuf [dreg:s7], $0x2FFFF;
	_ =	strace $0x9FFFFFFF  }
0xc2: {  	(tm) =	ssettm $0x7FFFFFFF  }
0xc3: {  	_ =	shalt  }
tec
execute0_lowered:
.L_overlay_start_1:
0x0: {  	(tag) =	ssettag $0x1  }
0x1: {  	s3 =	rddreg [dreg:$0x0]  }
0x2: {  	s4 =	rddreg [dreg:$0x1]  }
0x3: {  	s0 =	rddreg [dreg:$0x2];
	s2 =	simm.s32 $0x0  }
0x4: {  	s1 =	stileid.u32;
	s6 =	srdreg.scid;
	s29 =	simm.s32 $0x80  }
0x5: {  	s30 =	simm.s32 $0x3200;
	s31 =	simm.s32 $0x7200;
	[smem:$0x7FF] =	sst s2  }
0x6: {  	s5 =	smul.u32 $0xC800, s1;
	s6 =	sand.u32 $0x1, s6;
	s7 =	sshll.u32 s1, $0x1  }
0x7: {  	_ =	strace $0x80000047;
	s8 =	smul.u32 $0x6400, s6;
	[dreg:$0x5] =	wrdreg s29  }
0x8: {  	s7 =	sor.u32 s6, s7;
	s6 =	ssub.s32 $0x2, s6;
	[dreg:$0x3] =	wrdreg s30  }
0x9: {  	[dreg:$0x7] =	wrdreg s31;
	s5 =	sadd.s32 s5, s4;
	s4 =	sadd.s32 $0xF42C00, s4  }
0xa: {  	s26 =	sshrl.u32 s6, $0x1;
	s7 =	smul.u32 $0x320, s7;
	s5 =	sadd.s32 s8, s5  }
0xb: {  	[dreg:$0x4] =	wrdreg s4;
	s28 =	ssub.s32 s6, s26;
	s6 =	simm.s32 $0x1  }
0xc: {  	s5 =	sadd.s32 $0x800, s5;
	s3 =	sadd.s32 s3, s7;
	s4 =	smax.u32 s28, $0x1  }
0xd: {  	s7 =	simm.s32 $0x0;
	[dreg:$0x6] =	wrdreg s5;
	s5 =	simm.s32 $0x2  }
.LBB2_1:
0xe: {  	[tilespmem:s2], [sflag:$0x2] =	stream.linear.gather [hbm4b:s3+s2], $0x1900, $0x38;
	[tilespmem:$0x8200] =	vst v63  }
0xf: {  	_ =	swait.ge [sflag:s5], $0x1900  }
0x10: {  	[sflag:s5] =	ssyncset.done $0x0  }
0x11: {  	s9 =	simm.s32 $0x0;
	[sflag:s5] =	ssyncadd.s32 $0xFFFFE700  }
0x12: {  	v1 =	vld [tilespmem:s9+$0x70]  }
0x13: {  	v4 =	vld [tilespmem:s9+$0x0]  }
0x14: {  	v5 =	vld [tilespmem:s9+$0x10]  }
0x15: {  	v3 =	vld [tilespmem:s9+$0x20]  }
0x16: {  	v2 =	vld [tilespmem:s9+$0x30]  }
0x17: {  	v0 =	vld [tilespmem:s9+$0x40];
	v6 =	vshrl.u32 v1, $0x2  }
0x18: {  	v1 =	vld [tilespmem:s9+$0x50];
	v4 =	vshrl.u32 v4, $0x2;
	[tilespmem:s9+$0x1970] =	vst v6  }
0x19: {  	s8 =	simm.s32 $0x80;
	s10 =	simm.s32 $0x400;
	v5 =	vshrl.u32 v5, $0x2;
	[tilespmem:s9+$0x1900] =	vst v4;
	v4 =	vld [tilespmem:s9+$0x60]  }
.LBB2_2:
0x1a: {  	p0 =	sne.s32 s10, $0x6200;
	v6 =	vld [tilespmem:s8+$0x70];
	[tilespmem:s9+$0x1910] =	vst v5;
	v3 =	vshrl.u32 v3, $0x2  }
0x1b: {  	v5 =	vld [tilespmem:s8+$0x0];
	[tilespmem:s9+$0x1920] =	vst v3;
	v2 =	vshrl.u32 v2, $0x2  }
0x1c: {  	v7 =	vld [tilespmem:s8+$0x10];
	[tilespmem:s9+$0x1930] =	vst v2;
	v0 =	vshrl.u32 v0, $0x2  }
.Ltmp0:
0x1d: {  	v3 =	vld [tilespmem:s8+$0x20];
	[tilespmem:s9+$0x1940] =	vst v0;
	v0 =	vshrl.u32 v1, $0x2;
	(pc) =	sbr.rel @p0 .LBB2_2-.Ltmp0, $4  }
0x1e: {  	v2 =	vld [tilespmem:s8+$0x30];
	[tilespmem:s9+$0x1950] =	vst v0;
	v1 =	vshrl.u32 v4, $0x2  }
0x1f: {  	v0 =	vld [tilespmem:s8+$0x40];
	v4 =	vshrl.u32 v6, $0x2;
	[tilespmem:s9+$0x1960] =	vst v1;
	s9 =	smov.u32 s8  }
0x20: {  	v5 =	vshrl.u32 v5, $0x2;
	v1 =	vld [tilespmem:s9+$0x50];
	[tilespmem:s9+$0x1970] =	vst v4  }
0x21: {  	s8 =	sshra.s32 s10, $0x2;
	s10 =	sadd.s32 $0x200, s10;
	[tilespmem:s9+$0x1900] =	vst v5;
	v5 =	vshrl.u32 v7, $0x2;
	v4 =	vld [tilespmem:s9+$0x60]  }
0x22: {  	v6 =	vld [tilespmem:s8+$0x70];
	[tilespmem:s9+$0x1910] =	vst v5;
	v3 =	vshrl.u32 v3, $0x2  }
0x23: {  	v5 =	vld [tilespmem:s8+$0x0];
	[tilespmem:s9+$0x1920] =	vst v3;
	v2 =	vshrl.u32 v2, $0x2  }
0x24: {  	v3 =	vld [tilespmem:s8+$0x10];
	[tilespmem:s9+$0x1930] =	vst v2;
	v0 =	vshrl.u32 v0, $0x2  }
0x25: {  	v2 =	vld [tilespmem:s8+$0x20];
	[tilespmem:s9+$0x1940] =	vst v0;
	v51 =	vshrl.u32 v1, $0x2  }
0x26: {  	v52 =	vld [tilespmem:s8+$0x30];
	[tilespmem:s9+$0x1950] =	vst v51;
	v53 =	vshrl.u32 v4, $0x2  }
0x27: {  	v54 =	vld [tilespmem:s8+$0x40];
	[tilespmem:s9+$0x1960] =	vst v53;
	v55 =	vshrl.u32 v6, $0x2  }
0x28: {  	v56 =	vld [tilespmem:s8+$0x50];
	v5 =	vshrl.u32 v5, $0x2;
	[tilespmem:s8+$0x1970] =	vst v55  }
0x29: {  	v58 =	vld [tilespmem:s8+$0x60];
	[tilespmem:s8+$0x1900] =	vst v5;
	v57 =	vshrl.u32 v3, $0x2  }
0x2a: {  	[tilespmem:s8+$0x1910] =	vst v57;
	v59 =	vshrl.u32 v2, $0x2  }
0x2b: {  	[tilespmem:s8+$0x1920] =	vst v59;
	v60 =	vshrl.u32 v52, $0x2  }
0x2c: {  	[tilespmem:s8+$0x1930] =	vst v60;
	v61 =	vshrl.u32 v54, $0x2  }
0x2d: {  	[tilespmem:s8+$0x1940] =	vst v61;
	v62 =	vshrl.u32 v56, $0x2  }
0x2e: {  	v63 =	vshrl.u32 v58, $0x2;
	[tilespmem:s8+$0x1950] =	vst v62  }
0x2f: {  	[tilespmem:s8+$0x1960] =	vst v63;
	s8 =	simm.s32 $0x0  }
.LBB2_4:
0x30: {  	s10 =	rddreg [dreg:$0x3]  }
0x31: {  	s11 =	rddreg [dreg:$0x4];
	s9 =	sshra.s32 s8, $0x2  }
0x32: {  	s12 =	rddreg [dreg:$0x5];
	s13 =	sadd.s32 $0x1900, s9  }
0x33: {  	[tilespmem:s10], [sflag:$0x1] =	stream.indirect.gather [hbm4b:s11+s12], $0x80, s13, s12, $0xb8;
	[tilespmem:$0x8200] =	vst v63  }
0x34: {  	_ =	swait.ge [sflag:s6], $0x4000  }
0x35: {  	[sflag:s6] =	ssyncset.done $0x0  }
0x36: {  	[sflag:s6] =	ssyncadd.s32 $0xFFFFC000  }
0x37: {  	v0 =	vld [tilespmem:s9+$0x0];
	_ =	sdelay $0x4  }
0x38: {  	v0 =	vshll.u32 v0, $0x5  }
0x39: {  	v0 =	vand.u32 $0x60, v0  }
0x3a: {  	(v2sf) =	vpush v0, $0x0;
	_ =	sdelay $0xb  }
0x3b: {  	(v2sf) =	vpush v0, $0x1;
	_ =	sdelay $0x2  }
0x3c: {  	s21 =	spop (v2sf)  }
0x3d: {  	v1 =	vld [tilespmem:s21+$0x3200];
	_ =	sdelay $0x4  }
0x3e: {  	[tilespmem:$0x7200] =	vst v1  }
0x3f: {  	v1 =	vld [tilespmem:s21+$0x3210];
	_ =	sdelay $0x1  }
0x40: {  	(v2sf) =	vpush v0, $0x2;
	_ =	sdelay $0x2  }
0x41: {  	s22 =	spop (v2sf);
	[tilespmem:$0x7210] =	vst v1  }
0x42: {  	v1 =	vld [tilespmem:s22+$0x3280];
	_ =	sdelay $0x4  }
0x43: {  	[tilespmem:$0x7220] =	vst v1  }
0x44: {  	v1 =	vld [tilespmem:s22+$0x3290];
	_ =	sdelay $0x1  }
0x45: {  	(v2sf) =	vpush v0, $0x3;
	_ =	sdelay $0x2  }
0x46: {  	s23 =	spop (v2sf);
	[tilespmem:$0x7230] =	vst v1  }
0x47: {  	v1 =	vld [tilespmem:s23+$0x3300];
	_ =	sdelay $0x4  }
0x48: {  	[tilespmem:$0x7240] =	vst v1  }
0x49: {  	v1 =	vld [tilespmem:s23+$0x3310];
	_ =	sdelay $0x1  }
0x4a: {  	(v2sf) =	vpush v0, $0x4;
	_ =	sdelay $0x2  }
0x4b: {  	s24 =	spop (v2sf);
	[tilespmem:$0x7250] =	vst v1  }
0x4c: {  	v1 =	vld [tilespmem:s24+$0x3380];
	_ =	sdelay $0x4  }
0x4d: {  	[tilespmem:$0x7260] =	vst v1  }
0x4e: {  	v1 =	vld [tilespmem:s24+$0x3390];
	_ =	sdelay $0x1  }
0x4f: {  	(v2sf) =	vpush v0, $0x5;
	_ =	sdelay $0x2  }
0x50: {  	s25 =	spop (v2sf);
	[tilespmem:$0x7270] =	vst v1  }
0x51: {  	v1 =	vld [tilespmem:s25+$0x3400];
	_ =	sdelay $0x4  }
0x52: {  	[tilespmem:$0x7280] =	vst v1  }
0x53: {  	v1 =	vld [tilespmem:s25+$0x3410];
	_ =	sdelay $0x1  }
0x54: {  	(v2sf) =	vpush v0, $0x6;
	_ =	sdelay $0x2  }
0x55: {  	s26 =	spop (v2sf);
	[tilespmem:$0x7290] =	vst v1  }
0x56: {  	v1 =	vld [tilespmem:s26+$0x3480];
	_ =	sdelay $0x4  }
0x57: {  	[tilespmem:$0x72A0] =	vst v1  }
0x58: {  	v1 =	vld [tilespmem:s26+$0x3490];
	_ =	sdelay $0x1  }
0x59: {  	(v2sf) =	vpush v0, $0x7;
	_ =	sdelay $0x2  }
0x5a: {  	s28 =	spop (v2sf);
	[tilespmem:$0x72B0] =	vst v1  }
0x5b: {  	v1 =	vld [tilespmem:s28+$0x3500];
	_ =	sdelay $0x4  }
0x5c: {  	[tilespmem:$0x72C0] =	vst v1  }
0x5d: {  	v1 =	vld [tilespmem:s28+$0x3510];
	_ =	sdelay $0x1  }
0x5e: {  	(v2sf) =	vpush v0, $0x8;
	_ =	sdelay $0x2  }
0x5f: {  	s29 =	spop (v2sf);
	[tilespmem:$0x72D0] =	vst v1  }
0x60: {  	v1 =	vld [tilespmem:s29+$0x3580];
	_ =	sdelay $0x4  }
0x61: {  	[tilespmem:$0x72E0] =	vst v1  }
0x62: {  	v1 =	vld [tilespmem:s29+$0x3590];
	_ =	sdelay $0x1  }
0x63: {  	(v2sf) =	vpush v0, $0x9;
	_ =	sdelay $0x2  }
0x64: {  	s30 =	spop (v2sf);
	[tilespmem:$0x72F0] =	vst v1  }
0x65: {  	v1 =	vld [tilespmem:s30+$0x3600];
	_ =	sdelay $0x4  }
0x66: {  	[tilespmem:$0x7300] =	vst v1  }
0x67: {  	v1 =	vld [tilespmem:s30+$0x3610];
	_ =	sdelay $0x1  }
0x68: {  	(v2sf) =	vpush v0, $0xA;
	_ =	sdelay $0x2  }
0x69: {  	s31 =	spop (v2sf);
	[tilespmem:$0x7310] =	vst v1  }
0x6a: {  	v1 =	vld [tilespmem:s31+$0x3680];
	_ =	sdelay $0x4  }
0x6b: {  	[tilespmem:$0x7320] =	vst v1  }
0x6c: {  	v1 =	vld [tilespmem:s31+$0x3690];
	_ =	sdelay $0x1  }
0x6d: {  	(v2sf) =	vpush v0, $0xB;
	_ =	sdelay $0x2  }
0x6e: {  	s11 =	spop (v2sf);
	[tilespmem:$0x7330] =	vst v1  }
0x6f: {  	v1 =	vld [tilespmem:s11+$0x3700];
	_ =	sdelay $0x4  }
0x70: {  	[tilespmem:$0x7340] =	vst v1  }
0x71: {  	v1 =	vld [tilespmem:s11+$0x3710];
	_ =	sdelay $0x1  }
0x72: {  	(v2sf) =	vpush v0, $0xC;
	_ =	sdelay $0x2  }
0x73: {  	s12 =	spop (v2sf);
	[tilespmem:$0x7350] =	vst v1  }
0x74: {  	v1 =	vld [tilespmem:s12+$0x3780];
	_ =	sdelay $0x4  }
0x75: {  	[tilespmem:$0x7360] =	vst v1  }
0x76: {  	v1 =	vld [tilespmem:s12+$0x3790];
	_ =	sdelay $0x1  }
0x77: {  	(v2sf) =	vpush v0, $0xD;
	_ =	sdelay $0x2  }
0x78: {  	s13 =	spop (v2sf);
	[tilespmem:$0x7370] =	vst v1  }
0x79: {  	v1 =	vld [tilespmem:s13+$0x3800];
	_ =	sdelay $0x4  }
0x7a: {  	[tilespmem:$0x7380] =	vst v1  }
0x7b: {  	v1 =	vld [tilespmem:s13+$0x3810];
	_ =	sdelay $0x1  }
0x7c: {  	(v2sf) =	vpush v0, $0xE;
	_ =	sdelay $0x2  }
0x7d: {  	s14 =	spop (v2sf);
	[tilespmem:$0x7390] =	vst v1  }
0x7e: {  	v1 =	vld [tilespmem:s14+$0x3880];
	_ =	sdelay $0x4  }
0x7f: {  	[tilespmem:$0x73A0] =	vst v1  }
0x80: {  	v1 =	vld [tilespmem:s14+$0x3890];
	_ =	sdelay $0x1  }
0x81: {  	(v2sf) =	vpush v0, $0xF;
	_ =	sdelay $0x2  }
0x82: {  	s15 =	spop (v2sf);
	[tilespmem:$0x73B0] =	vst v1  }
0x83: {  	v56 =	vld [tilespmem:s15+$0x3900];
	_ =	sdelay $0x4  }
0x84: {  	[tilespmem:$0x73C0] =	vst v56  }
0x85: {  	v0 =	vld [tilespmem:s15+$0x3910];
	_ =	sdelay $0x4  }
0x86: {  	s16 =	spop (v2sf);
	[tilespmem:$0x73D0] =	vst v0  }
0x87: {  	v0 =	vld [tilespmem:s16+$0x3980];
	_ =	sdelay $0x4  }
0x88: {  	[tilespmem:$0x73E0] =	vst v0  }
0x89: {  	v0 =	vld [tilespmem:s16+$0x3990];
	_ =	sdelay $0x4  }
0x8a: {  	[tilespmem:$0x73F0] =	vst v0  }
0x8b: {  	v0 =	vld [tilespmem:s9+$0x10];
	_ =	sdelay $0x4  }
0x8c: {  	v0 =	vshll.u32 v0, $0x5  }
0x8d: {  	v0 =	vand.u32 $0x60, v0  }
0x8e: {  	(v2sf) =	vpush v0, $0x0;
	_ =	sdelay $0xb  }
0x8f: {  	(v2sf) =	vpush v0, $0x1;
	_ =	sdelay $0x2  }
0x90: {  	s17 =	spop (v2sf)  }
0x91: {  	v1 =	vld [tilespmem:s17+$0x3A00];
	_ =	sdelay $0x4  }
0x92: {  	[tilespmem:$0x7400] =	vst v1  }
0x93: {  	v1 =	vld [tilespmem:s17+$0x3A10];
	_ =	sdelay $0x1  }
0x94: {  	(v2sf) =	vpush v0, $0x2;
	_ =	sdelay $0x2  }
0x95: {  	s18 =	spop (v2sf);
	[tilespmem:$0x7410] =	vst v1  }
0x96: {  	v1 =	vld [tilespmem:s18+$0x3A80];
	_ =	sdelay $0x4  }
0x97: {  	[tilespmem:$0x7420] =	vst v1  }
0x98: {  	v1 =	vld [tilespmem:s18+$0x3A90];
	_ =	sdelay $0x1  }
0x99: {  	(v2sf) =	vpush v0, $0x3;
	_ =	sdelay $0x2  }
0x9a: {  	s19 =	spop (v2sf);
	[tilespmem:$0x7430] =	vst v1  }
0x9b: {  	v1 =	vld [tilespmem:s19+$0x3B00];
	_ =	sdelay $0x4  }
0x9c: {  	[tilespmem:$0x7440] =	vst v1  }
0x9d: {  	v1 =	vld [tilespmem:s19+$0x3B10];
	_ =	sdelay $0x1  }
0x9e: {  	(v2sf) =	vpush v0, $0x4;
	_ =	sdelay $0x2  }
0x9f: {  	s20 =	spop (v2sf);
	[tilespmem:$0x7450] =	vst v1  }
0xa0: {  	v1 =	vld [tilespmem:s20+$0x3B80];
	_ =	sdelay $0x4  }
0xa1: {  	[tilespmem:$0x7460] =	vst v1  }
0xa2: {  	v1 =	vld [tilespmem:s20+$0x3B90];
	_ =	sdelay $0x1  }
0xa3: {  	(v2sf) =	vpush v0, $0x5;
	_ =	sdelay $0x2  }
0xa4: {  	s21 =	spop (v2sf);
	[tilespmem:$0x7470] =	vst v1  }
0xa5: {  	v1 =	vld [tilespmem:s21+$0x3C00];
	_ =	sdelay $0x4  }
0xa6: {  	[tilespmem:$0x7480] =	vst v1  }
0xa7: {  	v1 =	vld [tilespmem:s21+$0x3C10];
	_ =	sdelay $0x1  }
0xa8: {  	(v2sf) =	vpush v0, $0x6;
	_ =	sdelay $0x2  }
0xa9: {  	s22 =	spop (v2sf);
	[tilespmem:$0x7490] =	vst v1  }
0xaa: {  	v1 =	vld [tilespmem:s22+$0x3C80];
	_ =	sdelay $0x4  }
0xab: {  	[tilespmem:$0x74A0] =	vst v1  }
0xac: {  	v1 =	vld [tilespmem:s22+$0x3C90];
	_ =	sdelay $0x1  }
0xad: {  	(v2sf) =	vpush v0, $0x7;
	_ =	sdelay $0x2  }
0xae: {  	s23 =	spop (v2sf);
	[tilespmem:$0x74B0] =	vst v1  }
0xaf: {  	v1 =	vld [tilespmem:s23+$0x3D00];
	_ =	sdelay $0x4  }
0xb0: {  	[tilespmem:$0x74C0] =	vst v1  }
0xb1: {  	v1 =	vld [tilespmem:s23+$0x3D10];
	_ =	sdelay $0x1  }
0xb2: {  	(v2sf) =	vpush v0, $0x8;
	_ =	sdelay $0x2  }
0xb3: {  	s24 =	spop (v2sf);
	[tilespmem:$0x74D0] =	vst v1  }
0xb4: {  	v1 =	vld [tilespmem:s24+$0x3D80];
	_ =	sdelay $0x4  }
0xb5: {  	[tilespmem:$0x74E0] =	vst v1  }
0xb6: {  	v1 =	vld [tilespmem:s24+$0x3D90];
	_ =	sdelay $0x1  }
0xb7: {  	(v2sf) =	vpush v0, $0x9;
	_ =	sdelay $0x2  }
0xb8: {  	s25 =	spop (v2sf);
	[tilespmem:$0x74F0] =	vst v1  }
0xb9: {  	v1 =	vld [tilespmem:s25+$0x3E00];
	_ =	sdelay $0x4  }
0xba: {  	[tilespmem:$0x7500] =	vst v1  }
0xbb: {  	v1 =	vld [tilespmem:s25+$0x3E10];
	_ =	sdelay $0x1  }
0xbc: {  	(v2sf) =	vpush v0, $0xA;
	_ =	sdelay $0x2  }
0xbd: {  	s26 =	spop (v2sf);
	[tilespmem:$0x7510] =	vst v1  }
0xbe: {  	v1 =	vld [tilespmem:s26+$0x3E80];
	_ =	sdelay $0x4  }
0xbf: {  	[tilespmem:$0x7520] =	vst v1  }
0xc0: {  	v1 =	vld [tilespmem:s26+$0x3E90];
	_ =	sdelay $0x1  }
0xc1: {  	(v2sf) =	vpush v0, $0xB;
	_ =	sdelay $0x2  }
0xc2: {  	s28 =	spop (v2sf);
	[tilespmem:$0x7530] =	vst v1  }
0xc3: {  	v1 =	vld [tilespmem:s28+$0x3F00];
	_ =	sdelay $0x4  }
0xc4: {  	[tilespmem:$0x7540] =	vst v1  }
0xc5: {  	v1 =	vld [tilespmem:s28+$0x3F10];
	_ =	sdelay $0x1  }
0xc6: {  	(v2sf) =	vpush v0, $0xC;
	_ =	sdelay $0x2  }
0xc7: {  	s29 =	spop (v2sf);
	[tilespmem:$0x7550] =	vst v1  }
0xc8: {  	v1 =	vld [tilespmem:s29+$0x3F80];
	_ =	sdelay $0x4  }
0xc9: {  	[tilespmem:$0x7560] =	vst v1  }
0xca: {  	v1 =	vld [tilespmem:s29+$0x3F90];
	_ =	sdelay $0x1  }
0xcb: {  	(v2sf) =	vpush v0, $0xD;
	_ =	sdelay $0x2  }
0xcc: {  	s30 =	spop (v2sf);
	[tilespmem:$0x7570] =	vst v1  }
0xcd: {  	v1 =	vld [tilespmem:s30+$0x4000];
	_ =	sdelay $0x4  }
0xce: {  	[tilespmem:$0x7580] =	vst v1  }
0xcf: {  	v1 =	vld [tilespmem:s30+$0x4010];
	_ =	sdelay $0x1  }
0xd0: {  	(v2sf) =	vpush v0, $0xE;
	_ =	sdelay $0x2  }
0xd1: {  	s31 =	spop (v2sf);
	[tilespmem:$0x7590] =	vst v1  }
0xd2: {  	v1 =	vld [tilespmem:s31+$0x4080];
	_ =	sdelay $0x4  }
0xd3: {  	[tilespmem:$0x75A0] =	vst v1  }
0xd4: {  	v1 =	vld [tilespmem:s31+$0x4090];
	_ =	sdelay $0x1  }
0xd5: {  	(v2sf) =	vpush v0, $0xF;
	_ =	sdelay $0x2  }
0xd6: {  	s11 =	spop (v2sf);
	[tilespmem:$0x75B0] =	vst v1  }
0xd7: {  	v57 =	vld [tilespmem:s11+$0x4100];
	_ =	sdelay $0x4  }
0xd8: {  	[tilespmem:$0x75C0] =	vst v57  }
0xd9: {  	v0 =	vld [tilespmem:s11+$0x4110];
	_ =	sdelay $0x4  }
0xda: {  	s12 =	spop (v2sf);
	[tilespmem:$0x75D0] =	vst v0  }
0xdb: {  	v0 =	vld [tilespmem:s12+$0x4180];
	_ =	sdelay $0x4  }
0xdc: {  	[tilespmem:$0x75E0] =	vst v0  }
0xdd: {  	v0 =	vld [tilespmem:s12+$0x4190];
	_ =	sdelay $0x4  }
0xde: {  	[tilespmem:$0x75F0] =	vst v0  }
0xdf: {  	v0 =	vld [tilespmem:s9+$0x20];
	_ =	sdelay $0x4  }
0xe0: {  	v0 =	vshll.u32 v0, $0x5  }
0xe1: {  	v0 =	vand.u32 $0x60, v0  }
0xe2: {  	(v2sf) =	vpush v0, $0x0;
	_ =	sdelay $0xb  }
0xe3: {  	(v2sf) =	vpush v0, $0x1;
	_ =	sdelay $0x2  }
0xe4: {  	s13 =	spop (v2sf)  }
0xe5: {  	v1 =	vld [tilespmem:s13+$0x4200];
	_ =	sdelay $0x4  }
0xe6: {  	[tilespmem:$0x7600] =	vst v1  }
0xe7: {  	v1 =	vld [tilespmem:s13+$0x4210];
	_ =	sdelay $0x1  }
0xe8: {  	(v2sf) =	vpush v0, $0x2;
	_ =	sdelay $0x2  }
0xe9: {  	s14 =	spop (v2sf);
	[tilespmem:$0x7610] =	vst v1  }
0xea: {  	v1 =	vld [tilespmem:s14+$0x4280];
	_ =	sdelay $0x4  }
0xeb: {  	[tilespmem:$0x7620] =	vst v1  }
0xec: {  	v1 =	vld [tilespmem:s14+$0x4290];
	_ =	sdelay $0x1  }
0xed: {  	(v2sf) =	vpush v0, $0x3;
	_ =	sdelay $0x2  }
0xee: {  	s15 =	spop (v2sf);
	[tilespmem:$0x7630] =	vst v1  }
0xef: {  	v1 =	vld [tilespmem:s15+$0x4300];
	_ =	sdelay $0x4  }
0xf0: {  	[tilespmem:$0x7640] =	vst v1  }
0xf1: {  	v1 =	vld [tilespmem:s15+$0x4310];
	_ =	sdelay $0x1  }
0xf2: {  	(v2sf) =	vpush v0, $0x4;
	_ =	sdelay $0x2  }
0xf3: {  	s16 =	spop (v2sf);
	[tilespmem:$0x7650] =	vst v1  }
0xf4: {  	v1 =	vld [tilespmem:s16+$0x4380];
	_ =	sdelay $0x4  }
0xf5: {  	[tilespmem:$0x7660] =	vst v1  }
0xf6: {  	v1 =	vld [tilespmem:s16+$0x4390];
	_ =	sdelay $0x1  }
0xf7: {  	(v2sf) =	vpush v0, $0x5;
	_ =	sdelay $0x2  }
0xf8: {  	s17 =	spop (v2sf);
	[tilespmem:$0x7670] =	vst v1  }
0xf9: {  	v1 =	vld [tilespmem:s17+$0x4400];
	_ =	sdelay $0x4  }
0xfa: {  	[tilespmem:$0x7680] =	vst v1  }
0xfb: {  	v1 =	vld [tilespmem:s17+$0x4410];
	_ =	sdelay $0x1  }
0xfc: {  	(v2sf) =	vpush v0, $0x6;
	_ =	sdelay $0x2  }
0xfd: {  	s18 =	spop (v2sf);
	[tilespmem:$0x7690] =	vst v1  }
0xfe: {  	v1 =	vld [tilespmem:s18+$0x4480];
	_ =	sdelay $0x4  }
0xff: {  	[tilespmem:$0x76A0] =	vst v1  }
0x100: {  	v1 =	vld [tilespmem:s18+$0x4490];
	_ =	sdelay $0x1  }
0x101: {  	(v2sf) =	vpush v0, $0x7;
	_ =	sdelay $0x2  }
0x102: {  	s19 =	spop (v2sf);
	[tilespmem:$0x76B0] =	vst v1  }
0x103: {  	v1 =	vld [tilespmem:s19+$0x4500];
	_ =	sdelay $0x4  }
0x104: {  	[tilespmem:$0x76C0] =	vst v1  }
0x105: {  	v1 =	vld [tilespmem:s19+$0x4510];
	_ =	sdelay $0x1  }
0x106: {  	(v2sf) =	vpush v0, $0x8;
	_ =	sdelay $0x2  }
0x107: {  	s20 =	spop (v2sf);
	[tilespmem:$0x76D0] =	vst v1  }
0x108: {  	v1 =	vld [tilespmem:s20+$0x4580];
	_ =	sdelay $0x4  }
0x109: {  	[tilespmem:$0x76E0] =	vst v1  }
0x10a: {  	v1 =	vld [tilespmem:s20+$0x4590];
	_ =	sdelay $0x1  }
0x10b: {  	(v2sf) =	vpush v0, $0x9;
	_ =	sdelay $0x2  }
0x10c: {  	s21 =	spop (v2sf);
	[tilespmem:$0x76F0] =	vst v1  }
0x10d: {  	v1 =	vld [tilespmem:s21+$0x4600];
	_ =	sdelay $0x4  }
0x10e: {  	[tilespmem:$0x7700] =	vst v1  }
0x10f: {  	v1 =	vld [tilespmem:s21+$0x4610];
	_ =	sdelay $0x1  }
0x110: {  	(v2sf) =	vpush v0, $0xA;
	_ =	sdelay $0x2  }
0x111: {  	s22 =	spop (v2sf);
	[tilespmem:$0x7710] =	vst v1  }
0x112: {  	v1 =	vld [tilespmem:s22+$0x4680];
	_ =	sdelay $0x4  }
0x113: {  	[tilespmem:$0x7720] =	vst v1  }
0x114: {  	v1 =	vld [tilespmem:s22+$0x4690];
	_ =	sdelay $0x1  }
0x115: {  	(v2sf) =	vpush v0, $0xB;
	_ =	sdelay $0x2  }
0x116: {  	s23 =	spop (v2sf);
	[tilespmem:$0x7730] =	vst v1  }
0x117: {  	v1 =	vld [tilespmem:s23+$0x4700];
	_ =	sdelay $0x4  }
0x118: {  	[tilespmem:$0x7740] =	vst v1  }
0x119: {  	v1 =	vld [tilespmem:s23+$0x4710];
	_ =	sdelay $0x1  }
0x11a: {  	(v2sf) =	vpush v0, $0xC;
	_ =	sdelay $0x2  }
0x11b: {  	s24 =	spop (v2sf);
	[tilespmem:$0x7750] =	vst v1  }
0x11c: {  	v1 =	vld [tilespmem:s24+$0x4780];
	_ =	sdelay $0x4  }
0x11d: {  	[tilespmem:$0x7760] =	vst v1  }
0x11e: {  	v1 =	vld [tilespmem:s24+$0x4790];
	_ =	sdelay $0x1  }
0x11f: {  	(v2sf) =	vpush v0, $0xD;
	_ =	sdelay $0x2  }
0x120: {  	s25 =	spop (v2sf);
	[tilespmem:$0x7770] =	vst v1  }
0x121: {  	v1 =	vld [tilespmem:s25+$0x4800];
	_ =	sdelay $0x4  }
0x122: {  	[tilespmem:$0x7780] =	vst v1  }
0x123: {  	v1 =	vld [tilespmem:s25+$0x4810];
	_ =	sdelay $0x1  }
0x124: {  	(v2sf) =	vpush v0, $0xE;
	_ =	sdelay $0x2  }
0x125: {  	s26 =	spop (v2sf);
	[tilespmem:$0x7790] =	vst v1  }
0x126: {  	v1 =	vld [tilespmem:s26+$0x4880];
	_ =	sdelay $0x4  }
0x127: {  	[tilespmem:$0x77A0] =	vst v1  }
0x128: {  	v1 =	vld [tilespmem:s26+$0x4890];
	_ =	sdelay $0x4  }
0x129: {  	s28 =	spop (v2sf);
	[tilespmem:$0x77B0] =	vst v1  }
0x12a: {  	v1 =	vld [tilespmem:s28+$0x4900];
	(v2sf) =	vpush v0, $0xF;
	_ =	sdelay $0x8  }
0x12b: {  	[tilespmem:$0x77C0] =	vst v1  }
0x12c: {  	v58 =	vld [tilespmem:s28+$0x4910];
	_ =	sdelay $0x4  }
0x12d: {  	[tilespmem:$0x77D0] =	vst v58;
	s29 =	spop (v2sf)  }
0x12e: {  	v0 =	vld [tilespmem:s29+$0x4980];
	_ =	sdelay $0x4  }
0x12f: {  	[tilespmem:$0x77E0] =	vst v0  }
0x130: {  	v0 =	vld [tilespmem:s29+$0x4990];
	_ =	sdelay $0x4  }
0x131: {  	[tilespmem:$0x77F0] =	vst v0  }
0x132: {  	v0 =	vld [tilespmem:s9+$0x30];
	_ =	sdelay $0x4  }
0x133: {  	v0 =	vshll.u32 v0, $0x5  }
0x134: {  	v0 =	vand.u32 $0x60, v0  }
0x135: {  	(v2sf) =	vpush v0, $0x0;
	_ =	sdelay $0xb  }
0x136: {  	(v2sf) =	vpush v0, $0x1;
	_ =	sdelay $0x2  }
0x137: {  	s30 =	spop (v2sf)  }
0x138: {  	v1 =	vld [tilespmem:s30+$0x4A00];
	_ =	sdelay $0x4  }
0x139: {  	[tilespmem:$0x7800] =	vst v1  }
0x13a: {  	v1 =	vld [tilespmem:s30+$0x4A10];
	_ =	sdelay $0x1  }
0x13b: {  	(v2sf) =	vpush v0, $0x2;
	_ =	sdelay $0x2  }
0x13c: {  	s31 =	spop (v2sf);
	[tilespmem:$0x7810] =	vst v1  }
0x13d: {  	v1 =	vld [tilespmem:s31+$0x4A80];
	_ =	sdelay $0x4  }
0x13e: {  	[tilespmem:$0x7820] =	vst v1  }
0x13f: {  	v1 =	vld [tilespmem:s31+$0x4A90];
	_ =	sdelay $0x1  }
0x140: {  	(v2sf) =	vpush v0, $0x3;
	_ =	sdelay $0x2  }
0x141: {  	s11 =	spop (v2sf);
	[tilespmem:$0x7830] =	vst v1  }
0x142: {  	v1 =	vld [tilespmem:s11+$0x4B00];
	_ =	sdelay $0x4  }
0x143: {  	[tilespmem:$0x7840] =	vst v1  }
0x144: {  	v1 =	vld [tilespmem:s11+$0x4B10];
	_ =	sdelay $0x1  }
0x145: {  	(v2sf) =	vpush v0, $0x4;
	_ =	sdelay $0x2  }
0x146: {  	s12 =	spop (v2sf);
	[tilespmem:$0x7850] =	vst v1  }
0x147: {  	v1 =	vld [tilespmem:s12+$0x4B80];
	_ =	sdelay $0x4  }
0x148: {  	[tilespmem:$0x7860] =	vst v1  }
0x149: {  	v1 =	vld [tilespmem:s12+$0x4B90];
	_ =	sdelay $0x1  }
0x14a: {  	(v2sf) =	vpush v0, $0x5;
	_ =	sdelay $0x2  }
0x14b: {  	s13 =	spop (v2sf);
	[tilespmem:$0x7870] =	vst v1  }
0x14c: {  	v1 =	vld [tilespmem:s13+$0x4C00];
	_ =	sdelay $0x4  }
0x14d: {  	[tilespmem:$0x7880] =	vst v1  }
0x14e: {  	v1 =	vld [tilespmem:s13+$0x4C10];
	_ =	sdelay $0x1  }
0x14f: {  	(v2sf) =	vpush v0, $0x6;
	_ =	sdelay $0x2  }
0x150: {  	s14 =	spop (v2sf);
	[tilespmem:$0x7890] =	vst v1  }
0x151: {  	v1 =	vld [tilespmem:s14+$0x4C80];
	_ =	sdelay $0x4  }
0x152: {  	[tilespmem:$0x78A0] =	vst v1  }
0x153: {  	v1 =	vld [tilespmem:s14+$0x4C90];
	_ =	sdelay $0x1  }
0x154: {  	(v2sf) =	vpush v0, $0x7;
	_ =	sdelay $0x2  }
0x155: {  	s15 =	spop (v2sf);
	[tilespmem:$0x78B0] =	vst v1  }
0x156: {  	v1 =	vld [tilespmem:s15+$0x4D00];
	_ =	sdelay $0x4  }
0x157: {  	[tilespmem:$0x78C0] =	vst v1  }
0x158: {  	v1 =	vld [tilespmem:s15+$0x4D10];
	_ =	sdelay $0x1  }
0x159: {  	(v2sf) =	vpush v0, $0x8;
	_ =	sdelay $0x2  }
0x15a: {  	s16 =	spop (v2sf);
	[tilespmem:$0x78D0] =	vst v1  }
0x15b: {  	v1 =	vld [tilespmem:s16+$0x4D80];
	_ =	sdelay $0x4  }
0x15c: {  	[tilespmem:$0x78E0] =	vst v1  }
0x15d: {  	v1 =	vld [tilespmem:s16+$0x4D90];
	_ =	sdelay $0x1  }
0x15e: {  	(v2sf) =	vpush v0, $0x9;
	_ =	sdelay $0x2  }
0x15f: {  	s17 =	spop (v2sf);
	[tilespmem:$0x78F0] =	vst v1  }
0x160: {  	v1 =	vld [tilespmem:s17+$0x4E00];
	_ =	sdelay $0x4  }
0x161: {  	[tilespmem:$0x7900] =	vst v1  }
0x162: {  	v1 =	vld [tilespmem:s17+$0x4E10];
	_ =	sdelay $0x1  }
0x163: {  	(v2sf) =	vpush v0, $0xA;
	_ =	sdelay $0x2  }
0x164: {  	s18 =	spop (v2sf);
	[tilespmem:$0x7910] =	vst v1  }
0x165: {  	v1 =	vld [tilespmem:s18+$0x4E80];
	_ =	sdelay $0x4  }
0x166: {  	[tilespmem:$0x7920] =	vst v1  }
0x167: {  	v1 =	vld [tilespmem:s18+$0x4E90];
	_ =	sdelay $0x1  }
0x168: {  	(v2sf) =	vpush v0, $0xB;
	_ =	sdelay $0x2  }
0x169: {  	s19 =	spop (v2sf);
	[tilespmem:$0x7930] =	vst v1  }
0x16a: {  	v1 =	vld [tilespmem:s19+$0x4F00];
	_ =	sdelay $0x4  }
0x16b: {  	[tilespmem:$0x7940] =	vst v1  }
0x16c: {  	v1 =	vld [tilespmem:s19+$0x4F10];
	_ =	sdelay $0x1  }
0x16d: {  	(v2sf) =	vpush v0, $0xC;
	_ =	sdelay $0x2  }
0x16e: {  	s20 =	spop (v2sf);
	[tilespmem:$0x7950] =	vst v1  }
0x16f: {  	v1 =	vld [tilespmem:s20+$0x4F80];
	_ =	sdelay $0x4  }
0x170: {  	[tilespmem:$0x7960] =	vst v1  }
0x171: {  	v1 =	vld [tilespmem:s20+$0x4F90];
	_ =	sdelay $0x1  }
0x172: {  	(v2sf) =	vpush v0, $0xD;
	_ =	sdelay $0x2  }
0x173: {  	s21 =	spop (v2sf);
	[tilespmem:$0x7970] =	vst v1  }
0x174: {  	v1 =	vld [tilespmem:s21+$0x5000];
	_ =	sdelay $0x4  }
0x175: {  	[tilespmem:$0x7980] =	vst v1  }
0x176: {  	v1 =	vld [tilespmem:s21+$0x5010];
	_ =	sdelay $0x1  }
0x177: {  	(v2sf) =	vpush v0, $0xE;
	_ =	sdelay $0x2  }
0x178: {  	s22 =	spop (v2sf);
	[tilespmem:$0x7990] =	vst v1  }
0x179: {  	v1 =	vld [tilespmem:s22+$0x5080];
	_ =	sdelay $0x4  }
0x17a: {  	[tilespmem:$0x79A0] =	vst v1  }
0x17b: {  	v1 =	vld [tilespmem:s22+$0x5090];
	_ =	sdelay $0x1  }
0x17c: {  	(v2sf) =	vpush v0, $0xF;
	_ =	sdelay $0x2  }
0x17d: {  	s23 =	spop (v2sf);
	[tilespmem:$0x79B0] =	vst v1  }
0x17e: {  	v59 =	vld [tilespmem:s23+$0x5100];
	_ =	sdelay $0x4  }
0x17f: {  	[tilespmem:$0x79C0] =	vst v59  }
0x180: {  	v0 =	vld [tilespmem:s23+$0x5110];
	_ =	sdelay $0x4  }
0x181: {  	s24 =	spop (v2sf);
	[tilespmem:$0x79D0] =	vst v0  }
0x182: {  	v0 =	vld [tilespmem:s24+$0x5180];
	_ =	sdelay $0x4  }
0x183: {  	[tilespmem:$0x79E0] =	vst v0  }
0x184: {  	v0 =	vld [tilespmem:s24+$0x5190];
	_ =	sdelay $0x4  }
0x185: {  	[tilespmem:$0x79F0] =	vst v0  }
0x186: {  	v0 =	vld [tilespmem:s9+$0x40];
	_ =	sdelay $0x4  }
0x187: {  	v0 =	vshll.u32 v0, $0x5  }
0x188: {  	v0 =	vand.u32 $0x60, v0  }
0x189: {  	(v2sf) =	vpush v0, $0x0;
	_ =	sdelay $0xb  }
0x18a: {  	(v2sf) =	vpush v0, $0x1;
	_ =	sdelay $0x2  }
0x18b: {  	s25 =	spop (v2sf)  }
0x18c: {  	v1 =	vld [tilespmem:s25+$0x5200];
	_ =	sdelay $0x4  }
0x18d: {  	[tilespmem:$0x7A00] =	vst v1  }
0x18e: {  	v1 =	vld [tilespmem:s25+$0x5210];
	_ =	sdelay $0x1  }
0x18f: {  	(v2sf) =	vpush v0, $0x2;
	_ =	sdelay $0x2  }
0x190: {  	s26 =	spop (v2sf);
	[tilespmem:$0x7A10] =	vst v1  }
0x191: {  	v1 =	vld [tilespmem:s26+$0x5280];
	_ =	sdelay $0x4  }
0x192: {  	[tilespmem:$0x7A20] =	vst v1  }
0x193: {  	v1 =	vld [tilespmem:s26+$0x5290];
	_ =	sdelay $0x1  }
0x194: {  	(v2sf) =	vpush v0, $0x3;
	_ =	sdelay $0x2  }
0x195: {  	s28 =	spop (v2sf);
	[tilespmem:$0x7A30] =	vst v1  }
0x196: {  	v1 =	vld [tilespmem:s28+$0x5300];
	_ =	sdelay $0x4  }
0x197: {  	[tilespmem:$0x7A40] =	vst v1  }
0x198: {  	v1 =	vld [tilespmem:s28+$0x5310];
	_ =	sdelay $0x1  }
0x199: {  	(v2sf) =	vpush v0, $0x4;
	_ =	sdelay $0x2  }
0x19a: {  	s29 =	spop (v2sf);
	[tilespmem:$0x7A50] =	vst v1  }
0x19b: {  	v1 =	vld [tilespmem:s29+$0x5380];
	_ =	sdelay $0x4  }
0x19c: {  	[tilespmem:$0x7A60] =	vst v1  }
0x19d: {  	v1 =	vld [tilespmem:s29+$0x5390];
	_ =	sdelay $0x1  }
0x19e: {  	(v2sf) =	vpush v0, $0x5;
	_ =	sdelay $0x2  }
0x19f: {  	s30 =	spop (v2sf);
	[tilespmem:$0x7A70] =	vst v1  }
0x1a0: {  	v1 =	vld [tilespmem:s30+$0x5400];
	_ =	sdelay $0x4  }
0x1a1: {  	[tilespmem:$0x7A80] =	vst v1  }
0x1a2: {  	v1 =	vld [tilespmem:s30+$0x5410];
	_ =	sdelay $0x1  }
0x1a3: {  	(v2sf) =	vpush v0, $0x6;
	_ =	sdelay $0x2  }
0x1a4: {  	s31 =	spop (v2sf);
	[tilespmem:$0x7A90] =	vst v1  }
0x1a5: {  	v1 =	vld [tilespmem:s31+$0x5480];
	_ =	sdelay $0x4  }
0x1a6: {  	[tilespmem:$0x7AA0] =	vst v1  }
0x1a7: {  	v1 =	vld [tilespmem:s31+$0x5490];
	_ =	sdelay $0x1  }
0x1a8: {  	(v2sf) =	vpush v0, $0x7;
	_ =	sdelay $0x2  }
0x1a9: {  	s11 =	spop (v2sf);
	[tilespmem:$0x7AB0] =	vst v1  }
0x1aa: {  	v1 =	vld [tilespmem:s11+$0x5500];
	_ =	sdelay $0x4  }
0x1ab: {  	[tilespmem:$0x7AC0] =	vst v1  }
0x1ac: {  	v1 =	vld [tilespmem:s11+$0x5510];
	_ =	sdelay $0x1  }
0x1ad: {  	(v2sf) =	vpush v0, $0x8;
	_ =	sdelay $0x2  }
0x1ae: {  	s12 =	spop (v2sf);
	[tilespmem:$0x7AD0] =	vst v1  }
0x1af: {  	v1 =	vld [tilespmem:s12+$0x5580];
	_ =	sdelay $0x4  }
0x1b0: {  	[tilespmem:$0x7AE0] =	vst v1  }
0x1b1: {  	v1 =	vld [tilespmem:s12+$0x5590];
	_ =	sdelay $0x1  }
0x1b2: {  	(v2sf) =	vpush v0, $0x9;
	_ =	sdelay $0x2  }
0x1b3: {  	s13 =	spop (v2sf);
	[tilespmem:$0x7AF0] =	vst v1  }
0x1b4: {  	v1 =	vld [tilespmem:s13+$0x5600];
	_ =	sdelay $0x4  }
0x1b5: {  	[tilespmem:$0x7B00] =	vst v1  }
0x1b6: {  	v1 =	vld [tilespmem:s13+$0x5610];
	_ =	sdelay $0x1  }
0x1b7: {  	(v2sf) =	vpush v0, $0xA;
	_ =	sdelay $0x2  }
0x1b8: {  	s14 =	spop (v2sf);
	[tilespmem:$0x7B10] =	vst v1  }
0x1b9: {  	v1 =	vld [tilespmem:s14+$0x5680];
	_ =	sdelay $0x4  }
0x1ba: {  	[tilespmem:$0x7B20] =	vst v1  }
0x1bb: {  	v1 =	vld [tilespmem:s14+$0x5690];
	_ =	sdelay $0x1  }
0x1bc: {  	(v2sf) =	vpush v0, $0xB;
	_ =	sdelay $0x2  }
0x1bd: {  	s15 =	spop (v2sf);
	[tilespmem:$0x7B30] =	vst v1  }
0x1be: {  	v1 =	vld [tilespmem:s15+$0x5700];
	_ =	sdelay $0x4  }
0x1bf: {  	[tilespmem:$0x7B40] =	vst v1  }
0x1c0: {  	v1 =	vld [tilespmem:s15+$0x5710];
	_ =	sdelay $0x1  }
0x1c1: {  	(v2sf) =	vpush v0, $0xC;
	_ =	sdelay $0x2  }
0x1c2: {  	s16 =	spop (v2sf);
	[tilespmem:$0x7B50] =	vst v1  }
0x1c3: {  	v1 =	vld [tilespmem:s16+$0x5780];
	_ =	sdelay $0x4  }
0x1c4: {  	[tilespmem:$0x7B60] =	vst v1  }
0x1c5: {  	v1 =	vld [tilespmem:s16+$0x5790];
	_ =	sdelay $0x1  }
0x1c6: {  	(v2sf) =	vpush v0, $0xD;
	_ =	sdelay $0x2  }
0x1c7: {  	s17 =	spop (v2sf);
	[tilespmem:$0x7B70] =	vst v1  }
0x1c8: {  	v1 =	vld [tilespmem:s17+$0x5800];
	_ =	sdelay $0x4  }
0x1c9: {  	[tilespmem:$0x7B80] =	vst v1  }
0x1ca: {  	v1 =	vld [tilespmem:s17+$0x5810];
	_ =	sdelay $0x1  }
0x1cb: {  	(v2sf) =	vpush v0, $0xE;
	_ =	sdelay $0x2  }
0x1cc: {  	s18 =	spop (v2sf);
	[tilespmem:$0x7B90] =	vst v1  }
0x1cd: {  	v1 =	vld [tilespmem:s18+$0x5880];
	_ =	sdelay $0x4  }
0x1ce: {  	[tilespmem:$0x7BA0] =	vst v1  }
0x1cf: {  	v1 =	vld [tilespmem:s18+$0x5890];
	_ =	sdelay $0x1  }
0x1d0: {  	(v2sf) =	vpush v0, $0xF;
	_ =	sdelay $0x2  }
0x1d1: {  	s19 =	spop (v2sf);
	[tilespmem:$0x7BB0] =	vst v1  }
0x1d2: {  	v60 =	vld [tilespmem:s19+$0x5900];
	_ =	sdelay $0x4  }
0x1d3: {  	[tilespmem:$0x7BC0] =	vst v60  }
0x1d4: {  	v0 =	vld [tilespmem:s19+$0x5910];
	_ =	sdelay $0x4  }
0x1d5: {  	s20 =	spop (v2sf);
	[tilespmem:$0x7BD0] =	vst v0  }
0x1d6: {  	v0 =	vld [tilespmem:s20+$0x5980];
	_ =	sdelay $0x4  }
0x1d7: {  	[tilespmem:$0x7BE0] =	vst v0  }
0x1d8: {  	v0 =	vld [tilespmem:s20+$0x5990];
	_ =	sdelay $0x4  }
0x1d9: {  	[tilespmem:$0x7BF0] =	vst v0  }
0x1da: {  	v0 =	vld [tilespmem:s9+$0x50];
	_ =	sdelay $0x4  }
0x1db: {  	v0 =	vshll.u32 v0, $0x5  }
0x1dc: {  	v0 =	vand.u32 $0x60, v0  }
0x1dd: {  	(v2sf) =	vpush v0, $0x0;
	_ =	sdelay $0xb  }
0x1de: {  	(v2sf) =	vpush v0, $0x1;
	_ =	sdelay $0x2  }
0x1df: {  	s21 =	spop (v2sf)  }
0x1e0: {  	v1 =	vld [tilespmem:s21+$0x5A00];
	_ =	sdelay $0x4  }
0x1e1: {  	[tilespmem:$0x7C00] =	vst v1  }
0x1e2: {  	v1 =	vld [tilespmem:s21+$0x5A10];
	_ =	sdelay $0x1  }
0x1e3: {  	(v2sf) =	vpush v0, $0x2;
	_ =	sdelay $0x2  }
0x1e4: {  	s22 =	spop (v2sf);
	[tilespmem:$0x7C10] =	vst v1  }
0x1e5: {  	v1 =	vld [tilespmem:s22+$0x5A80];
	_ =	sdelay $0x4  }
0x1e6: {  	[tilespmem:$0x7C20] =	vst v1  }
0x1e7: {  	v1 =	vld [tilespmem:s22+$0x5A90];
	_ =	sdelay $0x1  }
0x1e8: {  	(v2sf) =	vpush v0, $0x3;
	_ =	sdelay $0x2  }
0x1e9: {  	s23 =	spop (v2sf);
	[tilespmem:$0x7C30] =	vst v1  }
0x1ea: {  	v1 =	vld [tilespmem:s23+$0x5B00];
	_ =	sdelay $0x4  }
0x1eb: {  	[tilespmem:$0x7C40] =	vst v1  }
0x1ec: {  	v1 =	vld [tilespmem:s23+$0x5B10];
	_ =	sdelay $0x1  }
0x1ed: {  	(v2sf) =	vpush v0, $0x4;
	_ =	sdelay $0x2  }
0x1ee: {  	s24 =	spop (v2sf);
	[tilespmem:$0x7C50] =	vst v1  }
0x1ef: {  	v1 =	vld [tilespmem:s24+$0x5B80];
	_ =	sdelay $0x4  }
0x1f0: {  	[tilespmem:$0x7C60] =	vst v1  }
0x1f1: {  	v1 =	vld [tilespmem:s24+$0x5B90];
	_ =	sdelay $0x1  }
0x1f2: {  	(v2sf) =	vpush v0, $0x5;
	_ =	sdelay $0x2  }
0x1f3: {  	s25 =	spop (v2sf);
	[tilespmem:$0x7C70] =	vst v1  }
0x1f4: {  	v1 =	vld [tilespmem:s25+$0x5C00];
	_ =	sdelay $0x4  }
0x1f5: {  	[tilespmem:$0x7C80] =	vst v1  }
0x1f6: {  	v1 =	vld [tilespmem:s25+$0x5C10];
	_ =	sdelay $0x1  }
0x1f7: {  	(v2sf) =	vpush v0, $0x6;
	_ =	sdelay $0x2  }
0x1f8: {  	s26 =	spop (v2sf);
	[tilespmem:$0x7C90] =	vst v1  }
0x1f9: {  	v1 =	vld [tilespmem:s26+$0x5C80];
	_ =	sdelay $0x4  }
0x1fa: {  	[tilespmem:$0x7CA0] =	vst v1  }
0x1fb: {  	v1 =	vld [tilespmem:s26+$0x5C90];
	_ =	sdelay $0x1  }
0x1fc: {  	(v2sf) =	vpush v0, $0x7;
	_ =	sdelay $0x2  }
0x1fd: {  	s28 =	spop (v2sf);
	[tilespmem:$0x7CB0] =	vst v1  }
0x1fe: {  	v1 =	vld [tilespmem:s28+$0x5D00];
	_ =	sdelay $0x4  }
0x1ff: {  	[tilespmem:$0x7CC0] =	vst v1  }
0x200: {  	v1 =	vld [tilespmem:s28+$0x5D10];
	_ =	sdelay $0x1  }
0x201: {  	(v2sf) =	vpush v0, $0x8;
	_ =	sdelay $0x2  }
0x202: {  	s29 =	spop (v2sf);
	[tilespmem:$0x7CD0] =	vst v1  }
0x203: {  	v1 =	vld [tilespmem:s29+$0x5D80];
	_ =	sdelay $0x4  }
0x204: {  	[tilespmem:$0x7CE0] =	vst v1  }
0x205: {  	v1 =	vld [tilespmem:s29+$0x5D90];
	_ =	sdelay $0x1  }
0x206: {  	(v2sf) =	vpush v0, $0x9;
	_ =	sdelay $0x2  }
0x207: {  	s30 =	spop (v2sf);
	[tilespmem:$0x7CF0] =	vst v1  }
0x208: {  	v1 =	vld [tilespmem:s30+$0x5E00];
	_ =	sdelay $0x4  }
0x209: {  	[tilespmem:$0x7D00] =	vst v1  }
0x20a: {  	v1 =	vld [tilespmem:s30+$0x5E10];
	_ =	sdelay $0x1  }
0x20b: {  	(v2sf) =	vpush v0, $0xA;
	_ =	sdelay $0x2  }
0x20c: {  	s31 =	spop (v2sf);
	[tilespmem:$0x7D10] =	vst v1  }
0x20d: {  	v1 =	vld [tilespmem:s31+$0x5E80];
	_ =	sdelay $0x4  }
0x20e: {  	[tilespmem:$0x7D20] =	vst v1  }
0x20f: {  	v1 =	vld [tilespmem:s31+$0x5E90];
	_ =	sdelay $0x1  }
0x210: {  	(v2sf) =	vpush v0, $0xB;
	_ =	sdelay $0x2  }
0x211: {  	s11 =	spop (v2sf);
	[tilespmem:$0x7D30] =	vst v1  }
0x212: {  	v1 =	vld [tilespmem:s11+$0x5F00];
	_ =	sdelay $0x4  }
0x213: {  	[tilespmem:$0x7D40] =	vst v1  }
0x214: {  	v1 =	vld [tilespmem:s11+$0x5F10];
	_ =	sdelay $0x1  }
0x215: {  	(v2sf) =	vpush v0, $0xC;
	_ =	sdelay $0x2  }
0x216: {  	s12 =	spop (v2sf);
	[tilespmem:$0x7D50] =	vst v1  }
0x217: {  	v1 =	vld [tilespmem:s12+$0x5F80];
	_ =	sdelay $0x4  }
0x218: {  	[tilespmem:$0x7D60] =	vst v1  }
0x219: {  	v1 =	vld [tilespmem:s12+$0x5F90];
	_ =	sdelay $0x1  }
0x21a: {  	(v2sf) =	vpush v0, $0xD;
	_ =	sdelay $0x2  }
0x21b: {  	s13 =	spop (v2sf);
	[tilespmem:$0x7D70] =	vst v1  }
0x21c: {  	v1 =	vld [tilespmem:s13+$0x6000];
	_ =	sdelay $0x4  }
0x21d: {  	[tilespmem:$0x7D80] =	vst v1  }
0x21e: {  	v1 =	vld [tilespmem:s13+$0x6010];
	_ =	sdelay $0x1  }
0x21f: {  	(v2sf) =	vpush v0, $0xE;
	_ =	sdelay $0x2  }
0x220: {  	s14 =	spop (v2sf);
	[tilespmem:$0x7D90] =	vst v1  }
0x221: {  	v1 =	vld [tilespmem:s14+$0x6080];
	_ =	sdelay $0x4  }
0x222: {  	[tilespmem:$0x7DA0] =	vst v1  }
0x223: {  	v1 =	vld [tilespmem:s14+$0x6090];
	_ =	sdelay $0x1  }
0x224: {  	(v2sf) =	vpush v0, $0xF;
	_ =	sdelay $0x2  }
0x225: {  	s15 =	spop (v2sf);
	[tilespmem:$0x7DB0] =	vst v1  }
0x226: {  	v61 =	vld [tilespmem:s15+$0x6100];
	_ =	sdelay $0x4  }
0x227: {  	[tilespmem:$0x7DC0] =	vst v61  }
0x228: {  	v0 =	vld [tilespmem:s15+$0x6110];
	_ =	sdelay $0x4  }
0x229: {  	s16 =	spop (v2sf);
	[tilespmem:$0x7DD0] =	vst v0  }
0x22a: {  	v0 =	vld [tilespmem:s16+$0x6180];
	_ =	sdelay $0x4  }
0x22b: {  	[tilespmem:$0x7DE0] =	vst v0  }
0x22c: {  	v0 =	vld [tilespmem:s16+$0x6190];
	_ =	sdelay $0x4  }
0x22d: {  	[tilespmem:$0x7DF0] =	vst v0  }
0x22e: {  	v0 =	vld [tilespmem:s9+$0x60];
	_ =	sdelay $0x4  }
0x22f: {  	v0 =	vshll.u32 v0, $0x5  }
0x230: {  	v0 =	vand.u32 $0x60, v0  }
0x231: {  	(v2sf) =	vpush v0, $0x0;
	_ =	sdelay $0xb  }
0x232: {  	(v2sf) =	vpush v0, $0x1;
	_ =	sdelay $0x2  }
0x233: {  	s17 =	spop (v2sf)  }
0x234: {  	v1 =	vld [tilespmem:s17+$0x6200];
	_ =	sdelay $0x4  }
0x235: {  	[tilespmem:$0x7E00] =	vst v1  }
0x236: {  	v1 =	vld [tilespmem:s17+$0x6210];
	_ =	sdelay $0x1  }
0x237: {  	(v2sf) =	vpush v0, $0x2;
	_ =	sdelay $0x2  }
0x238: {  	s18 =	spop (v2sf);
	[tilespmem:$0x7E10] =	vst v1  }
0x239: {  	v1 =	vld [tilespmem:s18+$0x6280];
	_ =	sdelay $0x4  }
0x23a: {  	[tilespmem:$0x7E20] =	vst v1  }
0x23b: {  	v1 =	vld [tilespmem:s18+$0x6290];
	_ =	sdelay $0x1  }
0x23c: {  	(v2sf) =	vpush v0, $0x3;
	_ =	sdelay $0x2  }
0x23d: {  	s19 =	spop (v2sf);
	[tilespmem:$0x7E30] =	vst v1  }
0x23e: {  	v1 =	vld [tilespmem:s19+$0x6300];
	_ =	sdelay $0x4  }
0x23f: {  	[tilespmem:$0x7E40] =	vst v1  }
0x240: {  	v1 =	vld [tilespmem:s19+$0x6310];
	_ =	sdelay $0x1  }
0x241: {  	(v2sf) =	vpush v0, $0x4;
	_ =	sdelay $0x2  }
0x242: {  	s20 =	spop (v2sf);
	[tilespmem:$0x7E50] =	vst v1  }
0x243: {  	v1 =	vld [tilespmem:s20+$0x6380];
	_ =	sdelay $0x4  }
0x244: {  	[tilespmem:$0x7E60] =	vst v1  }
0x245: {  	v1 =	vld [tilespmem:s20+$0x6390];
	_ =	sdelay $0x1  }
0x246: {  	(v2sf) =	vpush v0, $0x5;
	_ =	sdelay $0x2  }
0x247: {  	s21 =	spop (v2sf);
	[tilespmem:$0x7E70] =	vst v1  }
0x248: {  	v1 =	vld [tilespmem:s21+$0x6400];
	_ =	sdelay $0x4  }
0x249: {  	[tilespmem:$0x7E80] =	vst v1  }
0x24a: {  	v1 =	vld [tilespmem:s21+$0x6410];
	_ =	sdelay $0x1  }
0x24b: {  	(v2sf) =	vpush v0, $0x6;
	_ =	sdelay $0x2  }
0x24c: {  	s22 =	spop (v2sf);
	[tilespmem:$0x7E90] =	vst v1  }
0x24d: {  	v1 =	vld [tilespmem:s22+$0x6480];
	_ =	sdelay $0x4  }
0x24e: {  	[tilespmem:$0x7EA0] =	vst v1  }
0x24f: {  	v1 =	vld [tilespmem:s22+$0x6490];
	_ =	sdelay $0x1  }
0x250: {  	(v2sf) =	vpush v0, $0x7;
	_ =	sdelay $0x2  }
0x251: {  	s23 =	spop (v2sf);
	[tilespmem:$0x7EB0] =	vst v1  }
0x252: {  	v1 =	vld [tilespmem:s23+$0x6500];
	_ =	sdelay $0x4  }
0x253: {  	[tilespmem:$0x7EC0] =	vst v1  }
0x254: {  	v1 =	vld [tilespmem:s23+$0x6510];
	_ =	sdelay $0x1  }
0x255: {  	(v2sf) =	vpush v0, $0x8;
	_ =	sdelay $0x2  }
0x256: {  	s24 =	spop (v2sf);
	[tilespmem:$0x7ED0] =	vst v1  }
0x257: {  	v1 =	vld [tilespmem:s24+$0x6580];
	_ =	sdelay $0x4  }
0x258: {  	[tilespmem:$0x7EE0] =	vst v1  }
0x259: {  	v1 =	vld [tilespmem:s24+$0x6590];
	_ =	sdelay $0x1  }
0x25a: {  	(v2sf) =	vpush v0, $0x9;
	_ =	sdelay $0x2  }
0x25b: {  	s25 =	spop (v2sf);
	[tilespmem:$0x7EF0] =	vst v1  }
0x25c: {  	v1 =	vld [tilespmem:s25+$0x6600];
	_ =	sdelay $0x4  }
0x25d: {  	[tilespmem:$0x7F00] =	vst v1  }
0x25e: {  	v1 =	vld [tilespmem:s25+$0x6610];
	_ =	sdelay $0x1  }
0x25f: {  	(v2sf) =	vpush v0, $0xA;
	_ =	sdelay $0x2  }
0x260: {  	s26 =	spop (v2sf);
	[tilespmem:$0x7F10] =	vst v1  }
0x261: {  	v1 =	vld [tilespmem:s26+$0x6680];
	_ =	sdelay $0x4  }
0x262: {  	[tilespmem:$0x7F20] =	vst v1  }
0x263: {  	v1 =	vld [tilespmem:s26+$0x6690];
	_ =	sdelay $0x1  }
0x264: {  	(v2sf) =	vpush v0, $0xB;
	_ =	sdelay $0x2  }
0x265: {  	s28 =	spop (v2sf);
	[tilespmem:$0x7F30] =	vst v1  }
0x266: {  	v1 =	vld [tilespmem:s28+$0x6700];
	_ =	sdelay $0x4  }
0x267: {  	[tilespmem:$0x7F40] =	vst v1  }
0x268: {  	v1 =	vld [tilespmem:s28+$0x6710];
	_ =	sdelay $0x1  }
0x269: {  	(v2sf) =	vpush v0, $0xC;
	_ =	sdelay $0x2  }
0x26a: {  	s29 =	spop (v2sf);
	[tilespmem:$0x7F50] =	vst v1  }
0x26b: {  	v1 =	vld [tilespmem:s29+$0x6780];
	_ =	sdelay $0x4  }
0x26c: {  	[tilespmem:$0x7F60] =	vst v1  }
0x26d: {  	v1 =	vld [tilespmem:s29+$0x6790];
	_ =	sdelay $0x1  }
0x26e: {  	(v2sf) =	vpush v0, $0xD;
	_ =	sdelay $0x2  }
0x26f: {  	s30 =	spop (v2sf);
	[tilespmem:$0x7F70] =	vst v1  }
0x270: {  	v1 =	vld [tilespmem:s30+$0x6800];
	_ =	sdelay $0x4  }
0x271: {  	[tilespmem:$0x7F80] =	vst v1  }
0x272: {  	v1 =	vld [tilespmem:s30+$0x6810];
	_ =	sdelay $0x1  }
0x273: {  	(v2sf) =	vpush v0, $0xE;
	_ =	sdelay $0x2  }
0x274: {  	s31 =	spop (v2sf);
	[tilespmem:$0x7F90] =	vst v1  }
0x275: {  	v1 =	vld [tilespmem:s31+$0x6880];
	_ =	sdelay $0x4  }
0x276: {  	[tilespmem:$0x7FA0] =	vst v1  }
0x277: {  	v1 =	vld [tilespmem:s31+$0x6890];
	_ =	sdelay $0x1  }
0x278: {  	(v2sf) =	vpush v0, $0xF;
	_ =	sdelay $0x2  }
0x279: {  	s11 =	spop (v2sf);
	[tilespmem:$0x7FB0] =	vst v1  }
0x27a: {  	v62 =	vld [tilespmem:s11+$0x6900];
	_ =	sdelay $0x4  }
0x27b: {  	[tilespmem:$0x7FC0] =	vst v62  }
0x27c: {  	v0 =	vld [tilespmem:s11+$0x6910];
	_ =	sdelay $0x4  }
0x27d: {  	s12 =	spop (v2sf);
	[tilespmem:$0x7FD0] =	vst v0  }
0x27e: {  	v0 =	vld [tilespmem:s12+$0x6980];
	_ =	sdelay $0x4  }
0x27f: {  	[tilespmem:$0x7FE0] =	vst v0  }
0x280: {  	v0 =	vld [tilespmem:s12+$0x6990];
	_ =	sdelay $0x4  }
0x281: {  	[tilespmem:$0x7FF0] =	vst v0  }
0x282: {  	v0 =	vld [tilespmem:s9+$0x70];
	_ =	sdelay $0x4  }
0x283: {  	v0 =	vshll.u32 v0, $0x5  }
0x284: {  	v0 =	vand.u32 $0x60, v0  }
0x285: {  	(v2sf) =	vpush v0, $0x0;
	_ =	sdelay $0xb  }
0x286: {  	(v2sf) =	vpush v0, $0x1;
	_ =	sdelay $0x2  }
0x287: {  	s13 =	spop (v2sf)  }
0x288: {  	v1 =	vld [tilespmem:s13+$0x6A00];
	_ =	sdelay $0x4  }
0x289: {  	[tilespmem:$0x8000] =	vst v1  }
0x28a: {  	v1 =	vld [tilespmem:s13+$0x6A10];
	_ =	sdelay $0x1  }
0x28b: {  	(v2sf) =	vpush v0, $0x2;
	_ =	sdelay $0x2  }
0x28c: {  	s14 =	spop (v2sf);
	[tilespmem:$0x8010] =	vst v1  }
0x28d: {  	v1 =	vld [tilespmem:s14+$0x6A80];
	_ =	sdelay $0x4  }
0x28e: {  	[tilespmem:$0x8020] =	vst v1  }
0x28f: {  	v1 =	vld [tilespmem:s14+$0x6A90];
	_ =	sdelay $0x1  }
0x290: {  	(v2sf) =	vpush v0, $0x3;
	_ =	sdelay $0x2  }
0x291: {  	s15 =	spop (v2sf);
	[tilespmem:$0x8030] =	vst v1  }
0x292: {  	v1 =	vld [tilespmem:s15+$0x6B00];
	_ =	sdelay $0x4  }
0x293: {  	[tilespmem:$0x8040] =	vst v1  }
0x294: {  	v1 =	vld [tilespmem:s15+$0x6B10];
	_ =	sdelay $0x1  }
0x295: {  	(v2sf) =	vpush v0, $0x4;
	_ =	sdelay $0x2  }
0x296: {  	s16 =	spop (v2sf);
	[tilespmem:$0x8050] =	vst v1  }
0x297: {  	v1 =	vld [tilespmem:s16+$0x6B80];
	_ =	sdelay $0x4  }
0x298: {  	[tilespmem:$0x8060] =	vst v1  }
0x299: {  	v1 =	vld [tilespmem:s16+$0x6B90];
	_ =	sdelay $0x1  }
0x29a: {  	(v2sf) =	vpush v0, $0x5;
	_ =	sdelay $0x2  }
0x29b: {  	s17 =	spop (v2sf);
	[tilespmem:$0x8070] =	vst v1  }
0x29c: {  	v1 =	vld [tilespmem:s17+$0x6C00];
	_ =	sdelay $0x4  }
0x29d: {  	[tilespmem:$0x8080] =	vst v1  }
0x29e: {  	v1 =	vld [tilespmem:s17+$0x6C10];
	_ =	sdelay $0x1  }
0x29f: {  	(v2sf) =	vpush v0, $0x6;
	_ =	sdelay $0x2  }
0x2a0: {  	s18 =	spop (v2sf);
	[tilespmem:$0x8090] =	vst v1  }
0x2a1: {  	v1 =	vld [tilespmem:s18+$0x6C80];
	_ =	sdelay $0x4  }
0x2a2: {  	[tilespmem:$0x80A0] =	vst v1  }
0x2a3: {  	v1 =	vld [tilespmem:s18+$0x6C90];
	_ =	sdelay $0x1  }
0x2a4: {  	(v2sf) =	vpush v0, $0x7;
	_ =	sdelay $0x2  }
0x2a5: {  	s19 =	spop (v2sf);
	[tilespmem:$0x80B0] =	vst v1  }
0x2a6: {  	v1 =	vld [tilespmem:s19+$0x6D00];
	_ =	sdelay $0x4  }
0x2a7: {  	[tilespmem:$0x80C0] =	vst v1  }
0x2a8: {  	v1 =	vld [tilespmem:s19+$0x6D10];
	_ =	sdelay $0x1  }
0x2a9: {  	(v2sf) =	vpush v0, $0x8;
	_ =	sdelay $0x2  }
0x2aa: {  	s20 =	spop (v2sf);
	[tilespmem:$0x80D0] =	vst v1  }
0x2ab: {  	v1 =	vld [tilespmem:s20+$0x6D80];
	_ =	sdelay $0x4  }
0x2ac: {  	[tilespmem:$0x80E0] =	vst v1  }
0x2ad: {  	v1 =	vld [tilespmem:s20+$0x6D90];
	_ =	sdelay $0x1  }
0x2ae: {  	(v2sf) =	vpush v0, $0x9;
	_ =	sdelay $0x2  }
0x2af: {  	s21 =	spop (v2sf);
	[tilespmem:$0x80F0] =	vst v1  }
0x2b0: {  	v1 =	vld [tilespmem:s21+$0x6E00];
	_ =	sdelay $0x4  }
0x2b1: {  	[tilespmem:$0x8100] =	vst v1  }
0x2b2: {  	v1 =	vld [tilespmem:s21+$0x6E10];
	_ =	sdelay $0x1  }
0x2b3: {  	(v2sf) =	vpush v0, $0xA;
	_ =	sdelay $0x2  }
0x2b4: {  	s22 =	spop (v2sf);
	[tilespmem:$0x8110] =	vst v1  }
0x2b5: {  	v1 =	vld [tilespmem:s22+$0x6E80];
	_ =	sdelay $0x4  }
0x2b6: {  	[tilespmem:$0x8120] =	vst v1  }
0x2b7: {  	v1 =	vld [tilespmem:s22+$0x6E90];
	_ =	sdelay $0x1  }
0x2b8: {  	(v2sf) =	vpush v0, $0xB;
	_ =	sdelay $0x2  }
0x2b9: {  	s23 =	spop (v2sf);
	[tilespmem:$0x8130] =	vst v1  }
0x2ba: {  	v1 =	vld [tilespmem:s23+$0x6F00];
	_ =	sdelay $0x4  }
0x2bb: {  	[tilespmem:$0x8140] =	vst v1  }
0x2bc: {  	v1 =	vld [tilespmem:s23+$0x6F10];
	_ =	sdelay $0x1  }
0x2bd: {  	(v2sf) =	vpush v0, $0xC;
	_ =	sdelay $0x2  }
0x2be: {  	s24 =	spop (v2sf);
	[tilespmem:$0x8150] =	vst v1  }
0x2bf: {  	v1 =	vld [tilespmem:s24+$0x6F80];
	_ =	sdelay $0x4  }
0x2c0: {  	[tilespmem:$0x8160] =	vst v1  }
0x2c1: {  	v1 =	vld [tilespmem:s24+$0x6F90];
	_ =	sdelay $0x1  }
0x2c2: {  	(v2sf) =	vpush v0, $0xD;
	_ =	sdelay $0x2  }
0x2c3: {  	s25 =	spop (v2sf);
	[tilespmem:$0x8170] =	vst v1  }
0x2c4: {  	v1 =	vld [tilespmem:s25+$0x7000];
	_ =	sdelay $0x4  }
0x2c5: {  	[tilespmem:$0x8180] =	vst v1  }
0x2c6: {  	v1 =	vld [tilespmem:s25+$0x7010];
	_ =	sdelay $0x1  }
0x2c7: {  	(v2sf) =	vpush v0, $0xE;
	_ =	sdelay $0x2  }
0x2c8: {  	s26 =	spop (v2sf);
	[tilespmem:$0x8190] =	vst v1  }
0x2c9: {  	v1 =	vld [tilespmem:s26+$0x7080];
	_ =	sdelay $0x4  }
0x2ca: {  	[tilespmem:$0x81A0] =	vst v1  }
0x2cb: {  	v1 =	vld [tilespmem:s26+$0x7090];
	_ =	sdelay $0x1  }
0x2cc: {  	(v2sf) =	vpush v0, $0xF;
	_ =	sdelay $0x2  }
0x2cd: {  	s28 =	spop (v2sf);
	[tilespmem:$0x81B0] =	vst v1  }
0x2ce: {  	v63 =	vld [tilespmem:s28+$0x7100];
	_ =	sdelay $0x4  }
0x2cf: {  	[tilespmem:$0x81C0] =	vst v63  }
0x2d0: {  	v0 =	vld [tilespmem:s28+$0x7110];
	_ =	sdelay $0x4  }
0x2d1: {  	s29 =	spop (v2sf);
	[tilespmem:$0x81D0] =	vst v0  }
0x2d2: {  	v0 =	vld [tilespmem:s29+$0x7180];
	_ =	sdelay $0x4  }
0x2d3: {  	[tilespmem:$0x81E0] =	vst v0  }
0x2d4: {  	v0 =	vld [tilespmem:s29+$0x7190];
	_ =	sdelay $0x3  }
0x2d5: {  	p0 =	sne.s32 s8, $0x6200;
	s30 =	rddreg [dreg:$0x6]  }
.Ltmp1:
0x2d6: {  	s31 =	rddreg [dreg:$0x7];
	s9 =	sadd.s32 s8, s30;
	[tilespmem:$0x81F0] =	vst v0;
	(pc) =	sbr.rel @p0 .LBB2_4-.Ltmp1, $4  }
0x2d7: {  	[hbm4b:s9+s2] =	stream.linear.scatter [tilespmem:s31], [sflag:$0x2], $0x1000, $0x38;
	[tilespmem:$0x8200] =	vst v63  }
0x2d8: {  	_ =	swait.ge [sflag:s5], $0x1000  }
0x2d9: {  	[sflag:s5] =	ssyncset.done $0x0  }
0x2da: {  	s8 =	sadd.s32 $0x200, s8;
	[sflag:s5] =	ssyncadd.s32 $0xFFFFF000  }
0x2db: {  	s7 =	sadd.s32 $0x1, s7  }
0x2dc: {  	p0 =	sne.s32 s7, s4  }
.Ltmp2:
0x2dd: {  	_ = 	snop;
	(pc) =	sbr.rel @p0 .LBB2_1-.Ltmp2, $1  }
0x2de: {  	_ =	sdelay $0x3  }
0x2df: {  	_ =	sfence.sel $0x180000  }
0x2e0: {  	[bflag:$0x0] =	sbarrier.arrive $0xFFFF  }
0x2e1: {  	p0 =	sne.s32 s1, $0x0;
	_ =	strace $0x90000047  }
0x2e2: {  	s0 =	sadd.s32 @!p0 $0x100000, s0;
	[bflag:$0x2] =	sbarrier.arrive $0xFFFF  }
0x2e3: {  	[sflag:s0] =	ssyncadd.tile.s32 @!p0 $0x1;
	_ =	shalt  }
.Lfunc_end2:
_tile_overlayer_lowered:
.L_overlay_start_2:
0x2e4: {  	(tag) =	ssettag $0x2  }
0x2e5: {  	s0 =	rddreg [dreg:$0x0];
	s2 =	stileid.u32  }
0x2e6: {  	s1 =	rddreg [dreg:$0x1];
	p0 =	sne.s32 s2, $0x0  }
0x2e7: {  	s3 =	rddreg [dreg:$0x2];
	[bflag:$0x3] =	sbarrier.arrive $0xFFFF;
	s2 =	simm.s32 @!p0 $0x1C02  }
0x2e8: {  	[timem:s3], [sflag:s2] =	dma.local @!p0 [hbm:s0], s1  }
0x2e9: {  	s0 =	simm.s32 @!p0 $0x2  }
0x2ea: {  	_ =	swait.ge @!p0 [sflag:s0], s1  }
0x2eb: {  	s1 =	ssub.s32 @!p0 $0x0, s1;
	[sflag:s0] =	ssyncset.done @!p0 $0x0  }
0x2ec: {  	[sflag:s0] =	ssyncadd.s32 @!p0 s1  }
0x2ed: {  	[bflag:$0x3] =	sbarrier.arrive $0xFFFF  }
0x2ee: {  	_ =	shalt  }

</sc_bundles>
